<compile_context>
chip_gen: v7x
topology: tpu7x:2x2x1
jax: 0.10.2.dev20260603
libtpu: 0.0.44.dev20260713+nightly
codegen_flags: <defaults>
</compile_context>

<pallas_src>
import jax
import jax.numpy as jnp
from jax import lax
from jax.experimental import pallas as pl
from jax.experimental.pallas import tpu as pltpu
from jax.experimental.pallas import tpu_sc as plsc

T = 2048
D = 1024
DFF = 768
E = 8
K = 2
BM = 256
NB = (T * K + (E - 1) * BM) // BM
NPAD = NB * BM
NC, NS = 2, 16
NW = NC * NS
TPW = T // NW
CH = 16
NCH = TPW // CH
LANES = 16
WL = 128


def _cumsum_lanes(x, n):
    s = 1
    while s < n:
        shifted = jnp.concatenate(
            [jnp.zeros((x.shape[0], s), x.dtype), x[:, :-s]], axis=1)
        x = x + shifted
        s *= 2
    return x


def _meta_body(ids_ref, w_ref, pe_ref, po_ref, be_ref, nb_ref, wr0_ref, wr1_ref):
    ids = ids_ref[...]
    e0 = ids[:, 0][None, :]
    e1 = ids[:, 1][None, :]
    lanes_e = jax.lax.broadcasted_iota(jnp.int32, (E, T), 0)
    oh0 = (lanes_e == e0)
    oh1 = (lanes_e == e1)
    rowcnt = oh0.astype(jnp.int32) + oh1.astype(jnp.int32)
    incl = _cumsum_lanes(rowcnt, T)
    excl = incl - rowcnt
    rank0 = jnp.sum(jnp.where(oh0, excl, 0), axis=0)
    rank1 = jnp.sum(jnp.where(oh1, excl, 0), axis=0) + (ids[:, 0] == ids[:, 1])
    counts = incl[:, T - 1:T]
    padded = ((counts + BM - 1) // BM) * BM
    cum = padded
    s = 1
    while s < E:
        cum = cum + jnp.concatenate(
            [jnp.zeros((s, 1), jnp.int32), cum[:-s, :]], axis=0)
        s *= 2
    offs = cum - padded
    off0 = jnp.sum(jnp.where(oh0, offs, 0), axis=0)
    off1 = jnp.sum(jnp.where(oh1, offs, 0), axis=0)
    pe_ref[...] = (off0 + rank0)[None, :]
    po_ref[...] = (off1 + rank1)[None, :]
    bstart = jax.lax.broadcasted_iota(jnp.int32, (E, NB), 1) * BM
    be = jnp.sum((cum <= bstart).astype(jnp.int32), axis=0)
    be_ref[...] = jnp.minimum(be, E - 1)[None, :]
    nb_ref[...] = cum[E - 1:E, :] // BM
    w = w_ref[...]
    wr0_ref[...] = jnp.broadcast_to(w[:, :1], (T, WL))
    wr1_ref[...] = jnp.broadcast_to(w[:, 1:2], (T, WL))


def _meta(ids, topk_weights):
    pe, po, be, nb, wr0, wr1 = pl.pallas_call(
        _meta_body,
        out_shape=(jax.ShapeDtypeStruct((1, T), jnp.int32),
                   jax.ShapeDtypeStruct((1, T), jnp.int32),
                   jax.ShapeDtypeStruct((1, NB), jnp.int32),
                   jax.ShapeDtypeStruct((1, 1), jnp.int32),
                   jax.ShapeDtypeStruct((T, WL), jnp.float32),
                   jax.ShapeDtypeStruct((T, WL), jnp.float32)),
    )(ids, topk_weights)
    return pe.reshape(T), po.reshape(T), be.reshape(NB), nb.reshape(1), wr0, wr1


def _mesh():
    return plsc.VectorSubcoreMesh(core_axis_name="c", subcore_axis_name="s",
                                  num_cores=NC, num_subcores=NS)


def _dispatch_body(x_hbm, pe_hbm, po_hbm, wr0_hbm, wr1_hbm, xs_hbm, pw_hbm,
                   xbuf, idxe, idxo, wb0, wb1, sem_ld, sem_st):
    wid = lax.axis_index("s") * NC + lax.axis_index("c")
    tb = wid * TPW
    sl = pl.ds(tb, TPW)
    loads = [
        pltpu.async_copy(x_hbm.at[sl], xbuf, sem_ld),
        pltpu.async_copy(pe_hbm.at[sl], idxe, sem_ld),
        pltpu.async_copy(po_hbm.at[sl], idxo, sem_ld),
        pltpu.async_copy(wr0_hbm.at[sl], wb0, sem_ld),
        pltpu.async_copy(wr1_hbm.at[sl], wb1, sem_ld),
    ]
    for cp in loads:
        cp.wait()
    stores = [
        pltpu.async_copy(xbuf, xs_hbm.at[idxe], sem_st),
        pltpu.async_copy(xbuf, xs_hbm.at[idxo], sem_st),
        pltpu.async_copy(wb0, pw_hbm.at[idxe], sem_st),
        pltpu.async_copy(wb1, pw_hbm.at[idxo], sem_st),
    ]
    for cp in stores:
        cp.wait()


def _dispatch(hidden_states, pos_e, pos_o, wr0, wr1):
    return pl.kernel(
        _dispatch_body,
        out_type=(jax.ShapeDtypeStruct((NPAD, D), jnp.float32),
                  jax.ShapeDtypeStruct((NPAD, WL), jnp.float32)),
        mesh=_mesh(),
        scratch_types=[
            pltpu.VMEM((TPW, D), jnp.float32),
            pltpu.VMEM((TPW,), jnp.int32),
            pltpu.VMEM((TPW,), jnp.int32),
            pltpu.VMEM((TPW, WL), jnp.float32),
            pltpu.VMEM((TPW, WL), jnp.float32),
            pltpu.SemaphoreType.DMA,
            pltpu.SemaphoreType.DMA,
        ],
    )(hidden_states, pos_e, pos_o, wr0, wr1)


def _combine_body(y_hbm, pe_hbm, po_hbm, out_hbm,
                  idxe, idxo, b0a, b1a, b0b, b1b, sema, semb, sem_st):
    wid = lax.axis_index("s") * NC + lax.axis_index("c")
    tb = wid * TPW
    pltpu.sync_copy(pe_hbm.at[pl.ds(wid * NCH, NCH)], idxe)
    pltpu.sync_copy(po_hbm.at[pl.ds(wid * NCH, NCH)], idxo)
    bufs = [(b0a, b1a, sema), (b0b, b1b, semb)]

    def start(c):
        b0, b1, sem = bufs[c % 2]
        return (pltpu.async_copy(y_hbm.at[idxe.at[c]], b0, sem),
                pltpu.async_copy(y_hbm.at[idxo.at[c]], b1, sem))

    pending = start(0)
    st_prev = [None, None]
    for c in range(NCH):
        nxt = None
        if c + 1 < NCH:
            if st_prev[(c + 1) % 2] is not None:
                st_prev[(c + 1) % 2].wait()
                st_prev[(c + 1) % 2] = None
            nxt = start(c + 1)
        for cp in pending:
            cp.wait()
        b0, b1, _ = bufs[c % 2]

        def row_add(j, carry):
            for s in range(D // LANES):
                dsl = pl.ds(s * LANES, LANES)
                b0[j, dsl] = b0[j, dsl] + b1[j, dsl]
            return carry

        lax.fori_loop(0, CH, row_add, 0)
        st_prev[c % 2] = pltpu.async_copy(
            b0, out_hbm.at[pl.ds(tb + c * CH, CH)], sem_st)
        pending = nxt
    for st in st_prev:
        if st is not None:
            st.wait()


def _combine(y_sorted, pos_e, pos_o):
    return pl.kernel(
        _combine_body,
        out_type=jax.ShapeDtypeStruct((T, D), jnp.float32),
        mesh=_mesh(),
        scratch_types=[
            pltpu.VMEM((NCH, CH), jnp.int32),
            pltpu.VMEM((NCH, CH), jnp.int32),
            pltpu.VMEM((CH, D), jnp.float32),
            pltpu.VMEM((CH, D), jnp.float32),
            pltpu.VMEM((CH, D), jnp.float32),
            pltpu.VMEM((CH, D), jnp.float32),
            pltpu.SemaphoreType.DMA,
            pltpu.SemaphoreType.DMA,
            pltpu.SemaphoreType.DMA,
        ],
    )(y_sorted, pos_e.reshape(T // CH, CH), pos_o.reshape(T // CH, CH))


def _gemm_body(be_ref, nb_ref, x_ref, w1_ref, w2_ref, pw_ref, o_ref):
    @pl.when(pl.program_id(0) < nb_ref[0])
    def _():
        x = x_ref[...]
        gu = lax.dot_general(x, w1_ref[0], (((1,), (1,)), ((), ())),
                             preferred_element_type=jnp.float32)
        gate = gu[:, :DFF]
        up = gu[:, DFF:]
        act = gate * lax.logistic(gate) * up
        y = lax.dot_general(act, w2_ref[0], (((1,), (1,)), ((), ())),
                            preferred_element_type=jnp.float32)
        o_ref[...] = y * pw_ref[:, :1]


def _gemm(block_expert, nblk, x_sorted, w1, w2, pw2d):
    grid_spec = pltpu.PrefetchScalarGridSpec(
        num_scalar_prefetch=2,
        grid=(NB,),
        in_specs=[
            pl.BlockSpec((BM, D),
                         lambda i, be, nb: (jnp.minimum(i, nb[0] - 1), 0)),
            pl.BlockSpec((1, 2 * DFF, D), lambda i, be, nb: (be[i], 0, 0)),
            pl.BlockSpec((1, D, DFF), lambda i, be, nb: (be[i], 0, 0)),
            pl.BlockSpec((BM, WL),
                         lambda i, be, nb: (jnp.minimum(i, nb[0] - 1), 0)),
        ],
        out_specs=pl.BlockSpec((BM, D),
                               lambda i, be, nb: (jnp.minimum(i, nb[0] - 1), 0)),
    )
    return pl.pallas_call(
        _gemm_body,
        grid_spec=grid_spec,
        out_shape=jax.ShapeDtypeStruct((NPAD, D), jnp.float32),
    )(block_expert, nblk, x_sorted, w1, w2, pw2d)


def kernel(hidden_states, topk_weights, topk_ids, w1, w2):
    ids = topk_ids.astype(jnp.int32)
    pos_e, pos_o, block_expert, nblk, wr0, wr1 = _meta(ids, topk_weights)
    x_sorted, pw2d = _dispatch(hidden_states, pos_e, pos_o, wr0, wr1)
    y_sorted = _gemm(block_expert, nblk, x_sorted, w1, w2, pw2d)
    return _combine(y_sorted, pos_e, pos_o)

# --- scband reference (transcript-rebuilt; emitter-appended) ---
"""Pipeline reference for scband-qwen3-moe-afd-mlp-layer-58317065945110 (READ-ONLY COPY).

The authoritative reference and input builder live on the scoring server;
editing this copy changes nothing except your own understanding.
"""

import jax, jax.numpy as jnp
import numpy as np

T = 2048
D_MODEL = 1024
D_FF = 768
N_EXPERTS = 8
TOP_K = 2


def setup_inputs(seed: int = 0) -> dict:
    key = jax.random.key(seed)
    k_x, k_w, k_id, k_w1, k_w2 = (jax.random.fold_in(key, i) for i in range(5))
    hidden_states = jax.random.normal(k_x, (T, D_MODEL), dtype=jnp.float32)
    topk_weights = jax.random.uniform(k_w, (T, TOP_K), dtype=jnp.float32)
    # normalize routing weights like a softmax-top-k router would
    topk_weights = topk_weights / jnp.sum(topk_weights, axis=-1, keepdims=True)
    topk_ids = jax.random.randint(k_id, (T, TOP_K), 0, N_EXPERTS, dtype=jnp.int64)
    # merged gate+up projection per expert: [E, 2*d_ff, d_model]
    w1 = jax.random.normal(k_w1, (N_EXPERTS, 2 * D_FF, D_MODEL), dtype=jnp.float32) * 0.02
    # down projection per expert: [E, d_model, d_ff]
    w2 = jax.random.normal(k_w2, (N_EXPERTS, D_MODEL, D_FF), dtype=jnp.float32) * 0.02
    return {"hidden_states": hidden_states, "topk_weights": topk_weights,
            "topk_ids": topk_ids, "w1": w1, "w2": w2}


def reference(hidden_states, topk_weights, topk_ids, w1, w2):
    # Faithful fused-MoE forward with SiGLU (SwiGLU) activation:
    # each token is processed by its top-k experts; expert outputs are
    # combined weighted by topk_weights (the AFD combine step).
    E = w1.shape[0]
    d_ff = w2.shape[2]
    out = jnp.zeros_like(hidden_states)
    for e in range(E):
        gate_up = hidden_states @ w1[e].T            # [T, 2*d_ff]
        gate = gate_up[:, :d_ff]
        up = gate_up[:, d_ff:]
        act = jax.nn.silu(gate) * up                 # SiGLU
        y = act @ w2[e].T                            # [T, d_model]
        # routing weight of expert e for each token (0 if not routed)
        w_e = jnp.sum(jnp.where(topk_ids == e, topk_weights, 0.0), axis=-1)
        out = out + y * w_e[:, None]
    return out

if __name__ == "__main__":
    import jax
    _d = setup_inputs()
    print(jax.jit(kernel)(*tuple(_d.values())))

</pallas_src>

<mosaic_0001>
#map = affine_map<(d0, d1) -> (0, 0)>
module attributes {stable_mosaic.version = 14 : i64} {
  func.func @_combine_body(%arg0: i32, %arg1: i32, %arg2: memref<5888x1024xf32, #tpu.memory_space<hbm>>, %arg3: memref<128x16xi32, #tpu.memory_space<hbm>>, %arg4: memref<128x16xi32, #tpu.memory_space<hbm>>, %arg5: memref<2048x1024xf32, #tpu.memory_space<hbm>>, %arg6: memref<4x16xi32, #tpu.memory_space<vmem>>, %arg7: memref<4x16xi32, #tpu.memory_space<vmem>>, %arg8: memref<16x1024xf32, #tpu.memory_space<vmem>>, %arg9: memref<16x1024xf32, #tpu.memory_space<vmem>>, %arg10: memref<16x1024xf32, #tpu.memory_space<vmem>>, %arg11: memref<16x1024xf32, #tpu.memory_space<vmem>>, %arg12: memref<!tpu.dma_semaphore, #tpu.memory_space<semaphore_mem>>, %arg13: memref<!tpu.dma_semaphore, #tpu.memory_space<semaphore_mem>>, %arg14: memref<!tpu.dma_semaphore, #tpu.memory_space<semaphore_mem>>) attributes {dimension_semantics = [#tpu.dimension_semantics<core_parallel>, #tpu.dimension_semantics<subcore_parallel>], iteration_bounds = array<i64: 2, 16>, scalar_prefetch = 0 : i64, scratch_operands = 9 : i64, tpu.core_type = #tpu.core_type<sc_vector_subcore>, window_params = [{transform_indices = #map}, {transform_indices = #map}, {transform_indices = #map}, {transform_indices = #map}]} {
    %mul3A = arith.constant 2 : i32
    %mul3A_0 = arith.muli %arg1, %mul3A : i32
    %add3A = arith.addi %mul3A_0, %arg0 : i32
    %mul3A_1 = arith.constant 64 : i32
    %mul3A_2 = arith.muli %add3A, %mul3A_1 : i32
    %mul3A_3 = arith.constant 4 : i32
    %mul3A_4 = arith.muli %add3A, %mul3A_3 : i32
    "tpu.region"() ({
      %run_scoped3A = tpu.sem_alloc : memref<!tpu.dma_semaphore, #tpu.memory_space<semaphore_mem>>
      %dma_start3A_180 = arith.constant 0 : i32
      %dma_start3A_181 = tpu.memref_slice %arg3[%mul3A_4, %dma_start3A_180] : memref<128x16xi32, #tpu.memory_space<hbm>> -> memref<4x16xi32, #tpu.memory_space<hbm>>
      %dma_start3A_182 = arith.constant 0 : i32
      %dma_start3A_183 = tpu.memref_slice %arg3[%mul3A_4, %dma_start3A_182] : memref<128x16xi32, #tpu.memory_space<hbm>> -> memref<4x16xi32, #tpu.memory_space<hbm>>
      tpu.enqueue_dma source(%dma_start3A_183 : memref<4x16xi32, #tpu.memory_space<hbm>>) target(%arg6 : memref<4x16xi32, #tpu.memory_space<vmem>>) target_semaphore(%run_scoped3A : memref<!tpu.dma_semaphore, #tpu.memory_space<semaphore_mem>>)
      %dma_wait3A_184 = arith.constant 0 : i32
      %dma_wait3A_185 = tpu.memref_slice %arg3[%mul3A_4, %dma_wait3A_184] : memref<128x16xi32, #tpu.memory_space<hbm>> -> memref<4x16xi32, #tpu.memory_space<hbm>>
      %dma_wait3A_186 = arith.constant 0 : i32
      %dma_wait3A_187 = tpu.memref_slice %arg3[%mul3A_4, %dma_wait3A_186] : memref<128x16xi32, #tpu.memory_space<hbm>> -> memref<4x16xi32, #tpu.memory_space<hbm>>
      tpu.wait_dma2 semaphore(%run_scoped3A : memref<!tpu.dma_semaphore, #tpu.memory_space<semaphore_mem>>) src(%dma_wait3A_187 : memref<4x16xi32, #tpu.memory_space<hbm>>) dst(%arg6 : memref<4x16xi32, #tpu.memory_space<vmem>>)
      tpu.yield
    }) : () -> ()
    %mul3A_5 = arith.constant 4 : i32
    %mul3A_6 = arith.muli %add3A, %mul3A_5 : i32
    "tpu.region"() ({
      %run_scoped3A = tpu.sem_alloc : memref<!tpu.dma_semaphore, #tpu.memory_space<semaphore_mem>>
      %dma_start3A_180 = arith.constant 0 : i32
      %dma_start3A_181 = tpu.memref_slice %arg4[%mul3A_6, %dma_start3A_180] : memref<128x16xi32, #tpu.memory_space<hbm>> -> memref<4x16xi32, #tpu.memory_space<hbm>>
      %dma_start3A_182 = arith.constant 0 : i32
      %dma_start3A_183 = tpu.memref_slice %arg4[%mul3A_6, %dma_start3A_182] : memref<128x16xi32, #tpu.memory_space<hbm>> -> memref<4x16xi32, #tpu.memory_space<hbm>>
      tpu.enqueue_dma source(%dma_start3A_183 : memref<4x16xi32, #tpu.memory_space<hbm>>) target(%arg7 : memref<4x16xi32, #tpu.memory_space<vmem>>) target_semaphore(%run_scoped3A : memref<!tpu.dma_semaphore, #tpu.memory_space<semaphore_mem>>)
      %dma_wait3A_184 = arith.constant 0 : i32
      %dma_wait3A_185 = tpu.memref_slice %arg4[%mul3A_6, %dma_wait3A_184] : memref<128x16xi32, #tpu.memory_space<hbm>> -> memref<4x16xi32, #tpu.memory_space<hbm>>
      %dma_wait3A_186 = arith.constant 0 : i32
      %dma_wait3A_187 = tpu.memref_slice %arg4[%mul3A_6, %dma_wait3A_186] : memref<128x16xi32, #tpu.memory_space<hbm>> -> memref<4x16xi32, #tpu.memory_space<hbm>>
      tpu.wait_dma2 semaphore(%run_scoped3A : memref<!tpu.dma_semaphore, #tpu.memory_space<semaphore_mem>>) src(%dma_wait3A_187 : memref<4x16xi32, #tpu.memory_space<hbm>>) dst(%arg7 : memref<4x16xi32, #tpu.memory_space<vmem>>)
      tpu.yield
    }) : () -> ()
    %dma_start3A = arith.constant 0 : i32
    %dma_start3A_7 = arith.constant 0 : i32
    %dma_start3A_8 = tpu.memref_slice %arg6[%dma_start3A, %dma_start3A_7] : memref<4x16xi32, #tpu.memory_space<vmem>> -> memref<1x16xi32, #tpu.memory_space<vmem>>
    %dma_start3A_9 = tpu.memref_squeeze %dma_start3A_8 : memref<1x16xi32, #tpu.memory_space<vmem>> -> memref<16xi32, #tpu.memory_space<vmem>>
    %dma_start3A_10 = arith.constant 0 : i32
    %dma_start3A_11 = arith.constant 0 : i32
    %dma_start3A_12 = tpu.memref_slice %arg2[%dma_start3A_10, %dma_start3A_11] : memref<5888x1024xf32, #tpu.memory_space<hbm>> -> memref<5888x1024xf32, #tpu.memory_space<hbm>>
    tpu.enqueue_indirect_dma source(%dma_start3A_12 : memref<5888x1024xf32, #tpu.memory_space<hbm>>) target(%arg8 : memref<16x1024xf32, #tpu.memory_space<vmem>>) offsets(%dma_start3A_9 : memref<16xi32, #tpu.memory_space<vmem>>) semaphore(%arg12 : memref<!tpu.dma_semaphore, #tpu.memory_space<semaphore_mem>>)
    %dma_start3A_13 = arith.constant 0 : i32
    %dma_start3A_14 = arith.constant 0 : i32
    %dma_start3A_15 = tpu.memref_slice %arg7[%dma_start3A_13, %dma_start3A_14] : memref<4x16xi32, #tpu.memory_space<vmem>> -> memref<1x16xi32, #tpu.memory_space<vmem>>
    %dma_start3A_16 = tpu.memref_squeeze %dma_start3A_15 : memref<1x16xi32, #tpu.memory_space<vmem>> -> memref<16xi32, #tpu.memory_space<vmem>>
    %dma_start3A_17 = arith.constant 0 : i32
    %dma_start3A_18 = arith.constant 0 : i32
    %dma_start3A_19 = tpu.memref_slice %arg2[%dma_start3A_17, %dma_start3A_18] : memref<5888x1024xf32, #tpu.memory_space<hbm>> -> memref<5888x1024xf32, #tpu.memory_space<hbm>>
    tpu.enqueue_indirect_dma source(%dma_start3A_19 : memref<5888x1024xf32, #tpu.memory_space<hbm>>) target(%arg9 : memref<16x1024xf32, #tpu.memory_space<vmem>>) offsets(%dma_start3A_16 : memref<16xi32, #tpu.memory_space<vmem>>) semaphore(%arg12 : memref<!tpu.dma_semaphore, #tpu.memory_space<semaphore_mem>>)
    %dma_start3A_20 = arith.constant 1 : i32
    %dma_start3A_21 = arith.constant 0 : i32
    %dma_start3A_22 = tpu.memref_slice %arg6[%dma_start3A_20, %dma_start3A_21] : memref<4x16xi32, #tpu.memory_space<vmem>> -> memref<1x16xi32, #tpu.memory_space<vmem>>
    %dma_start3A_23 = tpu.memref_squeeze %dma_start3A_22 : memref<1x16xi32, #tpu.memory_space<vmem>> -> memref<16xi32, #tpu.memory_space<vmem>>
    %dma_start3A_24 = arith.constant 0 : i32
    %dma_start3A_25 = arith.constant 0 : i32
    %dma_start3A_26 = tpu.memref_slice %arg2[%dma_start3A_24, %dma_start3A_25] : memref<5888x1024xf32, #tpu.memory_space<hbm>> -> memref<5888x1024xf32, #tpu.memory_space<hbm>>
    tpu.enqueue_indirect_dma source(%dma_start3A_26 : memref<5888x1024xf32, #tpu.memory_space<hbm>>) target(%arg10 : memref<16x1024xf32, #tpu.memory_space<vmem>>) offsets(%dma_start3A_23 : memref<16xi32, #tpu.memory_space<vmem>>) semaphore(%arg13 : memref<!tpu.dma_semaphore, #tpu.memory_space<semaphore_mem>>)
    %dma_start3A_27 = arith.constant 1 : i32
    %dma_start3A_28 = arith.constant 0 : i32
    %dma_start3A_29 = tpu.memref_slice %arg7[%dma_start3A_27, %dma_start3A_28] : memref<4x16xi32, #tpu.memory_space<vmem>> -> memref<1x16xi32, #tpu.memory_space<vmem>>
    %dma_start3A_30 = tpu.memref_squeeze %dma_start3A_29 : memref<1x16xi32, #tpu.memory_space<vmem>> -> memref<16xi32, #tpu.memory_space<vmem>>
    %dma_start3A_31 = arith.constant 0 : i32
    %dma_start3A_32 = arith.constant 0 : i32
    %dma_start3A_33 = tpu.memref_slice %arg2[%dma_start3A_31, %dma_start3A_32] : memref<5888x1024xf32, #tpu.memory_space<hbm>> -> memref<5888x1024xf32, #tpu.memory_space<hbm>>
    tpu.enqueue_indirect_dma source(%dma_start3A_33 : memref<5888x1024xf32, #tpu.memory_space<hbm>>) target(%arg11 : memref<16x1024xf32, #tpu.memory_space<vmem>>) offsets(%dma_start3A_30 : memref<16xi32, #tpu.memory_space<vmem>>) semaphore(%arg13 : memref<!tpu.dma_semaphore, #tpu.memory_space<semaphore_mem>>)
    %dma_wait3A = arith.constant 0 : i32
    %dma_wait3A_34 = arith.constant 0 : i32
    %dma_wait3A_35 = tpu.memref_slice %arg6[%dma_wait3A, %dma_wait3A_34] : memref<4x16xi32, #tpu.memory_space<vmem>> -> memref<1x16xi32, #tpu.memory_space<vmem>>
    %dma_wait3A_36 = tpu.memref_squeeze %dma_wait3A_35 : memref<1x16xi32, #tpu.memory_space<vmem>> -> memref<16xi32, #tpu.memory_space<vmem>>
    %dma_wait3A_37 = arith.constant 0 : i32
    %dma_wait3A_38 = arith.constant 0 : i32
    %dma_wait3A_39 = tpu.memref_slice %arg2[%dma_wait3A_37, %dma_wait3A_38] : memref<5888x1024xf32, #tpu.memory_space<hbm>> -> memref<5888x1024xf32, #tpu.memory_space<hbm>>
    tpu.wait_indirect_dma semaphore(%arg12 : memref<!tpu.dma_semaphore, #tpu.memory_space<semaphore_mem>>) src(%dma_wait3A_39 : memref<5888x1024xf32, #tpu.memory_space<hbm>>) dst(%arg8 : memref<16x1024xf32, #tpu.memory_space<vmem>>)
    %dma_wait3A_40 = arith.constant 0 : i32
    %dma_wait3A_41 = arith.constant 0 : i32
    %dma_wait3A_42 = tpu.memref_slice %arg7[%dma_wait3A_40, %dma_wait3A_41] : memref<4x16xi32, #tpu.memory_space<vmem>> -> memref<1x16xi32, #tpu.memory_space<vmem>>
    %dma_wait3A_43 = tpu.memref_squeeze %dma_wait3A_42 : memref<1x16xi32, #tpu.memory_space<vmem>> -> memref<16xi32, #tpu.memory_space<vmem>>
    %dma_wait3A_44 = arith.constant 0 : i32
    %dma_wait3A_45 = arith.constant 0 : i32
    %dma_wait3A_46 = tpu.memref_slice %arg2[%dma_wait3A_44, %dma_wait3A_45] : memref<5888x1024xf32, #tpu.memory_space<hbm>> -> memref<5888x1024xf32, #tpu.memory_space<hbm>>
    tpu.wait_indirect_dma semaphore(%arg12 : memref<!tpu.dma_semaphore, #tpu.memory_space<semaphore_mem>>) src(%dma_wait3A_46 : memref<5888x1024xf32, #tpu.memory_space<hbm>>) dst(%arg9 : memref<16x1024xf32, #tpu.memory_space<vmem>>)
    %scan3A = arith.constant 0 : i32
    %scan3A_47 = arith.constant 0 : i32
    %scan3A_48 = arith.constant 16 : i32
    %scan3A_49 = arith.addi %scan3A_47, %scan3A_48 : i32
    %scan3A_50 = arith.constant 1 : i32
    scf.for %scan3A_180 = %scan3A_47 to %scan3A_49 step %scan3A_50  : i32 {
      %get3A = arith.index_cast %scan3A_180 : i32 to index
      %get3A_181 = arith.constant 0 : index
      %get3A_182 = tpu.vector_load %arg8[%get3A, %get3A_181] {strides = array<i32>} : memref<16x1024xf32, #tpu.memory_space<vmem>>, vector<1x16xf32>,
      %get3A_183 = vector.shape_cast %get3A_182 : vector<1x16xf32> to vector<16xf32>
      %get3A_184 = arith.index_cast %scan3A_180 : i32 to index
      %get3A_185 = arith.constant 0 : index
      %get3A_186 = tpu.vector_load %arg9[%get3A_184, %get3A_185] {strides = array<i32>} : memref<16x1024xf32, #tpu.memory_space<vmem>>, vector<1x16xf32>,
      %get3A_187 = vector.shape_cast %get3A_186 : vector<1x16xf32> to vector<16xf32>
      %add3A_188 = arith.addf %get3A_183, %get3A_187 : vector<16xf32>
      %swap3A = arith.index_cast %scan3A_180 : i32 to index
      %swap3A_189 = arith.constant 0 : index
      %swap3A_190 = tpu.vector_load %arg8[%swap3A, %swap3A_189] {strides = array<i32>} : memref<16x1024xf32, #tpu.memory_space<vmem>>, vector<1x16xf32>,
      %swap3A_191 = vector.shape_cast %swap3A_190 : vector<1x16xf32> to vector<16xf32>
      %swap3A_192 = vector.shape_cast %add3A_188 : vector<16xf32> to vector<1x16xf32>
      tpu.vector_store %arg8[%swap3A, %swap3A_189], %swap3A_192 {strides = array<i32>} : memref<16x1024xf32, #tpu.memory_space<vmem>>, vector<1x16xf32>,
      %get3A_193 = arith.index_cast %scan3A_180 : i32 to index
      %get3A_194 = arith.constant 16 : index
      %get3A_195 = tpu.vector_load %arg8[%get3A_193, %get3A_194] {strides = array<i32>} : memref<16x1024xf32, #tpu.memory_space<vmem>>, vector<1x16xf32>,
      %get3A_196 = vector.shape_cast %get3A_195 : vector<1x16xf32> to vector<16xf32>
      %get3A_197 = arith.index_cast %scan3A_180 : i32 to index
      %get3A_198 = arith.constant 16 : index
      %get3A_199 = tpu.vector_load %arg9[%get3A_197, %get3A_198] {strides = array<i32>} : memref<16x1024xf32, #tpu.memory_space<vmem>>, vector<1x16xf32>,
      %get3A_200 = vector.shape_cast %get3A_199 : vector<1x16xf32> to vector<16xf32>
      %add3A_201 = arith.addf %get3A_196, %get3A_200 : vector<16xf32>
      %swap3A_202 = arith.index_cast %scan3A_180 : i32 to index
      %swap3A_203 = arith.constant 16 : index
      %swap3A_204 = tpu.vector_load %arg8[%swap3A_202, %swap3A_203] {strides = array<i32>} : memref<16x1024xf32, #tpu.memory_space<vmem>>, vector<1x16xf32>,
      %swap3A_205 = vector.shape_cast %swap3A_204 : vector<1x16xf32> to vector<16xf32>
      %swap3A_206 = vector.shape_cast %add3A_201 : vector<16xf32> to vector<1x16xf32>
      tpu.vector_store %arg8[%swap3A_202, %swap3A_203], %swap3A_206 {strides = array<i32>} : memref<16x1024xf32, #tpu.memory_space<vmem>>, vector<1x16xf32>,
      %get3A_207 = arith.index_cast %scan3A_180 : i32 to index
      %get3A_208 = arith.constant 32 : index
      %get3A_209 = tpu.vector_load %arg8[%get3A_207, %get3A_208] {strides = array<i32>} : memref<16x1024xf32, #tpu.memory_space<vmem>>, vector<1x16xf32>,
      %get3A_210 = vector.shape_cast %get3A_209 : vector<1x16xf32> to vector<16xf32>
      %get3A_211 = arith.index_cast %scan3A_180 : i32 to index
      %get3A_212 = arith.constant 32 : index
      %get3A_213 = tpu.vector_load %arg9[%get3A_211, %get3A_212] {strides = array<i32>} : memref<16x1024xf32, #tpu.memory_space<vmem>>, vector<1x16xf32>,
      %get3A_214 = vector.shape_cast %get3A_213 : vector<1x16xf32> to vector<16xf32>
      %add3A_215 = arith.addf %get3A_210, %get3A_214 : vector<16xf32>
      %swap3A_216 = arith.index_cast %scan3A_180 : i32 to index
      %swap3A_217 = arith.constant 32 : index
      %swap3A_218 = tpu.vector_load %arg8[%swap3A_216, %swap3A_217] {strides = array<i32>} : memref<16x1024xf32, #tpu.memory_space<vmem>>, vector<1x16xf32>,
      %swap3A_219 = vector.shape_cast %swap3A_218 : vector<1x16xf32> to vector<16xf32>
      %swap3A_220 = vector.shape_cast %add3A_215 : vector<16xf32> to vector<1x16xf32>
      tpu.vector_store %arg8[%swap3A_216, %swap3A_217], %swap3A_220 {strides = array<i32>} : memref<16x1024xf32, #tpu.memory_space<vmem>>, vector<1x16xf32>,
      %get3A_221 = arith.index_cast %scan3A_180 : i32 to index
      %get3A_222 = arith.constant 48 : index
      %get3A_223 = tpu.vector_load %arg8[%get3A_221, %get3A_222] {strides = array<i32>} : memref<16x1024xf32, #tpu.memory_space<vmem>>, vector<1x16xf32>,
      %get3A_224 = vector.shape_cast %get3A_223 : vector<1x16xf32> to vector<16xf32>
      %get3A_225 = arith.index_cast %scan3A_180 : i32 to index
      %get3A_226 = arith.constant 48 : index
      %get3A_227 = tpu.vector_load %arg9[%get3A_225, %get3A_226] {strides = array<i32>} : memref<16x1024xf32, #tpu.memory_space<vmem>>, vector<1x16xf32>,
      %get3A_228 = vector.shape_cast %get3A_227 : vector<1x16xf32> to vector<16xf32>
      %add3A_229 = arith.addf %get3A_224, %get3A_228 : vector<16xf32>
      %swap3A_230 = arith.index_cast %scan3A_180 : i32 to index
      %swap3A_231 = arith.constant 48 : index
      %swap3A_232 = tpu.vector_load %arg8[%swap3A_230, %swap3A_231] {strides = array<i32>} : memref<16x1024xf32, #tpu.memory_space<vmem>>, vector<1x16xf32>,
      %swap3A_233 = vector.shape_cast %swap3A_232 : vector<1x16xf32> to vector<16xf32>
      %swap3A_234 = vector.shape_cast %add3A_229 : vector<16xf32> to vector<1x16xf32>
      tpu.vector_store %arg8[%swap3A_230, %swap3A_231], %swap3A_234 {strides = array<i32>} : memref<16x1024xf32, #tpu.memory_space<vmem>>, vector<1x16xf32>,
      %get3A_235 = arith.index_cast %scan3A_180 : i32 to index
      %get3A_236 = arith.constant 64 : index
      %get3A_237 = tpu.vector_load %arg8[%get3A_235, %get3A_236] {strides = array<i32>} : memref<16x1024xf32, #tpu.memory_space<vmem>>, vector<1x16xf32>,
      %get3A_238 = vector.shape_cast %get3A_237 : vector<1x16xf32> to vector<16xf32>
      %get3A_239 = arith.index_cast %scan3A_180 : i32 to index
      %get3A_240 = arith.constant 64 : index
      %get3A_241 = tpu.vector_load %arg9[%get3A_239, %get3A_240] {strides = array<i32>} : memref<16x1024xf32, #tpu.memory_space<vmem>>, vector<1x16xf32>,
      %get3A_242 = vector.shape_cast %get3A_241 : vector<1x16xf32> to vector<16xf32>
      %add3A_243 = arith.addf %get3A_238, %get3A_242 : vector<16xf32>
      %swap3A_244 = arith.index_cast %scan3A_180 : i32 to index
      %swap3A_245 = arith.constant 64 : index
      %swap3A_246 = tpu.vector_load %arg8[%swap3A_244, %swap3A_245] {strides = array<i32>} : memref<16x1024xf32, #tpu.memory_space<vmem>>, vector<1x16xf32>,
      %swap3A_247 = vector.shape_cast %swap3A_246 : vector<1x16xf32> to vector<16xf32>
      %swap3A_248 = vector.shape_cast %add3A_243 : vector<16xf32> to vector<1x16xf32>
      tpu.vector_store %arg8[%swap3A_244, %swap3A_245], %swap3A_248 {strides = array<i32>} : memref<16x1024xf32, #tpu.memory_space<vmem>>, vector<1x16xf32>,
      %get3A_249 = arith.index_cast %scan3A_180 : i32 to index
      %get3A_250 = arith.constant 80 : index
      %get3A_251 = tpu.vector_load %arg8[%get3A_249, %get3A_250] {strides = array<i32>} : memref<16x1024xf32, #tpu.memory_space<vmem>>, vector<1x16xf32>,
      %get3A_252 = vector.shape_cast %get3A_251 : vector<1x16xf32> to vector<16xf32>
      %get3A_253 = arith.index_cast %scan3A_180 : i32 to index
      %get3A_254 = arith.constant 80 : index
      %get3A_255 = tpu.vector_load %arg9[%get3A_253, %get3A_254] {strides = array<i32>} : memref<16x1024xf32, #tpu.memory_space<vmem>>, vector<1x16xf32>,
      %get3A_256 = vector.shape_cast %get3A_255 : vector<1x16xf32> to vector<16xf32>
      %add3A_257 = arith.addf %get3A_252, %get3A_256 : vector<16xf32>
      %swap3A_258 = arith.index_cast %scan3A_180 : i32 to index
      %swap3A_259 = arith.constant 80 : index
      %swap3A_260 = tpu.vector_load %arg8[%swap3A_258, %swap3A_259] {strides = array<i32>} : memref<16x1024xf32, #tpu.memory_space<vmem>>, vector<1x16xf32>,
      %swap3A_261 = vector.shape_cast %swap3A_260 : vector<1x16xf32> to vector<16xf32>
      %swap3A_262 = vector.shape_cast %add3A_257 : vector<16xf32> to vector<1x16xf32>
      tpu.vector_store %arg8[%swap3A_258, %swap3A_259], %swap3A_262 {strides = array<i32>} : memref<16x1024xf32, #tpu.memory_space<vmem>>, vector<1x16xf32>,
      %get3A_263 = arith.index_cast %scan3A_180 : i32 to index
      %get3A_264 = arith.constant 96 : index
      %get3A_265 = tpu.vector_load %arg8[%get3A_263, %get3A_264] {strides = array<i32>} : memref<16x1024xf32, #tpu.memory_space<vmem>>, vector<1x16xf32>,
      %get3A_266 = vector.shape_cast %get3A_265 : vector<1x16xf32> to vector<16xf32>
      %get3A_267 = arith.index_cast %scan3A_180 : i32 to index
      %get3A_268 = arith.constant 96 : index
      %get3A_269 = tpu.vector_load %arg9[%get3A_267, %get3A_268] {strides = array<i32>} : memref<16x1024xf32, #tpu.memory_space<vmem>>, vector<1x16xf32>,
      %get3A_270 = vector.shape_cast %get3A_269 : vector<1x16xf32> to vector<16xf32>
      %add3A_271 = arith.addf %get3A_266, %get3A_270 : vector<16xf32>
      %swap3A_272 = arith.index_cast %scan3A_180 : i32 to index
      %swap3A_273 = arith.constant 96 : index
      %swap3A_274 = tpu.vector_load %arg8[%swap3A_272, %swap3A_273] {strides = array<i32>} : memref<16x1024xf32, #tpu.memory_space<vmem>>, vector<1x16xf32>,
      %swap3A_275 = vector.shape_cast %swap3A_274 : vector<1x16xf32> to vector<16xf32>
      %swap3A_276 = vector.shape_cast %add3A_271 : vector<16xf32> to vector<1x16xf32>
      tpu.vector_store %arg8[%swap3A_272, %swap3A_273], %swap3A_276 {strides = array<i32>} : memref<16x1024xf32, #tpu.memory_space<vmem>>, vector<1x16xf32>,
      %get3A_277 = arith.index_cast %scan3A_180 : i32 to index
      %get3A_278 = arith.constant 112 : index
      %get3A_279 = tpu.vector_load %arg8[%get3A_277, %get3A_278] {strides = array<i32>} : memref<16x1024xf32, #tpu.memory_space<vmem>>, vector<1x16xf32>,
      %get3A_280 = vector.shape_cast %get3A_279 : vector<1x16xf32> to vector<16xf32>
      %get3A_281 = arith.index_cast %scan3A_180 : i32 to index
      %get3A_282 = arith.constant 112 : index
      %get3A_283 = tpu.vector_load %arg9[%get3A_281, %get3A_282] {strides = array<i32>} : memref<16x1024xf32, #tpu.memory_space<vmem>>, vector<1x16xf32>,
      %get3A_284 = vector.shape_cast %get3A_283 : vector<1x16xf32> to vector<16xf32>
      %add3A_285 = arith.addf %get3A_280, %get3A_284 : vector<16xf32>
      %swap3A_286 = arith.index_cast %scan3A_180 : i32 to index
      %swap3A_287 = arith.constant 112 : index
      %swap3A_288 = tpu.vector_load %arg8[%swap3A_286, %swap3A_287] {strides = array<i32>} : memref<16x1024xf32, #tpu.memory_space<vmem>>, vector<1x16xf32>,
      %swap3A_289 = vector.shape_cast %swap3A_288 : vector<1x16xf32> to vector<16xf32>
      %swap3A_290 = vector.shape_cast %add3A_285 : vector<16xf32> to vector<1x16xf32>
      tpu.vector_store %arg8[%swap3A_286, %swap3A_287], %swap3A_290 {strides = array<i32>} : memref<16x1024xf32, #tpu.memory_space<vmem>>, vector<1x16xf32>,
      %get3A_291 = arith.index_cast %scan3A_180 : i32 to index
      %get3A_292 = arith.constant 128 : index
      %get3A_293 = tpu.vector_load %arg8[%get3A_291, %get3A_292] {strides = array<i32>} : memref<16x1024xf32, #tpu.memory_space<vmem>>, vector<1x16xf32>,
      %get3A_294 = vector.shape_cast %get3A_293 : vector<1x16xf32> to vector<16xf32>
      %get3A_295 = arith.index_cast %scan3A_180 : i32 to index
      %get3A_296 = arith.constant 128 : index
      %get3A_297 = tpu.vector_load %arg9[%get3A_295, %get3A_296] {strides = array<i32>} : memref<16x1024xf32, #tpu.memory_space<vmem>>, vector<1x16xf32>,
      %get3A_298 = vector.shape_cast %get3A_297 : vector<1x16xf32> to vector<16xf32>
      %add3A_299 = arith.addf %get3A_294, %get3A_298 : vector<16xf32>
      %swap3A_300 = arith.index_cast %scan3A_180 : i32 to index
      %swap3A_301 = arith.constant 128 : index
      %swap3A_302 = tpu.vector_load %arg8[%swap3A_300, %swap3A_301] {strides = array<i32>} : memref<16x1024xf32, #tpu.memory_space<vmem>>, vector<1x16xf32>,
      %swap3A_303 = vector.shape_cast %swap3A_302 : vector<1x16xf32> to vector<16xf32>
      %swap3A_304 = vector.shape_cast %add3A_299 : vector<16xf32> to vector<1x16xf32>
      tpu.vector_store %arg8[%swap3A_300, %swap3A_301], %swap3A_304 {strides = array<i32>} : memref<16x1024xf32, #tpu.memory_space<vmem>>, vector<1x16xf32>,
      %get3A_305 = arith.index_cast %scan3A_180 : i32 to index
      %get3A_306 = arith.constant 144 : index
      %get3A_307 = tpu.vector_load %arg8[%get3A_305, %get3A_306] {strides = array<i32>} : memref<16x1024xf32, #tpu.memory_space<vmem>>, vector<1x16xf32>,
      %get3A_308 = vector.shape_cast %get3A_307 : vector<1x16xf32> to vector<16xf32>
      %get3A_309 = arith.index_cast %scan3A_180 : i32 to index
      %get3A_310 = arith.constant 144 : index
      %get3A_311 = tpu.vector_load %arg9[%get3A_309, %get3A_310] {strides = array<i32>} : memref<16x1024xf32, #tpu.memory_space<vmem>>, vector<1x16xf32>,
      %get3A_312 = vector.shape_cast %get3A_311 : vector<1x16xf32> to vector<16xf32>
      %add3A_313 = arith.addf %get3A_308, %get3A_312 : vector<16xf32>
      %swap3A_314 = arith.index_cast %scan3A_180 : i32 to index
      %swap3A_315 = arith.constant 144 : index
      %swap3A_316 = tpu.vector_load %arg8[%swap3A_314, %swap3A_315] {strides = array<i32>} : memref<16x1024xf32, #tpu.memory_space<vmem>>, vector<1x16xf32>,
      %swap3A_317 = vector.shape_cast %swap3A_316 : vector<1x16xf32> to vector<16xf32>
      %swap3A_318 = vector.shape_cast %add3A_313 : vector<16xf32> to vector<1x16xf32>
      tpu.vector_store %arg8[%swap3A_314, %swap3A_315], %swap3A_318 {strides = array<i32>} : memref<16x1024xf32, #tpu.memory_space<vmem>>, vector<1x16xf32>,
      %get3A_319 = arith.index_cast %scan3A_180 : i32 to index
      %get3A_320 = arith.constant 160 : index
      %get3A_321 = tpu.vector_load %arg8[%get3A_319, %get3A_320] {strides = array<i32>} : memref<16x1024xf32, #tpu.memory_space<vmem>>, vector<1x16xf32>,
      %get3A_322 = vector.shape_cast %get3A_321 : vector<1x16xf32> to vector<16xf32>
      %get3A_323 = arith.index_cast %scan3A_180 : i32 to index
      %get3A_324 = arith.constant 160 : index
      %get3A_325 = tpu.vector_load %arg9[%get3A_323, %get3A_324] {strides = array<i32>} : memref<16x1024xf32, #tpu.memory_space<vmem>>, vector<1x16xf32>,
      %get3A_326 = vector.shape_cast %get3A_325 : vector<1x16xf32> to vector<16xf32>
      %add3A_327 = arith.addf %get3A_322, %get3A_326 : vector<16xf32>
      %swap3A_328 = arith.index_cast %scan3A_180 : i32 to index
      %swap3A_329 = arith.constant 160 : index
      %swap3A_330 = tpu.vector_load %arg8[%swap3A_328, %swap3A_329] {strides = array<i32>} : memref<16x1024xf32, #tpu.memory_space<vmem>>, vector<1x16xf32>,
      %swap3A_331 = vector.shape_cast %swap3A_330 : vector<1x16xf32> to vector<16xf32>
      %swap3A_332 = vector.shape_cast %add3A_327 : vector<16xf32> to vector<1x16xf32>
      tpu.vector_store %arg8[%swap3A_328, %swap3A_329], %swap3A_332 {strides = array<i32>} : memref<16x1024xf32, #tpu.memory_space<vmem>>, vector<1x16xf32>,
      %get3A_333 = arith.index_cast %scan3A_180 : i32 to index
      %get3A_334 = arith.constant 176 : index
      %get3A_335 = tpu.vector_load %arg8[%get3A_333, %get3A_334] {strides = array<i32>} : memref<16x1024xf32, #tpu.memory_space<vmem>>, vector<1x16xf32>,
      %get3A_336 = vector.shape_cast %get3A_335 : vector<1x16xf32> to vector<16xf32>
      %get3A_337 = arith.index_cast %scan3A_180 : i32 to index
      %get3A_338 = arith.constant 176 : index
      %get3A_339 = tpu.vector_load %arg9[%get3A_337, %get3A_338] {strides = array<i32>} : memref<16x1024xf32, #tpu.memory_space<vmem>>, vector<1x16xf32>,
      %get3A_340 = vector.shape_cast %get3A_339 : vector<1x16xf32> to vector<16xf32>
      %add3A_341 = arith.addf %get3A_336, %get3A_340 : vector<16xf32>
      %swap3A_342 = arith.index_cast %scan3A_180 : i32 to index
      %swap3A_343 = arith.constant 176 : index
      %swap3A_344 = tpu.vector_load %arg8[%swap3A_342, %swap3A_343] {strides = array<i32>} : memref<16x1024xf32, #tpu.memory_space<vmem>>, vector<1x16xf32>,
      %swap3A_345 = vector.shape_cast %swap3A_344 : vector<1x16xf32> to vector<16xf32>
      %swap3A_346 = vector.shape_cast %add3A_341 : vector<16xf32> to vector<1x16xf32>
      tpu.vector_store %arg8[%swap3A_342, %swap3A_343], %swap3A_346 {strides = array<i32>} : memref<16x1024xf32, #tpu.memory_space<vmem>>, vector<1x16xf32>,
      %get3A_347 = arith.index_cast %scan3A_180 : i32 to index
      %get3A_348 = arith.constant 192 : index
      %get3A_349 = tpu.vector_load %arg8[%get3A_347, %get3A_348] {strides = array<i32>} : memref<16x1024xf32, #tpu.memory_space<vmem>>, vector<1x16xf32>,
      %get3A_350 = vector.shape_cast %get3A_349 : vector<1x16xf32> to vector<16xf32>
      %get3A_351 = arith.index_cast %scan3A_180 : i32 to index
      %get3A_352 = arith.constant 192 : index
      %get3A_353 = tpu.vector_load %arg9[%get3A_351, %get3A_352] {strides = array<i32>} : memref<16x1024xf32, #tpu.memory_space<vmem>>, vector<1x16xf32>,
      %get3A_354 = vector.shape_cast %get3A_353 : vector<1x16xf32> to vector<16xf32>
      %add3A_355 = arith.addf %get3A_350, %get3A_354 : vector<16xf32>
      %swap3A_356 = arith.index_cast %scan3A_180 : i32 to index
      %swap3A_357 = arith.constant 192 : index
      %swap3A_358 = tpu.vector_load %arg8[%swap3A_356, %swap3A_357] {strides = array<i32>} : memref<16x1024xf32, #tpu.memory_space<vmem>>, vector<1x16xf32>,
      %swap3A_359 = vector.shape_cast %swap3A_358 : vector<1x16xf32> to vector<16xf32>
      %swap3A_360 = vector.shape_cast %add3A_355 : vector<16xf32> to vector<1x16xf32>
      tpu.vector_store %arg8[%swap3A_356, %swap3A_357], %swap3A_360 {strides = array<i32>} : memref<16x1024xf32, #tpu.memory_space<vmem>>, vector<1x16xf32>,
      %get3A_361 = arith.index_cast %scan3A_180 : i32 to index
      %get3A_362 = arith.constant 208 : index
      %get3A_363 = tpu.vector_load %arg8[%get3A_361, %get3A_362] {strides = array<i32>} : memref<16x1024xf32, #tpu.memory_space<vmem>>, vector<1x16xf32>,
      %get3A_364 = vector.shape_cast %get3A_363 : vector<1x16xf32> to vector<16xf32>
      %get3A_365 = arith.index_cast %scan3A_180 : i32 to index
      %get3A_366 = arith.constant 208 : index
      %get3A_367 = tpu.vector_load %arg9[%get3A_365, %get3A_366] {strides = array<i32>} : memref<16x1024xf32, #tpu.memory_space<vmem>>, vector<1x16xf32>,
      %get3A_368 = vector.shape_cast %get3A_367 : vector<1x16xf32> to vector<16xf32>
      %add3A_369 = arith.addf %get3A_364, %get3A_368 : vector<16xf32>
      %swap3A_370 = arith.index_cast %scan3A_180 : i32 to index
      %swap3A_371 = arith.constant 208 : index
      %swap3A_372 = tpu.vector_load %arg8[%swap3A_370, %swap3A_371] {strides = array<i32>} : memref<16x1024xf32, #tpu.memory_space<vmem>>, vector<1x16xf32>,
      %swap3A_373 = vector.shape_cast %swap3A_372 : vector<1x16xf32> to vector<16xf32>
      %swap3A_374 = vector.shape_cast %add3A_369 : vector<16xf32> to vector<1x16xf32>
      tpu.vector_store %arg8[%swap3A_370, %swap3A_371], %swap3A_374 {strides = array<i32>} : memref<16x1024xf32, #tpu.memory_space<vmem>>, vector<1x16xf32>,
      %get3A_375 = arith.index_cast %scan3A_180 : i32 to index
      %get3A_376 = arith.constant 224 : index
      %get3A_377 = tpu.vector_load %arg8[%get3A_375, %get3A_376] {strides = array<i32>} : memref<16x1024xf32, #tpu.memory_space<vmem>>, vector<1x16xf32>,
      %get3A_378 = vector.shape_cast %get3A_377 : vector<1x16xf32> to vector<16xf32>
      %get3A_379 = arith.index_cast %scan3A_180 : i32 to index
      %get3A_380 = arith.constant 224 : index
      %get3A_381 = tpu.vector_load %arg9[%get3A_379, %get3A_380] {strides = array<i32>} : memref<16x1024xf32, #tpu.memory_space<vmem>>, vector<1x16xf32>,
      %get3A_382 = vector.shape_cast %get3A_381 : vector<1x16xf32> to vector<16xf32>
      %add3A_383 = arith.addf %get3A_378, %get3A_382 : vector<16xf32>
      %swap3A_384 = arith.index_cast %scan3A_180 : i32 to index
      %swap3A_385 = arith.constant 224 : index
      %swap3A_386 = tpu.vector_load %arg8[%swap3A_384, %swap3A_385] {strides = array<i32>} : memref<16x1024xf32, #tpu.memory_space<vmem>>, vector<1x16xf32>,
      %swap3A_387 = vector.shape_cast %swap3A_386 : vector<1x16xf32> to vector<16xf32>
      %swap3A_388 = vector.shape_cast %add3A_383 : vector<16xf32> to vector<1x16xf32>
      tpu.vector_store %arg8[%swap3A_384, %swap3A_385], %swap3A_388 {strides = array<i32>} : memref<16x1024xf32, #tpu.memory_space<vmem>>, vector<1x16xf32>,
      %get3A_389 = arith.index_cast %scan3A_180 : i32 to index
      %get3A_390 = arith.constant 240 : index
      %get3A_391 = tpu.vector_load %arg8[%get3A_389, %get3A_390] {strides = array<i32>} : memref<16x1024xf32, #tpu.memory_space<vmem>>, vector<1x16xf32>,
      %get3A_392 = vector.shape_cast %get3A_391 : vector<1x16xf32> to vector<16xf32>
      %get3A_393 = arith.index_cast %scan3A_180 : i32 to index
      %get3A_394 = arith.constant 240 : index
      %get3A_395 = tpu.vector_load %arg9[%get3A_393, %get3A_394] {strides = array<i32>} : memref<16x1024xf32, #tpu.memory_space<vmem>>, vector<1x16xf32>,
      %get3A_396 = vector.shape_cast %get3A_395 : vector<1x16xf32> to vector<16xf32>
      %add3A_397 = arith.addf %get3A_392, %get3A_396 : vector<16xf32>
      %swap3A_398 = arith.index_cast %scan3A_180 : i32 to index
      %swap3A_399 = arith.constant 240 : index
      %swap3A_400 = tpu.vector_load %arg8[%swap3A_398, %swap3A_399] {strides = array<i32>} : memref<16x1024xf32, #tpu.memory_space<vmem>>, vector<1x16xf32>,
      %swap3A_401 = vector.shape_cast %swap3A_400 : vector<1x16xf32> to vector<16xf32>
      %swap3A_402 = vector.shape_cast %add3A_397 : vector<16xf32> to vector<1x16xf32>
      tpu.vector_store %arg8[%swap3A_398, %swap3A_399], %swap3A_402 {strides = array<i32>} : memref<16x1024xf32, #tpu.memory_space<vmem>>, vector<1x16xf32>,
      %get3A_403 = arith.index_cast %scan3A_180 : i32 to index
      %get3A_404 = arith.constant 256 : index
      %get3A_405 = tpu.vector_load %arg8[%get3A_403, %get3A_404] {strides = array<i32>} : memref<16x1024xf32, #tpu.memory_space<vmem>>, vector<1x16xf32>,
      %get3A_406 = vector.shape_cast %get3A_405 : vector<1x16xf32> to vector<16xf32>
      %get3A_407 = arith.index_cast %scan3A_180 : i32 to index
      %get3A_408 = arith.constant 256 : index
      %get3A_409 = tpu.vector_load %arg9[%get3A_407, %get3A_408] {strides = array<i32>} : memref<16x1024xf32, #tpu.memory_space<vmem>>, vector<1x16xf32>,
      %get3A_410 = vector.shape_cast %get3A_409 : vector<1x16xf32> to vector<16xf32>
      %add3A_411 = arith.addf %get3A_406, %get3A_410 : vector<16xf32>
      %swap3A_412 = arith.index_cast %scan3A_180 : i32 to index
      %swap3A_413 = arith.constant 256 : index
      %swap3A_414 = tpu.vector_load %arg8[%swap3A_412, %swap3A_413] {strides = array<i32>} : memref<16x1024xf32, #tpu.memory_space<vmem>>, vector<1x16xf32>,
      %swap3A_415 = vector.shape_cast %swap3A_414 : vector<1x16xf32> to vector<16xf32>
      %swap3A_416 = vector.shape_cast %add3A_411 : vector<16xf32> to vector<1x16xf32>
      tpu.vector_store %arg8[%swap3A_412, %swap3A_413], %swap3A_416 {strides = array<i32>} : memref<16x1024xf32, #tpu.memory_space<vmem>>, vector<1x16xf32>,
      %get3A_417 = arith.index_cast %scan3A_180 : i32 to index
      %get3A_418 = arith.constant 272 : index
      %get3A_419 = tpu.vector_load %arg8[%get3A_417, %get3A_418] {strides = array<i32>} : memref<16x1024xf32, #tpu.memory_space<vmem>>, vector<1x16xf32>,
      %get3A_420 = vector.shape_cast %get3A_419 : vector<1x16xf32> to vector<16xf32>
      %get3A_421 = arith.index_cast %scan3A_180 : i32 to index
      %get3A_422 = arith.constant 272 : index
      %get3A_423 = tpu.vector_load %arg9[%get3A_421, %get3A_422] {strides = array<i32>} : memref<16x1024xf32, #tpu.memory_space<vmem>>, vector<1x16xf32>,
      %get3A_424 = vector.shape_cast %get3A_423 : vector<1x16xf32> to vector<16xf32>
      %add3A_425 = arith.addf %get3A_420, %get3A_424 : vector<16xf32>
      %swap3A_426 = arith.index_cast %scan3A_180 : i32 to index
      %swap3A_427 = arith.constant 272 : index
      %swap3A_428 = tpu.vector_load %arg8[%swap3A_426, %swap3A_427] {strides = array<i32>} : memref<16x1024xf32, #tpu.memory_space<vmem>>, vector<1x16xf32>,
      %swap3A_429 = vector.shape_cast %swap3A_428 : vector<1x16xf32> to vector<16xf32>
      %swap3A_430 = vector.shape_cast %add3A_425 : vector<16xf32> to vector<1x16xf32>
      tpu.vector_store %arg8[%swap3A_426, %swap3A_427], %swap3A_430 {strides = array<i32>} : memref<16x1024xf32, #tpu.memory_space<vmem>>, vector<1x16xf32>,
      %get3A_431 = arith.index_cast %scan3A_180 : i32 to index
      %get3A_432 = arith.constant 288 : index
      %get3A_433 = tpu.vector_load %arg8[%get3A_431, %get3A_432] {strides = array<i32>} : memref<16x1024xf32, #tpu.memory_space<vmem>>, vector<1x16xf32>,
      %get3A_434 = vector.shape_cast %get3A_433 : vector<1x16xf32> to vector<16xf32>
      %get3A_435 = arith.index_cast %scan3A_180 : i32 to index
      %get3A_436 = arith.constant 288 : index
      %get3A_437 = tpu.vector_load %arg9[%get3A_435, %get3A_436] {strides = array<i32>} : memref<16x1024xf32, #tpu.memory_space<vmem>>, vector<1x16xf32>,
      %get3A_438 = vector.shape_cast %get3A_437 : vector<1x16xf32> to vector<16xf32>
      %add3A_439 = arith.addf %get3A_434, %get3A_438 : vector<16xf32>
      %swap3A_440 = arith.index_cast %scan3A_180 : i32 to index
      %swap3A_441 = arith.constant 288 : index
      %swap3A_442 = tpu.vector_load %arg8[%swap3A_440, %swap3A_441] {strides = array<i32>} : memref<16x1024xf32, #tpu.memory_space<vmem>>, vector<1x16xf32>,
      %swap3A_443 = vector.shape_cast %swap3A_442 : vector<1x16xf32> to vector<16xf32>
      %swap3A_444 = vector.shape_cast %add3A_439 : vector<16xf32> to vector<1x16xf32>
      tpu.vector_store %arg8[%swap3A_440, %swap3A_441], %swap3A_444 {strides = array<i32>} : memref<16x1024xf32, #tpu.memory_space<vmem>>, vector<1x16xf32>,
      %get3A_445 = arith.index_cast %scan3A_180 : i32 to index
      %get3A_446 = arith.constant 304 : index
      %get3A_447 = tpu.vector_load %arg8[%get3A_445, %get3A_446] {strides = array<i32>} : memref<16x1024xf32, #tpu.memory_space<vmem>>, vector<1x16xf32>,
      %get3A_448 = vector.shape_cast %get3A_447 : vector<1x16xf32> to vector<16xf32>
      %get3A_449 = arith.index_cast %scan3A_180 : i32 to index
      %get3A_450 = arith.constant 304 : index
      %get3A_451 = tpu.vector_load %arg9[%get3A_449, %get3A_450] {strides = array<i32>} : memref<16x1024xf32, #tpu.memory_space<vmem>>, vector<1x16xf32>,
      %get3A_452 = vector.shape_cast %get3A_451 : vector<1x16xf32> to vector<16xf32>
      %add3A_453 = arith.addf %get3A_448, %get3A_452 : vector<16xf32>
      %swap3A_454 = arith.index_cast %scan3A_180 : i32 to index
      %swap3A_455 = arith.constant 304 : index
      %swap3A_456 = tpu.vector_load %arg8[%swap3A_454, %swap3A_455] {strides = array<i32>} : memref<16x1024xf32, #tpu.memory_space<vmem>>, vector<1x16xf32>,
      %swap3A_457 = vector.shape_cast %swap3A_456 : vector<1x16xf32> to vector<16xf32>
      %swap3A_458 = vector.shape_cast %add3A_453 : vector<16xf32> to vector<1x16xf32>
      tpu.vector_store %arg8[%swap3A_454, %swap3A_455], %swap3A_458 {strides = array<i32>} : memref<16x1024xf32, #tpu.memory_space<vmem>>, vector<1x16xf32>,
      %get3A_459 = arith.index_cast %scan3A_180 : i32 to index
      %get3A_460 = arith.constant 320 : index
      %get3A_461 = tpu.vector_load %arg8[%get3A_459, %get3A_460] {strides = array<i32>} : memref<16x1024xf32, #tpu.memory_space<vmem>>, vector<1x16xf32>,
      %get3A_462 = vector.shape_cast %get3A_461 : vector<1x16xf32> to vector<16xf32>
      %get3A_463 = arith.index_cast %scan3A_180 : i32 to index
      %get3A_464 = arith.constant 320 : index
      %get3A_465 = tpu.vector_load %arg9[%get3A_463, %get3A_464] {strides = array<i32>} : memref<16x1024xf32, #tpu.memory_space<vmem>>, vector<1x16xf32>,
      %get3A_466 = vector.shape_cast %get3A_465 : vector<1x16xf32> to vector<16xf32>
      %add3A_467 = arith.addf %get3A_462, %get3A_466 : vector<16xf32>
      %swap3A_468 = arith.index_cast %scan3A_180 : i32 to index
      %swap3A_469 = arith.constant 320 : index
      %swap3A_470 = tpu.vector_load %arg8[%swap3A_468, %swap3A_469] {strides = array<i32>} : memref<16x1024xf32, #tpu.memory_space<vmem>>, vector<1x16xf32>,
      %swap3A_471 = vector.shape_cast %swap3A_470 : vector<1x16xf32> to vector<16xf32>
      %swap3A_472 = vector.shape_cast %add3A_467 : vector<16xf32> to vector<1x16xf32>
      tpu.vector_store %arg8[%swap3A_468, %swap3A_469], %swap3A_472 {strides = array<i32>} : memref<16x1024xf32, #tpu.memory_space<vmem>>, vector<1x16xf32>,
      %get3A_473 = arith.index_cast %scan3A_180 : i32 to index
      %get3A_474 = arith.constant 336 : index
      %get3A_475 = tpu.vector_load %arg8[%get3A_473, %get3A_474] {strides = array<i32>} : memref<16x1024xf32, #tpu.memory_space<vmem>>, vector<1x16xf32>,
      %get3A_476 = vector.shape_cast %get3A_475 : vector<1x16xf32> to vector<16xf32>
      %get3A_477 = arith.index_cast %scan3A_180 : i32 to index
      %get3A_478 = arith.constant 336 : index
      %get3A_479 = tpu.vector_load %arg9[%get3A_477, %get3A_478] {strides = array<i32>} : memref<16x1024xf32, #tpu.memory_space<vmem>>, vector<1x16xf32>,
      %get3A_480 = vector.shape_cast %get3A_479 : vector<1x16xf32> to vector<16xf32>
      %add3A_481 = arith.addf %get3A_476, %get3A_480 : vector<16xf32>
      %swap3A_482 = arith.index_cast %scan3A_180 : i32 to index
      %swap3A_483 = arith.constant 336 : index
      %swap3A_484 = tpu.vector_load %arg8[%swap3A_482, %swap3A_483] {strides = array<i32>} : memref<16x1024xf32, #tpu.memory_space<vmem>>, vector<1x16xf32>,
      %swap3A_485 = vector.shape_cast %swap3A_484 : vector<1x16xf32> to vector<16xf32>
      %swap3A_486 = vector.shape_cast %add3A_481 : vector<16xf32> to vector<1x16xf32>
      tpu.vector_store %arg8[%swap3A_482, %swap3A_483], %swap3A_486 {strides = array<i32>} : memref<16x1024xf32, #tpu.memory_space<vmem>>, vector<1x16xf32>,
      %get3A_487 = arith.index_cast %scan3A_180 : i32 to index
      %get3A_488 = arith.constant 352 : index
      %get3A_489 = tpu.vector_load %arg8[%get3A_487, %get3A_488] {strides = array<i32>} : memref<16x1024xf32, #tpu.memory_space<vmem>>, vector<1x16xf32>,
      %get3A_490 = vector.shape_cast %get3A_489 : vector<1x16xf32> to vector<16xf32>
      %get3A_491 = arith.index_cast %scan3A_180 : i32 to index
      %get3A_492 = arith.constant 352 : index
      %get3A_493 = tpu.vector_load %arg9[%get3A_491, %get3A_492] {strides = array<i32>} : memref<16x1024xf32, #tpu.memory_space<vmem>>, vector<1x16xf32>,
      %get3A_494 = vector.shape_cast %get3A_493 : vector<1x16xf32> to vector<16xf32>
      %add3A_495 = arith.addf %get3A_490, %get3A_494 : vector<16xf32>
      %swap3A_496 = arith.index_cast %scan3A_180 : i32 to index
      %swap3A_497 = arith.constant 352 : index
      %swap3A_498 = tpu.vector_load %arg8[%swap3A_496, %swap3A_497] {strides = array<i32>} : memref<16x1024xf32, #tpu.memory_space<vmem>>, vector<1x16xf32>,
      %swap3A_499 = vector.shape_cast %swap3A_498 : vector<1x16xf32> to vector<16xf32>
      %swap3A_500 = vector.shape_cast %add3A_495 : vector<16xf32> to vector<1x16xf32>
      tpu.vector_store %arg8[%swap3A_496, %swap3A_497], %swap3A_500 {strides = array<i32>} : memref<16x1024xf32, #tpu.memory_space<vmem>>, vector<1x16xf32>,
      %get3A_501 = arith.index_cast %scan3A_180 : i32 to index
      %get3A_502 = arith.constant 368 : index
      %get3A_503 = tpu.vector_load %arg8[%get3A_501, %get3A_502] {strides = array<i32>} : memref<16x1024xf32, #tpu.memory_space<vmem>>, vector<1x16xf32>,
      %get3A_504 = vector.shape_cast %get3A_503 : vector<1x16xf32> to vector<16xf32>
      %get3A_505 = arith.index_cast %scan3A_180 : i32 to index
      %get3A_506 = arith.constant 368 : index
      %get3A_507 = tpu.vector_load %arg9[%get3A_505, %get3A_506] {strides = array<i32>} : memref<16x1024xf32, #tpu.memory_space<vmem>>, vector<1x16xf32>,
      %get3A_508 = vector.shape_cast %get3A_507 : vector<1x16xf32> to vector<16xf32>
      %add3A_509 = arith.addf %get3A_504, %get3A_508 : vector<16xf32>
      %swap3A_510 = arith.index_cast %scan3A_180 : i32 to index
      %swap3A_511 = arith.constant 368 : index
      %swap3A_512 = tpu.vector_load %arg8[%swap3A_510, %swap3A_511] {strides = array<i32>} : memref<16x1024xf32, #tpu.memory_space<vmem>>, vector<1x16xf32>,
      %swap3A_513 = vector.shape_cast %swap3A_512 : vector<1x16xf32> to vector<16xf32>
      %swap3A_514 = vector.shape_cast %add3A_509 : vector<16xf32> to vector<1x16xf32>
      tpu.vector_store %arg8[%swap3A_510, %swap3A_511], %swap3A_514 {strides = array<i32>} : memref<16x1024xf32, #tpu.memory_space<vmem>>, vector<1x16xf32>,
      %get3A_515 = arith.index_cast %scan3A_180 : i32 to index
      %get3A_516 = arith.constant 384 : index
      %get3A_517 = tpu.vector_load %arg8[%get3A_515, %get3A_516] {strides = array<i32>} : memref<16x1024xf32, #tpu.memory_space<vmem>>, vector<1x16xf32>,
      %get3A_518 = vector.shape_cast %get3A_517 : vector<1x16xf32> to vector<16xf32>
      %get3A_519 = arith.index_cast %scan3A_180 : i32 to index
      %get3A_520 = arith.constant 384 : index
      %get3A_521 = tpu.vector_load %arg9[%get3A_519, %get3A_520] {strides = array<i32>} : memref<16x1024xf32, #tpu.memory_space<vmem>>, vector<1x16xf32>,
      %get3A_522 = vector.shape_cast %get3A_521 : vector<1x16xf32> to vector<16xf32>
      %add3A_523 = arith.addf %get3A_518, %get3A_522 : vector<16xf32>
      %swap3A_524 = arith.index_cast %scan3A_180 : i32 to index
      %swap3A_525 = arith.constant 384 : index
      %swap3A_526 = tpu.vector_load %arg8[%swap3A_524, %swap3A_525] {strides = array<i32>} : memref<16x1024xf32, #tpu.memory_space<vmem>>, vector<1x16xf32>,
      %swap3A_527 = vector.shape_cast %swap3A_526 : vector<1x16xf32> to vector<16xf32>
      %swap3A_528 = vector.shape_cast %add3A_523 : vector<16xf32> to vector<1x16xf32>
      tpu.vector_store %arg8[%swap3A_524, %swap3A_525], %swap3A_528 {strides = array<i32>} : memref<16x1024xf32, #tpu.memory_space<vmem>>, vector<1x16xf32>,
      %get3A_529 = arith.index_cast %scan3A_180 : i32 to index
      %get3A_530 = arith.constant 400 : index
      %get3A_531 = tpu.vector_load %arg8[%get3A_529, %get3A_530] {strides = array<i32>} : memref<16x1024xf32, #tpu.memory_space<vmem>>, vector<1x16xf32>,
      %get3A_532 = vector.shape_cast %get3A_531 : vector<1x16xf32> to vector<16xf32>
      %get3A_533 = arith.index_cast %scan3A_180 : i32 to index
      %get3A_534 = arith.constant 400 : index
      %get3A_535 = tpu.vector_load %arg9[%get3A_533, %get3A_534] {strides = array<i32>} : memref<16x1024xf32, #tpu.memory_space<vmem>>, vector<1x16xf32>,
      %get3A_536 = vector.shape_cast %get3A_535 : vector<1x16xf32> to vector<16xf32>
      %add3A_537 = arith.addf %get3A_532, %get3A_536 : vector<16xf32>
      %swap3A_538 = arith.index_cast %scan3A_180 : i32 to index
      %swap3A_539 = arith.constant 400 : index
      %swap3A_540 = tpu.vector_load %arg8[%swap3A_538, %swap3A_539] {strides = array<i32>} : memref<16x1024xf32, #tpu.memory_space<vmem>>, vector<1x16xf32>,
      %swap3A_541 = vector.shape_cast %swap3A_540 : vector<1x16xf32> to vector<16xf32>
      %swap3A_542 = vector.shape_cast %add3A_537 : vector<16xf32> to vector<1x16xf32>
      tpu.vector_store %arg8[%swap3A_538, %swap3A_539], %swap3A_542 {strides = array<i32>} : memref<16x1024xf32, #tpu.memory_space<vmem>>, vector<1x16xf32>,
      %get3A_543 = arith.index_cast %scan3A_180 : i32 to index
      %get3A_544 = arith.constant 416 : index
      %get3A_545 = tpu.vector_load %arg8[%get3A_543, %get3A_544] {strides = array<i32>} : memref<16x1024xf32, #tpu.memory_space<vmem>>, vector<1x16xf32>,
      %get3A_546 = vector.shape_cast %get3A_545 : vector<1x16xf32> to vector<16xf32>
      %get3A_547 = arith.index_cast %scan3A_180 : i32 to index
      %get3A_548 = arith.constant 416 : index
      %get3A_549 = tpu.vector_load %arg9[%get3A_547, %get3A_548] {strides = array<i32>} : memref<16x1024xf32, #tpu.memory_space<vmem>>, vector<1x16xf32>,
      %get3A_550 = vector.shape_cast %get3A_549 : vector<1x16xf32> to vector<16xf32>
      %add3A_551 = arith.addf %get3A_546, %get3A_550 : vector<16xf32>
      %swap3A_552 = arith.index_cast %scan3A_180 : i32 to index
      %swap3A_553 = arith.constant 416 : index
      %swap3A_554 = tpu.vector_load %arg8[%swap3A_552, %swap3A_553] {strides = array<i32>} : memref<16x1024xf32, #tpu.memory_space<vmem>>, vector<1x16xf32>,
      %swap3A_555 = vector.shape_cast %swap3A_554 : vector<1x16xf32> to vector<16xf32>
      %swap3A_556 = vector.shape_cast %add3A_551 : vector<16xf32> to vector<1x16xf32>
      tpu.vector_store %arg8[%swap3A_552, %swap3A_553], %swap3A_556 {strides = array<i32>} : memref<16x1024xf32, #tpu.memory_space<vmem>>, vector<1x16xf32>,
      %get3A_557 = arith.index_cast %scan3A_180 : i32 to index
      %get3A_558 = arith.constant 432 : index
      %get3A_559 = tpu.vector_load %arg8[%get3A_557, %get3A_558] {strides = array<i32>} : memref<16x1024xf32, #tpu.memory_space<vmem>>, vector<1x16xf32>,
      %get3A_560 = vector.shape_cast %get3A_559 : vector<1x16xf32> to vector<16xf32>
      %get3A_561 = arith.index_cast %scan3A_180 : i32 to index
      %get3A_562 = arith.constant 432 : index
      %get3A_563 = tpu.vector_load %arg9[%get3A_561, %get3A_562] {strides = array<i32>} : memref<16x1024xf32, #tpu.memory_space<vmem>>, vector<1x16xf32>,
      %get3A_564 = vector.shape_cast %get3A_563 : vector<1x16xf32> to vector<16xf32>
      %add3A_565 = arith.addf %get3A_560, %get3A_564 : vector<16xf32>
      %swap3A_566 = arith.index_cast %scan3A_180 : i32 to index
      %swap3A_567 = arith.constant 432 : index
      %swap3A_568 = tpu.vector_load %arg8[%swap3A_566, %swap3A_567] {strides = array<i32>} : memref<16x1024xf32, #tpu.memory_space<vmem>>, vector<1x16xf32>,
      %swap3A_569 = vector.shape_cast %swap3A_568 : vector<1x16xf32> to vector<16xf32>
      %swap3A_570 = vector.shape_cast %add3A_565 : vector<16xf32> to vector<1x16xf32>
      tpu.vector_store %arg8[%swap3A_566, %swap3A_567], %swap3A_570 {strides = array<i32>} : memref<16x1024xf32, #tpu.memory_space<vmem>>, vector<1x16xf32>,
      %get3A_571 = arith.index_cast %scan3A_180 : i32 to index
      %get3A_572 = arith.constant 448 : index
      %get3A_573 = tpu.vector_load %arg8[%get3A_571, %get3A_572] {strides = array<i32>} : memref<16x1024xf32, #tpu.memory_space<vmem>>, vector<1x16xf32>,
      %get3A_574 = vector.shape_cast %get3A_573 : vector<1x16xf32> to vector<16xf32>
      %get3A_575 = arith.index_cast %scan3A_180 : i32 to index
      %get3A_576 = arith.constant 448 : index
      %get3A_577 = tpu.vector_load %arg9[%get3A_575, %get3A_576] {strides = array<i32>} : memref<16x1024xf32, #tpu.memory_space<vmem>>, vector<1x16xf32>,
      %get3A_578 = vector.shape_cast %get3A_577 : vector<1x16xf32> to vector<16xf32>
      %add3A_579 = arith.addf %get3A_574, %get3A_578 : vector<16xf32>
      %swap3A_580 = arith.index_cast %scan3A_180 : i32 to index
      %swap3A_581 = arith.constant 448 : index
      %swap3A_582 = tpu.vector_load %arg8[%swap3A_580, %swap3A_581] {strides = array<i32>} : memref<16x1024xf32, #tpu.memory_space<vmem>>, vector<1x16xf32>,
      %swap3A_583 = vector.shape_cast %swap3A_582 : vector<1x16xf32> to vector<16xf32>
      %swap3A_584 = vector.shape_cast %add3A_579 : vector<16xf32> to vector<1x16xf32>
      tpu.vector_store %arg8[%swap3A_580, %swap3A_581], %swap3A_584 {strides = array<i32>} : memref<16x1024xf32, #tpu.memory_space<vmem>>, vector<1x16xf32>,
      %get3A_585 = arith.index_cast %scan3A_180 : i32 to index
      %get3A_586 = arith.constant 464 : index
      %get3A_587 = tpu.vector_load %arg8[%get3A_585, %get3A_586] {strides = array<i32>} : memref<16x1024xf32, #tpu.memory_space<vmem>>, vector<1x16xf32>,
      %get3A_588 = vector.shape_cast %get3A_587 : vector<1x16xf32> to vector<16xf32>
      %get3A_589 = arith.index_cast %scan3A_180 : i32 to index
      %get3A_590 = arith.constant 464 : index
      %get3A_591 = tpu.vector_load %arg9[%get3A_589, %get3A_590] {strides = array<i32>} : memref<16x1024xf32, #tpu.memory_space<vmem>>, vector<1x16xf32>,
      %get3A_592 = vector.shape_cast %get3A_591 : vector<1x16xf32> to vector<16xf32>
      %add3A_593 = arith.addf %get3A_588, %get3A_592 : vector<16xf32>
      %swap3A_594 = arith.index_cast %scan3A_180 : i32 to index
      %swap3A_595 = arith.constant 464 : index
      %swap3A_596 = tpu.vector_load %arg8[%swap3A_594, %swap3A_595] {strides = array<i32>} : memref<16x1024xf32, #tpu.memory_space<vmem>>, vector<1x16xf32>,
      %swap3A_597 = vector.shape_cast %swap3A_596 : vector<1x16xf32> to vector<16xf32>
      %swap3A_598 = vector.shape_cast %add3A_593 : vector<16xf32> to vector<1x16xf32>
      tpu.vector_store %arg8[%swap3A_594, %swap3A_595], %swap3A_598 {strides = array<i32>} : memref<16x1024xf32, #tpu.memory_space<vmem>>, vector<1x16xf32>,
      %get3A_599 = arith.index_cast %scan3A_180 : i32 to index
      %get3A_600 = arith.constant 480 : index
      %get3A_601 = tpu.vector_load %arg8[%get3A_599, %get3A_600] {strides = array<i32>} : memref<16x1024xf32, #tpu.memory_space<vmem>>, vector<1x16xf32>,
      %get3A_602 = vector.shape_cast %get3A_601 : vector<1x16xf32> to vector<16xf32>
      %get3A_603 = arith.index_cast %scan3A_180 : i32 to index
      %get3A_604 = arith.constant 480 : index
      %get3A_605 = tpu.vector_load %arg9[%get3A_603, %get3A_604] {strides = array<i32>} : memref<16x1024xf32, #tpu.memory_space<vmem>>, vector<1x16xf32>,
      %get3A_606 = vector.shape_cast %get3A_605 : vector<1x16xf32> to vector<16xf32>
      %add3A_607 = arith.addf %get3A_602, %get3A_606 : vector<16xf32>
      %swap3A_608 = arith.index_cast %scan3A_180 : i32 to index
      %swap3A_609 = arith.constant 480 : index
      %swap3A_610 = tpu.vector_load %arg8[%swap3A_608, %swap3A_609] {strides = array<i32>} : memref<16x1024xf32, #tpu.memory_space<vmem>>, vector<1x16xf32>,
      %swap3A_611 = vector.shape_cast %swap3A_610 : vector<1x16xf32> to vector<16xf32>
      %swap3A_612 = vector.shape_cast %add3A_607 : vector<16xf32> to vector<1x16xf32>
      tpu.vector_store %arg8[%swap3A_608, %swap3A_609], %swap3A_612 {strides = array<i32>} : memref<16x1024xf32, #tpu.memory_space<vmem>>, vector<1x16xf32>,
      %get3A_613 = arith.index_cast %scan3A_180 : i32 to index
      %get3A_614 = arith.constant 496 : index
      %get3A_615 = tpu.vector_load %arg8[%get3A_613, %get3A_614] {strides = array<i32>} : memref<16x1024xf32, #tpu.memory_space<vmem>>, vector<1x16xf32>,
      %get3A_616 = vector.shape_cast %get3A_615 : vector<1x16xf32> to vector<16xf32>
      %get3A_617 = arith.index_cast %scan3A_180 : i32 to index
      %get3A_618 = arith.constant 496 : index
      %get3A_619 = tpu.vector_load %arg9[%get3A_617, %get3A_618] {strides = array<i32>} : memref<16x1024xf32, #tpu.memory_space<vmem>>, vector<1x16xf32>,
      %get3A_620 = vector.shape_cast %get3A_619 : vector<1x16xf32> to vector<16xf32>
      %add3A_621 = arith.addf %get3A_616, %get3A_620 : vector<16xf32>
      %swap3A_622 = arith.index_cast %scan3A_180 : i32 to index
      %swap3A_623 = arith.constant 496 : index
      %swap3A_624 = tpu.vector_load %arg8[%swap3A_622, %swap3A_623] {strides = array<i32>} : memref<16x1024xf32, #tpu.memory_space<vmem>>, vector<1x16xf32>,
      %swap3A_625 = vector.shape_cast %swap3A_624 : vector<1x16xf32> to vector<16xf32>
      %swap3A_626 = vector.shape_cast %add3A_621 : vector<16xf32> to vector<1x16xf32>
      tpu.vector_store %arg8[%swap3A_622, %swap3A_623], %swap3A_626 {strides = array<i32>} : memref<16x1024xf32, #tpu.memory_space<vmem>>, vector<1x16xf32>,
      %get3A_627 = arith.index_cast %scan3A_180 : i32 to index
      %get3A_628 = arith.constant 512 : index
      %get3A_629 = tpu.vector_load %arg8[%get3A_627, %get3A_628] {strides = array<i32>} : memref<16x1024xf32, #tpu.memory_space<vmem>>, vector<1x16xf32>,
      %get3A_630 = vector.shape_cast %get3A_629 : vector<1x16xf32> to vector<16xf32>
      %get3A_631 = arith.index_cast %scan3A_180 : i32 to index
      %get3A_632 = arith.constant 512 : index
      %get3A_633 = tpu.vector_load %arg9[%get3A_631, %get3A_632] {strides = array<i32>} : memref<16x1024xf32, #tpu.memory_space<vmem>>, vector<1x16xf32>,
      %get3A_634 = vector.shape_cast %get3A_633 : vector<1x16xf32> to vector<16xf32>
      %add3A_635 = arith.addf %get3A_630, %get3A_634 : vector<16xf32>
      %swap3A_636 = arith.index_cast %scan3A_180 : i32 to index
      %swap3A_637 = arith.constant 512 : index
      %swap3A_638 = tpu.vector_load %arg8[%swap3A_636, %swap3A_637] {strides = array<i32>} : memref<16x1024xf32, #tpu.memory_space<vmem>>, vector<1x16xf32>,
      %swap3A_639 = vector.shape_cast %swap3A_638 : vector<1x16xf32> to vector<16xf32>
      %swap3A_640 = vector.shape_cast %add3A_635 : vector<16xf32> to vector<1x16xf32>
      tpu.vector_store %arg8[%swap3A_636, %swap3A_637], %swap3A_640 {strides = array<i32>} : memref<16x1024xf32, #tpu.memory_space<vmem>>, vector<1x16xf32>,
      %get3A_641 = arith.index_cast %scan3A_180 : i32 to index
      %get3A_642 = arith.constant 528 : index
      %get3A_643 = tpu.vector_load %arg8[%get3A_641, %get3A_642] {strides = array<i32>} : memref<16x1024xf32, #tpu.memory_space<vmem>>, vector<1x16xf32>,
      %get3A_644 = vector.shape_cast %get3A_643 : vector<1x16xf32> to vector<16xf32>
      %get3A_645 = arith.index_cast %scan3A_180 : i32 to index
      %get3A_646 = arith.constant 528 : index
      %get3A_647 = tpu.vector_load %arg9[%get3A_645, %get3A_646] {strides = array<i32>} : memref<16x1024xf32, #tpu.memory_space<vmem>>, vector<1x16xf32>,
      %get3A_648 = vector.shape_cast %get3A_647 : vector<1x16xf32> to vector<16xf32>
      %add3A_649 = arith.addf %get3A_644, %get3A_648 : vector<16xf32>
      %swap3A_650 = arith.index_cast %scan3A_180 : i32 to index
      %swap3A_651 = arith.constant 528 : index
      %swap3A_652 = tpu.vector_load %arg8[%swap3A_650, %swap3A_651] {strides = array<i32>} : memref<16x1024xf32, #tpu.memory_space<vmem>>, vector<1x16xf32>,
      %swap3A_653 = vector.shape_cast %swap3A_652 : vector<1x16xf32> to vector<16xf32>
      %swap3A_654 = vector.shape_cast %add3A_649 : vector<16xf32> to vector<1x16xf32>
      tpu.vector_store %arg8[%swap3A_650, %swap3A_651], %swap3A_654 {strides = array<i32>} : memref<16x1024xf32, #tpu.memory_space<vmem>>, vector<1x16xf32>,
      %get3A_655 = arith.index_cast %scan3A_180 : i32 to index
      %get3A_656 = arith.constant 544 : index
      %get3A_657 = tpu.vector_load %arg8[%get3A_655, %get3A_656] {strides = array<i32>} : memref<16x1024xf32, #tpu.memory_space<vmem>>, vector<1x16xf32>,
      %get3A_658 = vector.shape_cast %get3A_657 : vector<1x16xf32> to vector<16xf32>
      %get3A_659 = arith.index_cast %scan3A_180 : i32 to index
      %get3A_660 = arith.constant 544 : index
      %get3A_661 = tpu.vector_load %arg9[%get3A_659, %get3A_660] {strides = array<i32>} : memref<16x1024xf32, #tpu.memory_space<vmem>>, vector<1x16xf32>,
      %get3A_662 = vector.shape_cast %get3A_661 : vector<1x16xf32> to vector<16xf32>
      %add3A_663 = arith.addf %get3A_658, %get3A_662 : vector<16xf32>
      %swap3A_664 = arith.index_cast %scan3A_180 : i32 to index
      %swap3A_665 = arith.constant 544 : index
      %swap3A_666 = tpu.vector_load %arg8[%swap3A_664, %swap3A_665] {strides = array<i32>} : memref<16x1024xf32, #tpu.memory_space<vmem>>, vector<1x16xf32>,
      %swap3A_667 = vector.shape_cast %swap3A_666 : vector<1x16xf32> to vector<16xf32>
      %swap3A_668 = vector.shape_cast %add3A_663 : vector<16xf32> to vector<1x16xf32>
      tpu.vector_store %arg8[%swap3A_664, %swap3A_665], %swap3A_668 {strides = array<i32>} : memref<16x1024xf32, #tpu.memory_space<vmem>>, vector<1x16xf32>,
      %get3A_669 = arith.index_cast %scan3A_180 : i32 to index
      %get3A_670 = arith.constant 560 : index
      %get3A_671 = tpu.vector_load %arg8[%get3A_669, %get3A_670] {strides = array<i32>} : memref<16x1024xf32, #tpu.memory_space<vmem>>, vector<1x16xf32>,
      %get3A_672 = vector.shape_cast %get3A_671 : vector<1x16xf32> to vector<16xf32>
      %get3A_673 = arith.index_cast %scan3A_180 : i32 to index
      %get3A_674 = arith.constant 560 : index
      %get3A_675 = tpu.vector_load %arg9[%get3A_673, %get3A_674] {strides = array<i32>} : memref<16x1024xf32, #tpu.memory_space<vmem>>, vector<1x16xf32>,
      %get3A_676 = vector.shape_cast %get3A_675 : vector<1x16xf32> to vector<16xf32>
      %add3A_677 = arith.addf %get3A_672, %get3A_676 : vector<16xf32>
      %swap3A_678 = arith.index_cast %scan3A_180 : i32 to index
      %swap3A_679 = arith.constant 560 : index
      %swap3A_680 = tpu.vector_load %arg8[%swap3A_678, %swap3A_679] {strides = array<i32>} : memref<16x1024xf32, #tpu.memory_space<vmem>>, vector<1x16xf32>,
      %swap3A_681 = vector.shape_cast %swap3A_680 : vector<1x16xf32> to vector<16xf32>
      %swap3A_682 = vector.shape_cast %add3A_677 : vector<16xf32> to vector<1x16xf32>
      tpu.vector_store %arg8[%swap3A_678, %swap3A_679], %swap3A_682 {strides = array<i32>} : memref<16x1024xf32, #tpu.memory_space<vmem>>, vector<1x16xf32>,
      %get3A_683 = arith.index_cast %scan3A_180 : i32 to index
      %get3A_684 = arith.constant 576 : index
      %get3A_685 = tpu.vector_load %arg8[%get3A_683, %get3A_684] {strides = array<i32>} : memref<16x1024xf32, #tpu.memory_space<vmem>>, vector<1x16xf32>,
      %get3A_686 = vector.shape_cast %get3A_685 : vector<1x16xf32> to vector<16xf32>
      %get3A_687 = arith.index_cast %scan3A_180 : i32 to index
      %get3A_688 = arith.constant 576 : index
      %get3A_689 = tpu.vector_load %arg9[%get3A_687, %get3A_688] {strides = array<i32>} : memref<16x1024xf32, #tpu.memory_space<vmem>>, vector<1x16xf32>,
      %get3A_690 = vector.shape_cast %get3A_689 : vector<1x16xf32> to vector<16xf32>
      %add3A_691 = arith.addf %get3A_686, %get3A_690 : vector<16xf32>
      %swap3A_692 = arith.index_cast %scan3A_180 : i32 to index
      %swap3A_693 = arith.constant 576 : index
      %swap3A_694 = tpu.vector_load %arg8[%swap3A_692, %swap3A_693] {strides = array<i32>} : memref<16x1024xf32, #tpu.memory_space<vmem>>, vector<1x16xf32>,
      %swap3A_695 = vector.shape_cast %swap3A_694 : vector<1x16xf32> to vector<16xf32>
      %swap3A_696 = vector.shape_cast %add3A_691 : vector<16xf32> to vector<1x16xf32>
      tpu.vector_store %arg8[%swap3A_692, %swap3A_693], %swap3A_696 {strides = array<i32>} : memref<16x1024xf32, #tpu.memory_space<vmem>>, vector<1x16xf32>,
      %get3A_697 = arith.index_cast %scan3A_180 : i32 to index
      %get3A_698 = arith.constant 592 : index
      %get3A_699 = tpu.vector_load %arg8[%get3A_697, %get3A_698] {strides = array<i32>} : memref<16x1024xf32, #tpu.memory_space<vmem>>, vector<1x16xf32>,
      %get3A_700 = vector.shape_cast %get3A_699 : vector<1x16xf32> to vector<16xf32>
      %get3A_701 = arith.index_cast %scan3A_180 : i32 to index
      %get3A_702 = arith.constant 592 : index
      %get3A_703 = tpu.vector_load %arg9[%get3A_701, %get3A_702] {strides = array<i32>} : memref<16x1024xf32, #tpu.memory_space<vmem>>, vector<1x16xf32>,
      %get3A_704 = vector.shape_cast %get3A_703 : vector<1x16xf32> to vector<16xf32>
      %add3A_705 = arith.addf %get3A_700, %get3A_704 : vector<16xf32>
      %swap3A_706 = arith.index_cast %scan3A_180 : i32 to index
      %swap3A_707 = arith.constant 592 : index
      %swap3A_708 = tpu.vector_load %arg8[%swap3A_706, %swap3A_707] {strides = array<i32>} : memref<16x1024xf32, #tpu.memory_space<vmem>>, vector<1x16xf32>,
      %swap3A_709 = vector.shape_cast %swap3A_708 : vector<1x16xf32> to vector<16xf32>
      %swap3A_710 = vector.shape_cast %add3A_705 : vector<16xf32> to vector<1x16xf32>
      tpu.vector_store %arg8[%swap3A_706, %swap3A_707], %swap3A_710 {strides = array<i32>} : memref<16x1024xf32, #tpu.memory_space<vmem>>, vector<1x16xf32>,
      %get3A_711 = arith.index_cast %scan3A_180 : i32 to index
      %get3A_712 = arith.constant 608 : index
      %get3A_713 = tpu.vector_load %arg8[%get3A_711, %get3A_712] {strides = array<i32>} : memref<16x1024xf32, #tpu.memory_space<vmem>>, vector<1x16xf32>,
      %get3A_714 = vector.shape_cast %get3A_713 : vector<1x16xf32> to vector<16xf32>
      %get3A_715 = arith.index_cast %scan3A_180 : i32 to index
      %get3A_716 = arith.constant 608 : index
      %get3A_717 = tpu.vector_load %arg9[%get3A_715, %get3A_716] {strides = array<i32>} : memref<16x1024xf32, #tpu.memory_space<vmem>>, vector<1x16xf32>,
      %get3A_718 = vector.shape_cast %get3A_717 : vector<1x16xf32> to vector<16xf32>
      %add3A_719 = arith.addf %get3A_714, %get3A_718 : vector<16xf32>
      %swap3A_720 = arith.index_cast %scan3A_180 : i32 to index
      %swap3A_721 = arith.constant 608 : index
      %swap3A_722 = tpu.vector_load %arg8[%swap3A_720, %swap3A_721] {strides = array<i32>} : memref<16x1024xf32, #tpu.memory_space<vmem>>, vector<1x16xf32>,
      %swap3A_723 = vector.shape_cast %swap3A_722 : vector<1x16xf32> to vector<16xf32>
      %swap3A_724 = vector.shape_cast %add3A_719 : vector<16xf32> to vector<1x16xf32>
      tpu.vector_store %arg8[%swap3A_720, %swap3A_721], %swap3A_724 {strides = array<i32>} : memref<16x1024xf32, #tpu.memory_space<vmem>>, vector<1x16xf32>,
      %get3A_725 = arith.index_cast %scan3A_180 : i32 to index
      %get3A_726 = arith.constant 624 : index
      %get3A_727 = tpu.vector_load %arg8[%get3A_725, %get3A_726] {strides = array<i32>} : memref<16x1024xf32, #tpu.memory_space<vmem>>, vector<1x16xf32>,
      %get3A_728 = vector.shape_cast %get3A_727 : vector<1x16xf32> to vector<16xf32>
      %get3A_729 = arith.index_cast %scan3A_180 : i32 to index
      %get3A_730 = arith.constant 624 : index
      %get3A_731 = tpu.vector_load %arg9[%get3A_729, %get3A_730] {strides = array<i32>} : memref<16x1024xf32, #tpu.memory_space<vmem>>, vector<1x16xf32>,
      %get3A_732 = vector.shape_cast %get3A_731 : vector<1x16xf32> to vector<16xf32>
      %add3A_733 = arith.addf %get3A_728, %get3A_732 : vector<16xf32>
      %swap3A_734 = arith.index_cast %scan3A_180 : i32 to index
      %swap3A_735 = arith.constant 624 : index
      %swap3A_736 = tpu.vector_load %arg8[%swap3A_734, %swap3A_735] {strides = array<i32>} : memref<16x1024xf32, #tpu.memory_space<vmem>>, vector<1x16xf32>,
      %swap3A_737 = vector.shape_cast %swap3A_736 : vector<1x16xf32> to vector<16xf32>
      %swap3A_738 = vector.shape_cast %add3A_733 : vector<16xf32> to vector<1x16xf32>
      tpu.vector_store %arg8[%swap3A_734, %swap3A_735], %swap3A_738 {strides = array<i32>} : memref<16x1024xf32, #tpu.memory_space<vmem>>, vector<1x16xf32>,
      %get3A_739 = arith.index_cast %scan3A_180 : i32 to index
      %get3A_740 = arith.constant 640 : index
      %get3A_741 = tpu.vector_load %arg8[%get3A_739, %get3A_740] {strides = array<i32>} : memref<16x1024xf32, #tpu.memory_space<vmem>>, vector<1x16xf32>,
      %get3A_742 = vector.shape_cast %get3A_741 : vector<1x16xf32> to vector<16xf32>
      %get3A_743 = arith.index_cast %scan3A_180 : i32 to index
      %get3A_744 = arith.constant 640 : index
      %get3A_745 = tpu.vector_load %arg9[%get3A_743, %get3A_744] {strides = array<i32>} : memref<16x1024xf32, #tpu.memory_space<vmem>>, vector<1x16xf32>,
      %get3A_746 = vector.shape_cast %get3A_745 : vector<1x16xf32> to vector<16xf32>
      %add3A_747 = arith.addf %get3A_742, %get3A_746 : vector<16xf32>
      %swap3A_748 = arith.index_cast %scan3A_180 : i32 to index
      %swap3A_749 = arith.constant 640 : index
      %swap3A_750 = tpu.vector_load %arg8[%swap3A_748, %swap3A_749] {strides = array<i32>} : memref<16x1024xf32, #tpu.memory_space<vmem>>, vector<1x16xf32>,
      %swap3A_751 = vector.shape_cast %swap3A_750 : vector<1x16xf32> to vector<16xf32>
      %swap3A_752 = vector.shape_cast %add3A_747 : vector<16xf32> to vector<1x16xf32>
      tpu.vector_store %arg8[%swap3A_748, %swap3A_749], %swap3A_752 {strides = array<i32>} : memref<16x1024xf32, #tpu.memory_space<vmem>>, vector<1x16xf32>,
      %get3A_753 = arith.index_cast %scan3A_180 : i32 to index
      %get3A_754 = arith.constant 656 : index
      %get3A_755 = tpu.vector_load %arg8[%get3A_753, %get3A_754] {strides = array<i32>} : memref<16x1024xf32, #tpu.memory_space<vmem>>, vector<1x16xf32>,
      %get3A_756 = vector.shape_cast %get3A_755 : vector<1x16xf32> to vector<16xf32>
      %get3A_757 = arith.index_cast %scan3A_180 : i32 to index
      %get3A_758 = arith.constant 656 : index
      %get3A_759 = tpu.vector_load %arg9[%get3A_757, %get3A_758] {strides = array<i32>} : memref<16x1024xf32, #tpu.memory_space<vmem>>, vector<1x16xf32>,
      %get3A_760 = vector.shape_cast %get3A_759 : vector<1x16xf32> to vector<16xf32>
      %add3A_761 = arith.addf %get3A_756, %get3A_760 : vector<16xf32>
      %swap3A_762 = arith.index_cast %scan3A_180 : i32 to index
      %swap3A_763 = arith.constant 656 : index
      %swap3A_764 = tpu.vector_load %arg8[%swap3A_762, %swap3A_763] {strides = array<i32>} : memref<16x1024xf32, #tpu.memory_space<vmem>>, vector<1x16xf32>,
      %swap3A_765 = vector.shape_cast %swap3A_764 : vector<1x16xf32> to vector<16xf32>
      %swap3A_766 = vector.shape_cast %add3A_761 : vector<16xf32> to vector<1x16xf32>
      tpu.vector_store %arg8[%swap3A_762, %swap3A_763], %swap3A_766 {strides = array<i32>} : memref<16x1024xf32, #tpu.memory_space<vmem>>, vector<1x16xf32>,
      %get3A_767 = arith.index_cast %scan3A_180 : i32 to index
      %get3A_768 = arith.constant 672 : index
      %get3A_769 = tpu.vector_load %arg8[%get3A_767, %get3A_768] {strides = array<i32>} : memref<16x1024xf32, #tpu.memory_space<vmem>>, vector<1x16xf32>,
      %get3A_770 = vector.shape_cast %get3A_769 : vector<1x16xf32> to vector<16xf32>
      %get3A_771 = arith.index_cast %scan3A_180 : i32 to index
      %get3A_772 = arith.constant 672 : index
      %get3A_773 = tpu.vector_load %arg9[%get3A_771, %get3A_772] {strides = array<i32>} : memref<16x1024xf32, #tpu.memory_space<vmem>>, vector<1x16xf32>,
      %get3A_774 = vector.shape_cast %get3A_773 : vector<1x16xf32> to vector<16xf32>
      %add3A_775 = arith.addf %get3A_770, %get3A_774 : vector<16xf32>
      %swap3A_776 = arith.index_cast %scan3A_180 : i32 to index
      %swap3A_777 = arith.constant 672 : index
      %swap3A_778 = tpu.vector_load %arg8[%swap3A_776, %swap3A_777] {strides = array<i32>} : memref<16x1024xf32, #tpu.memory_space<vmem>>, vector<1x16xf32>,
      %swap3A_779 = vector.shape_cast %swap3A_778 : vector<1x16xf32> to vector<16xf32>
      %swap3A_780 = vector.shape_cast %add3A_775 : vector<16xf32> to vector<1x16xf32>
      tpu.vector_store %arg8[%swap3A_776, %swap3A_777], %swap3A_780 {strides = array<i32>} : memref<16x1024xf32, #tpu.memory_space<vmem>>, vector<1x16xf32>,
      %get3A_781 = arith.index_cast %scan3A_180 : i32 to index
      %get3A_782 = arith.constant 688 : index
      %get3A_783 = tpu.vector_load %arg8[%get3A_781, %get3A_782] {strides = array<i32>} : memref<16x1024xf32, #tpu.memory_space<vmem>>, vector<1x16xf32>,
      %get3A_784 = vector.shape_cast %get3A_783 : vector<1x16xf32> to vector<16xf32>
      %get3A_785 = arith.index_cast %scan3A_180 : i32 to index
      %get3A_786 = arith.constant 688 : index
      %get3A_787 = tpu.vector_load %arg9[%get3A_785, %get3A_786] {strides = array<i32>} : memref<16x1024xf32, #tpu.memory_space<vmem>>, vector<1x16xf32>,
      %get3A_788 = vector.shape_cast %get3A_787 : vector<1x16xf32> to vector<16xf32>
      %add3A_789 = arith.addf %get3A_784, %get3A_788 : vector<16xf32>
      %swap3A_790 = arith.index_cast %scan3A_180 : i32 to index
      %swap3A_791 = arith.constant 688 : index
      %swap3A_792 = tpu.vector_load %arg8[%swap3A_790, %swap3A_791] {strides = array<i32>} : memref<16x1024xf32, #tpu.memory_space<vmem>>, vector<1x16xf32>,
      %swap3A_793 = vector.shape_cast %swap3A_792 : vector<1x16xf32> to vector<16xf32>
      %swap3A_794 = vector.shape_cast %add3A_789 : vector<16xf32> to vector<1x16xf32>
      tpu.vector_store %arg8[%swap3A_790, %swap3A_791], %swap3A_794 {strides = array<i32>} : memref<16x1024xf32, #tpu.memory_space<vmem>>, vector<1x16xf32>,
      %get3A_795 = arith.index_cast %scan3A_180 : i32 to index
      %get3A_796 = arith.constant 704 : index
      %get3A_797 = tpu.vector_load %arg8[%get3A_795, %get3A_796] {strides = array<i32>} : memref<16x1024xf32, #tpu.memory_space<vmem>>, vector<1x16xf32>,
      %get3A_798 = vector.shape_cast %get3A_797 : vector<1x16xf32> to vector<16xf32>
      %get3A_799 = arith.index_cast %scan3A_180 : i32 to index
      %get3A_800 = arith.constant 704 : index
      %get3A_801 = tpu.vector_load %arg9[%get3A_799, %get3A_800] {strides = array<i32>} : memref<16x1024xf32, #tpu.memory_space<vmem>>, vector<1x16xf32>,
      %get3A_802 = vector.shape_cast %get3A_801 : vector<1x16xf32> to vector<16xf32>
      %add3A_803 = arith.addf %get3A_798, %get3A_802 : vector<16xf32>
      %swap3A_804 = arith.index_cast %scan3A_180 : i32 to index
      %swap3A_805 = arith.constant 704 : index
      %swap3A_806 = tpu.vector_load %arg8[%swap3A_804, %swap3A_805] {strides = array<i32>} : memref<16x1024xf32, #tpu.memory_space<vmem>>, vector<1x16xf32>,
      %swap3A_807 = vector.shape_cast %swap3A_806 : vector<1x16xf32> to vector<16xf32>
      %swap3A_808 = vector.shape_cast %add3A_803 : vector<16xf32> to vector<1x16xf32>
      tpu.vector_store %arg8[%swap3A_804, %swap3A_805], %swap3A_808 {strides = array<i32>} : memref<16x1024xf32, #tpu.memory_space<vmem>>, vector<1x16xf32>,
      %get3A_809 = arith.index_cast %scan3A_180 : i32 to index
      %get3A_810 = arith.constant 720 : index
      %get3A_811 = tpu.vector_load %arg8[%get3A_809, %get3A_810] {strides = array<i32>} : memref<16x1024xf32, #tpu.memory_space<vmem>>, vector<1x16xf32>,
      %get3A_812 = vector.shape_cast %get3A_811 : vector<1x16xf32> to vector<16xf32>
      %get3A_813 = arith.index_cast %scan3A_180 : i32 to index
      %get3A_814 = arith.constant 720 : index
      %get3A_815 = tpu.vector_load %arg9[%get3A_813, %get3A_814] {strides = array<i32>} : memref<16x1024xf32, #tpu.memory_space<vmem>>, vector<1x16xf32>,
      %get3A_816 = vector.shape_cast %get3A_815 : vector<1x16xf32> to vector<16xf32>
      %add3A_817 = arith.addf %get3A_812, %get3A_816 : vector<16xf32>
      %swap3A_818 = arith.index_cast %scan3A_180 : i32 to index
      %swap3A_819 = arith.constant 720 : index
      %swap3A_820 = tpu.vector_load %arg8[%swap3A_818, %swap3A_819] {strides = array<i32>} : memref<16x1024xf32, #tpu.memory_space<vmem>>, vector<1x16xf32>,
      %swap3A_821 = vector.shape_cast %swap3A_820 : vector<1x16xf32> to vector<16xf32>
      %swap3A_822 = vector.shape_cast %add3A_817 : vector<16xf32> to vector<1x16xf32>
      tpu.vector_store %arg8[%swap3A_818, %swap3A_819], %swap3A_822 {strides = array<i32>} : memref<16x1024xf32, #tpu.memory_space<vmem>>, vector<1x16xf32>,
      %get3A_823 = arith.index_cast %scan3A_180 : i32 to index
      %get3A_824 = arith.constant 736 : index
      %get3A_825 = tpu.vector_load %arg8[%get3A_823, %get3A_824] {strides = array<i32>} : memref<16x1024xf32, #tpu.memory_space<vmem>>, vector<1x16xf32>,
      %get3A_826 = vector.shape_cast %get3A_825 : vector<1x16xf32> to vector<16xf32>
      %get3A_827 = arith.index_cast %scan3A_180 : i32 to index
      %get3A_828 = arith.constant 736 : index
      %get3A_829 = tpu.vector_load %arg9[%get3A_827, %get3A_828] {strides = array<i32>} : memref<16x1024xf32, #tpu.memory_space<vmem>>, vector<1x16xf32>,
      %get3A_830 = vector.shape_cast %get3A_829 : vector<1x16xf32> to vector<16xf32>
      %add3A_831 = arith.addf %get3A_826, %get3A_830 : vector<16xf32>
      %swap3A_832 = arith.index_cast %scan3A_180 : i32 to index
      %swap3A_833 = arith.constant 736 : index
      %swap3A_834 = tpu.vector_load %arg8[%swap3A_832, %swap3A_833] {strides = array<i32>} : memref<16x1024xf32, #tpu.memory_space<vmem>>, vector<1x16xf32>,
      %swap3A_835 = vector.shape_cast %swap3A_834 : vector<1x16xf32> to vector<16xf32>
      %swap3A_836 = vector.shape_cast %add3A_831 : vector<16xf32> to vector<1x16xf32>
      tpu.vector_store %arg8[%swap3A_832, %swap3A_833], %swap3A_836 {strides = array<i32>} : memref<16x1024xf32, #tpu.memory_space<vmem>>, vector<1x16xf32>,
      %get3A_837 = arith.index_cast %scan3A_180 : i32 to index
      %get3A_838 = arith.constant 752 : index
      %get3A_839 = tpu.vector_load %arg8[%get3A_837, %get3A_838] {strides = array<i32>} : memref<16x1024xf32, #tpu.memory_space<vmem>>, vector<1x16xf32>,
      %get3A_840 = vector.shape_cast %get3A_839 : vector<1x16xf32> to vector<16xf32>
      %get3A_841 = arith.index_cast %scan3A_180 : i32 to index
      %get3A_842 = arith.constant 752 : index
      %get3A_843 = tpu.vector_load %arg9[%get3A_841, %get3A_842] {strides = array<i32>} : memref<16x1024xf32, #tpu.memory_space<vmem>>, vector<1x16xf32>,
      %get3A_844 = vector.shape_cast %get3A_843 : vector<1x16xf32> to vector<16xf32>
      %add3A_845 = arith.addf %get3A_840, %get3A_844 : vector<16xf32>
      %swap3A_846 = arith.index_cast %scan3A_180 : i32 to index
      %swap3A_847 = arith.constant 752 : index
      %swap3A_848 = tpu.vector_load %arg8[%swap3A_846, %swap3A_847] {strides = array<i32>} : memref<16x1024xf32, #tpu.memory_space<vmem>>, vector<1x16xf32>,
      %swap3A_849 = vector.shape_cast %swap3A_848 : vector<1x16xf32> to vector<16xf32>
      %swap3A_850 = vector.shape_cast %add3A_845 : vector<16xf32> to vector<1x16xf32>
      tpu.vector_store %arg8[%swap3A_846, %swap3A_847], %swap3A_850 {strides = array<i32>} : memref<16x1024xf32, #tpu.memory_space<vmem>>, vector<1x16xf32>,
      %get3A_851 = arith.index_cast %scan3A_180 : i32 to index
      %get3A_852 = arith.constant 768 : index
      %get3A_853 = tpu.vector_load %arg8[%get3A_851, %get3A_852] {strides = array<i32>} : memref<16x1024xf32, #tpu.memory_space<vmem>>, vector<1x16xf32>,
      %get3A_854 = vector.shape_cast %get3A_853 : vector<1x16xf32> to vector<16xf32>
      %get3A_855 = arith.index_cast %scan3A_180 : i32 to index
      %get3A_856 = arith.constant 768 : index
      %get3A_857 = tpu.vector_load %arg9[%get3A_855, %get3A_856] {strides = array<i32>} : memref<16x1024xf32, #tpu.memory_space<vmem>>, vector<1x16xf32>,
      %get3A_858 = vector.shape_cast %get3A_857 : vector<1x16xf32> to vector<16xf32>
      %add3A_859 = arith.addf %get3A_854, %get3A_858 : vector<16xf32>
      %swap3A_860 = arith.index_cast %scan3A_180 : i32 to index
      %swap3A_861 = arith.constant 768 : index
      %swap3A_862 = tpu.vector_load %arg8[%swap3A_860, %swap3A_861] {strides = array<i32>} : memref<16x1024xf32, #tpu.memory_space<vmem>>, vector<1x16xf32>,
      %swap3A_863 = vector.shape_cast %swap3A_862 : vector<1x16xf32> to vector<16xf32>
      %swap3A_864 = vector.shape_cast %add3A_859 : vector<16xf32> to vector<1x16xf32>
      tpu.vector_store %arg8[%swap3A_860, %swap3A_861], %swap3A_864 {strides = array<i32>} : memref<16x1024xf32, #tpu.memory_space<vmem>>, vector<1x16xf32>,
      %get3A_865 = arith.index_cast %scan3A_180 : i32 to index
      %get3A_866 = arith.constant 784 : index
      %get3A_867 = tpu.vector_load %arg8[%get3A_865, %get3A_866] {strides = array<i32>} : memref<16x1024xf32, #tpu.memory_space<vmem>>, vector<1x16xf32>,
      %get3A_868 = vector.shape_cast %get3A_867 : vector<1x16xf32> to vector<16xf32>
      %get3A_869 = arith.index_cast %scan3A_180 : i32 to index
      %get3A_870 = arith.constant 784 : index
      %get3A_871 = tpu.vector_load %arg9[%get3A_869, %get3A_870] {strides = array<i32>} : memref<16x1024xf32, #tpu.memory_space<vmem>>, vector<1x16xf32>,
      %get3A_872 = vector.shape_cast %get3A_871 : vector<1x16xf32> to vector<16xf32>
      %add3A_873 = arith.addf %get3A_868, %get3A_872 : vector<16xf32>
      %swap3A_874 = arith.index_cast %scan3A_180 : i32 to index
      %swap3A_875 = arith.constant 784 : index
      %swap3A_876 = tpu.vector_load %arg8[%swap3A_874, %swap3A_875] {strides = array<i32>} : memref<16x1024xf32, #tpu.memory_space<vmem>>, vector<1x16xf32>,
      %swap3A_877 = vector.shape_cast %swap3A_876 : vector<1x16xf32> to vector<16xf32>
      %swap3A_878 = vector.shape_cast %add3A_873 : vector<16xf32> to vector<1x16xf32>
      tpu.vector_store %arg8[%swap3A_874, %swap3A_875], %swap3A_878 {strides = array<i32>} : memref<16x1024xf32, #tpu.memory_space<vmem>>, vector<1x16xf32>,
      %get3A_879 = arith.index_cast %scan3A_180 : i32 to index
      %get3A_880 = arith.constant 800 : index
      %get3A_881 = tpu.vector_load %arg8[%get3A_879, %get3A_880] {strides = array<i32>} : memref<16x1024xf32, #tpu.memory_space<vmem>>, vector<1x16xf32>,
      %get3A_882 = vector.shape_cast %get3A_881 : vector<1x16xf32> to vector<16xf32>
      %get3A_883 = arith.index_cast %scan3A_180 : i32 to index
      %get3A_884 = arith.constant 800 : index
      %get3A_885 = tpu.vector_load %arg9[%get3A_883, %get3A_884] {strides = array<i32>} : memref<16x1024xf32, #tpu.memory_space<vmem>>, vector<1x16xf32>,
      %get3A_886 = vector.shape_cast %get3A_885 : vector<1x16xf32> to vector<16xf32>
      %add3A_887 = arith.addf %get3A_882, %get3A_886 : vector<16xf32>
      %swap3A_888 = arith.index_cast %scan3A_180 : i32 to index
      %swap3A_889 = arith.constant 800 : index
      %swap3A_890 = tpu.vector_load %arg8[%swap3A_888, %swap3A_889] {strides = array<i32>} : memref<16x1024xf32, #tpu.memory_space<vmem>>, vector<1x16xf32>,
      %swap3A_891 = vector.shape_cast %swap3A_890 : vector<1x16xf32> to vector<16xf32>
      %swap3A_892 = vector.shape_cast %add3A_887 : vector<16xf32> to vector<1x16xf32>
      tpu.vector_store %arg8[%swap3A_888, %swap3A_889], %swap3A_892 {strides = array<i32>} : memref<16x1024xf32, #tpu.memory_space<vmem>>, vector<1x16xf32>,
      %get3A_893 = arith.index_cast %scan3A_180 : i32 to index
      %get3A_894 = arith.constant 816 : index
      %get3A_895 = tpu.vector_load %arg8[%get3A_893, %get3A_894] {strides = array<i32>} : memref<16x1024xf32, #tpu.memory_space<vmem>>, vector<1x16xf32>,
      %get3A_896 = vector.shape_cast %get3A_895 : vector<1x16xf32> to vector<16xf32>
      %get3A_897 = arith.index_cast %scan3A_180 : i32 to index
      %get3A_898 = arith.constant 816 : index
      %get3A_899 = tpu.vector_load %arg9[%get3A_897, %get3A_898] {strides = array<i32>} : memref<16x1024xf32, #tpu.memory_space<vmem>>, vector<1x16xf32>,
      %get3A_900 = vector.shape_cast %get3A_899 : vector<1x16xf32> to vector<16xf32>
      %add3A_901 = arith.addf %get3A_896, %get3A_900 : vector<16xf32>
      %swap3A_902 = arith.index_cast %scan3A_180 : i32 to index
      %swap3A_903 = arith.constant 816 : index
      %swap3A_904 = tpu.vector_load %arg8[%swap3A_902, %swap3A_903] {strides = array<i32>} : memref<16x1024xf32, #tpu.memory_space<vmem>>, vector<1x16xf32>,
      %swap3A_905 = vector.shape_cast %swap3A_904 : vector<1x16xf32> to vector<16xf32>
      %swap3A_906 = vector.shape_cast %add3A_901 : vector<16xf32> to vector<1x16xf32>
      tpu.vector_store %arg8[%swap3A_902, %swap3A_903], %swap3A_906 {strides = array<i32>} : memref<16x1024xf32, #tpu.memory_space<vmem>>, vector<1x16xf32>,
      %get3A_907 = arith.index_cast %scan3A_180 : i32 to index
      %get3A_908 = arith.constant 832 : index
      %get3A_909 = tpu.vector_load %arg8[%get3A_907, %get3A_908] {strides = array<i32>} : memref<16x1024xf32, #tpu.memory_space<vmem>>, vector<1x16xf32>,
      %get3A_910 = vector.shape_cast %get3A_909 : vector<1x16xf32> to vector<16xf32>
      %get3A_911 = arith.index_cast %scan3A_180 : i32 to index
      %get3A_912 = arith.constant 832 : index
      %get3A_913 = tpu.vector_load %arg9[%get3A_911, %get3A_912] {strides = array<i32>} : memref<16x1024xf32, #tpu.memory_space<vmem>>, vector<1x16xf32>,
      %get3A_914 = vector.shape_cast %get3A_913 : vector<1x16xf32> to vector<16xf32>
      %add3A_915 = arith.addf %get3A_910, %get3A_914 : vector<16xf32>
      %swap3A_916 = arith.index_cast %scan3A_180 : i32 to index
      %swap3A_917 = arith.constant 832 : index
      %swap3A_918 = tpu.vector_load %arg8[%swap3A_916, %swap3A_917] {strides = array<i32>} : memref<16x1024xf32, #tpu.memory_space<vmem>>, vector<1x16xf32>,
      %swap3A_919 = vector.shape_cast %swap3A_918 : vector<1x16xf32> to vector<16xf32>
      %swap3A_920 = vector.shape_cast %add3A_915 : vector<16xf32> to vector<1x16xf32>
      tpu.vector_store %arg8[%swap3A_916, %swap3A_917], %swap3A_920 {strides = array<i32>} : memref<16x1024xf32, #tpu.memory_space<vmem>>, vector<1x16xf32>,
      %get3A_921 = arith.index_cast %scan3A_180 : i32 to index
      %get3A_922 = arith.constant 848 : index
      %get3A_923 = tpu.vector_load %arg8[%get3A_921, %get3A_922] {strides = array<i32>} : memref<16x1024xf32, #tpu.memory_space<vmem>>, vector<1x16xf32>,
      %get3A_924 = vector.shape_cast %get3A_923 : vector<1x16xf32> to vector<16xf32>
      %get3A_925 = arith.index_cast %scan3A_180 : i32 to index
      %get3A_926 = arith.constant 848 : index
      %get3A_927 = tpu.vector_load %arg9[%get3A_925, %get3A_926] {strides = array<i32>} : memref<16x1024xf32, #tpu.memory_space<vmem>>, vector<1x16xf32>,
      %get3A_928 = vector.shape_cast %get3A_927 : vector<1x16xf32> to vector<16xf32>
      %add3A_929 = arith.addf %get3A_924, %get3A_928 : vector<16xf32>
      %swap3A_930 = arith.index_cast %scan3A_180 : i32 to index
      %swap3A_931 = arith.constant 848 : index
      %swap3A_932 = tpu.vector_load %arg8[%swap3A_930, %swap3A_931] {strides = array<i32>} : memref<16x1024xf32, #tpu.memory_space<vmem>>, vector<1x16xf32>,
      %swap3A_933 = vector.shape_cast %swap3A_932 : vector<1x16xf32> to vector<16xf32>
      %swap3A_934 = vector.shape_cast %add3A_929 : vector<16xf32> to vector<1x16xf32>
      tpu.vector_store %arg8[%swap3A_930, %swap3A_931], %swap3A_934 {strides = array<i32>} : memref<16x1024xf32, #tpu.memory_space<vmem>>, vector<1x16xf32>,
      %get3A_935 = arith.index_cast %scan3A_180 : i32 to index
      %get3A_936 = arith.constant 864 : index
      %get3A_937 = tpu.vector_load %arg8[%get3A_935, %get3A_936] {strides = array<i32>} : memref<16x1024xf32, #tpu.memory_space<vmem>>, vector<1x16xf32>,
      %get3A_938 = vector.shape_cast %get3A_937 : vector<1x16xf32> to vector<16xf32>
      %get3A_939 = arith.index_cast %scan3A_180 : i32 to index
      %get3A_940 = arith.constant 864 : index
      %get3A_941 = tpu.vector_load %arg9[%get3A_939, %get3A_940] {strides = array<i32>} : memref<16x1024xf32, #tpu.memory_space<vmem>>, vector<1x16xf32>,
      %get3A_942 = vector.shape_cast %get3A_941 : vector<1x16xf32> to vector<16xf32>
      %add3A_943 = arith.addf %get3A_938, %get3A_942 : vector<16xf32>
      %swap3A_944 = arith.index_cast %scan3A_180 : i32 to index
      %swap3A_945 = arith.constant 864 : index
      %swap3A_946 = tpu.vector_load %arg8[%swap3A_944, %swap3A_945] {strides = array<i32>} : memref<16x1024xf32, #tpu.memory_space<vmem>>, vector<1x16xf32>,
      %swap3A_947 = vector.shape_cast %swap3A_946 : vector<1x16xf32> to vector<16xf32>
      %swap3A_948 = vector.shape_cast %add3A_943 : vector<16xf32> to vector<1x16xf32>
      tpu.vector_store %arg8[%swap3A_944, %swap3A_945], %swap3A_948 {strides = array<i32>} : memref<16x1024xf32, #tpu.memory_space<vmem>>, vector<1x16xf32>,
      %get3A_949 = arith.index_cast %scan3A_180 : i32 to index
      %get3A_950 = arith.constant 880 : index
      %get3A_951 = tpu.vector_load %arg8[%get3A_949, %get3A_950] {strides = array<i32>} : memref<16x1024xf32, #tpu.memory_space<vmem>>, vector<1x16xf32>,
      %get3A_952 = vector.shape_cast %get3A_951 : vector<1x16xf32> to vector<16xf32>
      %get3A_953 = arith.index_cast %scan3A_180 : i32 to index
      %get3A_954 = arith.constant 880 : index
      %get3A_955 = tpu.vector_load %arg9[%get3A_953, %get3A_954] {strides = array<i32>} : memref<16x1024xf32, #tpu.memory_space<vmem>>, vector<1x16xf32>,
      %get3A_956 = vector.shape_cast %get3A_955 : vector<1x16xf32> to vector<16xf32>
      %add3A_957 = arith.addf %get3A_952, %get3A_956 : vector<16xf32>
      %swap3A_958 = arith.index_cast %scan3A_180 : i32 to index
      %swap3A_959 = arith.constant 880 : index
      %swap3A_960 = tpu.vector_load %arg8[%swap3A_958, %swap3A_959] {strides = array<i32>} : memref<16x1024xf32, #tpu.memory_space<vmem>>, vector<1x16xf32>,
      %swap3A_961 = vector.shape_cast %swap3A_960 : vector<1x16xf32> to vector<16xf32>
      %swap3A_962 = vector.shape_cast %add3A_957 : vector<16xf32> to vector<1x16xf32>
      tpu.vector_store %arg8[%swap3A_958, %swap3A_959], %swap3A_962 {strides = array<i32>} : memref<16x1024xf32, #tpu.memory_space<vmem>>, vector<1x16xf32>,
      %get3A_963 = arith.index_cast %scan3A_180 : i32 to index
      %get3A_964 = arith.constant 896 : index
      %get3A_965 = tpu.vector_load %arg8[%get3A_963, %get3A_964] {strides = array<i32>} : memref<16x1024xf32, #tpu.memory_space<vmem>>, vector<1x16xf32>,
      %get3A_966 = vector.shape_cast %get3A_965 : vector<1x16xf32> to vector<16xf32>
      %get3A_967 = arith.index_cast %scan3A_180 : i32 to index
      %get3A_968 = arith.constant 896 : index
      %get3A_969 = tpu.vector_load %arg9[%get3A_967, %get3A_968] {strides = array<i32>} : memref<16x1024xf32, #tpu.memory_space<vmem>>, vector<1x16xf32>,
      %get3A_970 = vector.shape_cast %get3A_969 : vector<1x16xf32> to vector<16xf32>
      %add3A_971 = arith.addf %get3A_966, %get3A_970 : vector<16xf32>
      %swap3A_972 = arith.index_cast %scan3A_180 : i32 to index
      %swap3A_973 = arith.constant 896 : index
      %swap3A_974 = tpu.vector_load %arg8[%swap3A_972, %swap3A_973] {strides = array<i32>} : memref<16x1024xf32, #tpu.memory_space<vmem>>, vector<1x16xf32>,
      %swap3A_975 = vector.shape_cast %swap3A_974 : vector<1x16xf32> to vector<16xf32>
      %swap3A_976 = vector.shape_cast %add3A_971 : vector<16xf32> to vector<1x16xf32>
      tpu.vector_store %arg8[%swap3A_972, %swap3A_973], %swap3A_976 {strides = array<i32>} : memref<16x1024xf32, #tpu.memory_space<vmem>>, vector<1x16xf32>,
      %get3A_977 = arith.index_cast %scan3A_180 : i32 to index
      %get3A_978 = arith.constant 912 : index
      %get3A_979 = tpu.vector_load %arg8[%get3A_977, %get3A_978] {strides = array<i32>} : memref<16x1024xf32, #tpu.memory_space<vmem>>, vector<1x16xf32>,
      %get3A_980 = vector.shape_cast %get3A_979 : vector<1x16xf32> to vector<16xf32>
      %get3A_981 = arith.index_cast %scan3A_180 : i32 to index
      %get3A_982 = arith.constant 912 : index
      %get3A_983 = tpu.vector_load %arg9[%get3A_981, %get3A_982] {strides = array<i32>} : memref<16x1024xf32, #tpu.memory_space<vmem>>, vector<1x16xf32>,
      %get3A_984 = vector.shape_cast %get3A_983 : vector<1x16xf32> to vector<16xf32>
      %add3A_985 = arith.addf %get3A_980, %get3A_984 : vector<16xf32>
      %swap3A_986 = arith.index_cast %scan3A_180 : i32 to index
      %swap3A_987 = arith.constant 912 : index
      %swap3A_988 = tpu.vector_load %arg8[%swap3A_986, %swap3A_987] {strides = array<i32>} : memref<16x1024xf32, #tpu.memory_space<vmem>>, vector<1x16xf32>,
      %swap3A_989 = vector.shape_cast %swap3A_988 : vector<1x16xf32> to vector<16xf32>
      %swap3A_990 = vector.shape_cast %add3A_985 : vector<16xf32> to vector<1x16xf32>
      tpu.vector_store %arg8[%swap3A_986, %swap3A_987], %swap3A_990 {strides = array<i32>} : memref<16x1024xf32, #tpu.memory_space<vmem>>, vector<1x16xf32>,
      %get3A_991 = arith.index_cast %scan3A_180 : i32 to index
      %get3A_992 = arith.constant 928 : index
      %get3A_993 = tpu.vector_load %arg8[%get3A_991, %get3A_992] {strides = array<i32>} : memref<16x1024xf32, #tpu.memory_space<vmem>>, vector<1x16xf32>,
      %get3A_994 = vector.shape_cast %get3A_993 : vector<1x16xf32> to vector<16xf32>
      %get3A_995 = arith.index_cast %scan3A_180 : i32 to index
      %get3A_996 = arith.constant 928 : index
      %get3A_997 = tpu.vector_load %arg9[%get3A_995, %get3A_996] {strides = array<i32>} : memref<16x1024xf32, #tpu.memory_space<vmem>>, vector<1x16xf32>,
      %get3A_998 = vector.shape_cast %get3A_997 : vector<1x16xf32> to vector<16xf32>
      %add3A_999 = arith.addf %get3A_994, %get3A_998 : vector<16xf32>
      %swap3A_1000 = arith.index_cast %scan3A_180 : i32 to index
      %swap3A_1001 = arith.constant 928 : index
      %swap3A_1002 = tpu.vector_load %arg8[%swap3A_1000, %swap3A_1001] {strides = array<i32>} : memref<16x1024xf32, #tpu.memory_space<vmem>>, vector<1x16xf32>,
      %swap3A_1003 = vector.shape_cast %swap3A_1002 : vector<1x16xf32> to vector<16xf32>
      %swap3A_1004 = vector.shape_cast %add3A_999 : vector<16xf32> to vector<1x16xf32>
      tpu.vector_store %arg8[%swap3A_1000, %swap3A_1001], %swap3A_1004 {strides = array<i32>} : memref<16x1024xf32, #tpu.memory_space<vmem>>, vector<1x16xf32>,
      %get3A_1005 = arith.index_cast %scan3A_180 : i32 to index
      %get3A_1006 = arith.constant 944 : index
      %get3A_1007 = tpu.vector_load %arg8[%get3A_1005, %get3A_1006] {strides = array<i32>} : memref<16x1024xf32, #tpu.memory_space<vmem>>, vector<1x16xf32>,
      %get3A_1008 = vector.shape_cast %get3A_1007 : vector<1x16xf32> to vector<16xf32>
      %get3A_1009 = arith.index_cast %scan3A_180 : i32 to index
      %get3A_1010 = arith.constant 944 : index
      %get3A_1011 = tpu.vector_load %arg9[%get3A_1009, %get3A_1010] {strides = array<i32>} : memref<16x1024xf32, #tpu.memory_space<vmem>>, vector<1x16xf32>,
      %get3A_1012 = vector.shape_cast %get3A_1011 : vector<1x16xf32> to vector<16xf32>
      %add3A_1013 = arith.addf %get3A_1008, %get3A_1012 : vector<16xf32>
      %swap3A_1014 = arith.index_cast %scan3A_180 : i32 to index
      %swap3A_1015 = arith.constant 944 : index
      %swap3A_1016 = tpu.vector_load %arg8[%swap3A_1014, %swap3A_1015] {strides = array<i32>} : memref<16x1024xf32, #tpu.memory_space<vmem>>, vector<1x16xf32>,
      %swap3A_1017 = vector.shape_cast %swap3A_1016 : vector<1x16xf32> to vector<16xf32>
      %swap3A_1018 = vector.shape_cast %add3A_1013 : vector<16xf32> to vector<1x16xf32>
      tpu.vector_store %arg8[%swap3A_1014, %swap3A_1015], %swap3A_1018 {strides = array<i32>} : memref<16x1024xf32, #tpu.memory_space<vmem>>, vector<1x16xf32>,
      %get3A_1019 = arith.index_cast %scan3A_180 : i32 to index
      %get3A_1020 = arith.constant 960 : index
      %get3A_1021 = tpu.vector_load %arg8[%get3A_1019, %get3A_1020] {strides = array<i32>} : memref<16x1024xf32, #tpu.memory_space<vmem>>, vector<1x16xf32>,
      %get3A_1022 = vector.shape_cast %get3A_1021 : vector<1x16xf32> to vector<16xf32>
      %get3A_1023 = arith.index_cast %scan3A_180 : i32 to index
      %get3A_1024 = arith.constant 960 : index
      %get3A_1025 = tpu.vector_load %arg9[%get3A_1023, %get3A_1024] {strides = array<i32>} : memref<16x1024xf32, #tpu.memory_space<vmem>>, vector<1x16xf32>,
      %get3A_1026 = vector.shape_cast %get3A_1025 : vector<1x16xf32> to vector<16xf32>
      %add3A_1027 = arith.addf %get3A_1022, %get3A_1026 : vector<16xf32>
      %swap3A_1028 = arith.index_cast %scan3A_180 : i32 to index
      %swap3A_1029 = arith.constant 960 : index
      %swap3A_1030 = tpu.vector_load %arg8[%swap3A_1028, %swap3A_1029] {strides = array<i32>} : memref<16x1024xf32, #tpu.memory_space<vmem>>, vector<1x16xf32>,
      %swap3A_1031 = vector.shape_cast %swap3A_1030 : vector<1x16xf32> to vector<16xf32>
      %swap3A_1032 = vector.shape_cast %add3A_1027 : vector<16xf32> to vector<1x16xf32>
      tpu.vector_store %arg8[%swap3A_1028, %swap3A_1029], %swap3A_1032 {strides = array<i32>} : memref<16x1024xf32, #tpu.memory_space<vmem>>, vector<1x16xf32>,
      %get3A_1033 = arith.index_cast %scan3A_180 : i32 to index
      %get3A_1034 = arith.constant 976 : index
      %get3A_1035 = tpu.vector_load %arg8[%get3A_1033, %get3A_1034] {strides = array<i32>} : memref<16x1024xf32, #tpu.memory_space<vmem>>, vector<1x16xf32>,
      %get3A_1036 = vector.shape_cast %get3A_1035 : vector<1x16xf32> to vector<16xf32>
      %get3A_1037 = arith.index_cast %scan3A_180 : i32 to index
      %get3A_1038 = arith.constant 976 : index
      %get3A_1039 = tpu.vector_load %arg9[%get3A_1037, %get3A_1038] {strides = array<i32>} : memref<16x1024xf32, #tpu.memory_space<vmem>>, vector<1x16xf32>,
      %get3A_1040 = vector.shape_cast %get3A_1039 : vector<1x16xf32> to vector<16xf32>
      %add3A_1041 = arith.addf %get3A_1036, %get3A_1040 : vector<16xf32>
      %swap3A_1042 = arith.index_cast %scan3A_180 : i32 to index
      %swap3A_1043 = arith.constant 976 : index
      %swap3A_1044 = tpu.vector_load %arg8[%swap3A_1042, %swap3A_1043] {strides = array<i32>} : memref<16x1024xf32, #tpu.memory_space<vmem>>, vector<1x16xf32>,
      %swap3A_1045 = vector.shape_cast %swap3A_1044 : vector<1x16xf32> to vector<16xf32>
      %swap3A_1046 = vector.shape_cast %add3A_1041 : vector<16xf32> to vector<1x16xf32>
      tpu.vector_store %arg8[%swap3A_1042, %swap3A_1043], %swap3A_1046 {strides = array<i32>} : memref<16x1024xf32, #tpu.memory_space<vmem>>, vector<1x16xf32>,
      %get3A_1047 = arith.index_cast %scan3A_180 : i32 to index
      %get3A_1048 = arith.constant 992 : index
      %get3A_1049 = tpu.vector_load %arg8[%get3A_1047, %get3A_1048] {strides = array<i32>} : memref<16x1024xf32, #tpu.memory_space<vmem>>, vector<1x16xf32>,
      %get3A_1050 = vector.shape_cast %get3A_1049 : vector<1x16xf32> to vector<16xf32>
      %get3A_1051 = arith.index_cast %scan3A_180 : i32 to index
      %get3A_1052 = arith.constant 992 : index
      %get3A_1053 = tpu.vector_load %arg9[%get3A_1051, %get3A_1052] {strides = array<i32>} : memref<16x1024xf32, #tpu.memory_space<vmem>>, vector<1x16xf32>,
      %get3A_1054 = vector.shape_cast %get3A_1053 : vector<1x16xf32> to vector<16xf32>
      %add3A_1055 = arith.addf %get3A_1050, %get3A_1054 : vector<16xf32>
      %swap3A_1056 = arith.index_cast %scan3A_180 : i32 to index
      %swap3A_1057 = arith.constant 992 : index
      %swap3A_1058 = tpu.vector_load %arg8[%swap3A_1056, %swap3A_1057] {strides = array<i32>} : memref<16x1024xf32, #tpu.memory_space<vmem>>, vector<1x16xf32>,
      %swap3A_1059 = vector.shape_cast %swap3A_1058 : vector<1x16xf32> to vector<16xf32>
      %swap3A_1060 = vector.shape_cast %add3A_1055 : vector<16xf32> to vector<1x16xf32>
      tpu.vector_store %arg8[%swap3A_1056, %swap3A_1057], %swap3A_1060 {strides = array<i32>} : memref<16x1024xf32, #tpu.memory_space<vmem>>, vector<1x16xf32>,
      %get3A_1061 = arith.index_cast %scan3A_180 : i32 to index
      %get3A_1062 = arith.constant 1008 : index
      %get3A_1063 = tpu.vector_load %arg8[%get3A_1061, %get3A_1062] {strides = array<i32>} : memref<16x1024xf32, #tpu.memory_space<vmem>>, vector<1x16xf32>,
      %get3A_1064 = vector.shape_cast %get3A_1063 : vector<1x16xf32> to vector<16xf32>
      %get3A_1065 = arith.index_cast %scan3A_180 : i32 to index
      %get3A_1066 = arith.constant 1008 : index
      %get3A_1067 = tpu.vector_load %arg9[%get3A_1065, %get3A_1066] {strides = array<i32>} : memref<16x1024xf32, #tpu.memory_space<vmem>>, vector<1x16xf32>,
      %get3A_1068 = vector.shape_cast %get3A_1067 : vector<1x16xf32> to vector<16xf32>
      %add3A_1069 = arith.addf %get3A_1064, %get3A_1068 : vector<16xf32>
      %swap3A_1070 = arith.index_cast %scan3A_180 : i32 to index
      %swap3A_1071 = arith.constant 1008 : index
      %swap3A_1072 = tpu.vector_load %arg8[%swap3A_1070, %swap3A_1071] {strides = array<i32>} : memref<16x1024xf32, #tpu.memory_space<vmem>>, vector<1x16xf32>,
      %swap3A_1073 = vector.shape_cast %swap3A_1072 : vector<1x16xf32> to vector<16xf32>
      %swap3A_1074 = vector.shape_cast %add3A_1069 : vector<16xf32> to vector<1x16xf32>
      tpu.vector_store %arg8[%swap3A_1070, %swap3A_1071], %swap3A_1074 {strides = array<i32>} : memref<16x1024xf32, #tpu.memory_space<vmem>>, vector<1x16xf32>,
    }
    %scan3A_51 = arith.constant 16 : i32
    %add3A_52 = arith.constant 0 : i32
    %add3A_53 = arith.addi %mul3A_2, %add3A_52 : i32
    %dma_start3A_54 = arith.constant 0 : i32
    %dma_start3A_55 = tpu.memref_slice %arg5[%add3A_53, %dma_start3A_54] : memref<2048x1024xf32, #tpu.memory_space<hbm>> -> memref<16x1024xf32, #tpu.memory_space<hbm>>
    %dma_start3A_56 = arith.constant 0 : i32
    %dma_start3A_57 = tpu.memref_slice %arg5[%add3A_53, %dma_start3A_56] : memref<2048x1024xf32, #tpu.memory_space<hbm>> -> memref<16x1024xf32, #tpu.memory_space<hbm>>
    tpu.enqueue_dma source(%arg8 : memref<16x1024xf32, #tpu.memory_space<vmem>>) target(%dma_start3A_57 : memref<16x1024xf32, #tpu.memory_space<hbm>>) target_semaphore(%arg14 : memref<!tpu.dma_semaphore, #tpu.memory_space<semaphore_mem>>)
    %dma_wait3A_58 = arith.constant 0 : i32
    %dma_wait3A_59 = tpu.memref_slice %arg5[%add3A_53, %dma_wait3A_58] : memref<2048x1024xf32, #tpu.memory_space<hbm>> -> memref<16x1024xf32, #tpu.memory_space<hbm>>
    %dma_wait3A_60 = arith.constant 0 : i32
    %dma_wait3A_61 = tpu.memref_slice %arg5[%add3A_53, %dma_wait3A_60] : memref<2048x1024xf32, #tpu.memory_space<hbm>> -> memref<16x1024xf32, #tpu.memory_space<hbm>>
    tpu.wait_dma2 semaphore(%arg14 : memref<!tpu.dma_semaphore, #tpu.memory_space<semaphore_mem>>) src(%arg8 : memref<16x1024xf32, #tpu.memory_space<vmem>>) dst(%dma_wait3A_61 : memref<16x1024xf32, #tpu.memory_space<hbm>>)
    %dma_start3A_62 = arith.constant 2 : i32
    %dma_start3A_63 = arith.constant 0 : i32
    %dma_start3A_64 = tpu.memref_slice %arg6[%dma_start3A_62, %dma_start3A_63] : memref<4x16xi32, #tpu.memory_space<vmem>> -> memref<1x16xi32, #tpu.memory_space<vmem>>
    %dma_start3A_65 = tpu.memref_squeeze %dma_start3A_64 : memref<1x16xi32, #tpu.memory_space<vmem>> -> memref<16xi32, #tpu.memory_space<vmem>>
    %dma_start3A_66 = arith.constant 0 : i32
    %dma_start3A_67 = arith.constant 0 : i32
    %dma_start3A_68 = tpu.memref_slice %arg2[%dma_start3A_66, %dma_start3A_67] : memref<5888x1024xf32, #tpu.memory_space<hbm>> -> memref<5888x1024xf32, #tpu.memory_space<hbm>>
    tpu.enqueue_indirect_dma source(%dma_start3A_68 : memref<5888x1024xf32, #tpu.memory_space<hbm>>) target(%arg8 : memref<16x1024xf32, #tpu.memory_space<vmem>>) offsets(%dma_start3A_65 : memref<16xi32, #tpu.memory_space<vmem>>) semaphore(%arg12 : memref<!tpu.dma_semaphore, #tpu.memory_space<semaphore_mem>>)
    %dma_start3A_69 = arith.constant 2 : i32
    %dma_start3A_70 = arith.constant 0 : i32
    %dma_start3A_71 = tpu.memref_slice %arg7[%dma_start3A_69, %dma_start3A_70] : memref<4x16xi32, #tpu.memory_space<vmem>> -> memref<1x16xi32, #tpu.memory_space<vmem>>
    %dma_start3A_72 = tpu.memref_squeeze %dma_start3A_71 : memref<1x16xi32, #tpu.memory_space<vmem>> -> memref<16xi32, #tpu.memory_space<vmem>>
    %dma_start3A_73 = arith.constant 0 : i32
    %dma_start3A_74 = arith.constant 0 : i32
    %dma_start3A_75 = tpu.memref_slice %arg2[%dma_start3A_73, %dma_start3A_74] : memref<5888x1024xf32, #tpu.memory_space<hbm>> -> memref<5888x1024xf32, #tpu.memory_space<hbm>>
    tpu.enqueue_indirect_dma source(%dma_start3A_75 : memref<5888x1024xf32, #tpu.memory_space<hbm>>) target(%arg9 : memref<16x1024xf32, #tpu.memory_space<vmem>>) offsets(%dma_start3A_72 : memref<16xi32, #tpu.memory_space<vmem>>) semaphore(%arg12 : memref<!tpu.dma_semaphore, #tpu.memory_space<semaphore_mem>>)
    %dma_wait3A_76 = arith.constant 1 : i32
    %dma_wait3A_77 = arith.constant 0 : i32
    %dma_wait3A_78 = tpu.memref_slice %arg6[%dma_wait3A_76, %dma_wait3A_77] : memref<4x16xi32, #tpu.memory_space<vmem>> -> memref<1x16xi32, #tpu.memory_space<vmem>>
    %dma_wait3A_79 = tpu.memref_squeeze %dma_wait3A_78 : memref<1x16xi32, #tpu.memory_space<vmem>> -> memref<16xi32, #tpu.memory_space<vmem>>
    %dma_wait3A_80 = arith.constant 0 : i32
    %dma_wait3A_81 = arith.constant 0 : i32
    %dma_wait3A_82 = tpu.memref_slice %arg2[%dma_wait3A_80, %dma_wait3A_81] : memref<5888x1024xf32, #tpu.memory_space<hbm>> -> memref<5888x1024xf32, #tpu.memory_space<hbm>>
    tpu.wait_indirect_dma semaphore(%arg13 : memref<!tpu.dma_semaphore, #tpu.memory_space<semaphore_mem>>) src(%dma_wait3A_82 : memref<5888x1024xf32, #tpu.memory_space<hbm>>) dst(%arg10 : memref<16x1024xf32, #tpu.memory_space<vmem>>)
    %dma_wait3A_83 = arith.constant 1 : i32
    %dma_wait3A_84 = arith.constant 0 : i32
    %dma_wait3A_85 = tpu.memref_slice %arg7[%dma_wait3A_83, %dma_wait3A_84] : memref<4x16xi32, #tpu.memory_space<vmem>> -> memref<1x16xi32, #tpu.memory_space<vmem>>
    %dma_wait3A_86 = tpu.memref_squeeze %dma_wait3A_85 : memref<1x16xi32, #tpu.memory_space<vmem>> -> memref<16xi32, #tpu.memory_space<vmem>>
    %dma_wait3A_87 = arith.constant 0 : i32
    %dma_wait3A_88 = arith.constant 0 : i32
    %dma_wait3A_89 = tpu.memref_slice %arg2[%dma_wait3A_87, %dma_wait3A_88] : memref<5888x1024xf32, #tpu.memory_space<hbm>> -> memref<5888x1024xf32, #tpu.memory_space<hbm>>
    tpu.wait_indirect_dma semaphore(%arg13 : memref<!tpu.dma_semaphore, #tpu.memory_space<semaphore_mem>>) src(%dma_wait3A_89 : memref<5888x1024xf32, #tpu.memory_space<hbm>>) dst(%arg11 : memref<16x1024xf32, #tpu.memory_space<vmem>>)
    %scan3A_90 = arith.constant 0 : i32
    %scan3A_91 = arith.constant 0 : i32
    %scan3A_92 = arith.constant 16 : i32
    %scan3A_93 = arith.addi %scan3A_91, %scan3A_92 : i32
    %scan3A_94 = arith.constant 1 : i32
    scf.for %scan3A_180 = %scan3A_91 to %scan3A_93 step %scan3A_94  : i32 {
      %get3A = arith.index_cast %scan3A_180 : i32 to index
      %get3A_181 = arith.constant 0 : index
      %get3A_182 = tpu.vector_load %arg10[%get3A, %get3A_181] {strides = array<i32>} : memref<16x1024xf32, #tpu.memory_space<vmem>>, vector<1x16xf32>,
      %get3A_183 = vector.shape_cast %get3A_182 : vector<1x16xf32> to vector<16xf32>
      %get3A_184 = arith.index_cast %scan3A_180 : i32 to index
      %get3A_185 = arith.constant 0 : index
      %get3A_186 = tpu.vector_load %arg11[%get3A_184, %get3A_185] {strides = array<i32>} : memref<16x1024xf32, #tpu.memory_space<vmem>>, vector<1x16xf32>,
      %get3A_187 = vector.shape_cast %get3A_186 : vector<1x16xf32> to vector<16xf32>
      %add3A_188 = arith.addf %get3A_183, %get3A_187 : vector<16xf32>
      %swap3A = arith.index_cast %scan3A_180 : i32 to index
      %swap3A_189 = arith.constant 0 : index
      %swap3A_190 = tpu.vector_load %arg10[%swap3A, %swap3A_189] {strides = array<i32>} : memref<16x1024xf32, #tpu.memory_space<vmem>>, vector<1x16xf32>,
      %swap3A_191 = vector.shape_cast %swap3A_190 : vector<1x16xf32> to vector<16xf32>
      %swap3A_192 = vector.shape_cast %add3A_188 : vector<16xf32> to vector<1x16xf32>
      tpu.vector_store %arg10[%swap3A, %swap3A_189], %swap3A_192 {strides = array<i32>} : memref<16x1024xf32, #tpu.memory_space<vmem>>, vector<1x16xf32>,
      %get3A_193 = arith.index_cast %scan3A_180 : i32 to index
      %get3A_194 = arith.constant 16 : index
      %get3A_195 = tpu.vector_load %arg10[%get3A_193, %get3A_194] {strides = array<i32>} : memref<16x1024xf32, #tpu.memory_space<vmem>>, vector<1x16xf32>,
      %get3A_196 = vector.shape_cast %get3A_195 : vector<1x16xf32> to vector<16xf32>
      %get3A_197 = arith.index_cast %scan3A_180 : i32 to index
      %get3A_198 = arith.constant 16 : index
      %get3A_199 = tpu.vector_load %arg11[%get3A_197, %get3A_198] {strides = array<i32>} : memref<16x1024xf32, #tpu.memory_space<vmem>>, vector<1x16xf32>,
      %get3A_200 = vector.shape_cast %get3A_199 : vector<1x16xf32> to vector<16xf32>
      %add3A_201 = arith.addf %get3A_196, %get3A_200 : vector<16xf32>
      %swap3A_202 = arith.index_cast %scan3A_180 : i32 to index
      %swap3A_203 = arith.constant 16 : index
      %swap3A_204 = tpu.vector_load %arg10[%swap3A_202, %swap3A_203] {strides = array<i32>} : memref<16x1024xf32, #tpu.memory_space<vmem>>, vector<1x16xf32>,
      %swap3A_205 = vector.shape_cast %swap3A_204 : vector<1x16xf32> to vector<16xf32>
      %swap3A_206 = vector.shape_cast %add3A_201 : vector<16xf32> to vector<1x16xf32>
      tpu.vector_store %arg10[%swap3A_202, %swap3A_203], %swap3A_206 {strides = array<i32>} : memref<16x1024xf32, #tpu.memory_space<vmem>>, vector<1x16xf32>,
      %get3A_207 = arith.index_cast %scan3A_180 : i32 to index
      %get3A_208 = arith.constant 32 : index
      %get3A_209 = tpu.vector_load %arg10[%get3A_207, %get3A_208] {strides = array<i32>} : memref<16x1024xf32, #tpu.memory_space<vmem>>, vector<1x16xf32>,
      %get3A_210 = vector.shape_cast %get3A_209 : vector<1x16xf32> to vector<16xf32>
      %get3A_211 = arith.index_cast %scan3A_180 : i32 to index
      %get3A_212 = arith.constant 32 : index
      %get3A_213 = tpu.vector_load %arg11[%get3A_211, %get3A_212] {strides = array<i32>} : memref<16x1024xf32, #tpu.memory_space<vmem>>, vector<1x16xf32>,
      %get3A_214 = vector.shape_cast %get3A_213 : vector<1x16xf32> to vector<16xf32>
      %add3A_215 = arith.addf %get3A_210, %get3A_214 : vector<16xf32>
      %swap3A_216 = arith.index_cast %scan3A_180 : i32 to index
      %swap3A_217 = arith.constant 32 : index
      %swap3A_218 = tpu.vector_load %arg10[%swap3A_216, %swap3A_217] {strides = array<i32>} : memref<16x1024xf32, #tpu.memory_space<vmem>>, vector<1x16xf32>,
      %swap3A_219 = vector.shape_cast %swap3A_218 : vector<1x16xf32> to vector<16xf32>
      %swap3A_220 = vector.shape_cast %add3A_215 : vector<16xf32> to vector<1x16xf32>
      tpu.vector_store %arg10[%swap3A_216, %swap3A_217], %swap3A_220 {strides = array<i32>} : memref<16x1024xf32, #tpu.memory_space<vmem>>, vector<1x16xf32>,
      %get3A_221 = arith.index_cast %scan3A_180 : i32 to index
      %get3A_222 = arith.constant 48 : index
      %get3A_223 = tpu.vector_load %arg10[%get3A_221, %get3A_222] {strides = array<i32>} : memref<16x1024xf32, #tpu.memory_space<vmem>>, vector<1x16xf32>,
      %get3A_224 = vector.shape_cast %get3A_223 : vector<1x16xf32> to vector<16xf32>
      %get3A_225 = arith.index_cast %scan3A_180 : i32 to index
      %get3A_226 = arith.constant 48 : index
      %get3A_227 = tpu.vector_load %arg11[%get3A_225, %get3A_226] {strides = array<i32>} : memref<16x1024xf32, #tpu.memory_space<vmem>>, vector<1x16xf32>,
      %get3A_228 = vector.shape_cast %get3A_227 : vector<1x16xf32> to vector<16xf32>
      %add3A_229 = arith.addf %get3A_224, %get3A_228 : vector<16xf32>
      %swap3A_230 = arith.index_cast %scan3A_180 : i32 to index
      %swap3A_231 = arith.constant 48 : index
      %swap3A_232 = tpu.vector_load %arg10[%swap3A_230, %swap3A_231] {strides = array<i32>} : memref<16x1024xf32, #tpu.memory_space<vmem>>, vector<1x16xf32>,
      %swap3A_233 = vector.shape_cast %swap3A_232 : vector<1x16xf32> to vector<16xf32>
      %swap3A_234 = vector.shape_cast %add3A_229 : vector<16xf32> to vector<1x16xf32>
      tpu.vector_store %arg10[%swap3A_230, %swap3A_231], %swap3A_234 {strides = array<i32>} : memref<16x1024xf32, #tpu.memory_space<vmem>>, vector<1x16xf32>,
      %get3A_235 = arith.index_cast %scan3A_180 : i32 to index
      %get3A_236 = arith.constant 64 : index
      %get3A_237 = tpu.vector_load %arg10[%get3A_235, %get3A_236] {strides = array<i32>} : memref<16x1024xf32, #tpu.memory_space<vmem>>, vector<1x16xf32>,
      %get3A_238 = vector.shape_cast %get3A_237 : vector<1x16xf32> to vector<16xf32>
      %get3A_239 = arith.index_cast %scan3A_180 : i32 to index
      %get3A_240 = arith.constant 64 : index
      %get3A_241 = tpu.vector_load %arg11[%get3A_239, %get3A_240] {strides = array<i32>} : memref<16x1024xf32, #tpu.memory_space<vmem>>, vector<1x16xf32>,
      %get3A_242 = vector.shape_cast %get3A_241 : vector<1x16xf32> to vector<16xf32>
      %add3A_243 = arith.addf %get3A_238, %get3A_242 : vector<16xf32>
      %swap3A_244 = arith.index_cast %scan3A_180 : i32 to index
      %swap3A_245 = arith.constant 64 : index
      %swap3A_246 = tpu.vector_load %arg10[%swap3A_244, %swap3A_245] {strides = array<i32>} : memref<16x1024xf32, #tpu.memory_space<vmem>>, vector<1x16xf32>,
      %swap3A_247 = vector.shape_cast %swap3A_246 : vector<1x16xf32> to vector<16xf32>
      %swap3A_248 = vector.shape_cast %add3A_243 : vector<16xf32> to vector<1x16xf32>
      tpu.vector_store %arg10[%swap3A_244, %swap3A_245], %swap3A_248 {strides = array<i32>} : memref<16x1024xf32, #tpu.memory_space<vmem>>, vector<1x16xf32>,
      %get3A_249 = arith.index_cast %scan3A_180 : i32 to index
      %get3A_250 = arith.constant 80 : index
      %get3A_251 = tpu.vector_load %arg10[%get3A_249, %get3A_250] {strides = array<i32>} : memref<16x1024xf32, #tpu.memory_space<vmem>>, vector<1x16xf32>,
      %get3A_252 = vector.shape_cast %get3A_251 : vector<1x16xf32> to vector<16xf32>
      %get3A_253 = arith.index_cast %scan3A_180 : i32 to index
      %get3A_254 = arith.constant 80 : index
      %get3A_255 = tpu.vector_load %arg11[%get3A_253, %get3A_254] {strides = array<i32>} : memref<16x1024xf32, #tpu.memory_space<vmem>>, vector<1x16xf32>,
      %get3A_256 = vector.shape_cast %get3A_255 : vector<1x16xf32> to vector<16xf32>
      %add3A_257 = arith.addf %get3A_252, %get3A_256 : vector<16xf32>
      %swap3A_258 = arith.index_cast %scan3A_180 : i32 to index
      %swap3A_259 = arith.constant 80 : index
      %swap3A_260 = tpu.vector_load %arg10[%swap3A_258, %swap3A_259] {strides = array<i32>} : memref<16x1024xf32, #tpu.memory_space<vmem>>, vector<1x16xf32>,
      %swap3A_261 = vector.shape_cast %swap3A_260 : vector<1x16xf32> to vector<16xf32>
      %swap3A_262 = vector.shape_cast %add3A_257 : vector<16xf32> to vector<1x16xf32>
      tpu.vector_store %arg10[%swap3A_258, %swap3A_259], %swap3A_262 {strides = array<i32>} : memref<16x1024xf32, #tpu.memory_space<vmem>>, vector<1x16xf32>,
      %get3A_263 = arith.index_cast %scan3A_180 : i32 to index
      %get3A_264 = arith.constant 96 : index
      %get3A_265 = tpu.vector_load %arg10[%get3A_263, %get3A_264] {strides = array<i32>} : memref<16x1024xf32, #tpu.memory_space<vmem>>, vector<1x16xf32>,
      %get3A_266 = vector.shape_cast %get3A_265 : vector<1x16xf32> to vector<16xf32>
      %get3A_267 = arith.index_cast %scan3A_180 : i32 to index
      %get3A_268 = arith.constant 96 : index
      %get3A_269 = tpu.vector_load %arg11[%get3A_267, %get3A_268] {strides = array<i32>} : memref<16x1024xf32, #tpu.memory_space<vmem>>, vector<1x16xf32>,
      %get3A_270 = vector.shape_cast %get3A_269 : vector<1x16xf32> to vector<16xf32>
      %add3A_271 = arith.addf %get3A_266, %get3A_270 : vector<16xf32>
      %swap3A_272 = arith.index_cast %scan3A_180 : i32 to index
      %swap3A_273 = arith.constant 96 : index
      %swap3A_274 = tpu.vector_load %arg10[%swap3A_272, %swap3A_273] {strides = array<i32>} : memref<16x1024xf32, #tpu.memory_space<vmem>>, vector<1x16xf32>,
      %swap3A_275 = vector.shape_cast %swap3A_274 : vector<1x16xf32> to vector<16xf32>
      %swap3A_276 = vector.shape_cast %add3A_271 : vector<16xf32> to vector<1x16xf32>
      tpu.vector_store %arg10[%swap3A_272, %swap3A_273], %swap3A_276 {strides = array<i32>} : memref<16x1024xf32, #tpu.memory_space<vmem>>, vector<1x16xf32>,
      %get3A_277 = arith.index_cast %scan3A_180 : i32 to index
      %get3A_278 = arith.constant 112 : index
      %get3A_279 = tpu.vector_load %arg10[%get3A_277, %get3A_278] {strides = array<i32>} : memref<16x1024xf32, #tpu.memory_space<vmem>>, vector<1x16xf32>,
      %get3A_280 = vector.shape_cast %get3A_279 : vector<1x16xf32> to vector<16xf32>
      %get3A_281 = arith.index_cast %scan3A_180 : i32 to index
      %get3A_282 = arith.constant 112 : index
      %get3A_283 = tpu.vector_load %arg11[%get3A_281, %get3A_282] {strides = array<i32>} : memref<16x1024xf32, #tpu.memory_space<vmem>>, vector<1x16xf32>,
      %get3A_284 = vector.shape_cast %get3A_283 : vector<1x16xf32> to vector<16xf32>
      %add3A_285 = arith.addf %get3A_280, %get3A_284 : vector<16xf32>
      %swap3A_286 = arith.index_cast %scan3A_180 : i32 to index
      %swap3A_287 = arith.constant 112 : index
      %swap3A_288 = tpu.vector_load %arg10[%swap3A_286, %swap3A_287] {strides = array<i32>} : memref<16x1024xf32, #tpu.memory_space<vmem>>, vector<1x16xf32>,
      %swap3A_289 = vector.shape_cast %swap3A_288 : vector<1x16xf32> to vector<16xf32>
      %swap3A_290 = vector.shape_cast %add3A_285 : vector<16xf32> to vector<1x16xf32>
      tpu.vector_store %arg10[%swap3A_286, %swap3A_287], %swap3A_290 {strides = array<i32>} : memref<16x1024xf32, #tpu.memory_space<vmem>>, vector<1x16xf32>,
      %get3A_291 = arith.index_cast %scan3A_180 : i32 to index
      %get3A_292 = arith.constant 128 : index
      %get3A_293 = tpu.vector_load %arg10[%get3A_291, %get3A_292] {strides = array<i32>} : memref<16x1024xf32, #tpu.memory_space<vmem>>, vector<1x16xf32>,
      %get3A_294 = vector.shape_cast %get3A_293 : vector<1x16xf32> to vector<16xf32>
      %get3A_295 = arith.index_cast %scan3A_180 : i32 to index
      %get3A_296 = arith.constant 128 : index
      %get3A_297 = tpu.vector_load %arg11[%get3A_295, %get3A_296] {strides = array<i32>} : memref<16x1024xf32, #tpu.memory_space<vmem>>, vector<1x16xf32>,
      %get3A_298 = vector.shape_cast %get3A_297 : vector<1x16xf32> to vector<16xf32>
      %add3A_299 = arith.addf %get3A_294, %get3A_298 : vector<16xf32>
      %swap3A_300 = arith.index_cast %scan3A_180 : i32 to index
      %swap3A_301 = arith.constant 128 : index
      %swap3A_302 = tpu.vector_load %arg10[%swap3A_300, %swap3A_301] {strides = array<i32>} : memref<16x1024xf32, #tpu.memory_space<vmem>>, vector<1x16xf32>,
      %swap3A_303 = vector.shape_cast %swap3A_302 : vector<1x16xf32> to vector<16xf32>
      %swap3A_304 = vector.shape_cast %add3A_299 : vector<16xf32> to vector<1x16xf32>
      tpu.vector_store %arg10[%swap3A_300, %swap3A_301], %swap3A_304 {strides = array<i32>} : memref<16x1024xf32, #tpu.memory_space<vmem>>, vector<1x16xf32>,
      %get3A_305 = arith.index_cast %scan3A_180 : i32 to index
      %get3A_306 = arith.constant 144 : index
      %get3A_307 = tpu.vector_load %arg10[%get3A_305, %get3A_306] {strides = array<i32>} : memref<16x1024xf32, #tpu.memory_space<vmem>>, vector<1x16xf32>,
      %get3A_308 = vector.shape_cast %get3A_307 : vector<1x16xf32> to vector<16xf32>
      %get3A_309 = arith.index_cast %scan3A_180 : i32 to index
      %get3A_310 = arith.constant 144 : index
      %get3A_311 = tpu.vector_load %arg11[%get3A_309, %get3A_310] {strides = array<i32>} : memref<16x1024xf32, #tpu.memory_space<vmem>>, vector<1x16xf32>,
      %get3A_312 = vector.shape_cast %get3A_311 : vector<1x16xf32> to vector<16xf32>
      %add3A_313 = arith.addf %get3A_308, %get3A_312 : vector<16xf32>
      %swap3A_314 = arith.index_cast %scan3A_180 : i32 to index
      %swap3A_315 = arith.constant 144 : index
      %swap3A_316 = tpu.vector_load %arg10[%swap3A_314, %swap3A_315] {strides = array<i32>} : memref<16x1024xf32, #tpu.memory_space<vmem>>, vector<1x16xf32>,
      %swap3A_317 = vector.shape_cast %swap3A_316 : vector<1x16xf32> to vector<16xf32>
      %swap3A_318 = vector.shape_cast %add3A_313 : vector<16xf32> to vector<1x16xf32>
      tpu.vector_store %arg10[%swap3A_314, %swap3A_315], %swap3A_318 {strides = array<i32>} : memref<16x1024xf32, #tpu.memory_space<vmem>>, vector<1x16xf32>,
      %get3A_319 = arith.index_cast %scan3A_180 : i32 to index
      %get3A_320 = arith.constant 160 : index
      %get3A_321 = tpu.vector_load %arg10[%get3A_319, %get3A_320] {strides = array<i32>} : memref<16x1024xf32, #tpu.memory_space<vmem>>, vector<1x16xf32>,
      %get3A_322 = vector.shape_cast %get3A_321 : vector<1x16xf32> to vector<16xf32>
      %get3A_323 = arith.index_cast %scan3A_180 : i32 to index
      %get3A_324 = arith.constant 160 : index
      %get3A_325 = tpu.vector_load %arg11[%get3A_323, %get3A_324] {strides = array<i32>} : memref<16x1024xf32, #tpu.memory_space<vmem>>, vector<1x16xf32>,
      %get3A_326 = vector.shape_cast %get3A_325 : vector<1x16xf32> to vector<16xf32>
      %add3A_327 = arith.addf %get3A_322, %get3A_326 : vector<16xf32>
      %swap3A_328 = arith.index_cast %scan3A_180 : i32 to index
      %swap3A_329 = arith.constant 160 : index
      %swap3A_330 = tpu.vector_load %arg10[%swap3A_328, %swap3A_329] {strides = array<i32>} : memref<16x1024xf32, #tpu.memory_space<vmem>>, vector<1x16xf32>,
      %swap3A_331 = vector.shape_cast %swap3A_330 : vector<1x16xf32> to vector<16xf32>
      %swap3A_332 = vector.shape_cast %add3A_327 : vector<16xf32> to vector<1x16xf32>
      tpu.vector_store %arg10[%swap3A_328, %swap3A_329], %swap3A_332 {strides = array<i32>} : memref<16x1024xf32, #tpu.memory_space<vmem>>, vector<1x16xf32>,
      %get3A_333 = arith.index_cast %scan3A_180 : i32 to index
      %get3A_334 = arith.constant 176 : index
      %get3A_335 = tpu.vector_load %arg10[%get3A_333, %get3A_334] {strides = array<i32>} : memref<16x1024xf32, #tpu.memory_space<vmem>>, vector<1x16xf32>,
      %get3A_336 = vector.shape_cast %get3A_335 : vector<1x16xf32> to vector<16xf32>
      %get3A_337 = arith.index_cast %scan3A_180 : i32 to index
      %get3A_338 = arith.constant 176 : index
      %get3A_339 = tpu.vector_load %arg11[%get3A_337, %get3A_338] {strides = array<i32>} : memref<16x1024xf32, #tpu.memory_space<vmem>>, vector<1x16xf32>,
      %get3A_340 = vector.shape_cast %get3A_339 : vector<1x16xf32> to vector<16xf32>
      %add3A_341 = arith.addf %get3A_336, %get3A_340 : vector<16xf32>
      %swap3A_342 = arith.index_cast %scan3A_180 : i32 to index
      %swap3A_343 = arith.constant 176 : index
      %swap3A_344 = tpu.vector_load %arg10[%swap3A_342, %swap3A_343] {strides = array<i32>} : memref<16x1024xf32, #tpu.memory_space<vmem>>, vector<1x16xf32>,
      %swap3A_345 = vector.shape_cast %swap3A_344 : vector<1x16xf32> to vector<16xf32>
      %swap3A_346 = vector.shape_cast %add3A_341 : vector<16xf32> to vector<1x16xf32>
      tpu.vector_store %arg10[%swap3A_342, %swap3A_343], %swap3A_346 {strides = array<i32>} : memref<16x1024xf32, #tpu.memory_space<vmem>>, vector<1x16xf32>,
      %get3A_347 = arith.index_cast %scan3A_180 : i32 to index
      %get3A_348 = arith.constant 192 : index
      %get3A_349 = tpu.vector_load %arg10[%get3A_347, %get3A_348] {strides = array<i32>} : memref<16x1024xf32, #tpu.memory_space<vmem>>, vector<1x16xf32>,
      %get3A_350 = vector.shape_cast %get3A_349 : vector<1x16xf32> to vector<16xf32>
      %get3A_351 = arith.index_cast %scan3A_180 : i32 to index
      %get3A_352 = arith.constant 192 : index
      %get3A_353 = tpu.vector_load %arg11[%get3A_351, %get3A_352] {strides = array<i32>} : memref<16x1024xf32, #tpu.memory_space<vmem>>, vector<1x16xf32>,
      %get3A_354 = vector.shape_cast %get3A_353 : vector<1x16xf32> to vector<16xf32>
      %add3A_355 = arith.addf %get3A_350, %get3A_354 : vector<16xf32>
      %swap3A_356 = arith.index_cast %scan3A_180 : i32 to index
      %swap3A_357 = arith.constant 192 : index
      %swap3A_358 = tpu.vector_load %arg10[%swap3A_356, %swap3A_357] {strides = array<i32>} : memref<16x1024xf32, #tpu.memory_space<vmem>>, vector<1x16xf32>,
      %swap3A_359 = vector.shape_cast %swap3A_358 : vector<1x16xf32> to vector<16xf32>
      %swap3A_360 = vector.shape_cast %add3A_355 : vector<16xf32> to vector<1x16xf32>
      tpu.vector_store %arg10[%swap3A_356, %swap3A_357], %swap3A_360 {strides = array<i32>} : memref<16x1024xf32, #tpu.memory_space<vmem>>, vector<1x16xf32>,
      %get3A_361 = arith.index_cast %scan3A_180 : i32 to index
      %get3A_362 = arith.constant 208 : index
      %get3A_363 = tpu.vector_load %arg10[%get3A_361, %get3A_362] {strides = array<i32>} : memref<16x1024xf32, #tpu.memory_space<vmem>>, vector<1x16xf32>,
      %get3A_364 = vector.shape_cast %get3A_363 : vector<1x16xf32> to vector<16xf32>
      %get3A_365 = arith.index_cast %scan3A_180 : i32 to index
      %get3A_366 = arith.constant 208 : index
      %get3A_367 = tpu.vector_load %arg11[%get3A_365, %get3A_366] {strides = array<i32>} : memref<16x1024xf32, #tpu.memory_space<vmem>>, vector<1x16xf32>,
      %get3A_368 = vector.shape_cast %get3A_367 : vector<1x16xf32> to vector<16xf32>
      %add3A_369 = arith.addf %get3A_364, %get3A_368 : vector<16xf32>
      %swap3A_370 = arith.index_cast %scan3A_180 : i32 to index
      %swap3A_371 = arith.constant 208 : index
      %swap3A_372 = tpu.vector_load %arg10[%swap3A_370, %swap3A_371] {strides = array<i32>} : memref<16x1024xf32, #tpu.memory_space<vmem>>, vector<1x16xf32>,
      %swap3A_373 = vector.shape_cast %swap3A_372 : vector<1x16xf32> to vector<16xf32>
      %swap3A_374 = vector.shape_cast %add3A_369 : vector<16xf32> to vector<1x16xf32>
      tpu.vector_store %arg10[%swap3A_370, %swap3A_371], %swap3A_374 {strides = array<i32>} : memref<16x1024xf32, #tpu.memory_space<vmem>>, vector<1x16xf32>,
      %get3A_375 = arith.index_cast %scan3A_180 : i32 to index
      %get3A_376 = arith.constant 224 : index
      %get3A_377 = tpu.vector_load %arg10[%get3A_375, %get3A_376] {strides = array<i32>} : memref<16x1024xf32, #tpu.memory_space<vmem>>, vector<1x16xf32>,
      %get3A_378 = vector.shape_cast %get3A_377 : vector<1x16xf32> to vector<16xf32>
      %get3A_379 = arith.index_cast %scan3A_180 : i32 to index
      %get3A_380 = arith.constant 224 : index
      %get3A_381 = tpu.vector_load %arg11[%get3A_379, %get3A_380] {strides = array<i32>} : memref<16x1024xf32, #tpu.memory_space<vmem>>, vector<1x16xf32>,
      %get3A_382 = vector.shape_cast %get3A_381 : vector<1x16xf32> to vector<16xf32>
      %add3A_383 = arith.addf %get3A_378, %get3A_382 : vector<16xf32>
      %swap3A_384 = arith.index_cast %scan3A_180 : i32 to index
      %swap3A_385 = arith.constant 224 : index
      %swap3A_386 = tpu.vector_load %arg10[%swap3A_384, %swap3A_385] {strides = array<i32>} : memref<16x1024xf32, #tpu.memory_space<vmem>>, vector<1x16xf32>,
      %swap3A_387 = vector.shape_cast %swap3A_386 : vector<1x16xf32> to vector<16xf32>
      %swap3A_388 = vector.shape_cast %add3A_383 : vector<16xf32> to vector<1x16xf32>
      tpu.vector_store %arg10[%swap3A_384, %swap3A_385], %swap3A_388 {strides = array<i32>} : memref<16x1024xf32, #tpu.memory_space<vmem>>, vector<1x16xf32>,
      %get3A_389 = arith.index_cast %scan3A_180 : i32 to index
      %get3A_390 = arith.constant 240 : index
      %get3A_391 = tpu.vector_load %arg10[%get3A_389, %get3A_390] {strides = array<i32>} : memref<16x1024xf32, #tpu.memory_space<vmem>>, vector<1x16xf32>,
      %get3A_392 = vector.shape_cast %get3A_391 : vector<1x16xf32> to vector<16xf32>
      %get3A_393 = arith.index_cast %scan3A_180 : i32 to index
      %get3A_394 = arith.constant 240 : index
      %get3A_395 = tpu.vector_load %arg11[%get3A_393, %get3A_394] {strides = array<i32>} : memref<16x1024xf32, #tpu.memory_space<vmem>>, vector<1x16xf32>,
      %get3A_396 = vector.shape_cast %get3A_395 : vector<1x16xf32> to vector<16xf32>
      %add3A_397 = arith.addf %get3A_392, %get3A_396 : vector<16xf32>
      %swap3A_398 = arith.index_cast %scan3A_180 : i32 to index
      %swap3A_399 = arith.constant 240 : index
      %swap3A_400 = tpu.vector_load %arg10[%swap3A_398, %swap3A_399] {strides = array<i32>} : memref<16x1024xf32, #tpu.memory_space<vmem>>, vector<1x16xf32>,
      %swap3A_401 = vector.shape_cast %swap3A_400 : vector<1x16xf32> to vector<16xf32>
      %swap3A_402 = vector.shape_cast %add3A_397 : vector<16xf32> to vector<1x16xf32>
      tpu.vector_store %arg10[%swap3A_398, %swap3A_399], %swap3A_402 {strides = array<i32>} : memref<16x1024xf32, #tpu.memory_space<vmem>>, vector<1x16xf32>,
      %get3A_403 = arith.index_cast %scan3A_180 : i32 to index
      %get3A_404 = arith.constant 256 : index
      %get3A_405 = tpu.vector_load %arg10[%get3A_403, %get3A_404] {strides = array<i32>} : memref<16x1024xf32, #tpu.memory_space<vmem>>, vector<1x16xf32>,
      %get3A_406 = vector.shape_cast %get3A_405 : vector<1x16xf32> to vector<16xf32>
      %get3A_407 = arith.index_cast %scan3A_180 : i32 to index
      %get3A_408 = arith.constant 256 : index
      %get3A_409 = tpu.vector_load %arg11[%get3A_407, %get3A_408] {strides = array<i32>} : memref<16x1024xf32, #tpu.memory_space<vmem>>, vector<1x16xf32>,
      %get3A_410 = vector.shape_cast %get3A_409 : vector<1x16xf32> to vector<16xf32>
      %add3A_411 = arith.addf %get3A_406, %get3A_410 : vector<16xf32>
      %swap3A_412 = arith.index_cast %scan3A_180 : i32 to index
      %swap3A_413 = arith.constant 256 : index
      %swap3A_414 = tpu.vector_load %arg10[%swap3A_412, %swap3A_413] {strides = array<i32>} : memref<16x1024xf32, #tpu.memory_space<vmem>>, vector<1x16xf32>,
      %swap3A_415 = vector.shape_cast %swap3A_414 : vector<1x16xf32> to vector<16xf32>
      %swap3A_416 = vector.shape_cast %add3A_411 : vector<16xf32> to vector<1x16xf32>
      tpu.vector_store %arg10[%swap3A_412, %swap3A_413], %swap3A_416 {strides = array<i32>} : memref<16x1024xf32, #tpu.memory_space<vmem>>, vector<1x16xf32>,
      %get3A_417 = arith.index_cast %scan3A_180 : i32 to index
      %get3A_418 = arith.constant 272 : index
      %get3A_419 = tpu.vector_load %arg10[%get3A_417, %get3A_418] {strides = array<i32>} : memref<16x1024xf32, #tpu.memory_space<vmem>>, vector<1x16xf32>,
      %get3A_420 = vector.shape_cast %get3A_419 : vector<1x16xf32> to vector<16xf32>
      %get3A_421 = arith.index_cast %scan3A_180 : i32 to index
      %get3A_422 = arith.constant 272 : index
      %get3A_423 = tpu.vector_load %arg11[%get3A_421, %get3A_422] {strides = array<i32>} : memref<16x1024xf32, #tpu.memory_space<vmem>>, vector<1x16xf32>,
      %get3A_424 = vector.shape_cast %get3A_423 : vector<1x16xf32> to vector<16xf32>
      %add3A_425 = arith.addf %get3A_420, %get3A_424 : vector<16xf32>
      %swap3A_426 = arith.index_cast %scan3A_180 : i32 to index
      %swap3A_427 = arith.constant 272 : index
      %swap3A_428 = tpu.vector_load %arg10[%swap3A_426, %swap3A_427] {strides = array<i32>} : memref<16x1024xf32, #tpu.memory_space<vmem>>, vector<1x16xf32>,
      %swap3A_429 = vector.shape_cast %swap3A_428 : vector<1x16xf32> to vector<16xf32>
      %swap3A_430 = vector.shape_cast %add3A_425 : vector<16xf32> to vector<1x16xf32>
      tpu.vector_store %arg10[%swap3A_426, %swap3A_427], %swap3A_430 {strides = array<i32>} : memref<16x1024xf32, #tpu.memory_space<vmem>>, vector<1x16xf32>,
      %get3A_431 = arith.index_cast %scan3A_180 : i32 to index
      %get3A_432 = arith.constant 288 : index
      %get3A_433 = tpu.vector_load %arg10[%get3A_431, %get3A_432] {strides = array<i32>} : memref<16x1024xf32, #tpu.memory_space<vmem>>, vector<1x16xf32>,
      %get3A_434 = vector.shape_cast %get3A_433 : vector<1x16xf32> to vector<16xf32>
      %get3A_435 = arith.index_cast %scan3A_180 : i32 to index
      %get3A_436 = arith.constant 288 : index
      %get3A_437 = tpu.vector_load %arg11[%get3A_435, %get3A_436] {strides = array<i32>} : memref<16x1024xf32, #tpu.memory_space<vmem>>, vector<1x16xf32>,
      %get3A_438 = vector.shape_cast %get3A_437 : vector<1x16xf32> to vector<16xf32>
      %add3A_439 = arith.addf %get3A_434, %get3A_438 : vector<16xf32>
      %swap3A_440 = arith.index_cast %scan3A_180 : i32 to index
      %swap3A_441 = arith.constant 288 : index
      %swap3A_442 = tpu.vector_load %arg10[%swap3A_440, %swap3A_441] {strides = array<i32>} : memref<16x1024xf32, #tpu.memory_space<vmem>>, vector<1x16xf32>,
      %swap3A_443 = vector.shape_cast %swap3A_442 : vector<1x16xf32> to vector<16xf32>
      %swap3A_444 = vector.shape_cast %add3A_439 : vector<16xf32> to vector<1x16xf32>
      tpu.vector_store %arg10[%swap3A_440, %swap3A_441], %swap3A_444 {strides = array<i32>} : memref<16x1024xf32, #tpu.memory_space<vmem>>, vector<1x16xf32>,
      %get3A_445 = arith.index_cast %scan3A_180 : i32 to index
      %get3A_446 = arith.constant 304 : index
      %get3A_447 = tpu.vector_load %arg10[%get3A_445, %get3A_446] {strides = array<i32>} : memref<16x1024xf32, #tpu.memory_space<vmem>>, vector<1x16xf32>,
      %get3A_448 = vector.shape_cast %get3A_447 : vector<1x16xf32> to vector<16xf32>
      %get3A_449 = arith.index_cast %scan3A_180 : i32 to index
      %get3A_450 = arith.constant 304 : index
      %get3A_451 = tpu.vector_load %arg11[%get3A_449, %get3A_450] {strides = array<i32>} : memref<16x1024xf32, #tpu.memory_space<vmem>>, vector<1x16xf32>,
      %get3A_452 = vector.shape_cast %get3A_451 : vector<1x16xf32> to vector<16xf32>
      %add3A_453 = arith.addf %get3A_448, %get3A_452 : vector<16xf32>
      %swap3A_454 = arith.index_cast %scan3A_180 : i32 to index
      %swap3A_455 = arith.constant 304 : index
      %swap3A_456 = tpu.vector_load %arg10[%swap3A_454, %swap3A_455] {strides = array<i32>} : memref<16x1024xf32, #tpu.memory_space<vmem>>, vector<1x16xf32>,
      %swap3A_457 = vector.shape_cast %swap3A_456 : vector<1x16xf32> to vector<16xf32>
      %swap3A_458 = vector.shape_cast %add3A_453 : vector<16xf32> to vector<1x16xf32>
      tpu.vector_store %arg10[%swap3A_454, %swap3A_455], %swap3A_458 {strides = array<i32>} : memref<16x1024xf32, #tpu.memory_space<vmem>>, vector<1x16xf32>,
      %get3A_459 = arith.index_cast %scan3A_180 : i32 to index
      %get3A_460 = arith.constant 320 : index
      %get3A_461 = tpu.vector_load %arg10[%get3A_459, %get3A_460] {strides = array<i32>} : memref<16x1024xf32, #tpu.memory_space<vmem>>, vector<1x16xf32>,
      %get3A_462 = vector.shape_cast %get3A_461 : vector<1x16xf32> to vector<16xf32>
      %get3A_463 = arith.index_cast %scan3A_180 : i32 to index
      %get3A_464 = arith.constant 320 : index
      %get3A_465 = tpu.vector_load %arg11[%get3A_463, %get3A_464] {strides = array<i32>} : memref<16x1024xf32, #tpu.memory_space<vmem>>, vector<1x16xf32>,
      %get3A_466 = vector.shape_cast %get3A_465 : vector<1x16xf32> to vector<16xf32>
      %add3A_467 = arith.addf %get3A_462, %get3A_466 : vector<16xf32>
      %swap3A_468 = arith.index_cast %scan3A_180 : i32 to index
      %swap3A_469 = arith.constant 320 : index
      %swap3A_470 = tpu.vector_load %arg10[%swap3A_468, %swap3A_469] {strides = array<i32>} : memref<16x1024xf32, #tpu.memory_space<vmem>>, vector<1x16xf32>,
      %swap3A_471 = vector.shape_cast %swap3A_470 : vector<1x16xf32> to vector<16xf32>
      %swap3A_472 = vector.shape_cast %add3A_467 : vector<16xf32> to vector<1x16xf32>
      tpu.vector_store %arg10[%swap3A_468, %swap3A_469], %swap3A_472 {strides = array<i32>} : memref<16x1024xf32, #tpu.memory_space<vmem>>, vector<1x16xf32>,
      %get3A_473 = arith.index_cast %scan3A_180 : i32 to index
      %get3A_474 = arith.constant 336 : index
      %get3A_475 = tpu.vector_load %arg10[%get3A_473, %get3A_474] {strides = array<i32>} : memref<16x1024xf32, #tpu.memory_space<vmem>>, vector<1x16xf32>,
      %get3A_476 = vector.shape_cast %get3A_475 : vector<1x16xf32> to vector<16xf32>
      %get3A_477 = arith.index_cast %scan3A_180 : i32 to index
      %get3A_478 = arith.constant 336 : index
      %get3A_479 = tpu.vector_load %arg11[%get3A_477, %get3A_478] {strides = array<i32>} : memref<16x1024xf32, #tpu.memory_space<vmem>>, vector<1x16xf32>,
      %get3A_480 = vector.shape_cast %get3A_479 : vector<1x16xf32> to vector<16xf32>
      %add3A_481 = arith.addf %get3A_476, %get3A_480 : vector<16xf32>
      %swap3A_482 = arith.index_cast %scan3A_180 : i32 to index
      %swap3A_483 = arith.constant 336 : index
      %swap3A_484 = tpu.vector_load %arg10[%swap3A_482, %swap3A_483] {strides = array<i32>} : memref<16x1024xf32, #tpu.memory_space<vmem>>, vector<1x16xf32>,
      %swap3A_485 = vector.shape_cast %swap3A_484 : vector<1x16xf32> to vector<16xf32>
      %swap3A_486 = vector.shape_cast %add3A_481 : vector<16xf32> to vector<1x16xf32>
      tpu.vector_store %arg10[%swap3A_482, %swap3A_483], %swap3A_486 {strides = array<i32>} : memref<16x1024xf32, #tpu.memory_space<vmem>>, vector<1x16xf32>,
      %get3A_487 = arith.index_cast %scan3A_180 : i32 to index
      %get3A_488 = arith.constant 352 : index
      %get3A_489 = tpu.vector_load %arg10[%get3A_487, %get3A_488] {strides = array<i32>} : memref<16x1024xf32, #tpu.memory_space<vmem>>, vector<1x16xf32>,
      %get3A_490 = vector.shape_cast %get3A_489 : vector<1x16xf32> to vector<16xf32>
      %get3A_491 = arith.index_cast %scan3A_180 : i32 to index
      %get3A_492 = arith.constant 352 : index
      %get3A_493 = tpu.vector_load %arg11[%get3A_491, %get3A_492] {strides = array<i32>} : memref<16x1024xf32, #tpu.memory_space<vmem>>, vector<1x16xf32>,
      %get3A_494 = vector.shape_cast %get3A_493 : vector<1x16xf32> to vector<16xf32>
      %add3A_495 = arith.addf %get3A_490, %get3A_494 : vector<16xf32>
      %swap3A_496 = arith.index_cast %scan3A_180 : i32 to index
      %swap3A_497 = arith.constant 352 : index
      %swap3A_498 = tpu.vector_load %arg10[%swap3A_496, %swap3A_497] {strides = array<i32>} : memref<16x1024xf32, #tpu.memory_space<vmem>>, vector<1x16xf32>,
      %swap3A_499 = vector.shape_cast %swap3A_498 : vector<1x16xf32> to vector<16xf32>
      %swap3A_500 = vector.shape_cast %add3A_495 : vector<16xf32> to vector<1x16xf32>
      tpu.vector_store %arg10[%swap3A_496, %swap3A_497], %swap3A_500 {strides = array<i32>} : memref<16x1024xf32, #tpu.memory_space<vmem>>, vector<1x16xf32>,
      %get3A_501 = arith.index_cast %scan3A_180 : i32 to index
      %get3A_502 = arith.constant 368 : index
      %get3A_503 = tpu.vector_load %arg10[%get3A_501, %get3A_502] {strides = array<i32>} : memref<16x1024xf32, #tpu.memory_space<vmem>>, vector<1x16xf32>,
      %get3A_504 = vector.shape_cast %get3A_503 : vector<1x16xf32> to vector<16xf32>
      %get3A_505 = arith.index_cast %scan3A_180 : i32 to index
      %get3A_506 = arith.constant 368 : index
      %get3A_507 = tpu.vector_load %arg11[%get3A_505, %get3A_506] {strides = array<i32>} : memref<16x1024xf32, #tpu.memory_space<vmem>>, vector<1x16xf32>,
      %get3A_508 = vector.shape_cast %get3A_507 : vector<1x16xf32> to vector<16xf32>
      %add3A_509 = arith.addf %get3A_504, %get3A_508 : vector<16xf32>
      %swap3A_510 = arith.index_cast %scan3A_180 : i32 to index
      %swap3A_511 = arith.constant 368 : index
      %swap3A_512 = tpu.vector_load %arg10[%swap3A_510, %swap3A_511] {strides = array<i32>} : memref<16x1024xf32, #tpu.memory_space<vmem>>, vector<1x16xf32>,
      %swap3A_513 = vector.shape_cast %swap3A_512 : vector<1x16xf32> to vector<16xf32>
      %swap3A_514 = vector.shape_cast %add3A_509 : vector<16xf32> to vector<1x16xf32>
      tpu.vector_store %arg10[%swap3A_510, %swap3A_511], %swap3A_514 {strides = array<i32>} : memref<16x1024xf32, #tpu.memory_space<vmem>>, vector<1x16xf32>,
      %get3A_515 = arith.index_cast %scan3A_180 : i32 to index
      %get3A_516 = arith.constant 384 : index
      %get3A_517 = tpu.vector_load %arg10[%get3A_515, %get3A_516] {strides = array<i32>} : memref<16x1024xf32, #tpu.memory_space<vmem>>, vector<1x16xf32>,
      %get3A_518 = vector.shape_cast %get3A_517 : vector<1x16xf32> to vector<16xf32>
      %get3A_519 = arith.index_cast %scan3A_180 : i32 to index
      %get3A_520 = arith.constant 384 : index
      %get3A_521 = tpu.vector_load %arg11[%get3A_519, %get3A_520] {strides = array<i32>} : memref<16x1024xf32, #tpu.memory_space<vmem>>, vector<1x16xf32>,
      %get3A_522 = vector.shape_cast %get3A_521 : vector<1x16xf32> to vector<16xf32>
      %add3A_523 = arith.addf %get3A_518, %get3A_522 : vector<16xf32>
      %swap3A_524 = arith.index_cast %scan3A_180 : i32 to index
      %swap3A_525 = arith.constant 384 : index
      %swap3A_526 = tpu.vector_load %arg10[%swap3A_524, %swap3A_525] {strides = array<i32>} : memref<16x1024xf32, #tpu.memory_space<vmem>>, vector<1x16xf32>,
      %swap3A_527 = vector.shape_cast %swap3A_526 : vector<1x16xf32> to vector<16xf32>
      %swap3A_528 = vector.shape_cast %add3A_523 : vector<16xf32> to vector<1x16xf32>
      tpu.vector_store %arg10[%swap3A_524, %swap3A_525], %swap3A_528 {strides = array<i32>} : memref<16x1024xf32, #tpu.memory_space<vmem>>, vector<1x16xf32>,
      %get3A_529 = arith.index_cast %scan3A_180 : i32 to index
      %get3A_530 = arith.constant 400 : index
      %get3A_531 = tpu.vector_load %arg10[%get3A_529, %get3A_530] {strides = array<i32>} : memref<16x1024xf32, #tpu.memory_space<vmem>>, vector<1x16xf32>,
      %get3A_532 = vector.shape_cast %get3A_531 : vector<1x16xf32> to vector<16xf32>
      %get3A_533 = arith.index_cast %scan3A_180 : i32 to index
      %get3A_534 = arith.constant 400 : index
      %get3A_535 = tpu.vector_load %arg11[%get3A_533, %get3A_534] {strides = array<i32>} : memref<16x1024xf32, #tpu.memory_space<vmem>>, vector<1x16xf32>,
      %get3A_536 = vector.shape_cast %get3A_535 : vector<1x16xf32> to vector<16xf32>
      %add3A_537 = arith.addf %get3A_532, %get3A_536 : vector<16xf32>
      %swap3A_538 = arith.index_cast %scan3A_180 : i32 to index
      %swap3A_539 = arith.constant 400 : index
      %swap3A_540 = tpu.vector_load %arg10[%swap3A_538, %swap3A_539] {strides = array<i32>} : memref<16x1024xf32, #tpu.memory_space<vmem>>, vector<1x16xf32>,
      %swap3A_541 = vector.shape_cast %swap3A_540 : vector<1x16xf32> to vector<16xf32>
      %swap3A_542 = vector.shape_cast %add3A_537 : vector<16xf32> to vector<1x16xf32>
      tpu.vector_store %arg10[%swap3A_538, %swap3A_539], %swap3A_542 {strides = array<i32>} : memref<16x1024xf32, #tpu.memory_space<vmem>>, vector<1x16xf32>,
      %get3A_543 = arith.index_cast %scan3A_180 : i32 to index
      %get3A_544 = arith.constant 416 : index
      %get3A_545 = tpu.vector_load %arg10[%get3A_543, %get3A_544] {strides = array<i32>} : memref<16x1024xf32, #tpu.memory_space<vmem>>, vector<1x16xf32>,
      %get3A_546 = vector.shape_cast %get3A_545 : vector<1x16xf32> to vector<16xf32>
      %get3A_547 = arith.index_cast %scan3A_180 : i32 to index
      %get3A_548 = arith.constant 416 : index
      %get3A_549 = tpu.vector_load %arg11[%get3A_547, %get3A_548] {strides = array<i32>} : memref<16x1024xf32, #tpu.memory_space<vmem>>, vector<1x16xf32>,
      %get3A_550 = vector.shape_cast %get3A_549 : vector<1x16xf32> to vector<16xf32>
      %add3A_551 = arith.addf %get3A_546, %get3A_550 : vector<16xf32>
      %swap3A_552 = arith.index_cast %scan3A_180 : i32 to index
      %swap3A_553 = arith.constant 416 : index
      %swap3A_554 = tpu.vector_load %arg10[%swap3A_552, %swap3A_553] {strides = array<i32>} : memref<16x1024xf32, #tpu.memory_space<vmem>>, vector<1x16xf32>,
      %swap3A_555 = vector.shape_cast %swap3A_554 : vector<1x16xf32> to vector<16xf32>
      %swap3A_556 = vector.shape_cast %add3A_551 : vector<16xf32> to vector<1x16xf32>
      tpu.vector_store %arg10[%swap3A_552, %swap3A_553], %swap3A_556 {strides = array<i32>} : memref<16x1024xf32, #tpu.memory_space<vmem>>, vector<1x16xf32>,
      %get3A_557 = arith.index_cast %scan3A_180 : i32 to index
      %get3A_558 = arith.constant 432 : index
      %get3A_559 = tpu.vector_load %arg10[%get3A_557, %get3A_558] {strides = array<i32>} : memref<16x1024xf32, #tpu.memory_space<vmem>>, vector<1x16xf32>,
      %get3A_560 = vector.shape_cast %get3A_559 : vector<1x16xf32> to vector<16xf32>
      %get3A_561 = arith.index_cast %scan3A_180 : i32 to index
      %get3A_562 = arith.constant 432 : index
      %get3A_563 = tpu.vector_load %arg11[%get3A_561, %get3A_562] {strides = array<i32>} : memref<16x1024xf32, #tpu.memory_space<vmem>>, vector<1x16xf32>,
      %get3A_564 = vector.shape_cast %get3A_563 : vector<1x16xf32> to vector<16xf32>
      %add3A_565 = arith.addf %get3A_560, %get3A_564 : vector<16xf32>
      %swap3A_566 = arith.index_cast %scan3A_180 : i32 to index
      %swap3A_567 = arith.constant 432 : index
      %swap3A_568 = tpu.vector_load %arg10[%swap3A_566, %swap3A_567] {strides = array<i32>} : memref<16x1024xf32, #tpu.memory_space<vmem>>, vector<1x16xf32>,
      %swap3A_569 = vector.shape_cast %swap3A_568 : vector<1x16xf32> to vector<16xf32>
      %swap3A_570 = vector.shape_cast %add3A_565 : vector<16xf32> to vector<1x16xf32>
      tpu.vector_store %arg10[%swap3A_566, %swap3A_567], %swap3A_570 {strides = array<i32>} : memref<16x1024xf32, #tpu.memory_space<vmem>>, vector<1x16xf32>,
      %get3A_571 = arith.index_cast %scan3A_180 : i32 to index
      %get3A_572 = arith.constant 448 : index
      %get3A_573 = tpu.vector_load %arg10[%get3A_571, %get3A_572] {strides = array<i32>} : memref<16x1024xf32, #tpu.memory_space<vmem>>, vector<1x16xf32>,
      %get3A_574 = vector.shape_cast %get3A_573 : vector<1x16xf32> to vector<16xf32>
      %get3A_575 = arith.index_cast %scan3A_180 : i32 to index
      %get3A_576 = arith.constant 448 : index
      %get3A_577 = tpu.vector_load %arg11[%get3A_575, %get3A_576] {strides = array<i32>} : memref<16x1024xf32, #tpu.memory_space<vmem>>, vector<1x16xf32>,
      %get3A_578 = vector.shape_cast %get3A_577 : vector<1x16xf32> to vector<16xf32>
      %add3A_579 = arith.addf %get3A_574, %get3A_578 : vector<16xf32>
      %swap3A_580 = arith.index_cast %scan3A_180 : i32 to index
      %swap3A_581 = arith.constant 448 : index
      %swap3A_582 = tpu.vector_load %arg10[%swap3A_580, %swap3A_581] {strides = array<i32>} : memref<16x1024xf32, #tpu.memory_space<vmem>>, vector<1x16xf32>,
      %swap3A_583 = vector.shape_cast %swap3A_582 : vector<1x16xf32> to vector<16xf32>
      %swap3A_584 = vector.shape_cast %add3A_579 : vector<16xf32> to vector<1x16xf32>
      tpu.vector_store %arg10[%swap3A_580, %swap3A_581], %swap3A_584 {strides = array<i32>} : memref<16x1024xf32, #tpu.memory_space<vmem>>, vector<1x16xf32>,
      %get3A_585 = arith.index_cast %scan3A_180 : i32 to index
      %get3A_586 = arith.constant 464 : index
      %get3A_587 = tpu.vector_load %arg10[%get3A_585, %get3A_586] {strides = array<i32>} : memref<16x1024xf32, #tpu.memory_space<vmem>>, vector<1x16xf32>,
      %get3A_588 = vector.shape_cast %get3A_587 : vector<1x16xf32> to vector<16xf32>
      %get3A_589 = arith.index_cast %scan3A_180 : i32 to index
      %get3A_590 = arith.constant 464 : index
      %get3A_591 = tpu.vector_load %arg11[%get3A_589, %get3A_590] {strides = array<i32>} : memref<16x1024xf32, #tpu.memory_space<vmem>>, vector<1x16xf32>,
      %get3A_592 = vector.shape_cast %get3A_591 : vector<1x16xf32> to vector<16xf32>
      %add3A_593 = arith.addf %get3A_588, %get3A_592 : vector<16xf32>
      %swap3A_594 = arith.index_cast %scan3A_180 : i32 to index
      %swap3A_595 = arith.constant 464 : index
      %swap3A_596 = tpu.vector_load %arg10[%swap3A_594, %swap3A_595] {strides = array<i32>} : memref<16x1024xf32, #tpu.memory_space<vmem>>, vector<1x16xf32>,
      %swap3A_597 = vector.shape_cast %swap3A_596 : vector<1x16xf32> to vector<16xf32>
      %swap3A_598 = vector.shape_cast %add3A_593 : vector<16xf32> to vector<1x16xf32>
      tpu.vector_store %arg10[%swap3A_594, %swap3A_595], %swap3A_598 {strides = array<i32>} : memref<16x1024xf32, #tpu.memory_space<vmem>>, vector<1x16xf32>,
      %get3A_599 = arith.index_cast %scan3A_180 : i32 to index
      %get3A_600 = arith.constant 480 : index
      %get3A_601 = tpu.vector_load %arg10[%get3A_599, %get3A_600] {strides = array<i32>} : memref<16x1024xf32, #tpu.memory_space<vmem>>, vector<1x16xf32>,
      %get3A_602 = vector.shape_cast %get3A_601 : vector<1x16xf32> to vector<16xf32>
      %get3A_603 = arith.index_cast %scan3A_180 : i32 to index
      %get3A_604 = arith.constant 480 : index
      %get3A_605 = tpu.vector_load %arg11[%get3A_603, %get3A_604] {strides = array<i32>} : memref<16x1024xf32, #tpu.memory_space<vmem>>, vector<1x16xf32>,
      %get3A_606 = vector.shape_cast %get3A_605 : vector<1x16xf32> to vector<16xf32>
      %add3A_607 = arith.addf %get3A_602, %get3A_606 : vector<16xf32>
      %swap3A_608 = arith.index_cast %scan3A_180 : i32 to index
      %swap3A_609 = arith.constant 480 : index
      %swap3A_610 = tpu.vector_load %arg10[%swap3A_608, %swap3A_609] {strides = array<i32>} : memref<16x1024xf32, #tpu.memory_space<vmem>>, vector<1x16xf32>,
      %swap3A_611 = vector.shape_cast %swap3A_610 : vector<1x16xf32> to vector<16xf32>
      %swap3A_612 = vector.shape_cast %add3A_607 : vector<16xf32> to vector<1x16xf32>
      tpu.vector_store %arg10[%swap3A_608, %swap3A_609], %swap3A_612 {strides = array<i32>} : memref<16x1024xf32, #tpu.memory_space<vmem>>, vector<1x16xf32>,
      %get3A_613 = arith.index_cast %scan3A_180 : i32 to index
      %get3A_614 = arith.constant 496 : index
      %get3A_615 = tpu.vector_load %arg10[%get3A_613, %get3A_614] {strides = array<i32>} : memref<16x1024xf32, #tpu.memory_space<vmem>>, vector<1x16xf32>,
      %get3A_616 = vector.shape_cast %get3A_615 : vector<1x16xf32> to vector<16xf32>
      %get3A_617 = arith.index_cast %scan3A_180 : i32 to index
      %get3A_618 = arith.constant 496 : index
      %get3A_619 = tpu.vector_load %arg11[%get3A_617, %get3A_618] {strides = array<i32>} : memref<16x1024xf32, #tpu.memory_space<vmem>>, vector<1x16xf32>,
      %get3A_620 = vector.shape_cast %get3A_619 : vector<1x16xf32> to vector<16xf32>
      %add3A_621 = arith.addf %get3A_616, %get3A_620 : vector<16xf32>
      %swap3A_622 = arith.index_cast %scan3A_180 : i32 to index
      %swap3A_623 = arith.constant 496 : index
      %swap3A_624 = tpu.vector_load %arg10[%swap3A_622, %swap3A_623] {strides = array<i32>} : memref<16x1024xf32, #tpu.memory_space<vmem>>, vector<1x16xf32>,
      %swap3A_625 = vector.shape_cast %swap3A_624 : vector<1x16xf32> to vector<16xf32>
      %swap3A_626 = vector.shape_cast %add3A_621 : vector<16xf32> to vector<1x16xf32>
      tpu.vector_store %arg10[%swap3A_622, %swap3A_623], %swap3A_626 {strides = array<i32>} : memref<16x1024xf32, #tpu.memory_space<vmem>>, vector<1x16xf32>,
      %get3A_627 = arith.index_cast %scan3A_180 : i32 to index
      %get3A_628 = arith.constant 512 : index
      %get3A_629 = tpu.vector_load %arg10[%get3A_627, %get3A_628] {strides = array<i32>} : memref<16x1024xf32, #tpu.memory_space<vmem>>, vector<1x16xf32>,
      %get3A_630 = vector.shape_cast %get3A_629 : vector<1x16xf32> to vector<16xf32>
      %get3A_631 = arith.index_cast %scan3A_180 : i32 to index
      %get3A_632 = arith.constant 512 : index
      %get3A_633 = tpu.vector_load %arg11[%get3A_631, %get3A_632] {strides = array<i32>} : memref<16x1024xf32, #tpu.memory_space<vmem>>, vector<1x16xf32>,
      %get3A_634 = vector.shape_cast %get3A_633 : vector<1x16xf32> to vector<16xf32>
      %add3A_635 = arith.addf %get3A_630, %get3A_634 : vector<16xf32>
      %swap3A_636 = arith.index_cast %scan3A_180 : i32 to index
      %swap3A_637 = arith.constant 512 : index
      %swap3A_638 = tpu.vector_load %arg10[%swap3A_636, %swap3A_637] {strides = array<i32>} : memref<16x1024xf32, #tpu.memory_space<vmem>>, vector<1x16xf32>,
      %swap3A_639 = vector.shape_cast %swap3A_638 : vector<1x16xf32> to vector<16xf32>
      %swap3A_640 = vector.shape_cast %add3A_635 : vector<16xf32> to vector<1x16xf32>
      tpu.vector_store %arg10[%swap3A_636, %swap3A_637], %swap3A_640 {strides = array<i32>} : memref<16x1024xf32, #tpu.memory_space<vmem>>, vector<1x16xf32>,
      %get3A_641 = arith.index_cast %scan3A_180 : i32 to index
      %get3A_642 = arith.constant 528 : index
      %get3A_643 = tpu.vector_load %arg10[%get3A_641, %get3A_642] {strides = array<i32>} : memref<16x1024xf32, #tpu.memory_space<vmem>>, vector<1x16xf32>,
      %get3A_644 = vector.shape_cast %get3A_643 : vector<1x16xf32> to vector<16xf32>
      %get3A_645 = arith.index_cast %scan3A_180 : i32 to index
      %get3A_646 = arith.constant 528 : index
      %get3A_647 = tpu.vector_load %arg11[%get3A_645, %get3A_646] {strides = array<i32>} : memref<16x1024xf32, #tpu.memory_space<vmem>>, vector<1x16xf32>,
      %get3A_648 = vector.shape_cast %get3A_647 : vector<1x16xf32> to vector<16xf32>
      %add3A_649 = arith.addf %get3A_644, %get3A_648 : vector<16xf32>
      %swap3A_650 = arith.index_cast %scan3A_180 : i32 to index
      %swap3A_651 = arith.constant 528 : index
      %swap3A_652 = tpu.vector_load %arg10[%swap3A_650, %swap3A_651] {strides = array<i32>} : memref<16x1024xf32, #tpu.memory_space<vmem>>, vector<1x16xf32>,
      %swap3A_653 = vector.shape_cast %swap3A_652 : vector<1x16xf32> to vector<16xf32>
      %swap3A_654 = vector.shape_cast %add3A_649 : vector<16xf32> to vector<1x16xf32>
      tpu.vector_store %arg10[%swap3A_650, %swap3A_651], %swap3A_654 {strides = array<i32>} : memref<16x1024xf32, #tpu.memory_space<vmem>>, vector<1x16xf32>,
      %get3A_655 = arith.index_cast %scan3A_180 : i32 to index
      %get3A_656 = arith.constant 544 : index
      %get3A_657 = tpu.vector_load %arg10[%get3A_655, %get3A_656] {strides = array<i32>} : memref<16x1024xf32, #tpu.memory_space<vmem>>, vector<1x16xf32>,
      %get3A_658 = vector.shape_cast %get3A_657 : vector<1x16xf32> to vector<16xf32>
      %get3A_659 = arith.index_cast %scan3A_180 : i32 to index
      %get3A_660 = arith.constant 544 : index
      %get3A_661 = tpu.vector_load %arg11[%get3A_659, %get3A_660] {strides = array<i32>} : memref<16x1024xf32, #tpu.memory_space<vmem>>, vector<1x16xf32>,
      %get3A_662 = vector.shape_cast %get3A_661 : vector<1x16xf32> to vector<16xf32>
      %add3A_663 = arith.addf %get3A_658, %get3A_662 : vector<16xf32>
      %swap3A_664 = arith.index_cast %scan3A_180 : i32 to index
      %swap3A_665 = arith.constant 544 : index
      %swap3A_666 = tpu.vector_load %arg10[%swap3A_664, %swap3A_665] {strides = array<i32>} : memref<16x1024xf32, #tpu.memory_space<vmem>>, vector<1x16xf32>,
      %swap3A_667 = vector.shape_cast %swap3A_666 : vector<1x16xf32> to vector<16xf32>
      %swap3A_668 = vector.shape_cast %add3A_663 : vector<16xf32> to vector<1x16xf32>
      tpu.vector_store %arg10[%swap3A_664, %swap3A_665], %swap3A_668 {strides = array<i32>} : memref<16x1024xf32, #tpu.memory_space<vmem>>, vector<1x16xf32>,
      %get3A_669 = arith.index_cast %scan3A_180 : i32 to index
      %get3A_670 = arith.constant 560 : index
      %get3A_671 = tpu.vector_load %arg10[%get3A_669, %get3A_670] {strides = array<i32>} : memref<16x1024xf32, #tpu.memory_space<vmem>>, vector<1x16xf32>,
      %get3A_672 = vector.shape_cast %get3A_671 : vector<1x16xf32> to vector<16xf32>
      %get3A_673 = arith.index_cast %scan3A_180 : i32 to index
      %get3A_674 = arith.constant 560 : index
      %get3A_675 = tpu.vector_load %arg11[%get3A_673, %get3A_674] {strides = array<i32>} : memref<16x1024xf32, #tpu.memory_space<vmem>>, vector<1x16xf32>,
      %get3A_676 = vector.shape_cast %get3A_675 : vector<1x16xf32> to vector<16xf32>
      %add3A_677 = arith.addf %get3A_672, %get3A_676 : vector<16xf32>
      %swap3A_678 = arith.index_cast %scan3A_180 : i32 to index
      %swap3A_679 = arith.constant 560 : index
      %swap3A_680 = tpu.vector_load %arg10[%swap3A_678, %swap3A_679] {strides = array<i32>} : memref<16x1024xf32, #tpu.memory_space<vmem>>, vector<1x16xf32>,
      %swap3A_681 = vector.shape_cast %swap3A_680 : vector<1x16xf32> to vector<16xf32>
      %swap3A_682 = vector.shape_cast %add3A_677 : vector<16xf32> to vector<1x16xf32>
      tpu.vector_store %arg10[%swap3A_678, %swap3A_679], %swap3A_682 {strides = array<i32>} : memref<16x1024xf32, #tpu.memory_space<vmem>>, vector<1x16xf32>,
      %get3A_683 = arith.index_cast %scan3A_180 : i32 to index
      %get3A_684 = arith.constant 576 : index
      %get3A_685 = tpu.vector_load %arg10[%get3A_683, %get3A_684] {strides = array<i32>} : memref<16x1024xf32, #tpu.memory_space<vmem>>, vector<1x16xf32>,
      %get3A_686 = vector.shape_cast %get3A_685 : vector<1x16xf32> to vector<16xf32>
      %get3A_687 = arith.index_cast %scan3A_180 : i32 to index
      %get3A_688 = arith.constant 576 : index
      %get3A_689 = tpu.vector_load %arg11[%get3A_687, %get3A_688] {strides = array<i32>} : memref<16x1024xf32, #tpu.memory_space<vmem>>, vector<1x16xf32>,
      %get3A_690 = vector.shape_cast %get3A_689 : vector<1x16xf32> to vector<16xf32>
      %add3A_691 = arith.addf %get3A_686, %get3A_690 : vector<16xf32>
      %swap3A_692 = arith.index_cast %scan3A_180 : i32 to index
      %swap3A_693 = arith.constant 576 : index
      %swap3A_694 = tpu.vector_load %arg10[%swap3A_692, %swap3A_693] {strides = array<i32>} : memref<16x1024xf32, #tpu.memory_space<vmem>>, vector<1x16xf32>,
      %swap3A_695 = vector.shape_cast %swap3A_694 : vector<1x16xf32> to vector<16xf32>
      %swap3A_696 = vector.shape_cast %add3A_691 : vector<16xf32> to vector<1x16xf32>
      tpu.vector_store %arg10[%swap3A_692, %swap3A_693], %swap3A_696 {strides = array<i32>} : memref<16x1024xf32, #tpu.memory_space<vmem>>, vector<1x16xf32>,
      %get3A_697 = arith.index_cast %scan3A_180 : i32 to index
      %get3A_698 = arith.constant 592 : index
      %get3A_699 = tpu.vector_load %arg10[%get3A_697, %get3A_698] {strides = array<i32>} : memref<16x1024xf32, #tpu.memory_space<vmem>>, vector<1x16xf32>,
      %get3A_700 = vector.shape_cast %get3A_699 : vector<1x16xf32> to vector<16xf32>
      %get3A_701 = arith.index_cast %scan3A_180 : i32 to index
      %get3A_702 = arith.constant 592 : index
      %get3A_703 = tpu.vector_load %arg11[%get3A_701, %get3A_702] {strides = array<i32>} : memref<16x1024xf32, #tpu.memory_space<vmem>>, vector<1x16xf32>,
      %get3A_704 = vector.shape_cast %get3A_703 : vector<1x16xf32> to vector<16xf32>
      %add3A_705 = arith.addf %get3A_700, %get3A_704 : vector<16xf32>
      %swap3A_706 = arith.index_cast %scan3A_180 : i32 to index
      %swap3A_707 = arith.constant 592 : index
      %swap3A_708 = tpu.vector_load %arg10[%swap3A_706, %swap3A_707] {strides = array<i32>} : memref<16x1024xf32, #tpu.memory_space<vmem>>, vector<1x16xf32>,
      %swap3A_709 = vector.shape_cast %swap3A_708 : vector<1x16xf32> to vector<16xf32>
      %swap3A_710 = vector.shape_cast %add3A_705 : vector<16xf32> to vector<1x16xf32>
      tpu.vector_store %arg10[%swap3A_706, %swap3A_707], %swap3A_710 {strides = array<i32>} : memref<16x1024xf32, #tpu.memory_space<vmem>>, vector<1x16xf32>,
      %get3A_711 = arith.index_cast %scan3A_180 : i32 to index
      %get3A_712 = arith.constant 608 : index
      %get3A_713 = tpu.vector_load %arg10[%get3A_711, %get3A_712] {strides = array<i32>} : memref<16x1024xf32, #tpu.memory_space<vmem>>, vector<1x16xf32>,
      %get3A_714 = vector.shape_cast %get3A_713 : vector<1x16xf32> to vector<16xf32>
      %get3A_715 = arith.index_cast %scan3A_180 : i32 to index
      %get3A_716 = arith.constant 608 : index
      %get3A_717 = tpu.vector_load %arg11[%get3A_715, %get3A_716] {strides = array<i32>} : memref<16x1024xf32, #tpu.memory_space<vmem>>, vector<1x16xf32>,
      %get3A_718 = vector.shape_cast %get3A_717 : vector<1x16xf32> to vector<16xf32>
      %add3A_719 = arith.addf %get3A_714, %get3A_718 : vector<16xf32>
      %swap3A_720 = arith.index_cast %scan3A_180 : i32 to index
      %swap3A_721 = arith.constant 608 : index
      %swap3A_722 = tpu.vector_load %arg10[%swap3A_720, %swap3A_721] {strides = array<i32>} : memref<16x1024xf32, #tpu.memory_space<vmem>>, vector<1x16xf32>,
      %swap3A_723 = vector.shape_cast %swap3A_722 : vector<1x16xf32> to vector<16xf32>
      %swap3A_724 = vector.shape_cast %add3A_719 : vector<16xf32> to vector<1x16xf32>
      tpu.vector_store %arg10[%swap3A_720, %swap3A_721], %swap3A_724 {strides = array<i32>} : memref<16x1024xf32, #tpu.memory_space<vmem>>, vector<1x16xf32>,
      %get3A_725 = arith.index_cast %scan3A_180 : i32 to index
      %get3A_726 = arith.constant 624 : index
      %get3A_727 = tpu.vector_load %arg10[%get3A_725, %get3A_726] {strides = array<i32>} : memref<16x1024xf32, #tpu.memory_space<vmem>>, vector<1x16xf32>,
      %get3A_728 = vector.shape_cast %get3A_727 : vector<1x16xf32> to vector<16xf32>
      %get3A_729 = arith.index_cast %scan3A_180 : i32 to index
      %get3A_730 = arith.constant 624 : index
      %get3A_731 = tpu.vector_load %arg11[%get3A_729, %get3A_730] {strides = array<i32>} : memref<16x1024xf32, #tpu.memory_space<vmem>>, vector<1x16xf32>,
      %get3A_732 = vector.shape_cast %get3A_731 : vector<1x16xf32> to vector<16xf32>
      %add3A_733 = arith.addf %get3A_728, %get3A_732 : vector<16xf32>
      %swap3A_734 = arith.index_cast %scan3A_180 : i32 to index
      %swap3A_735 = arith.constant 624 : index
      %swap3A_736 = tpu.vector_load %arg10[%swap3A_734, %swap3A_735] {strides = array<i32>} : memref<16x1024xf32, #tpu.memory_space<vmem>>, vector<1x16xf32>,
      %swap3A_737 = vector.shape_cast %swap3A_736 : vector<1x16xf32> to vector<16xf32>
      %swap3A_738 = vector.shape_cast %add3A_733 : vector<16xf32> to vector<1x16xf32>
      tpu.vector_store %arg10[%swap3A_734, %swap3A_735], %swap3A_738 {strides = array<i32>} : memref<16x1024xf32, #tpu.memory_space<vmem>>, vector<1x16xf32>,
      %get3A_739 = arith.index_cast %scan3A_180 : i32 to index
      %get3A_740 = arith.constant 640 : index
      %get3A_741 = tpu.vector_load %arg10[%get3A_739, %get3A_740] {strides = array<i32>} : memref<16x1024xf32, #tpu.memory_space<vmem>>, vector<1x16xf32>,
      %get3A_742 = vector.shape_cast %get3A_741 : vector<1x16xf32> to vector<16xf32>
      %get3A_743 = arith.index_cast %scan3A_180 : i32 to index
      %get3A_744 = arith.constant 640 : index
      %get3A_745 = tpu.vector_load %arg11[%get3A_743, %get3A_744] {strides = array<i32>} : memref<16x1024xf32, #tpu.memory_space<vmem>>, vector<1x16xf32>,
      %get3A_746 = vector.shape_cast %get3A_745 : vector<1x16xf32> to vector<16xf32>
      %add3A_747 = arith.addf %get3A_742, %get3A_746 : vector<16xf32>
      %swap3A_748 = arith.index_cast %scan3A_180 : i32 to index
      %swap3A_749 = arith.constant 640 : index
      %swap3A_750 = tpu.vector_load %arg10[%swap3A_748, %swap3A_749] {strides = array<i32>} : memref<16x1024xf32, #tpu.memory_space<vmem>>, vector<1x16xf32>,
      %swap3A_751 = vector.shape_cast %swap3A_750 : vector<1x16xf32> to vector<16xf32>
      %swap3A_752 = vector.shape_cast %add3A_747 : vector<16xf32> to vector<1x16xf32>
      tpu.vector_store %arg10[%swap3A_748, %swap3A_749], %swap3A_752 {strides = array<i32>} : memref<16x1024xf32, #tpu.memory_space<vmem>>, vector<1x16xf32>,
      %get3A_753 = arith.index_cast %scan3A_180 : i32 to index
      %get3A_754 = arith.constant 656 : index
      %get3A_755 = tpu.vector_load %arg10[%get3A_753, %get3A_754] {strides = array<i32>} : memref<16x1024xf32, #tpu.memory_space<vmem>>, vector<1x16xf32>,
      %get3A_756 = vector.shape_cast %get3A_755 : vector<1x16xf32> to vector<16xf32>
      %get3A_757 = arith.index_cast %scan3A_180 : i32 to index
      %get3A_758 = arith.constant 656 : index
      %get3A_759 = tpu.vector_load %arg11[%get3A_757, %get3A_758] {strides = array<i32>} : memref<16x1024xf32, #tpu.memory_space<vmem>>, vector<1x16xf32>,
      %get3A_760 = vector.shape_cast %get3A_759 : vector<1x16xf32> to vector<16xf32>
      %add3A_761 = arith.addf %get3A_756, %get3A_760 : vector<16xf32>
      %swap3A_762 = arith.index_cast %scan3A_180 : i32 to index
      %swap3A_763 = arith.constant 656 : index
      %swap3A_764 = tpu.vector_load %arg10[%swap3A_762, %swap3A_763] {strides = array<i32>} : memref<16x1024xf32, #tpu.memory_space<vmem>>, vector<1x16xf32>,
      %swap3A_765 = vector.shape_cast %swap3A_764 : vector<1x16xf32> to vector<16xf32>
      %swap3A_766 = vector.shape_cast %add3A_761 : vector<16xf32> to vector<1x16xf32>
      tpu.vector_store %arg10[%swap3A_762, %swap3A_763], %swap3A_766 {strides = array<i32>} : memref<16x1024xf32, #tpu.memory_space<vmem>>, vector<1x16xf32>,
      %get3A_767 = arith.index_cast %scan3A_180 : i32 to index
      %get3A_768 = arith.constant 672 : index
      %get3A_769 = tpu.vector_load %arg10[%get3A_767, %get3A_768] {strides = array<i32>} : memref<16x1024xf32, #tpu.memory_space<vmem>>, vector<1x16xf32>,
      %get3A_770 = vector.shape_cast %get3A_769 : vector<1x16xf32> to vector<16xf32>
      %get3A_771 = arith.index_cast %scan3A_180 : i32 to index
      %get3A_772 = arith.constant 672 : index
      %get3A_773 = tpu.vector_load %arg11[%get3A_771, %get3A_772] {strides = array<i32>} : memref<16x1024xf32, #tpu.memory_space<vmem>>, vector<1x16xf32>,
      %get3A_774 = vector.shape_cast %get3A_773 : vector<1x16xf32> to vector<16xf32>
      %add3A_775 = arith.addf %get3A_770, %get3A_774 : vector<16xf32>
      %swap3A_776 = arith.index_cast %scan3A_180 : i32 to index
      %swap3A_777 = arith.constant 672 : index
      %swap3A_778 = tpu.vector_load %arg10[%swap3A_776, %swap3A_777] {strides = array<i32>} : memref<16x1024xf32, #tpu.memory_space<vmem>>, vector<1x16xf32>,
      %swap3A_779 = vector.shape_cast %swap3A_778 : vector<1x16xf32> to vector<16xf32>
      %swap3A_780 = vector.shape_cast %add3A_775 : vector<16xf32> to vector<1x16xf32>
      tpu.vector_store %arg10[%swap3A_776, %swap3A_777], %swap3A_780 {strides = array<i32>} : memref<16x1024xf32, #tpu.memory_space<vmem>>, vector<1x16xf32>,
      %get3A_781 = arith.index_cast %scan3A_180 : i32 to index
      %get3A_782 = arith.constant 688 : index
      %get3A_783 = tpu.vector_load %arg10[%get3A_781, %get3A_782] {strides = array<i32>} : memref<16x1024xf32, #tpu.memory_space<vmem>>, vector<1x16xf32>,
      %get3A_784 = vector.shape_cast %get3A_783 : vector<1x16xf32> to vector<16xf32>
      %get3A_785 = arith.index_cast %scan3A_180 : i32 to index
      %get3A_786 = arith.constant 688 : index
      %get3A_787 = tpu.vector_load %arg11[%get3A_785, %get3A_786] {strides = array<i32>} : memref<16x1024xf32, #tpu.memory_space<vmem>>, vector<1x16xf32>,
      %get3A_788 = vector.shape_cast %get3A_787 : vector<1x16xf32> to vector<16xf32>
      %add3A_789 = arith.addf %get3A_784, %get3A_788 : vector<16xf32>
      %swap3A_790 = arith.index_cast %scan3A_180 : i32 to index
      %swap3A_791 = arith.constant 688 : index
      %swap3A_792 = tpu.vector_load %arg10[%swap3A_790, %swap3A_791] {strides = array<i32>} : memref<16x1024xf32, #tpu.memory_space<vmem>>, vector<1x16xf32>,
      %swap3A_793 = vector.shape_cast %swap3A_792 : vector<1x16xf32> to vector<16xf32>
      %swap3A_794 = vector.shape_cast %add3A_789 : vector<16xf32> to vector<1x16xf32>
      tpu.vector_store %arg10[%swap3A_790, %swap3A_791], %swap3A_794 {strides = array<i32>} : memref<16x1024xf32, #tpu.memory_space<vmem>>, vector<1x16xf32>,
      %get3A_795 = arith.index_cast %scan3A_180 : i32 to index
      %get3A_796 = arith.constant 704 : index
      %get3A_797 = tpu.vector_load %arg10[%get3A_795, %get3A_796] {strides = array<i32>} : memref<16x1024xf32, #tpu.memory_space<vmem>>, vector<1x16xf32>,
      %get3A_798 = vector.shape_cast %get3A_797 : vector<1x16xf32> to vector<16xf32>
      %get3A_799 = arith.index_cast %scan3A_180 : i32 to index
      %get3A_800 = arith.constant 704 : index
      %get3A_801 = tpu.vector_load %arg11[%get3A_799, %get3A_800] {strides = array<i32>} : memref<16x1024xf32, #tpu.memory_space<vmem>>, vector<1x16xf32>,
      %get3A_802 = vector.shape_cast %get3A_801 : vector<1x16xf32> to vector<16xf32>
      %add3A_803 = arith.addf %get3A_798, %get3A_802 : vector<16xf32>
      %swap3A_804 = arith.index_cast %scan3A_180 : i32 to index
      %swap3A_805 = arith.constant 704 : index
      %swap3A_806 = tpu.vector_load %arg10[%swap3A_804, %swap3A_805] {strides = array<i32>} : memref<16x1024xf32, #tpu.memory_space<vmem>>, vector<1x16xf32>,
      %swap3A_807 = vector.shape_cast %swap3A_806 : vector<1x16xf32> to vector<16xf32>
      %swap3A_808 = vector.shape_cast %add3A_803 : vector<16xf32> to vector<1x16xf32>
      tpu.vector_store %arg10[%swap3A_804, %swap3A_805], %swap3A_808 {strides = array<i32>} : memref<16x1024xf32, #tpu.memory_space<vmem>>, vector<1x16xf32>,
      %get3A_809 = arith.index_cast %scan3A_180 : i32 to index
      %get3A_810 = arith.constant 720 : index
      %get3A_811 = tpu.vector_load %arg10[%get3A_809, %get3A_810] {strides = array<i32>} : memref<16x1024xf32, #tpu.memory_space<vmem>>, vector<1x16xf32>,
      %get3A_812 = vector.shape_cast %get3A_811 : vector<1x16xf32> to vector<16xf32>
      %get3A_813 = arith.index_cast %scan3A_180 : i32 to index
      %get3A_814 = arith.constant 720 : index
      %get3A_815 = tpu.vector_load %arg11[%get3A_813, %get3A_814] {strides = array<i32>} : memref<16x1024xf32, #tpu.memory_space<vmem>>, vector<1x16xf32>,
      %get3A_816 = vector.shape_cast %get3A_815 : vector<1x16xf32> to vector<16xf32>
      %add3A_817 = arith.addf %get3A_812, %get3A_816 : vector<16xf32>
      %swap3A_818 = arith.index_cast %scan3A_180 : i32 to index
      %swap3A_819 = arith.constant 720 : index
      %swap3A_820 = tpu.vector_load %arg10[%swap3A_818, %swap3A_819] {strides = array<i32>} : memref<16x1024xf32, #tpu.memory_space<vmem>>, vector<1x16xf32>,
      %swap3A_821 = vector.shape_cast %swap3A_820 : vector<1x16xf32> to vector<16xf32>
      %swap3A_822 = vector.shape_cast %add3A_817 : vector<16xf32> to vector<1x16xf32>
      tpu.vector_store %arg10[%swap3A_818, %swap3A_819], %swap3A_822 {strides = array<i32>} : memref<16x1024xf32, #tpu.memory_space<vmem>>, vector<1x16xf32>,
      %get3A_823 = arith.index_cast %scan3A_180 : i32 to index
      %get3A_824 = arith.constant 736 : index
      %get3A_825 = tpu.vector_load %arg10[%get3A_823, %get3A_824] {strides = array<i32>} : memref<16x1024xf32, #tpu.memory_space<vmem>>, vector<1x16xf32>,
      %get3A_826 = vector.shape_cast %get3A_825 : vector<1x16xf32> to vector<16xf32>
      %get3A_827 = arith.index_cast %scan3A_180 : i32 to index
      %get3A_828 = arith.constant 736 : index
      %get3A_829 = tpu.vector_load %arg11[%get3A_827, %get3A_828] {strides = array<i32>} : memref<16x1024xf32, #tpu.memory_space<vmem>>, vector<1x16xf32>,
      %get3A_830 = vector.shape_cast %get3A_829 : vector<1x16xf32> to vector<16xf32>
      %add3A_831 = arith.addf %get3A_826, %get3A_830 : vector<16xf32>
      %swap3A_832 = arith.index_cast %scan3A_180 : i32 to index
      %swap3A_833 = arith.constant 736 : index
      %swap3A_834 = tpu.vector_load %arg10[%swap3A_832, %swap3A_833] {strides = array<i32>} : memref<16x1024xf32, #tpu.memory_space<vmem>>, vector<1x16xf32>,
      %swap3A_835 = vector.shape_cast %swap3A_834 : vector<1x16xf32> to vector<16xf32>
      %swap3A_836 = vector.shape_cast %add3A_831 : vector<16xf32> to vector<1x16xf32>
      tpu.vector_store %arg10[%swap3A_832, %swap3A_833], %swap3A_836 {strides = array<i32>} : memref<16x1024xf32, #tpu.memory_space<vmem>>, vector<1x16xf32>,
      %get3A_837 = arith.index_cast %scan3A_180 : i32 to index
      %get3A_838 = arith.constant 752 : index
      %get3A_839 = tpu.vector_load %arg10[%get3A_837, %get3A_838] {strides = array<i32>} : memref<16x1024xf32, #tpu.memory_space<vmem>>, vector<1x16xf32>,
      %get3A_840 = vector.shape_cast %get3A_839 : vector<1x16xf32> to vector<16xf32>
      %get3A_841 = arith.index_cast %scan3A_180 : i32 to index
      %get3A_842 = arith.constant 752 : index
      %get3A_843 = tpu.vector_load %arg11[%get3A_841, %get3A_842] {strides = array<i32>} : memref<16x1024xf32, #tpu.memory_space<vmem>>, vector<1x16xf32>,
      %get3A_844 = vector.shape_cast %get3A_843 : vector<1x16xf32> to vector<16xf32>
      %add3A_845 = arith.addf %get3A_840, %get3A_844 : vector<16xf32>
      %swap3A_846 = arith.index_cast %scan3A_180 : i32 to index
      %swap3A_847 = arith.constant 752 : index
      %swap3A_848 = tpu.vector_load %arg10[%swap3A_846, %swap3A_847] {strides = array<i32>} : memref<16x1024xf32, #tpu.memory_space<vmem>>, vector<1x16xf32>,
      %swap3A_849 = vector.shape_cast %swap3A_848 : vector<1x16xf32> to vector<16xf32>
      %swap3A_850 = vector.shape_cast %add3A_845 : vector<16xf32> to vector<1x16xf32>
      tpu.vector_store %arg10[%swap3A_846, %swap3A_847], %swap3A_850 {strides = array<i32>} : memref<16x1024xf32, #tpu.memory_space<vmem>>, vector<1x16xf32>,
      %get3A_851 = arith.index_cast %scan3A_180 : i32 to index
      %get3A_852 = arith.constant 768 : index
      %get3A_853 = tpu.vector_load %arg10[%get3A_851, %get3A_852] {strides = array<i32>} : memref<16x1024xf32, #tpu.memory_space<vmem>>, vector<1x16xf32>,
      %get3A_854 = vector.shape_cast %get3A_853 : vector<1x16xf32> to vector<16xf32>
      %get3A_855 = arith.index_cast %scan3A_180 : i32 to index
      %get3A_856 = arith.constant 768 : index
      %get3A_857 = tpu.vector_load %arg11[%get3A_855, %get3A_856] {strides = array<i32>} : memref<16x1024xf32, #tpu.memory_space<vmem>>, vector<1x16xf32>,
      %get3A_858 = vector.shape_cast %get3A_857 : vector<1x16xf32> to vector<16xf32>
      %add3A_859 = arith.addf %get3A_854, %get3A_858 : vector<16xf32>
      %swap3A_860 = arith.index_cast %scan3A_180 : i32 to index
      %swap3A_861 = arith.constant 768 : index
      %swap3A_862 = tpu.vector_load %arg10[%swap3A_860, %swap3A_861] {strides = array<i32>} : memref<16x1024xf32, #tpu.memory_space<vmem>>, vector<1x16xf32>,
      %swap3A_863 = vector.shape_cast %swap3A_862 : vector<1x16xf32> to vector<16xf32>
      %swap3A_864 = vector.shape_cast %add3A_859 : vector<16xf32> to vector<1x16xf32>
      tpu.vector_store %arg10[%swap3A_860, %swap3A_861], %swap3A_864 {strides = array<i32>} : memref<16x1024xf32, #tpu.memory_space<vmem>>, vector<1x16xf32>,
      %get3A_865 = arith.index_cast %scan3A_180 : i32 to index
      %get3A_866 = arith.constant 784 : index
      %get3A_867 = tpu.vector_load %arg10[%get3A_865, %get3A_866] {strides = array<i32>} : memref<16x1024xf32, #tpu.memory_space<vmem>>, vector<1x16xf32>,
      %get3A_868 = vector.shape_cast %get3A_867 : vector<1x16xf32> to vector<16xf32>
      %get3A_869 = arith.index_cast %scan3A_180 : i32 to index
      %get3A_870 = arith.constant 784 : index
      %get3A_871 = tpu.vector_load %arg11[%get3A_869, %get3A_870] {strides = array<i32>} : memref<16x1024xf32, #tpu.memory_space<vmem>>, vector<1x16xf32>,
      %get3A_872 = vector.shape_cast %get3A_871 : vector<1x16xf32> to vector<16xf32>
      %add3A_873 = arith.addf %get3A_868, %get3A_872 : vector<16xf32>
      %swap3A_874 = arith.index_cast %scan3A_180 : i32 to index
      %swap3A_875 = arith.constant 784 : index
      %swap3A_876 = tpu.vector_load %arg10[%swap3A_874, %swap3A_875] {strides = array<i32>} : memref<16x1024xf32, #tpu.memory_space<vmem>>, vector<1x16xf32>,
      %swap3A_877 = vector.shape_cast %swap3A_876 : vector<1x16xf32> to vector<16xf32>
      %swap3A_878 = vector.shape_cast %add3A_873 : vector<16xf32> to vector<1x16xf32>
      tpu.vector_store %arg10[%swap3A_874, %swap3A_875], %swap3A_878 {strides = array<i32>} : memref<16x1024xf32, #tpu.memory_space<vmem>>, vector<1x16xf32>,
      %get3A_879 = arith.index_cast %scan3A_180 : i32 to index
      %get3A_880 = arith.constant 800 : index
      %get3A_881 = tpu.vector_load %arg10[%get3A_879, %get3A_880] {strides = array<i32>} : memref<16x1024xf32, #tpu.memory_space<vmem>>, vector<1x16xf32>,
      %get3A_882 = vector.shape_cast %get3A_881 : vector<1x16xf32> to vector<16xf32>
      %get3A_883 = arith.index_cast %scan3A_180 : i32 to index
      %get3A_884 = arith.constant 800 : index
      %get3A_885 = tpu.vector_load %arg11[%get3A_883, %get3A_884] {strides = array<i32>} : memref<16x1024xf32, #tpu.memory_space<vmem>>, vector<1x16xf32>,
      %get3A_886 = vector.shape_cast %get3A_885 : vector<1x16xf32> to vector<16xf32>
      %add3A_887 = arith.addf %get3A_882, %get3A_886 : vector<16xf32>
      %swap3A_888 = arith.index_cast %scan3A_180 : i32 to index
      %swap3A_889 = arith.constant 800 : index
      %swap3A_890 = tpu.vector_load %arg10[%swap3A_888, %swap3A_889] {strides = array<i32>} : memref<16x1024xf32, #tpu.memory_space<vmem>>, vector<1x16xf32>,
      %swap3A_891 = vector.shape_cast %swap3A_890 : vector<1x16xf32> to vector<16xf32>
      %swap3A_892 = vector.shape_cast %add3A_887 : vector<16xf32> to vector<1x16xf32>
      tpu.vector_store %arg10[%swap3A_888, %swap3A_889], %swap3A_892 {strides = array<i32>} : memref<16x1024xf32, #tpu.memory_space<vmem>>, vector<1x16xf32>,
      %get3A_893 = arith.index_cast %scan3A_180 : i32 to index
      %get3A_894 = arith.constant 816 : index
      %get3A_895 = tpu.vector_load %arg10[%get3A_893, %get3A_894] {strides = array<i32>} : memref<16x1024xf32, #tpu.memory_space<vmem>>, vector<1x16xf32>,
      %get3A_896 = vector.shape_cast %get3A_895 : vector<1x16xf32> to vector<16xf32>
      %get3A_897 = arith.index_cast %scan3A_180 : i32 to index
      %get3A_898 = arith.constant 816 : index
      %get3A_899 = tpu.vector_load %arg11[%get3A_897, %get3A_898] {strides = array<i32>} : memref<16x1024xf32, #tpu.memory_space<vmem>>, vector<1x16xf32>,
      %get3A_900 = vector.shape_cast %get3A_899 : vector<1x16xf32> to vector<16xf32>
      %add3A_901 = arith.addf %get3A_896, %get3A_900 : vector<16xf32>
      %swap3A_902 = arith.index_cast %scan3A_180 : i32 to index
      %swap3A_903 = arith.constant 816 : index
      %swap3A_904 = tpu.vector_load %arg10[%swap3A_902, %swap3A_903] {strides = array<i32>} : memref<16x1024xf32, #tpu.memory_space<vmem>>, vector<1x16xf32>,
      %swap3A_905 = vector.shape_cast %swap3A_904 : vector<1x16xf32> to vector<16xf32>
      %swap3A_906 = vector.shape_cast %add3A_901 : vector<16xf32> to vector<1x16xf32>
      tpu.vector_store %arg10[%swap3A_902, %swap3A_903], %swap3A_906 {strides = array<i32>} : memref<16x1024xf32, #tpu.memory_space<vmem>>, vector<1x16xf32>,
      %get3A_907 = arith.index_cast %scan3A_180 : i32 to index
      %get3A_908 = arith.constant 832 : index
      %get3A_909 = tpu.vector_load %arg10[%get3A_907, %get3A_908] {strides = array<i32>} : memref<16x1024xf32, #tpu.memory_space<vmem>>, vector<1x16xf32>,
      %get3A_910 = vector.shape_cast %get3A_909 : vector<1x16xf32> to vector<16xf32>
      %get3A_911 = arith.index_cast %scan3A_180 : i32 to index
      %get3A_912 = arith.constant 832 : index
      %get3A_913 = tpu.vector_load %arg11[%get3A_911, %get3A_912] {strides = array<i32>} : memref<16x1024xf32, #tpu.memory_space<vmem>>, vector<1x16xf32>,
      %get3A_914 = vector.shape_cast %get3A_913 : vector<1x16xf32> to vector<16xf32>
      %add3A_915 = arith.addf %get3A_910, %get3A_914 : vector<16xf32>
      %swap3A_916 = arith.index_cast %scan3A_180 : i32 to index
      %swap3A_917 = arith.constant 832 : index
      %swap3A_918 = tpu.vector_load %arg10[%swap3A_916, %swap3A_917] {strides = array<i32>} : memref<16x1024xf32, #tpu.memory_space<vmem>>, vector<1x16xf32>,
      %swap3A_919 = vector.shape_cast %swap3A_918 : vector<1x16xf32> to vector<16xf32>
      %swap3A_920 = vector.shape_cast %add3A_915 : vector<16xf32> to vector<1x16xf32>
      tpu.vector_store %arg10[%swap3A_916, %swap3A_917], %swap3A_920 {strides = array<i32>} : memref<16x1024xf32, #tpu.memory_space<vmem>>, vector<1x16xf32>,
      %get3A_921 = arith.index_cast %scan3A_180 : i32 to index
      %get3A_922 = arith.constant 848 : index
      %get3A_923 = tpu.vector_load %arg10[%get3A_921, %get3A_922] {strides = array<i32>} : memref<16x1024xf32, #tpu.memory_space<vmem>>, vector<1x16xf32>,
      %get3A_924 = vector.shape_cast %get3A_923 : vector<1x16xf32> to vector<16xf32>
      %get3A_925 = arith.index_cast %scan3A_180 : i32 to index
      %get3A_926 = arith.constant 848 : index
      %get3A_927 = tpu.vector_load %arg11[%get3A_925, %get3A_926] {strides = array<i32>} : memref<16x1024xf32, #tpu.memory_space<vmem>>, vector<1x16xf32>,
      %get3A_928 = vector.shape_cast %get3A_927 : vector<1x16xf32> to vector<16xf32>
      %add3A_929 = arith.addf %get3A_924, %get3A_928 : vector<16xf32>
      %swap3A_930 = arith.index_cast %scan3A_180 : i32 to index
      %swap3A_931 = arith.constant 848 : index
      %swap3A_932 = tpu.vector_load %arg10[%swap3A_930, %swap3A_931] {strides = array<i32>} : memref<16x1024xf32, #tpu.memory_space<vmem>>, vector<1x16xf32>,
      %swap3A_933 = vector.shape_cast %swap3A_932 : vector<1x16xf32> to vector<16xf32>
      %swap3A_934 = vector.shape_cast %add3A_929 : vector<16xf32> to vector<1x16xf32>
      tpu.vector_store %arg10[%swap3A_930, %swap3A_931], %swap3A_934 {strides = array<i32>} : memref<16x1024xf32, #tpu.memory_space<vmem>>, vector<1x16xf32>,
      %get3A_935 = arith.index_cast %scan3A_180 : i32 to index
      %get3A_936 = arith.constant 864 : index
      %get3A_937 = tpu.vector_load %arg10[%get3A_935, %get3A_936] {strides = array<i32>} : memref<16x1024xf32, #tpu.memory_space<vmem>>, vector<1x16xf32>,
      %get3A_938 = vector.shape_cast %get3A_937 : vector<1x16xf32> to vector<16xf32>
      %get3A_939 = arith.index_cast %scan3A_180 : i32 to index
      %get3A_940 = arith.constant 864 : index
      %get3A_941 = tpu.vector_load %arg11[%get3A_939, %get3A_940] {strides = array<i32>} : memref<16x1024xf32, #tpu.memory_space<vmem>>, vector<1x16xf32>,
      %get3A_942 = vector.shape_cast %get3A_941 : vector<1x16xf32> to vector<16xf32>
      %add3A_943 = arith.addf %get3A_938, %get3A_942 : vector<16xf32>
      %swap3A_944 = arith.index_cast %scan3A_180 : i32 to index
      %swap3A_945 = arith.constant 864 : index
      %swap3A_946 = tpu.vector_load %arg10[%swap3A_944, %swap3A_945] {strides = array<i32>} : memref<16x1024xf32, #tpu.memory_space<vmem>>, vector<1x16xf32>,
      %swap3A_947 = vector.shape_cast %swap3A_946 : vector<1x16xf32> to vector<16xf32>
      %swap3A_948 = vector.shape_cast %add3A_943 : vector<16xf32> to vector<1x16xf32>
      tpu.vector_store %arg10[%swap3A_944, %swap3A_945], %swap3A_948 {strides = array<i32>} : memref<16x1024xf32, #tpu.memory_space<vmem>>, vector<1x16xf32>,
      %get3A_949 = arith.index_cast %scan3A_180 : i32 to index
      %get3A_950 = arith.constant 880 : index
      %get3A_951 = tpu.vector_load %arg10[%get3A_949, %get3A_950] {strides = array<i32>} : memref<16x1024xf32, #tpu.memory_space<vmem>>, vector<1x16xf32>,
      %get3A_952 = vector.shape_cast %get3A_951 : vector<1x16xf32> to vector<16xf32>
      %get3A_953 = arith.index_cast %scan3A_180 : i32 to index
      %get3A_954 = arith.constant 880 : index
      %get3A_955 = tpu.vector_load %arg11[%get3A_953, %get3A_954] {strides = array<i32>} : memref<16x1024xf32, #tpu.memory_space<vmem>>, vector<1x16xf32>,
      %get3A_956 = vector.shape_cast %get3A_955 : vector<1x16xf32> to vector<16xf32>
      %add3A_957 = arith.addf %get3A_952, %get3A_956 : vector<16xf32>
      %swap3A_958 = arith.index_cast %scan3A_180 : i32 to index
      %swap3A_959 = arith.constant 880 : index
      %swap3A_960 = tpu.vector_load %arg10[%swap3A_958, %swap3A_959] {strides = array<i32>} : memref<16x1024xf32, #tpu.memory_space<vmem>>, vector<1x16xf32>,
      %swap3A_961 = vector.shape_cast %swap3A_960 : vector<1x16xf32> to vector<16xf32>
      %swap3A_962 = vector.shape_cast %add3A_957 : vector<16xf32> to vector<1x16xf32>
      tpu.vector_store %arg10[%swap3A_958, %swap3A_959], %swap3A_962 {strides = array<i32>} : memref<16x1024xf32, #tpu.memory_space<vmem>>, vector<1x16xf32>,
      %get3A_963 = arith.index_cast %scan3A_180 : i32 to index
      %get3A_964 = arith.constant 896 : index
      %get3A_965 = tpu.vector_load %arg10[%get3A_963, %get3A_964] {strides = array<i32>} : memref<16x1024xf32, #tpu.memory_space<vmem>>, vector<1x16xf32>,
      %get3A_966 = vector.shape_cast %get3A_965 : vector<1x16xf32> to vector<16xf32>
      %get3A_967 = arith.index_cast %scan3A_180 : i32 to index
      %get3A_968 = arith.constant 896 : index
      %get3A_969 = tpu.vector_load %arg11[%get3A_967, %get3A_968] {strides = array<i32>} : memref<16x1024xf32, #tpu.memory_space<vmem>>, vector<1x16xf32>,
      %get3A_970 = vector.shape_cast %get3A_969 : vector<1x16xf32> to vector<16xf32>
      %add3A_971 = arith.addf %get3A_966, %get3A_970 : vector<16xf32>
      %swap3A_972 = arith.index_cast %scan3A_180 : i32 to index
      %swap3A_973 = arith.constant 896 : index
      %swap3A_974 = tpu.vector_load %arg10[%swap3A_972, %swap3A_973] {strides = array<i32>} : memref<16x1024xf32, #tpu.memory_space<vmem>>, vector<1x16xf32>,
      %swap3A_975 = vector.shape_cast %swap3A_974 : vector<1x16xf32> to vector<16xf32>
      %swap3A_976 = vector.shape_cast %add3A_971 : vector<16xf32> to vector<1x16xf32>
      tpu.vector_store %arg10[%swap3A_972, %swap3A_973], %swap3A_976 {strides = array<i32>} : memref<16x1024xf32, #tpu.memory_space<vmem>>, vector<1x16xf32>,
      %get3A_977 = arith.index_cast %scan3A_180 : i32 to index
      %get3A_978 = arith.constant 912 : index
      %get3A_979 = tpu.vector_load %arg10[%get3A_977, %get3A_978] {strides = array<i32>} : memref<16x1024xf32, #tpu.memory_space<vmem>>, vector<1x16xf32>,
      %get3A_980 = vector.shape_cast %get3A_979 : vector<1x16xf32> to vector<16xf32>
      %get3A_981 = arith.index_cast %scan3A_180 : i32 to index
      %get3A_982 = arith.constant 912 : index
      %get3A_983 = tpu.vector_load %arg11[%get3A_981, %get3A_982] {strides = array<i32>} : memref<16x1024xf32, #tpu.memory_space<vmem>>, vector<1x16xf32>,
      %get3A_984 = vector.shape_cast %get3A_983 : vector<1x16xf32> to vector<16xf32>
      %add3A_985 = arith.addf %get3A_980, %get3A_984 : vector<16xf32>
      %swap3A_986 = arith.index_cast %scan3A_180 : i32 to index
      %swap3A_987 = arith.constant 912 : index
      %swap3A_988 = tpu.vector_load %arg10[%swap3A_986, %swap3A_987] {strides = array<i32>} : memref<16x1024xf32, #tpu.memory_space<vmem>>, vector<1x16xf32>,
      %swap3A_989 = vector.shape_cast %swap3A_988 : vector<1x16xf32> to vector<16xf32>
      %swap3A_990 = vector.shape_cast %add3A_985 : vector<16xf32> to vector<1x16xf32>
      tpu.vector_store %arg10[%swap3A_986, %swap3A_987], %swap3A_990 {strides = array<i32>} : memref<16x1024xf32, #tpu.memory_space<vmem>>, vector<1x16xf32>,
      %get3A_991 = arith.index_cast %scan3A_180 : i32 to index
      %get3A_992 = arith.constant 928 : index
      %get3A_993 = tpu.vector_load %arg10[%get3A_991, %get3A_992] {strides = array<i32>} : memref<16x1024xf32, #tpu.memory_space<vmem>>, vector<1x16xf32>,
      %get3A_994 = vector.shape_cast %get3A_993 : vector<1x16xf32> to vector<16xf32>
      %get3A_995 = arith.index_cast %scan3A_180 : i32 to index
      %get3A_996 = arith.constant 928 : index
      %get3A_997 = tpu.vector_load %arg11[%get3A_995, %get3A_996] {strides = array<i32>} : memref<16x1024xf32, #tpu.memory_space<vmem>>, vector<1x16xf32>,
      %get3A_998 = vector.shape_cast %get3A_997 : vector<1x16xf32> to vector<16xf32>
      %add3A_999 = arith.addf %get3A_994, %get3A_998 : vector<16xf32>
      %swap3A_1000 = arith.index_cast %scan3A_180 : i32 to index
      %swap3A_1001 = arith.constant 928 : index
      %swap3A_1002 = tpu.vector_load %arg10[%swap3A_1000, %swap3A_1001] {strides = array<i32>} : memref<16x1024xf32, #tpu.memory_space<vmem>>, vector<1x16xf32>,
      %swap3A_1003 = vector.shape_cast %swap3A_1002 : vector<1x16xf32> to vector<16xf32>
      %swap3A_1004 = vector.shape_cast %add3A_999 : vector<16xf32> to vector<1x16xf32>
      tpu.vector_store %arg10[%swap3A_1000, %swap3A_1001], %swap3A_1004 {strides = array<i32>} : memref<16x1024xf32, #tpu.memory_space<vmem>>, vector<1x16xf32>,
      %get3A_1005 = arith.index_cast %scan3A_180 : i32 to index
      %get3A_1006 = arith.constant 944 : index
      %get3A_1007 = tpu.vector_load %arg10[%get3A_1005, %get3A_1006] {strides = array<i32>} : memref<16x1024xf32, #tpu.memory_space<vmem>>, vector<1x16xf32>,
      %get3A_1008 = vector.shape_cast %get3A_1007 : vector<1x16xf32> to vector<16xf32>
      %get3A_1009 = arith.index_cast %scan3A_180 : i32 to index
      %get3A_1010 = arith.constant 944 : index
      %get3A_1011 = tpu.vector_load %arg11[%get3A_1009, %get3A_1010] {strides = array<i32>} : memref<16x1024xf32, #tpu.memory_space<vmem>>, vector<1x16xf32>,
      %get3A_1012 = vector.shape_cast %get3A_1011 : vector<1x16xf32> to vector<16xf32>
      %add3A_1013 = arith.addf %get3A_1008, %get3A_1012 : vector<16xf32>
      %swap3A_1014 = arith.index_cast %scan3A_180 : i32 to index
      %swap3A_1015 = arith.constant 944 : index
      %swap3A_1016 = tpu.vector_load %arg10[%swap3A_1014, %swap3A_1015] {strides = array<i32>} : memref<16x1024xf32, #tpu.memory_space<vmem>>, vector<1x16xf32>,
      %swap3A_1017 = vector.shape_cast %swap3A_1016 : vector<1x16xf32> to vector<16xf32>
      %swap3A_1018 = vector.shape_cast %add3A_1013 : vector<16xf32> to vector<1x16xf32>
      tpu.vector_store %arg10[%swap3A_1014, %swap3A_1015], %swap3A_1018 {strides = array<i32>} : memref<16x1024xf32, #tpu.memory_space<vmem>>, vector<1x16xf32>,
      %get3A_1019 = arith.index_cast %scan3A_180 : i32 to index
      %get3A_1020 = arith.constant 960 : index
      %get3A_1021 = tpu.vector_load %arg10[%get3A_1019, %get3A_1020] {strides = array<i32>} : memref<16x1024xf32, #tpu.memory_space<vmem>>, vector<1x16xf32>,
      %get3A_1022 = vector.shape_cast %get3A_1021 : vector<1x16xf32> to vector<16xf32>
      %get3A_1023 = arith.index_cast %scan3A_180 : i32 to index
      %get3A_1024 = arith.constant 960 : index
      %get3A_1025 = tpu.vector_load %arg11[%get3A_1023, %get3A_1024] {strides = array<i32>} : memref<16x1024xf32, #tpu.memory_space<vmem>>, vector<1x16xf32>,
      %get3A_1026 = vector.shape_cast %get3A_1025 : vector<1x16xf32> to vector<16xf32>
      %add3A_1027 = arith.addf %get3A_1022, %get3A_1026 : vector<16xf32>
      %swap3A_1028 = arith.index_cast %scan3A_180 : i32 to index
      %swap3A_1029 = arith.constant 960 : index
      %swap3A_1030 = tpu.vector_load %arg10[%swap3A_1028, %swap3A_1029] {strides = array<i32>} : memref<16x1024xf32, #tpu.memory_space<vmem>>, vector<1x16xf32>,
      %swap3A_1031 = vector.shape_cast %swap3A_1030 : vector<1x16xf32> to vector<16xf32>
      %swap3A_1032 = vector.shape_cast %add3A_1027 : vector<16xf32> to vector<1x16xf32>
      tpu.vector_store %arg10[%swap3A_1028, %swap3A_1029], %swap3A_1032 {strides = array<i32>} : memref<16x1024xf32, #tpu.memory_space<vmem>>, vector<1x16xf32>,
      %get3A_1033 = arith.index_cast %scan3A_180 : i32 to index
      %get3A_1034 = arith.constant 976 : index
      %get3A_1035 = tpu.vector_load %arg10[%get3A_1033, %get3A_1034] {strides = array<i32>} : memref<16x1024xf32, #tpu.memory_space<vmem>>, vector<1x16xf32>,
      %get3A_1036 = vector.shape_cast %get3A_1035 : vector<1x16xf32> to vector<16xf32>
      %get3A_1037 = arith.index_cast %scan3A_180 : i32 to index
      %get3A_1038 = arith.constant 976 : index
      %get3A_1039 = tpu.vector_load %arg11[%get3A_1037, %get3A_1038] {strides = array<i32>} : memref<16x1024xf32, #tpu.memory_space<vmem>>, vector<1x16xf32>,
      %get3A_1040 = vector.shape_cast %get3A_1039 : vector<1x16xf32> to vector<16xf32>
      %add3A_1041 = arith.addf %get3A_1036, %get3A_1040 : vector<16xf32>
      %swap3A_1042 = arith.index_cast %scan3A_180 : i32 to index
      %swap3A_1043 = arith.constant 976 : index
      %swap3A_1044 = tpu.vector_load %arg10[%swap3A_1042, %swap3A_1043] {strides = array<i32>} : memref<16x1024xf32, #tpu.memory_space<vmem>>, vector<1x16xf32>,
      %swap3A_1045 = vector.shape_cast %swap3A_1044 : vector<1x16xf32> to vector<16xf32>
      %swap3A_1046 = vector.shape_cast %add3A_1041 : vector<16xf32> to vector<1x16xf32>
      tpu.vector_store %arg10[%swap3A_1042, %swap3A_1043], %swap3A_1046 {strides = array<i32>} : memref<16x1024xf32, #tpu.memory_space<vmem>>, vector<1x16xf32>,
      %get3A_1047 = arith.index_cast %scan3A_180 : i32 to index
      %get3A_1048 = arith.constant 992 : index
      %get3A_1049 = tpu.vector_load %arg10[%get3A_1047, %get3A_1048] {strides = array<i32>} : memref<16x1024xf32, #tpu.memory_space<vmem>>, vector<1x16xf32>,
      %get3A_1050 = vector.shape_cast %get3A_1049 : vector<1x16xf32> to vector<16xf32>
      %get3A_1051 = arith.index_cast %scan3A_180 : i32 to index
      %get3A_1052 = arith.constant 992 : index
      %get3A_1053 = tpu.vector_load %arg11[%get3A_1051, %get3A_1052] {strides = array<i32>} : memref<16x1024xf32, #tpu.memory_space<vmem>>, vector<1x16xf32>,
      %get3A_1054 = vector.shape_cast %get3A_1053 : vector<1x16xf32> to vector<16xf32>
      %add3A_1055 = arith.addf %get3A_1050, %get3A_1054 : vector<16xf32>
      %swap3A_1056 = arith.index_cast %scan3A_180 : i32 to index
      %swap3A_1057 = arith.constant 992 : index
      %swap3A_1058 = tpu.vector_load %arg10[%swap3A_1056, %swap3A_1057] {strides = array<i32>} : memref<16x1024xf32, #tpu.memory_space<vmem>>, vector<1x16xf32>,
      %swap3A_1059 = vector.shape_cast %swap3A_1058 : vector<1x16xf32> to vector<16xf32>
      %swap3A_1060 = vector.shape_cast %add3A_1055 : vector<16xf32> to vector<1x16xf32>
      tpu.vector_store %arg10[%swap3A_1056, %swap3A_1057], %swap3A_1060 {strides = array<i32>} : memref<16x1024xf32, #tpu.memory_space<vmem>>, vector<1x16xf32>,
      %get3A_1061 = arith.index_cast %scan3A_180 : i32 to index
      %get3A_1062 = arith.constant 1008 : index
      %get3A_1063 = tpu.vector_load %arg10[%get3A_1061, %get3A_1062] {strides = array<i32>} : memref<16x1024xf32, #tpu.memory_space<vmem>>, vector<1x16xf32>,
      %get3A_1064 = vector.shape_cast %get3A_1063 : vector<1x16xf32> to vector<16xf32>
      %get3A_1065 = arith.index_cast %scan3A_180 : i32 to index
      %get3A_1066 = arith.constant 1008 : index
      %get3A_1067 = tpu.vector_load %arg11[%get3A_1065, %get3A_1066] {strides = array<i32>} : memref<16x1024xf32, #tpu.memory_space<vmem>>, vector<1x16xf32>,
      %get3A_1068 = vector.shape_cast %get3A_1067 : vector<1x16xf32> to vector<16xf32>
      %add3A_1069 = arith.addf %get3A_1064, %get3A_1068 : vector<16xf32>
      %swap3A_1070 = arith.index_cast %scan3A_180 : i32 to index
      %swap3A_1071 = arith.constant 1008 : index
      %swap3A_1072 = tpu.vector_load %arg10[%swap3A_1070, %swap3A_1071] {strides = array<i32>} : memref<16x1024xf32, #tpu.memory_space<vmem>>, vector<1x16xf32>,
      %swap3A_1073 = vector.shape_cast %swap3A_1072 : vector<1x16xf32> to vector<16xf32>
      %swap3A_1074 = vector.shape_cast %add3A_1069 : vector<16xf32> to vector<1x16xf32>
      tpu.vector_store %arg10[%swap3A_1070, %swap3A_1071], %swap3A_1074 {strides = array<i32>} : memref<16x1024xf32, #tpu.memory_space<vmem>>, vector<1x16xf32>,
    }
    %scan3A_95 = arith.constant 16 : i32
    %add3A_96 = arith.constant 16 : i32
    %add3A_97 = arith.addi %mul3A_2, %add3A_96 : i32
    %dma_start3A_98 = arith.constant 0 : i32
    %dma_start3A_99 = tpu.memref_slice %arg5[%add3A_97, %dma_start3A_98] : memref<2048x1024xf32, #tpu.memory_space<hbm>> -> memref<16x1024xf32, #tpu.memory_space<hbm>>
    %dma_start3A_100 = arith.constant 0 : i32
    %dma_start3A_101 = tpu.memref_slice %arg5[%add3A_97, %dma_start3A_100] : memref<2048x1024xf32, #tpu.memory_space<hbm>> -> memref<16x1024xf32, #tpu.memory_space<hbm>>
    tpu.enqueue_dma source(%arg10 : memref<16x1024xf32, #tpu.memory_space<vmem>>) target(%dma_start3A_101 : memref<16x1024xf32, #tpu.memory_space<hbm>>) target_semaphore(%arg14 : memref<!tpu.dma_semaphore, #tpu.memory_space<semaphore_mem>>)
    %dma_wait3A_102 = arith.constant 0 : i32
    %dma_wait3A_103 = tpu.memref_slice %arg5[%add3A_97, %dma_wait3A_102] : memref<2048x1024xf32, #tpu.memory_space<hbm>> -> memref<16x1024xf32, #tpu.memory_space<hbm>>
    %dma_wait3A_104 = arith.constant 0 : i32
    %dma_wait3A_105 = tpu.memref_slice %arg5[%add3A_97, %dma_wait3A_104] : memref<2048x1024xf32, #tpu.memory_space<hbm>> -> memref<16x1024xf32, #tpu.memory_space<hbm>>
    tpu.wait_dma2 semaphore(%arg14 : memref<!tpu.dma_semaphore, #tpu.memory_space<semaphore_mem>>) src(%arg10 : memref<16x1024xf32, #tpu.memory_space<vmem>>) dst(%dma_wait3A_105 : memref<16x1024xf32, #tpu.memory_space<hbm>>)
    %dma_start3A_106 = arith.constant 3 : i32
    %dma_start3A_107 = arith.constant 0 : i32
    %dma_start3A_108 = tpu.memref_slice %arg6[%dma_start3A_106, %dma_start3A_107] : memref<4x16xi32, #tpu.memory_space<vmem>> -> memref<1x16xi32, #tpu.memory_space<vmem>>
    %dma_start3A_109 = tpu.memref_squeeze %dma_start3A_108 : memref<1x16xi32, #tpu.memory_space<vmem>> -> memref<16xi32, #tpu.memory_space<vmem>>
    %dma_start3A_110 = arith.constant 0 : i32
    %dma_start3A_111 = arith.constant 0 : i32
    %dma_start3A_112 = tpu.memref_slice %arg2[%dma_start3A_110, %dma_start3A_111] : memref<5888x1024xf32, #tpu.memory_space<hbm>> -> memref<5888x1024xf32, #tpu.memory_space<hbm>>
    tpu.enqueue_indirect_dma source(%dma_start3A_112 : memref<5888x1024xf32, #tpu.memory_space<hbm>>) target(%arg10 : memref<16x1024xf32, #tpu.memory_space<vmem>>) offsets(%dma_start3A_109 : memref<16xi32, #tpu.memory_space<vmem>>) semaphore(%arg13 : memref<!tpu.dma_semaphore, #tpu.memory_space<semaphore_mem>>)
    %dma_start3A_113 = arith.constant 3 : i32
    %dma_start3A_114 = arith.constant 0 : i32
    %dma_start3A_115 = tpu.memref_slice %arg7[%dma_start3A_113, %dma_start3A_114] : memref<4x16xi32, #tpu.memory_space<vmem>> -> memref<1x16xi32, #tpu.memory_space<vmem>>
    %dma_start3A_116 = tpu.memref_squeeze %dma_start3A_115 : memref<1x16xi32, #tpu.memory_space<vmem>> -> memref<16xi32, #tpu.memory_space<vmem>>
    %dma_start3A_117 = arith.constant 0 : i32
    %dma_start3A_118 = arith.constant 0 : i32
    %dma_start3A_119 = tpu.memref_slice %arg2[%dma_start3A_117, %dma_start3A_118] : memref<5888x1024xf32, #tpu.memory_space<hbm>> -> memref<5888x1024xf32, #tpu.memory_space<hbm>>
    tpu.enqueue_indirect_dma source(%dma_start3A_119 : memref<5888x1024xf32, #tpu.memory_space<hbm>>) target(%arg11 : memref<16x1024xf32, #tpu.memory_space<vmem>>) offsets(%dma_start3A_116 : memref<16xi32, #tpu.memory_space<vmem>>) semaphore(%arg13 : memref<!tpu.dma_semaphore, #tpu.memory_space<semaphore_mem>>)
    %dma_wait3A_120 = arith.constant 2 : i32
    %dma_wait3A_121 = arith.constant 0 : i32
    %dma_wait3A_122 = tpu.memref_slice %arg6[%dma_wait3A_120, %dma_wait3A_121] : memref<4x16xi32, #tpu.memory_space<vmem>> -> memref<1x16xi32, #tpu.memory_space<vmem>>
    %dma_wait3A_123 = tpu.memref_squeeze %dma_wait3A_122 : memref<1x16xi32, #tpu.memory_space<vmem>> -> memref<16xi32, #tpu.memory_space<vmem>>
    %dma_wait3A_124 = arith.constant 0 : i32
    %dma_wait3A_125 = arith.constant 0 : i32
    %dma_wait3A_126 = tpu.memref_slice %arg2[%dma_wait3A_124, %dma_wait3A_125] : memref<5888x1024xf32, #tpu.memory_space<hbm>> -> memref<5888x1024xf32, #tpu.memory_space<hbm>>
    tpu.wait_indirect_dma semaphore(%arg12 : memref<!tpu.dma_semaphore, #tpu.memory_space<semaphore_mem>>) src(%dma_wait3A_126 : memref<5888x1024xf32, #tpu.memory_space<hbm>>) dst(%arg8 : memref<16x1024xf32, #tpu.memory_space<vmem>>)
    %dma_wait3A_127 = arith.constant 2 : i32
    %dma_wait3A_128 = arith.constant 0 : i32
    %dma_wait3A_129 = tpu.memref_slice %arg7[%dma_wait3A_127, %dma_wait3A_128] : memref<4x16xi32, #tpu.memory_space<vmem>> -> memref<1x16xi32, #tpu.memory_space<vmem>>
    %dma_wait3A_130 = tpu.memref_squeeze %dma_wait3A_129 : memref<1x16xi32, #tpu.memory_space<vmem>> -> memref<16xi32, #tpu.memory_space<vmem>>
    %dma_wait3A_131 = arith.constant 0 : i32
    %dma_wait3A_132 = arith.constant 0 : i32
    %dma_wait3A_133 = tpu.memref_slice %arg2[%dma_wait3A_131, %dma_wait3A_132] : memref<5888x1024xf32, #tpu.memory_space<hbm>> -> memref<5888x1024xf32, #tpu.memory_space<hbm>>
    tpu.wait_indirect_dma semaphore(%arg12 : memref<!tpu.dma_semaphore, #tpu.memory_space<semaphore_mem>>) src(%dma_wait3A_133 : memref<5888x1024xf32, #tpu.memory_space<hbm>>) dst(%arg9 : memref<16x1024xf32, #tpu.memory_space<vmem>>)
    %scan3A_134 = arith.constant 0 : i32
    %scan3A_135 = arith.constant 0 : i32
    %scan3A_136 = arith.constant 16 : i32
    %scan3A_137 = arith.addi %scan3A_135, %scan3A_136 : i32
    %scan3A_138 = arith.constant 1 : i32
    scf.for %scan3A_180 = %scan3A_135 to %scan3A_137 step %scan3A_138  : i32 {
      %get3A = arith.index_cast %scan3A_180 : i32 to index
      %get3A_181 = arith.constant 0 : index
      %get3A_182 = tpu.vector_load %arg8[%get3A, %get3A_181] {strides = array<i32>} : memref<16x1024xf32, #tpu.memory_space<vmem>>, vector<1x16xf32>,
      %get3A_183 = vector.shape_cast %get3A_182 : vector<1x16xf32> to vector<16xf32>
      %get3A_184 = arith.index_cast %scan3A_180 : i32 to index
      %get3A_185 = arith.constant 0 : index
      %get3A_186 = tpu.vector_load %arg9[%get3A_184, %get3A_185] {strides = array<i32>} : memref<16x1024xf32, #tpu.memory_space<vmem>>, vector<1x16xf32>,
      %get3A_187 = vector.shape_cast %get3A_186 : vector<1x16xf32> to vector<16xf32>
      %add3A_188 = arith.addf %get3A_183, %get3A_187 : vector<16xf32>
      %swap3A = arith.index_cast %scan3A_180 : i32 to index
      %swap3A_189 = arith.constant 0 : index
      %swap3A_190 = tpu.vector_load %arg8[%swap3A, %swap3A_189] {strides = array<i32>} : memref<16x1024xf32, #tpu.memory_space<vmem>>, vector<1x16xf32>,
      %swap3A_191 = vector.shape_cast %swap3A_190 : vector<1x16xf32> to vector<16xf32>
      %swap3A_192 = vector.shape_cast %add3A_188 : vector<16xf32> to vector<1x16xf32>
      tpu.vector_store %arg8[%swap3A, %swap3A_189], %swap3A_192 {strides = array<i32>} : memref<16x1024xf32, #tpu.memory_space<vmem>>, vector<1x16xf32>,
      %get3A_193 = arith.index_cast %scan3A_180 : i32 to index
      %get3A_194 = arith.constant 16 : index
      %get3A_195 = tpu.vector_load %arg8[%get3A_193, %get3A_194] {strides = array<i32>} : memref<16x1024xf32, #tpu.memory_space<vmem>>, vector<1x16xf32>,
      %get3A_196 = vector.shape_cast %get3A_195 : vector<1x16xf32> to vector<16xf32>
      %get3A_197 = arith.index_cast %scan3A_180 : i32 to index
      %get3A_198 = arith.constant 16 : index
      %get3A_199 = tpu.vector_load %arg9[%get3A_197, %get3A_198] {strides = array<i32>} : memref<16x1024xf32, #tpu.memory_space<vmem>>, vector<1x16xf32>,
      %get3A_200 = vector.shape_cast %get3A_199 : vector<1x16xf32> to vector<16xf32>
      %add3A_201 = arith.addf %get3A_196, %get3A_200 : vector<16xf32>
      %swap3A_202 = arith.index_cast %scan3A_180 : i32 to index
      %swap3A_203 = arith.constant 16 : index
      %swap3A_204 = tpu.vector_load %arg8[%swap3A_202, %swap3A_203] {strides = array<i32>} : memref<16x1024xf32, #tpu.memory_space<vmem>>, vector<1x16xf32>,
      %swap3A_205 = vector.shape_cast %swap3A_204 : vector<1x16xf32> to vector<16xf32>
      %swap3A_206 = vector.shape_cast %add3A_201 : vector<16xf32> to vector<1x16xf32>
      tpu.vector_store %arg8[%swap3A_202, %swap3A_203], %swap3A_206 {strides = array<i32>} : memref<16x1024xf32, #tpu.memory_space<vmem>>, vector<1x16xf32>,
      %get3A_207 = arith.index_cast %scan3A_180 : i32 to index
      %get3A_208 = arith.constant 32 : index
      %get3A_209 = tpu.vector_load %arg8[%get3A_207, %get3A_208] {strides = array<i32>} : memref<16x1024xf32, #tpu.memory_space<vmem>>, vector<1x16xf32>,
      %get3A_210 = vector.shape_cast %get3A_209 : vector<1x16xf32> to vector<16xf32>
      %get3A_211 = arith.index_cast %scan3A_180 : i32 to index
      %get3A_212 = arith.constant 32 : index
      %get3A_213 = tpu.vector_load %arg9[%get3A_211, %get3A_212] {strides = array<i32>} : memref<16x1024xf32, #tpu.memory_space<vmem>>, vector<1x16xf32>,
      %get3A_214 = vector.shape_cast %get3A_213 : vector<1x16xf32> to vector<16xf32>
      %add3A_215 = arith.addf %get3A_210, %get3A_214 : vector<16xf32>
      %swap3A_216 = arith.index_cast %scan3A_180 : i32 to index
      %swap3A_217 = arith.constant 32 : index
      %swap3A_218 = tpu.vector_load %arg8[%swap3A_216, %swap3A_217] {strides = array<i32>} : memref<16x1024xf32, #tpu.memory_space<vmem>>, vector<1x16xf32>,
      %swap3A_219 = vector.shape_cast %swap3A_218 : vector<1x16xf32> to vector<16xf32>
      %swap3A_220 = vector.shape_cast %add3A_215 : vector<16xf32> to vector<1x16xf32>
      tpu.vector_store %arg8[%swap3A_216, %swap3A_217], %swap3A_220 {strides = array<i32>} : memref<16x1024xf32, #tpu.memory_space<vmem>>, vector<1x16xf32>,
      %get3A_221 = arith.index_cast %scan3A_180 : i32 to index
      %get3A_222 = arith.constant 48 : index
      %get3A_223 = tpu.vector_load %arg8[%get3A_221, %get3A_222] {strides = array<i32>} : memref<16x1024xf32, #tpu.memory_space<vmem>>, vector<1x16xf32>,
      %get3A_224 = vector.shape_cast %get3A_223 : vector<1x16xf32> to vector<16xf32>
      %get3A_225 = arith.index_cast %scan3A_180 : i32 to index
      %get3A_226 = arith.constant 48 : index
      %get3A_227 = tpu.vector_load %arg9[%get3A_225, %get3A_226] {strides = array<i32>} : memref<16x1024xf32, #tpu.memory_space<vmem>>, vector<1x16xf32>,
      %get3A_228 = vector.shape_cast %get3A_227 : vector<1x16xf32> to vector<16xf32>
      %add3A_229 = arith.addf %get3A_224, %get3A_228 : vector<16xf32>
      %swap3A_230 = arith.index_cast %scan3A_180 : i32 to index
      %swap3A_231 = arith.constant 48 : index
      %swap3A_232 = tpu.vector_load %arg8[%swap3A_230, %swap3A_231] {strides = array<i32>} : memref<16x1024xf32, #tpu.memory_space<vmem>>, vector<1x16xf32>,
      %swap3A_233 = vector.shape_cast %swap3A_232 : vector<1x16xf32> to vector<16xf32>
      %swap3A_234 = vector.shape_cast %add3A_229 : vector<16xf32> to vector<1x16xf32>
      tpu.vector_store %arg8[%swap3A_230, %swap3A_231], %swap3A_234 {strides = array<i32>} : memref<16x1024xf32, #tpu.memory_space<vmem>>, vector<1x16xf32>,
      %get3A_235 = arith.index_cast %scan3A_180 : i32 to index
      %get3A_236 = arith.constant 64 : index
      %get3A_237 = tpu.vector_load %arg8[%get3A_235, %get3A_236] {strides = array<i32>} : memref<16x1024xf32, #tpu.memory_space<vmem>>, vector<1x16xf32>,
      %get3A_238 = vector.shape_cast %get3A_237 : vector<1x16xf32> to vector<16xf32>
      %get3A_239 = arith.index_cast %scan3A_180 : i32 to index
      %get3A_240 = arith.constant 64 : index
      %get3A_241 = tpu.vector_load %arg9[%get3A_239, %get3A_240] {strides = array<i32>} : memref<16x1024xf32, #tpu.memory_space<vmem>>, vector<1x16xf32>,
      %get3A_242 = vector.shape_cast %get3A_241 : vector<1x16xf32> to vector<16xf32>
      %add3A_243 = arith.addf %get3A_238, %get3A_242 : vector<16xf32>
      %swap3A_244 = arith.index_cast %scan3A_180 : i32 to index
      %swap3A_245 = arith.constant 64 : index
      %swap3A_246 = tpu.vector_load %arg8[%swap3A_244, %swap3A_245] {strides = array<i32>} : memref<16x1024xf32, #tpu.memory_space<vmem>>, vector<1x16xf32>,
      %swap3A_247 = vector.shape_cast %swap3A_246 : vector<1x16xf32> to vector<16xf32>
      %swap3A_248 = vector.shape_cast %add3A_243 : vector<16xf32> to vector<1x16xf32>
      tpu.vector_store %arg8[%swap3A_244, %swap3A_245], %swap3A_248 {strides = array<i32>} : memref<16x1024xf32, #tpu.memory_space<vmem>>, vector<1x16xf32>,
      %get3A_249 = arith.index_cast %scan3A_180 : i32 to index
      %get3A_250 = arith.constant 80 : index
      %get3A_251 = tpu.vector_load %arg8[%get3A_249, %get3A_250] {strides = array<i32>} : memref<16x1024xf32, #tpu.memory_space<vmem>>, vector<1x16xf32>,
      %get3A_252 = vector.shape_cast %get3A_251 : vector<1x16xf32> to vector<16xf32>
      %get3A_253 = arith.index_cast %scan3A_180 : i32 to index
      %get3A_254 = arith.constant 80 : index
      %get3A_255 = tpu.vector_load %arg9[%get3A_253, %get3A_254] {strides = array<i32>} : memref<16x1024xf32, #tpu.memory_space<vmem>>, vector<1x16xf32>,
      %get3A_256 = vector.shape_cast %get3A_255 : vector<1x16xf32> to vector<16xf32>
      %add3A_257 = arith.addf %get3A_252, %get3A_256 : vector<16xf32>
      %swap3A_258 = arith.index_cast %scan3A_180 : i32 to index
      %swap3A_259 = arith.constant 80 : index
      %swap3A_260 = tpu.vector_load %arg8[%swap3A_258, %swap3A_259] {strides = array<i32>} : memref<16x1024xf32, #tpu.memory_space<vmem>>, vector<1x16xf32>,
      %swap3A_261 = vector.shape_cast %swap3A_260 : vector<1x16xf32> to vector<16xf32>
      %swap3A_262 = vector.shape_cast %add3A_257 : vector<16xf32> to vector<1x16xf32>
      tpu.vector_store %arg8[%swap3A_258, %swap3A_259], %swap3A_262 {strides = array<i32>} : memref<16x1024xf32, #tpu.memory_space<vmem>>, vector<1x16xf32>,
      %get3A_263 = arith.index_cast %scan3A_180 : i32 to index
      %get3A_264 = arith.constant 96 : index
      %get3A_265 = tpu.vector_load %arg8[%get3A_263, %get3A_264] {strides = array<i32>} : memref<16x1024xf32, #tpu.memory_space<vmem>>, vector<1x16xf32>,
      %get3A_266 = vector.shape_cast %get3A_265 : vector<1x16xf32> to vector<16xf32>
      %get3A_267 = arith.index_cast %scan3A_180 : i32 to index
      %get3A_268 = arith.constant 96 : index
      %get3A_269 = tpu.vector_load %arg9[%get3A_267, %get3A_268] {strides = array<i32>} : memref<16x1024xf32, #tpu.memory_space<vmem>>, vector<1x16xf32>,
      %get3A_270 = vector.shape_cast %get3A_269 : vector<1x16xf32> to vector<16xf32>
      %add3A_271 = arith.addf %get3A_266, %get3A_270 : vector<16xf32>
      %swap3A_272 = arith.index_cast %scan3A_180 : i32 to index
      %swap3A_273 = arith.constant 96 : index
      %swap3A_274 = tpu.vector_load %arg8[%swap3A_272, %swap3A_273] {strides = array<i32>} : memref<16x1024xf32, #tpu.memory_space<vmem>>, vector<1x16xf32>,
      %swap3A_275 = vector.shape_cast %swap3A_274 : vector<1x16xf32> to vector<16xf32>
      %swap3A_276 = vector.shape_cast %add3A_271 : vector<16xf32> to vector<1x16xf32>
      tpu.vector_store %arg8[%swap3A_272, %swap3A_273], %swap3A_276 {strides = array<i32>} : memref<16x1024xf32, #tpu.memory_space<vmem>>, vector<1x16xf32>,
      %get3A_277 = arith.index_cast %scan3A_180 : i32 to index
      %get3A_278 = arith.constant 112 : index
      %get3A_279 = tpu.vector_load %arg8[%get3A_277, %get3A_278] {strides = array<i32>} : memref<16x1024xf32, #tpu.memory_space<vmem>>, vector<1x16xf32>,
      %get3A_280 = vector.shape_cast %get3A_279 : vector<1x16xf32> to vector<16xf32>
      %get3A_281 = arith.index_cast %scan3A_180 : i32 to index
      %get3A_282 = arith.constant 112 : index
      %get3A_283 = tpu.vector_load %arg9[%get3A_281, %get3A_282] {strides = array<i32>} : memref<16x1024xf32, #tpu.memory_space<vmem>>, vector<1x16xf32>,
      %get3A_284 = vector.shape_cast %get3A_283 : vector<1x16xf32> to vector<16xf32>
      %add3A_285 = arith.addf %get3A_280, %get3A_284 : vector<16xf32>
      %swap3A_286 = arith.index_cast %scan3A_180 : i32 to index
      %swap3A_287 = arith.constant 112 : index
      %swap3A_288 = tpu.vector_load %arg8[%swap3A_286, %swap3A_287] {strides = array<i32>} : memref<16x1024xf32, #tpu.memory_space<vmem>>, vector<1x16xf32>,
      %swap3A_289 = vector.shape_cast %swap3A_288 : vector<1x16xf32> to vector<16xf32>
      %swap3A_290 = vector.shape_cast %add3A_285 : vector<16xf32> to vector<1x16xf32>
      tpu.vector_store %arg8[%swap3A_286, %swap3A_287], %swap3A_290 {strides = array<i32>} : memref<16x1024xf32, #tpu.memory_space<vmem>>, vector<1x16xf32>,
      %get3A_291 = arith.index_cast %scan3A_180 : i32 to index
      %get3A_292 = arith.constant 128 : index
      %get3A_293 = tpu.vector_load %arg8[%get3A_291, %get3A_292] {strides = array<i32>} : memref<16x1024xf32, #tpu.memory_space<vmem>>, vector<1x16xf32>,
      %get3A_294 = vector.shape_cast %get3A_293 : vector<1x16xf32> to vector<16xf32>
      %get3A_295 = arith.index_cast %scan3A_180 : i32 to index
      %get3A_296 = arith.constant 128 : index
      %get3A_297 = tpu.vector_load %arg9[%get3A_295, %get3A_296] {strides = array<i32>} : memref<16x1024xf32, #tpu.memory_space<vmem>>, vector<1x16xf32>,
      %get3A_298 = vector.shape_cast %get3A_297 : vector<1x16xf32> to vector<16xf32>
      %add3A_299 = arith.addf %get3A_294, %get3A_298 : vector<16xf32>
      %swap3A_300 = arith.index_cast %scan3A_180 : i32 to index
      %swap3A_301 = arith.constant 128 : index
      %swap3A_302 = tpu.vector_load %arg8[%swap3A_300, %swap3A_301] {strides = array<i32>} : memref<16x1024xf32, #tpu.memory_space<vmem>>, vector<1x16xf32>,
      %swap3A_303 = vector.shape_cast %swap3A_302 : vector<1x16xf32> to vector<16xf32>
      %swap3A_304 = vector.shape_cast %add3A_299 : vector<16xf32> to vector<1x16xf32>
      tpu.vector_store %arg8[%swap3A_300, %swap3A_301], %swap3A_304 {strides = array<i32>} : memref<16x1024xf32, #tpu.memory_space<vmem>>, vector<1x16xf32>,
      %get3A_305 = arith.index_cast %scan3A_180 : i32 to index
      %get3A_306 = arith.constant 144 : index
      %get3A_307 = tpu.vector_load %arg8[%get3A_305, %get3A_306] {strides = array<i32>} : memref<16x1024xf32, #tpu.memory_space<vmem>>, vector<1x16xf32>,
      %get3A_308 = vector.shape_cast %get3A_307 : vector<1x16xf32> to vector<16xf32>
      %get3A_309 = arith.index_cast %scan3A_180 : i32 to index
      %get3A_310 = arith.constant 144 : index
      %get3A_311 = tpu.vector_load %arg9[%get3A_309, %get3A_310] {strides = array<i32>} : memref<16x1024xf32, #tpu.memory_space<vmem>>, vector<1x16xf32>,
      %get3A_312 = vector.shape_cast %get3A_311 : vector<1x16xf32> to vector<16xf32>
      %add3A_313 = arith.addf %get3A_308, %get3A_312 : vector<16xf32>
      %swap3A_314 = arith.index_cast %scan3A_180 : i32 to index
      %swap3A_315 = arith.constant 144 : index
      %swap3A_316 = tpu.vector_load %arg8[%swap3A_314, %swap3A_315] {strides = array<i32>} : memref<16x1024xf32, #tpu.memory_space<vmem>>, vector<1x16xf32>,
      %swap3A_317 = vector.shape_cast %swap3A_316 : vector<1x16xf32> to vector<16xf32>
      %swap3A_318 = vector.shape_cast %add3A_313 : vector<16xf32> to vector<1x16xf32>
      tpu.vector_store %arg8[%swap3A_314, %swap3A_315], %swap3A_318 {strides = array<i32>} : memref<16x1024xf32, #tpu.memory_space<vmem>>, vector<1x16xf32>,
      %get3A_319 = arith.index_cast %scan3A_180 : i32 to index
      %get3A_320 = arith.constant 160 : index
      %get3A_321 = tpu.vector_load %arg8[%get3A_319, %get3A_320] {strides = array<i32>} : memref<16x1024xf32, #tpu.memory_space<vmem>>, vector<1x16xf32>,
      %get3A_322 = vector.shape_cast %get3A_321 : vector<1x16xf32> to vector<16xf32>
      %get3A_323 = arith.index_cast %scan3A_180 : i32 to index
      %get3A_324 = arith.constant 160 : index
      %get3A_325 = tpu.vector_load %arg9[%get3A_323, %get3A_324] {strides = array<i32>} : memref<16x1024xf32, #tpu.memory_space<vmem>>, vector<1x16xf32>,
      %get3A_326 = vector.shape_cast %get3A_325 : vector<1x16xf32> to vector<16xf32>
      %add3A_327 = arith.addf %get3A_322, %get3A_326 : vector<16xf32>
      %swap3A_328 = arith.index_cast %scan3A_180 : i32 to index
      %swap3A_329 = arith.constant 160 : index
      %swap3A_330 = tpu.vector_load %arg8[%swap3A_328, %swap3A_329] {strides = array<i32>} : memref<16x1024xf32, #tpu.memory_space<vmem>>, vector<1x16xf32>,
      %swap3A_331 = vector.shape_cast %swap3A_330 : vector<1x16xf32> to vector<16xf32>
      %swap3A_332 = vector.shape_cast %add3A_327 : vector<16xf32> to vector<1x16xf32>
      tpu.vector_store %arg8[%swap3A_328, %swap3A_329], %swap3A_332 {strides = array<i32>} : memref<16x1024xf32, #tpu.memory_space<vmem>>, vector<1x16xf32>,
      %get3A_333 = arith.index_cast %scan3A_180 : i32 to index
      %get3A_334 = arith.constant 176 : index
      %get3A_335 = tpu.vector_load %arg8[%get3A_333, %get3A_334] {strides = array<i32>} : memref<16x1024xf32, #tpu.memory_space<vmem>>, vector<1x16xf32>,
      %get3A_336 = vector.shape_cast %get3A_335 : vector<1x16xf32> to vector<16xf32>
      %get3A_337 = arith.index_cast %scan3A_180 : i32 to index
      %get3A_338 = arith.constant 176 : index
      %get3A_339 = tpu.vector_load %arg9[%get3A_337, %get3A_338] {strides = array<i32>} : memref<16x1024xf32, #tpu.memory_space<vmem>>, vector<1x16xf32>,
      %get3A_340 = vector.shape_cast %get3A_339 : vector<1x16xf32> to vector<16xf32>
      %add3A_341 = arith.addf %get3A_336, %get3A_340 : vector<16xf32>
      %swap3A_342 = arith.index_cast %scan3A_180 : i32 to index
      %swap3A_343 = arith.constant 176 : index
      %swap3A_344 = tpu.vector_load %arg8[%swap3A_342, %swap3A_343] {strides = array<i32>} : memref<16x1024xf32, #tpu.memory_space<vmem>>, vector<1x16xf32>,
      %swap3A_345 = vector.shape_cast %swap3A_344 : vector<1x16xf32> to vector<16xf32>
      %swap3A_346 = vector.shape_cast %add3A_341 : vector<16xf32> to vector<1x16xf32>
      tpu.vector_store %arg8[%swap3A_342, %swap3A_343], %swap3A_346 {strides = array<i32>} : memref<16x1024xf32, #tpu.memory_space<vmem>>, vector<1x16xf32>,
      %get3A_347 = arith.index_cast %scan3A_180 : i32 to index
      %get3A_348 = arith.constant 192 : index
      %get3A_349 = tpu.vector_load %arg8[%get3A_347, %get3A_348] {strides = array<i32>} : memref<16x1024xf32, #tpu.memory_space<vmem>>, vector<1x16xf32>,
      %get3A_350 = vector.shape_cast %get3A_349 : vector<1x16xf32> to vector<16xf32>
      %get3A_351 = arith.index_cast %scan3A_180 : i32 to index
      %get3A_352 = arith.constant 192 : index
      %get3A_353 = tpu.vector_load %arg9[%get3A_351, %get3A_352] {strides = array<i32>} : memref<16x1024xf32, #tpu.memory_space<vmem>>, vector<1x16xf32>,
      %get3A_354 = vector.shape_cast %get3A_353 : vector<1x16xf32> to vector<16xf32>
      %add3A_355 = arith.addf %get3A_350, %get3A_354 : vector<16xf32>
      %swap3A_356 = arith.index_cast %scan3A_180 : i32 to index
      %swap3A_357 = arith.constant 192 : index
      %swap3A_358 = tpu.vector_load %arg8[%swap3A_356, %swap3A_357] {strides = array<i32>} : memref<16x1024xf32, #tpu.memory_space<vmem>>, vector<1x16xf32>,
      %swap3A_359 = vector.shape_cast %swap3A_358 : vector<1x16xf32> to vector<16xf32>
      %swap3A_360 = vector.shape_cast %add3A_355 : vector<16xf32> to vector<1x16xf32>
      tpu.vector_store %arg8[%swap3A_356, %swap3A_357], %swap3A_360 {strides = array<i32>} : memref<16x1024xf32, #tpu.memory_space<vmem>>, vector<1x16xf32>,
      %get3A_361 = arith.index_cast %scan3A_180 : i32 to index
      %get3A_362 = arith.constant 208 : index
      %get3A_363 = tpu.vector_load %arg8[%get3A_361, %get3A_362] {strides = array<i32>} : memref<16x1024xf32, #tpu.memory_space<vmem>>, vector<1x16xf32>,
      %get3A_364 = vector.shape_cast %get3A_363 : vector<1x16xf32> to vector<16xf32>
      %get3A_365 = arith.index_cast %scan3A_180 : i32 to index
      %get3A_366 = arith.constant 208 : index
      %get3A_367 = tpu.vector_load %arg9[%get3A_365, %get3A_366] {strides = array<i32>} : memref<16x1024xf32, #tpu.memory_space<vmem>>, vector<1x16xf32>,
      %get3A_368 = vector.shape_cast %get3A_367 : vector<1x16xf32> to vector<16xf32>
      %add3A_369 = arith.addf %get3A_364, %get3A_368 : vector<16xf32>
      %swap3A_370 = arith.index_cast %scan3A_180 : i32 to index
      %swap3A_371 = arith.constant 208 : index
      %swap3A_372 = tpu.vector_load %arg8[%swap3A_370, %swap3A_371] {strides = array<i32>} : memref<16x1024xf32, #tpu.memory_space<vmem>>, vector<1x16xf32>,
      %swap3A_373 = vector.shape_cast %swap3A_372 : vector<1x16xf32> to vector<16xf32>
      %swap3A_374 = vector.shape_cast %add3A_369 : vector<16xf32> to vector<1x16xf32>
      tpu.vector_store %arg8[%swap3A_370, %swap3A_371], %swap3A_374 {strides = array<i32>} : memref<16x1024xf32, #tpu.memory_space<vmem>>, vector<1x16xf32>,
      %get3A_375 = arith.index_cast %scan3A_180 : i32 to index
      %get3A_376 = arith.constant 224 : index
      %get3A_377 = tpu.vector_load %arg8[%get3A_375, %get3A_376] {strides = array<i32>} : memref<16x1024xf32, #tpu.memory_space<vmem>>, vector<1x16xf32>,
      %get3A_378 = vector.shape_cast %get3A_377 : vector<1x16xf32> to vector<16xf32>
      %get3A_379 = arith.index_cast %scan3A_180 : i32 to index
      %get3A_380 = arith.constant 224 : index
      %get3A_381 = tpu.vector_load %arg9[%get3A_379, %get3A_380] {strides = array<i32>} : memref<16x1024xf32, #tpu.memory_space<vmem>>, vector<1x16xf32>,
      %get3A_382 = vector.shape_cast %get3A_381 : vector<1x16xf32> to vector<16xf32>
      %add3A_383 = arith.addf %get3A_378, %get3A_382 : vector<16xf32>
      %swap3A_384 = arith.index_cast %scan3A_180 : i32 to index
      %swap3A_385 = arith.constant 224 : index
      %swap3A_386 = tpu.vector_load %arg8[%swap3A_384, %swap3A_385] {strides = array<i32>} : memref<16x1024xf32, #tpu.memory_space<vmem>>, vector<1x16xf32>,
      %swap3A_387 = vector.shape_cast %swap3A_386 : vector<1x16xf32> to vector<16xf32>
      %swap3A_388 = vector.shape_cast %add3A_383 : vector<16xf32> to vector<1x16xf32>
      tpu.vector_store %arg8[%swap3A_384, %swap3A_385], %swap3A_388 {strides = array<i32>} : memref<16x1024xf32, #tpu.memory_space<vmem>>, vector<1x16xf32>,
      %get3A_389 = arith.index_cast %scan3A_180 : i32 to index
      %get3A_390 = arith.constant 240 : index
      %get3A_391 = tpu.vector_load %arg8[%get3A_389, %get3A_390] {strides = array<i32>} : memref<16x1024xf32, #tpu.memory_space<vmem>>, vector<1x16xf32>,
      %get3A_392 = vector.shape_cast %get3A_391 : vector<1x16xf32> to vector<16xf32>
      %get3A_393 = arith.index_cast %scan3A_180 : i32 to index
      %get3A_394 = arith.constant 240 : index
      %get3A_395 = tpu.vector_load %arg9[%get3A_393, %get3A_394] {strides = array<i32>} : memref<16x1024xf32, #tpu.memory_space<vmem>>, vector<1x16xf32>,
      %get3A_396 = vector.shape_cast %get3A_395 : vector<1x16xf32> to vector<16xf32>
      %add3A_397 = arith.addf %get3A_392, %get3A_396 : vector<16xf32>
      %swap3A_398 = arith.index_cast %scan3A_180 : i32 to index
      %swap3A_399 = arith.constant 240 : index
      %swap3A_400 = tpu.vector_load %arg8[%swap3A_398, %swap3A_399] {strides = array<i32>} : memref<16x1024xf32, #tpu.memory_space<vmem>>, vector<1x16xf32>,
      %swap3A_401 = vector.shape_cast %swap3A_400 : vector<1x16xf32> to vector<16xf32>
      %swap3A_402 = vector.shape_cast %add3A_397 : vector<16xf32> to vector<1x16xf32>
      tpu.vector_store %arg8[%swap3A_398, %swap3A_399], %swap3A_402 {strides = array<i32>} : memref<16x1024xf32, #tpu.memory_space<vmem>>, vector<1x16xf32>,
      %get3A_403 = arith.index_cast %scan3A_180 : i32 to index
      %get3A_404 = arith.constant 256 : index
      %get3A_405 = tpu.vector_load %arg8[%get3A_403, %get3A_404] {strides = array<i32>} : memref<16x1024xf32, #tpu.memory_space<vmem>>, vector<1x16xf32>,
      %get3A_406 = vector.shape_cast %get3A_405 : vector<1x16xf32> to vector<16xf32>
      %get3A_407 = arith.index_cast %scan3A_180 : i32 to index
      %get3A_408 = arith.constant 256 : index
      %get3A_409 = tpu.vector_load %arg9[%get3A_407, %get3A_408] {strides = array<i32>} : memref<16x1024xf32, #tpu.memory_space<vmem>>, vector<1x16xf32>,
      %get3A_410 = vector.shape_cast %get3A_409 : vector<1x16xf32> to vector<16xf32>
      %add3A_411 = arith.addf %get3A_406, %get3A_410 : vector<16xf32>
      %swap3A_412 = arith.index_cast %scan3A_180 : i32 to index
      %swap3A_413 = arith.constant 256 : index
      %swap3A_414 = tpu.vector_load %arg8[%swap3A_412, %swap3A_413] {strides = array<i32>} : memref<16x1024xf32, #tpu.memory_space<vmem>>, vector<1x16xf32>,
      %swap3A_415 = vector.shape_cast %swap3A_414 : vector<1x16xf32> to vector<16xf32>
      %swap3A_416 = vector.shape_cast %add3A_411 : vector<16xf32> to vector<1x16xf32>
      tpu.vector_store %arg8[%swap3A_412, %swap3A_413], %swap3A_416 {strides = array<i32>} : memref<16x1024xf32, #tpu.memory_space<vmem>>, vector<1x16xf32>,
      %get3A_417 = arith.index_cast %scan3A_180 : i32 to index
      %get3A_418 = arith.constant 272 : index
      %get3A_419 = tpu.vector_load %arg8[%get3A_417, %get3A_418] {strides = array<i32>} : memref<16x1024xf32, #tpu.memory_space<vmem>>, vector<1x16xf32>,
      %get3A_420 = vector.shape_cast %get3A_419 : vector<1x16xf32> to vector<16xf32>
      %get3A_421 = arith.index_cast %scan3A_180 : i32 to index
      %get3A_422 = arith.constant 272 : index
      %get3A_423 = tpu.vector_load %arg9[%get3A_421, %get3A_422] {strides = array<i32>} : memref<16x1024xf32, #tpu.memory_space<vmem>>, vector<1x16xf32>,
      %get3A_424 = vector.shape_cast %get3A_423 : vector<1x16xf32> to vector<16xf32>
      %add3A_425 = arith.addf %get3A_420, %get3A_424 : vector<16xf32>
      %swap3A_426 = arith.index_cast %scan3A_180 : i32 to index
      %swap3A_427 = arith.constant 272 : index
      %swap3A_428 = tpu.vector_load %arg8[%swap3A_426, %swap3A_427] {strides = array<i32>} : memref<16x1024xf32, #tpu.memory_space<vmem>>, vector<1x16xf32>,
      %swap3A_429 = vector.shape_cast %swap3A_428 : vector<1x16xf32> to vector<16xf32>
      %swap3A_430 = vector.shape_cast %add3A_425 : vector<16xf32> to vector<1x16xf32>
      tpu.vector_store %arg8[%swap3A_426, %swap3A_427], %swap3A_430 {strides = array<i32>} : memref<16x1024xf32, #tpu.memory_space<vmem>>, vector<1x16xf32>,
      %get3A_431 = arith.index_cast %scan3A_180 : i32 to index
      %get3A_432 = arith.constant 288 : index
      %get3A_433 = tpu.vector_load %arg8[%get3A_431, %get3A_432] {strides = array<i32>} : memref<16x1024xf32, #tpu.memory_space<vmem>>, vector<1x16xf32>,
      %get3A_434 = vector.shape_cast %get3A_433 : vector<1x16xf32> to vector<16xf32>
      %get3A_435 = arith.index_cast %scan3A_180 : i32 to index
      %get3A_436 = arith.constant 288 : index
      %get3A_437 = tpu.vector_load %arg9[%get3A_435, %get3A_436] {strides = array<i32>} : memref<16x1024xf32, #tpu.memory_space<vmem>>, vector<1x16xf32>,
      %get3A_438 = vector.shape_cast %get3A_437 : vector<1x16xf32> to vector<16xf32>
      %add3A_439 = arith.addf %get3A_434, %get3A_438 : vector<16xf32>
      %swap3A_440 = arith.index_cast %scan3A_180 : i32 to index
      %swap3A_441 = arith.constant 288 : index
      %swap3A_442 = tpu.vector_load %arg8[%swap3A_440, %swap3A_441] {strides = array<i32>} : memref<16x1024xf32, #tpu.memory_space<vmem>>, vector<1x16xf32>,
      %swap3A_443 = vector.shape_cast %swap3A_442 : vector<1x16xf32> to vector<16xf32>
      %swap3A_444 = vector.shape_cast %add3A_439 : vector<16xf32> to vector<1x16xf32>
      tpu.vector_store %arg8[%swap3A_440, %swap3A_441], %swap3A_444 {strides = array<i32>} : memref<16x1024xf32, #tpu.memory_space<vmem>>, vector<1x16xf32>,
      %get3A_445 = arith.index_cast %scan3A_180 : i32 to index
      %get3A_446 = arith.constant 304 : index
      %get3A_447 = tpu.vector_load %arg8[%get3A_445, %get3A_446] {strides = array<i32>} : memref<16x1024xf32, #tpu.memory_space<vmem>>, vector<1x16xf32>,
      %get3A_448 = vector.shape_cast %get3A_447 : vector<1x16xf32> to vector<16xf32>
      %get3A_449 = arith.index_cast %scan3A_180 : i32 to index
      %get3A_450 = arith.constant 304 : index
      %get3A_451 = tpu.vector_load %arg9[%get3A_449, %get3A_450] {strides = array<i32>} : memref<16x1024xf32, #tpu.memory_space<vmem>>, vector<1x16xf32>,
      %get3A_452 = vector.shape_cast %get3A_451 : vector<1x16xf32> to vector<16xf32>
      %add3A_453 = arith.addf %get3A_448, %get3A_452 : vector<16xf32>
      %swap3A_454 = arith.index_cast %scan3A_180 : i32 to index
      %swap3A_455 = arith.constant 304 : index
      %swap3A_456 = tpu.vector_load %arg8[%swap3A_454, %swap3A_455] {strides = array<i32>} : memref<16x1024xf32, #tpu.memory_space<vmem>>, vector<1x16xf32>,
      %swap3A_457 = vector.shape_cast %swap3A_456 : vector<1x16xf32> to vector<16xf32>
      %swap3A_458 = vector.shape_cast %add3A_453 : vector<16xf32> to vector<1x16xf32>
      tpu.vector_store %arg8[%swap3A_454, %swap3A_455], %swap3A_458 {strides = array<i32>} : memref<16x1024xf32, #tpu.memory_space<vmem>>, vector<1x16xf32>,
      %get3A_459 = arith.index_cast %scan3A_180 : i32 to index
      %get3A_460 = arith.constant 320 : index
      %get3A_461 = tpu.vector_load %arg8[%get3A_459, %get3A_460] {strides = array<i32>} : memref<16x1024xf32, #tpu.memory_space<vmem>>, vector<1x16xf32>,
      %get3A_462 = vector.shape_cast %get3A_461 : vector<1x16xf32> to vector<16xf32>
      %get3A_463 = arith.index_cast %scan3A_180 : i32 to index
      %get3A_464 = arith.constant 320 : index
      %get3A_465 = tpu.vector_load %arg9[%get3A_463, %get3A_464] {strides = array<i32>} : memref<16x1024xf32, #tpu.memory_space<vmem>>, vector<1x16xf32>,
      %get3A_466 = vector.shape_cast %get3A_465 : vector<1x16xf32> to vector<16xf32>
      %add3A_467 = arith.addf %get3A_462, %get3A_466 : vector<16xf32>
      %swap3A_468 = arith.index_cast %scan3A_180 : i32 to index
      %swap3A_469 = arith.constant 320 : index
      %swap3A_470 = tpu.vector_load %arg8[%swap3A_468, %swap3A_469] {strides = array<i32>} : memref<16x1024xf32, #tpu.memory_space<vmem>>, vector<1x16xf32>,
      %swap3A_471 = vector.shape_cast %swap3A_470 : vector<1x16xf32> to vector<16xf32>
      %swap3A_472 = vector.shape_cast %add3A_467 : vector<16xf32> to vector<1x16xf32>
      tpu.vector_store %arg8[%swap3A_468, %swap3A_469], %swap3A_472 {strides = array<i32>} : memref<16x1024xf32, #tpu.memory_space<vmem>>, vector<1x16xf32>,
      %get3A_473 = arith.index_cast %scan3A_180 : i32 to index
      %get3A_474 = arith.constant 336 : index
      %get3A_475 = tpu.vector_load %arg8[%get3A_473, %get3A_474] {strides = array<i32>} : memref<16x1024xf32, #tpu.memory_space<vmem>>, vector<1x16xf32>,
      %get3A_476 = vector.shape_cast %get3A_475 : vector<1x16xf32> to vector<16xf32>
      %get3A_477 = arith.index_cast %scan3A_180 : i32 to index
      %get3A_478 = arith.constant 336 : index
      %get3A_479 = tpu.vector_load %arg9[%get3A_477, %get3A_478] {strides = array<i32>} : memref<16x1024xf32, #tpu.memory_space<vmem>>, vector<1x16xf32>,
      %get3A_480 = vector.shape_cast %get3A_479 : vector<1x16xf32> to vector<16xf32>
      %add3A_481 = arith.addf %get3A_476, %get3A_480 : vector<16xf32>
      %swap3A_482 = arith.index_cast %scan3A_180 : i32 to index
      %swap3A_483 = arith.constant 336 : index
      %swap3A_484 = tpu.vector_load %arg8[%swap3A_482, %swap3A_483] {strides = array<i32>} : memref<16x1024xf32, #tpu.memory_space<vmem>>, vector<1x16xf32>,
      %swap3A_485 = vector.shape_cast %swap3A_484 : vector<1x16xf32> to vector<16xf32>
      %swap3A_486 = vector.shape_cast %add3A_481 : vector<16xf32> to vector<1x16xf32>
      tpu.vector_store %arg8[%swap3A_482, %swap3A_483], %swap3A_486 {strides = array<i32>} : memref<16x1024xf32, #tpu.memory_space<vmem>>, vector<1x16xf32>,
      %get3A_487 = arith.index_cast %scan3A_180 : i32 to index
      %get3A_488 = arith.constant 352 : index
      %get3A_489 = tpu.vector_load %arg8[%get3A_487, %get3A_488] {strides = array<i32>} : memref<16x1024xf32, #tpu.memory_space<vmem>>, vector<1x16xf32>,
      %get3A_490 = vector.shape_cast %get3A_489 : vector<1x16xf32> to vector<16xf32>
      %get3A_491 = arith.index_cast %scan3A_180 : i32 to index
      %get3A_492 = arith.constant 352 : index
      %get3A_493 = tpu.vector_load %arg9[%get3A_491, %get3A_492] {strides = array<i32>} : memref<16x1024xf32, #tpu.memory_space<vmem>>, vector<1x16xf32>,
      %get3A_494 = vector.shape_cast %get3A_493 : vector<1x16xf32> to vector<16xf32>
      %add3A_495 = arith.addf %get3A_490, %get3A_494 : vector<16xf32>
      %swap3A_496 = arith.index_cast %scan3A_180 : i32 to index
      %swap3A_497 = arith.constant 352 : index
      %swap3A_498 = tpu.vector_load %arg8[%swap3A_496, %swap3A_497] {strides = array<i32>} : memref<16x1024xf32, #tpu.memory_space<vmem>>, vector<1x16xf32>,
      %swap3A_499 = vector.shape_cast %swap3A_498 : vector<1x16xf32> to vector<16xf32>
      %swap3A_500 = vector.shape_cast %add3A_495 : vector<16xf32> to vector<1x16xf32>
      tpu.vector_store %arg8[%swap3A_496, %swap3A_497], %swap3A_500 {strides = array<i32>} : memref<16x1024xf32, #tpu.memory_space<vmem>>, vector<1x16xf32>,
      %get3A_501 = arith.index_cast %scan3A_180 : i32 to index
      %get3A_502 = arith.constant 368 : index
      %get3A_503 = tpu.vector_load %arg8[%get3A_501, %get3A_502] {strides = array<i32>} : memref<16x1024xf32, #tpu.memory_space<vmem>>, vector<1x16xf32>,
      %get3A_504 = vector.shape_cast %get3A_503 : vector<1x16xf32> to vector<16xf32>
      %get3A_505 = arith.index_cast %scan3A_180 : i32 to index
      %get3A_506 = arith.constant 368 : index
      %get3A_507 = tpu.vector_load %arg9[%get3A_505, %get3A_506] {strides = array<i32>} : memref<16x1024xf32, #tpu.memory_space<vmem>>, vector<1x16xf32>,
      %get3A_508 = vector.shape_cast %get3A_507 : vector<1x16xf32> to vector<16xf32>
      %add3A_509 = arith.addf %get3A_504, %get3A_508 : vector<16xf32>
      %swap3A_510 = arith.index_cast %scan3A_180 : i32 to index
      %swap3A_511 = arith.constant 368 : index
      %swap3A_512 = tpu.vector_load %arg8[%swap3A_510, %swap3A_511] {strides = array<i32>} : memref<16x1024xf32, #tpu.memory_space<vmem>>, vector<1x16xf32>,
      %swap3A_513 = vector.shape_cast %swap3A_512 : vector<1x16xf32> to vector<16xf32>
      %swap3A_514 = vector.shape_cast %add3A_509 : vector<16xf32> to vector<1x16xf32>
      tpu.vector_store %arg8[%swap3A_510, %swap3A_511], %swap3A_514 {strides = array<i32>} : memref<16x1024xf32, #tpu.memory_space<vmem>>, vector<1x16xf32>,
      %get3A_515 = arith.index_cast %scan3A_180 : i32 to index
      %get3A_516 = arith.constant 384 : index
      %get3A_517 = tpu.vector_load %arg8[%get3A_515, %get3A_516] {strides = array<i32>} : memref<16x1024xf32, #tpu.memory_space<vmem>>, vector<1x16xf32>,
      %get3A_518 = vector.shape_cast %get3A_517 : vector<1x16xf32> to vector<16xf32>
      %get3A_519 = arith.index_cast %scan3A_180 : i32 to index
      %get3A_520 = arith.constant 384 : index
      %get3A_521 = tpu.vector_load %arg9[%get3A_519, %get3A_520] {strides = array<i32>} : memref<16x1024xf32, #tpu.memory_space<vmem>>, vector<1x16xf32>,
      %get3A_522 = vector.shape_cast %get3A_521 : vector<1x16xf32> to vector<16xf32>
      %add3A_523 = arith.addf %get3A_518, %get3A_522 : vector<16xf32>
      %swap3A_524 = arith.index_cast %scan3A_180 : i32 to index
      %swap3A_525 = arith.constant 384 : index
      %swap3A_526 = tpu.vector_load %arg8[%swap3A_524, %swap3A_525] {strides = array<i32>} : memref<16x1024xf32, #tpu.memory_space<vmem>>, vector<1x16xf32>,
      %swap3A_527 = vector.shape_cast %swap3A_526 : vector<1x16xf32> to vector<16xf32>
      %swap3A_528 = vector.shape_cast %add3A_523 : vector<16xf32> to vector<1x16xf32>
      tpu.vector_store %arg8[%swap3A_524, %swap3A_525], %swap3A_528 {strides = array<i32>} : memref<16x1024xf32, #tpu.memory_space<vmem>>, vector<1x16xf32>,
      %get3A_529 = arith.index_cast %scan3A_180 : i32 to index
      %get3A_530 = arith.constant 400 : index
      %get3A_531 = tpu.vector_load %arg8[%get3A_529, %get3A_530] {strides = array<i32>} : memref<16x1024xf32, #tpu.memory_space<vmem>>, vector<1x16xf32>,
      %get3A_532 = vector.shape_cast %get3A_531 : vector<1x16xf32> to vector<16xf32>
      %get3A_533 = arith.index_cast %scan3A_180 : i32 to index
      %get3A_534 = arith.constant 400 : index
      %get3A_535 = tpu.vector_load %arg9[%get3A_533, %get3A_534] {strides = array<i32>} : memref<16x1024xf32, #tpu.memory_space<vmem>>, vector<1x16xf32>,
      %get3A_536 = vector.shape_cast %get3A_535 : vector<1x16xf32> to vector<16xf32>
      %add3A_537 = arith.addf %get3A_532, %get3A_536 : vector<16xf32>
      %swap3A_538 = arith.index_cast %scan3A_180 : i32 to index
      %swap3A_539 = arith.constant 400 : index
      %swap3A_540 = tpu.vector_load %arg8[%swap3A_538, %swap3A_539] {strides = array<i32>} : memref<16x1024xf32, #tpu.memory_space<vmem>>, vector<1x16xf32>,
      %swap3A_541 = vector.shape_cast %swap3A_540 : vector<1x16xf32> to vector<16xf32>
      %swap3A_542 = vector.shape_cast %add3A_537 : vector<16xf32> to vector<1x16xf32>
      tpu.vector_store %arg8[%swap3A_538, %swap3A_539], %swap3A_542 {strides = array<i32>} : memref<16x1024xf32, #tpu.memory_space<vmem>>, vector<1x16xf32>,
      %get3A_543 = arith.index_cast %scan3A_180 : i32 to index
      %get3A_544 = arith.constant 416 : index
      %get3A_545 = tpu.vector_load %arg8[%get3A_543, %get3A_544] {strides = array<i32>} : memref<16x1024xf32, #tpu.memory_space<vmem>>, vector<1x16xf32>,
      %get3A_546 = vector.shape_cast %get3A_545 : vector<1x16xf32> to vector<16xf32>
      %get3A_547 = arith.index_cast %scan3A_180 : i32 to index
      %get3A_548 = arith.constant 416 : index
      %get3A_549 = tpu.vector_load %arg9[%get3A_547, %get3A_548] {strides = array<i32>} : memref<16x1024xf32, #tpu.memory_space<vmem>>, vector<1x16xf32>,
      %get3A_550 = vector.shape_cast %get3A_549 : vector<1x16xf32> to vector<16xf32>
      %add3A_551 = arith.addf %get3A_546, %get3A_550 : vector<16xf32>
      %swap3A_552 = arith.index_cast %scan3A_180 : i32 to index
      %swap3A_553 = arith.constant 416 : index
      %swap3A_554 = tpu.vector_load %arg8[%swap3A_552, %swap3A_553] {strides = array<i32>} : memref<16x1024xf32, #tpu.memory_space<vmem>>, vector<1x16xf32>,
      %swap3A_555 = vector.shape_cast %swap3A_554 : vector<1x16xf32> to vector<16xf32>
      %swap3A_556 = vector.shape_cast %add3A_551 : vector<16xf32> to vector<1x16xf32>
      tpu.vector_store %arg8[%swap3A_552, %swap3A_553], %swap3A_556 {strides = array<i32>} : memref<16x1024xf32, #tpu.memory_space<vmem>>, vector<1x16xf32>,
      %get3A_557 = arith.index_cast %scan3A_180 : i32 to index
      %get3A_558 = arith.constant 432 : index
      %get3A_559 = tpu.vector_load %arg8[%get3A_557, %get3A_558] {strides = array<i32>} : memref<16x1024xf32, #tpu.memory_space<vmem>>, vector<1x16xf32>,
      %get3A_560 = vector.shape_cast %get3A_559 : vector<1x16xf32> to vector<16xf32>
      %get3A_561 = arith.index_cast %scan3A_180 : i32 to index
      %get3A_562 = arith.constant 432 : index
      %get3A_563 = tpu.vector_load %arg9[%get3A_561, %get3A_562] {strides = array<i32>} : memref<16x1024xf32, #tpu.memory_space<vmem>>, vector<1x16xf32>,
      %get3A_564 = vector.shape_cast %get3A_563 : vector<1x16xf32> to vector<16xf32>
      %add3A_565 = arith.addf %get3A_560, %get3A_564 : vector<16xf32>
      %swap3A_566 = arith.index_cast %scan3A_180 : i32 to index
      %swap3A_567 = arith.constant 432 : index
      %swap3A_568 = tpu.vector_load %arg8[%swap3A_566, %swap3A_567] {strides = array<i32>} : memref<16x1024xf32, #tpu.memory_space<vmem>>, vector<1x16xf32>,
      %swap3A_569 = vector.shape_cast %swap3A_568 : vector<1x16xf32> to vector<16xf32>
      %swap3A_570 = vector.shape_cast %add3A_565 : vector<16xf32> to vector<1x16xf32>
      tpu.vector_store %arg8[%swap3A_566, %swap3A_567], %swap3A_570 {strides = array<i32>} : memref<16x1024xf32, #tpu.memory_space<vmem>>, vector<1x16xf32>,
      %get3A_571 = arith.index_cast %scan3A_180 : i32 to index
      %get3A_572 = arith.constant 448 : index
      %get3A_573 = tpu.vector_load %arg8[%get3A_571, %get3A_572] {strides = array<i32>} : memref<16x1024xf32, #tpu.memory_space<vmem>>, vector<1x16xf32>,
      %get3A_574 = vector.shape_cast %get3A_573 : vector<1x16xf32> to vector<16xf32>
      %get3A_575 = arith.index_cast %scan3A_180 : i32 to index
      %get3A_576 = arith.constant 448 : index
      %get3A_577 = tpu.vector_load %arg9[%get3A_575, %get3A_576] {strides = array<i32>} : memref<16x1024xf32, #tpu.memory_space<vmem>>, vector<1x16xf32>,
      %get3A_578 = vector.shape_cast %get3A_577 : vector<1x16xf32> to vector<16xf32>
      %add3A_579 = arith.addf %get3A_574, %get3A_578 : vector<16xf32>
      %swap3A_580 = arith.index_cast %scan3A_180 : i32 to index
      %swap3A_581 = arith.constant 448 : index
      %swap3A_582 = tpu.vector_load %arg8[%swap3A_580, %swap3A_581] {strides = array<i32>} : memref<16x1024xf32, #tpu.memory_space<vmem>>, vector<1x16xf32>,
      %swap3A_583 = vector.shape_cast %swap3A_582 : vector<1x16xf32> to vector<16xf32>
      %swap3A_584 = vector.shape_cast %add3A_579 : vector<16xf32> to vector<1x16xf32>
      tpu.vector_store %arg8[%swap3A_580, %swap3A_581], %swap3A_584 {strides = array<i32>} : memref<16x1024xf32, #tpu.memory_space<vmem>>, vector<1x16xf32>,
      %get3A_585 = arith.index_cast %scan3A_180 : i32 to index
      %get3A_586 = arith.constant 464 : index
      %get3A_587 = tpu.vector_load %arg8[%get3A_585, %get3A_586] {strides = array<i32>} : memref<16x1024xf32, #tpu.memory_space<vmem>>, vector<1x16xf32>,
      %get3A_588 = vector.shape_cast %get3A_587 : vector<1x16xf32> to vector<16xf32>
      %get3A_589 = arith.index_cast %scan3A_180 : i32 to index
      %get3A_590 = arith.constant 464 : index
      %get3A_591 = tpu.vector_load %arg9[%get3A_589, %get3A_590] {strides = array<i32>} : memref<16x1024xf32, #tpu.memory_space<vmem>>, vector<1x16xf32>,
      %get3A_592 = vector.shape_cast %get3A_591 : vector<1x16xf32> to vector<16xf32>
      %add3A_593 = arith.addf %get3A_588, %get3A_592 : vector<16xf32>
      %swap3A_594 = arith.index_cast %scan3A_180 : i32 to index
      %swap3A_595 = arith.constant 464 : index
      %swap3A_596 = tpu.vector_load %arg8[%swap3A_594, %swap3A_595] {strides = array<i32>} : memref<16x1024xf32, #tpu.memory_space<vmem>>, vector<1x16xf32>,
      %swap3A_597 = vector.shape_cast %swap3A_596 : vector<1x16xf32> to vector<16xf32>
      %swap3A_598 = vector.shape_cast %add3A_593 : vector<16xf32> to vector<1x16xf32>
      tpu.vector_store %arg8[%swap3A_594, %swap3A_595], %swap3A_598 {strides = array<i32>} : memref<16x1024xf32, #tpu.memory_space<vmem>>, vector<1x16xf32>,
      %get3A_599 = arith.index_cast %scan3A_180 : i32 to index
      %get3A_600 = arith.constant 480 : index
      %get3A_601 = tpu.vector_load %arg8[%get3A_599, %get3A_600] {strides = array<i32>} : memref<16x1024xf32, #tpu.memory_space<vmem>>, vector<1x16xf32>,
      %get3A_602 = vector.shape_cast %get3A_601 : vector<1x16xf32> to vector<16xf32>
      %get3A_603 = arith.index_cast %scan3A_180 : i32 to index
      %get3A_604 = arith.constant 480 : index
      %get3A_605 = tpu.vector_load %arg9[%get3A_603, %get3A_604] {strides = array<i32>} : memref<16x1024xf32, #tpu.memory_space<vmem>>, vector<1x16xf32>,
      %get3A_606 = vector.shape_cast %get3A_605 : vector<1x16xf32> to vector<16xf32>
      %add3A_607 = arith.addf %get3A_602, %get3A_606 : vector<16xf32>
      %swap3A_608 = arith.index_cast %scan3A_180 : i32 to index
      %swap3A_609 = arith.constant 480 : index
      %swap3A_610 = tpu.vector_load %arg8[%swap3A_608, %swap3A_609] {strides = array<i32>} : memref<16x1024xf32, #tpu.memory_space<vmem>>, vector<1x16xf32>,
      %swap3A_611 = vector.shape_cast %swap3A_610 : vector<1x16xf32> to vector<16xf32>
      %swap3A_612 = vector.shape_cast %add3A_607 : vector<16xf32> to vector<1x16xf32>
      tpu.vector_store %arg8[%swap3A_608, %swap3A_609], %swap3A_612 {strides = array<i32>} : memref<16x1024xf32, #tpu.memory_space<vmem>>, vector<1x16xf32>,
      %get3A_613 = arith.index_cast %scan3A_180 : i32 to index
      %get3A_614 = arith.constant 496 : index
      %get3A_615 = tpu.vector_load %arg8[%get3A_613, %get3A_614] {strides = array<i32>} : memref<16x1024xf32, #tpu.memory_space<vmem>>, vector<1x16xf32>,
      %get3A_616 = vector.shape_cast %get3A_615 : vector<1x16xf32> to vector<16xf32>
      %get3A_617 = arith.index_cast %scan3A_180 : i32 to index
      %get3A_618 = arith.constant 496 : index
      %get3A_619 = tpu.vector_load %arg9[%get3A_617, %get3A_618] {strides = array<i32>} : memref<16x1024xf32, #tpu.memory_space<vmem>>, vector<1x16xf32>,
      %get3A_620 = vector.shape_cast %get3A_619 : vector<1x16xf32> to vector<16xf32>
      %add3A_621 = arith.addf %get3A_616, %get3A_620 : vector<16xf32>
      %swap3A_622 = arith.index_cast %scan3A_180 : i32 to index
      %swap3A_623 = arith.constant 496 : index
      %swap3A_624 = tpu.vector_load %arg8[%swap3A_622, %swap3A_623] {strides = array<i32>} : memref<16x1024xf32, #tpu.memory_space<vmem>>, vector<1x16xf32>,
      %swap3A_625 = vector.shape_cast %swap3A_624 : vector<1x16xf32> to vector<16xf32>
      %swap3A_626 = vector.shape_cast %add3A_621 : vector<16xf32> to vector<1x16xf32>
      tpu.vector_store %arg8[%swap3A_622, %swap3A_623], %swap3A_626 {strides = array<i32>} : memref<16x1024xf32, #tpu.memory_space<vmem>>, vector<1x16xf32>,
      %get3A_627 = arith.index_cast %scan3A_180 : i32 to index
      %get3A_628 = arith.constant 512 : index
      %get3A_629 = tpu.vector_load %arg8[%get3A_627, %get3A_628] {strides = array<i32>} : memref<16x1024xf32, #tpu.memory_space<vmem>>, vector<1x16xf32>,
      %get3A_630 = vector.shape_cast %get3A_629 : vector<1x16xf32> to vector<16xf32>
      %get3A_631 = arith.index_cast %scan3A_180 : i32 to index
      %get3A_632 = arith.constant 512 : index
      %get3A_633 = tpu.vector_load %arg9[%get3A_631, %get3A_632] {strides = array<i32>} : memref<16x1024xf32, #tpu.memory_space<vmem>>, vector<1x16xf32>,
      %get3A_634 = vector.shape_cast %get3A_633 : vector<1x16xf32> to vector<16xf32>
      %add3A_635 = arith.addf %get3A_630, %get3A_634 : vector<16xf32>
      %swap3A_636 = arith.index_cast %scan3A_180 : i32 to index
      %swap3A_637 = arith.constant 512 : index
      %swap3A_638 = tpu.vector_load %arg8[%swap3A_636, %swap3A_637] {strides = array<i32>} : memref<16x1024xf32, #tpu.memory_space<vmem>>, vector<1x16xf32>,
      %swap3A_639 = vector.shape_cast %swap3A_638 : vector<1x16xf32> to vector<16xf32>
      %swap3A_640 = vector.shape_cast %add3A_635 : vector<16xf32> to vector<1x16xf32>
      tpu.vector_store %arg8[%swap3A_636, %swap3A_637], %swap3A_640 {strides = array<i32>} : memref<16x1024xf32, #tpu.memory_space<vmem>>, vector<1x16xf32>,
      %get3A_641 = arith.index_cast %scan3A_180 : i32 to index
      %get3A_642 = arith.constant 528 : index
      %get3A_643 = tpu.vector_load %arg8[%get3A_641, %get3A_642] {strides = array<i32>} : memref<16x1024xf32, #tpu.memory_space<vmem>>, vector<1x16xf32>,
      %get3A_644 = vector.shape_cast %get3A_643 : vector<1x16xf32> to vector<16xf32>
      %get3A_645 = arith.index_cast %scan3A_180 : i32 to index
      %get3A_646 = arith.constant 528 : index
      %get3A_647 = tpu.vector_load %arg9[%get3A_645, %get3A_646] {strides = array<i32>} : memref<16x1024xf32, #tpu.memory_space<vmem>>, vector<1x16xf32>,
      %get3A_648 = vector.shape_cast %get3A_647 : vector<1x16xf32> to vector<16xf32>
      %add3A_649 = arith.addf %get3A_644, %get3A_648 : vector<16xf32>
      %swap3A_650 = arith.index_cast %scan3A_180 : i32 to index
      %swap3A_651 = arith.constant 528 : index
      %swap3A_652 = tpu.vector_load %arg8[%swap3A_650, %swap3A_651] {strides = array<i32>} : memref<16x1024xf32, #tpu.memory_space<vmem>>, vector<1x16xf32>,
      %swap3A_653 = vector.shape_cast %swap3A_652 : vector<1x16xf32> to vector<16xf32>
      %swap3A_654 = vector.shape_cast %add3A_649 : vector<16xf32> to vector<1x16xf32>
      tpu.vector_store %arg8[%swap3A_650, %swap3A_651], %swap3A_654 {strides = array<i32>} : memref<16x1024xf32, #tpu.memory_space<vmem>>, vector<1x16xf32>,
      %get3A_655 = arith.index_cast %scan3A_180 : i32 to index
      %get3A_656 = arith.constant 544 : index
      %get3A_657 = tpu.vector_load %arg8[%get3A_655, %get3A_656] {strides = array<i32>} : memref<16x1024xf32, #tpu.memory_space<vmem>>, vector<1x16xf32>,
      %get3A_658 = vector.shape_cast %get3A_657 : vector<1x16xf32> to vector<16xf32>
      %get3A_659 = arith.index_cast %scan3A_180 : i32 to index
      %get3A_660 = arith.constant 544 : index
      %get3A_661 = tpu.vector_load %arg9[%get3A_659, %get3A_660] {strides = array<i32>} : memref<16x1024xf32, #tpu.memory_space<vmem>>, vector<1x16xf32>,
      %get3A_662 = vector.shape_cast %get3A_661 : vector<1x16xf32> to vector<16xf32>
      %add3A_663 = arith.addf %get3A_658, %get3A_662 : vector<16xf32>
      %swap3A_664 = arith.index_cast %scan3A_180 : i32 to index
      %swap3A_665 = arith.constant 544 : index
      %swap3A_666 = tpu.vector_load %arg8[%swap3A_664, %swap3A_665] {strides = array<i32>} : memref<16x1024xf32, #tpu.memory_space<vmem>>, vector<1x16xf32>,
      %swap3A_667 = vector.shape_cast %swap3A_666 : vector<1x16xf32> to vector<16xf32>
      %swap3A_668 = vector.shape_cast %add3A_663 : vector<16xf32> to vector<1x16xf32>
      tpu.vector_store %arg8[%swap3A_664, %swap3A_665], %swap3A_668 {strides = array<i32>} : memref<16x1024xf32, #tpu.memory_space<vmem>>, vector<1x16xf32>,
      %get3A_669 = arith.index_cast %scan3A_180 : i32 to index
      %get3A_670 = arith.constant 560 : index
      %get3A_671 = tpu.vector_load %arg8[%get3A_669, %get3A_670] {strides = array<i32>} : memref<16x1024xf32, #tpu.memory_space<vmem>>, vector<1x16xf32>,
      %get3A_672 = vector.shape_cast %get3A_671 : vector<1x16xf32> to vector<16xf32>
      %get3A_673 = arith.index_cast %scan3A_180 : i32 to index
      %get3A_674 = arith.constant 560 : index
      %get3A_675 = tpu.vector_load %arg9[%get3A_673, %get3A_674] {strides = array<i32>} : memref<16x1024xf32, #tpu.memory_space<vmem>>, vector<1x16xf32>,
      %get3A_676 = vector.shape_cast %get3A_675 : vector<1x16xf32> to vector<16xf32>
      %add3A_677 = arith.addf %get3A_672, %get3A_676 : vector<16xf32>
      %swap3A_678 = arith.index_cast %scan3A_180 : i32 to index
      %swap3A_679 = arith.constant 560 : index
      %swap3A_680 = tpu.vector_load %arg8[%swap3A_678, %swap3A_679] {strides = array<i32>} : memref<16x1024xf32, #tpu.memory_space<vmem>>, vector<1x16xf32>,
      %swap3A_681 = vector.shape_cast %swap3A_680 : vector<1x16xf32> to vector<16xf32>
      %swap3A_682 = vector.shape_cast %add3A_677 : vector<16xf32> to vector<1x16xf32>
      tpu.vector_store %arg8[%swap3A_678, %swap3A_679], %swap3A_682 {strides = array<i32>} : memref<16x1024xf32, #tpu.memory_space<vmem>>, vector<1x16xf32>,
      %get3A_683 = arith.index_cast %scan3A_180 : i32 to index
      %get3A_684 = arith.constant 576 : index
      %get3A_685 = tpu.vector_load %arg8[%get3A_683, %get3A_684] {strides = array<i32>} : memref<16x1024xf32, #tpu.memory_space<vmem>>, vector<1x16xf32>,
      %get3A_686 = vector.shape_cast %get3A_685 : vector<1x16xf32> to vector<16xf32>
      %get3A_687 = arith.index_cast %scan3A_180 : i32 to index
      %get3A_688 = arith.constant 576 : index
      %get3A_689 = tpu.vector_load %arg9[%get3A_687, %get3A_688] {strides = array<i32>} : memref<16x1024xf32, #tpu.memory_space<vmem>>, vector<1x16xf32>,
      %get3A_690 = vector.shape_cast %get3A_689 : vector<1x16xf32> to vector<16xf32>
      %add3A_691 = arith.addf %get3A_686, %get3A_690 : vector<16xf32>
      %swap3A_692 = arith.index_cast %scan3A_180 : i32 to index
      %swap3A_693 = arith.constant 576 : index
      %swap3A_694 = tpu.vector_load %arg8[%swap3A_692, %swap3A_693] {strides = array<i32>} : memref<16x1024xf32, #tpu.memory_space<vmem>>, vector<1x16xf32>,
      %swap3A_695 = vector.shape_cast %swap3A_694 : vector<1x16xf32> to vector<16xf32>
      %swap3A_696 = vector.shape_cast %add3A_691 : vector<16xf32> to vector<1x16xf32>
      tpu.vector_store %arg8[%swap3A_692, %swap3A_693], %swap3A_696 {strides = array<i32>} : memref<16x1024xf32, #tpu.memory_space<vmem>>, vector<1x16xf32>,
      %get3A_697 = arith.index_cast %scan3A_180 : i32 to index
      %get3A_698 = arith.constant 592 : index
      %get3A_699 = tpu.vector_load %arg8[%get3A_697, %get3A_698] {strides = array<i32>} : memref<16x1024xf32, #tpu.memory_space<vmem>>, vector<1x16xf32>,
      %get3A_700 = vector.shape_cast %get3A_699 : vector<1x16xf32> to vector<16xf32>
      %get3A_701 = arith.index_cast %scan3A_180 : i32 to index
      %get3A_702 = arith.constant 592 : index
      %get3A_703 = tpu.vector_load %arg9[%get3A_701, %get3A_702] {strides = array<i32>} : memref<16x1024xf32, #tpu.memory_space<vmem>>, vector<1x16xf32>,
      %get3A_704 = vector.shape_cast %get3A_703 : vector<1x16xf32> to vector<16xf32>
      %add3A_705 = arith.addf %get3A_700, %get3A_704 : vector<16xf32>
      %swap3A_706 = arith.index_cast %scan3A_180 : i32 to index
      %swap3A_707 = arith.constant 592 : index
      %swap3A_708 = tpu.vector_load %arg8[%swap3A_706, %swap3A_707] {strides = array<i32>} : memref<16x1024xf32, #tpu.memory_space<vmem>>, vector<1x16xf32>,
      %swap3A_709 = vector.shape_cast %swap3A_708 : vector<1x16xf32> to vector<16xf32>
      %swap3A_710 = vector.shape_cast %add3A_705 : vector<16xf32> to vector<1x16xf32>
      tpu.vector_store %arg8[%swap3A_706, %swap3A_707], %swap3A_710 {strides = array<i32>} : memref<16x1024xf32, #tpu.memory_space<vmem>>, vector<1x16xf32>,
      %get3A_711 = arith.index_cast %scan3A_180 : i32 to index
      %get3A_712 = arith.constant 608 : index
      %get3A_713 = tpu.vector_load %arg8[%get3A_711, %get3A_712] {strides = array<i32>} : memref<16x1024xf32, #tpu.memory_space<vmem>>, vector<1x16xf32>,
      %get3A_714 = vector.shape_cast %get3A_713 : vector<1x16xf32> to vector<16xf32>
      %get3A_715 = arith.index_cast %scan3A_180 : i32 to index
      %get3A_716 = arith.constant 608 : index
      %get3A_717 = tpu.vector_load %arg9[%get3A_715, %get3A_716] {strides = array<i32>} : memref<16x1024xf32, #tpu.memory_space<vmem>>, vector<1x16xf32>,
      %get3A_718 = vector.shape_cast %get3A_717 : vector<1x16xf32> to vector<16xf32>
      %add3A_719 = arith.addf %get3A_714, %get3A_718 : vector<16xf32>
      %swap3A_720 = arith.index_cast %scan3A_180 : i32 to index
      %swap3A_721 = arith.constant 608 : index
      %swap3A_722 = tpu.vector_load %arg8[%swap3A_720, %swap3A_721] {strides = array<i32>} : memref<16x1024xf32, #tpu.memory_space<vmem>>, vector<1x16xf32>,
      %swap3A_723 = vector.shape_cast %swap3A_722 : vector<1x16xf32> to vector<16xf32>
      %swap3A_724 = vector.shape_cast %add3A_719 : vector<16xf32> to vector<1x16xf32>
      tpu.vector_store %arg8[%swap3A_720, %swap3A_721], %swap3A_724 {strides = array<i32>} : memref<16x1024xf32, #tpu.memory_space<vmem>>, vector<1x16xf32>,
      %get3A_725 = arith.index_cast %scan3A_180 : i32 to index
      %get3A_726 = arith.constant 624 : index
      %get3A_727 = tpu.vector_load %arg8[%get3A_725, %get3A_726] {strides = array<i32>} : memref<16x1024xf32, #tpu.memory_space<vmem>>, vector<1x16xf32>,
      %get3A_728 = vector.shape_cast %get3A_727 : vector<1x16xf32> to vector<16xf32>
      %get3A_729 = arith.index_cast %scan3A_180 : i32 to index
      %get3A_730 = arith.constant 624 : index
      %get3A_731 = tpu.vector_load %arg9[%get3A_729, %get3A_730] {strides = array<i32>} : memref<16x1024xf32, #tpu.memory_space<vmem>>, vector<1x16xf32>,
      %get3A_732 = vector.shape_cast %get3A_731 : vector<1x16xf32> to vector<16xf32>
      %add3A_733 = arith.addf %get3A_728, %get3A_732 : vector<16xf32>
      %swap3A_734 = arith.index_cast %scan3A_180 : i32 to index
      %swap3A_735 = arith.constant 624 : index
      %swap3A_736 = tpu.vector_load %arg8[%swap3A_734, %swap3A_735] {strides = array<i32>} : memref<16x1024xf32, #tpu.memory_space<vmem>>, vector<1x16xf32>,
      %swap3A_737 = vector.shape_cast %swap3A_736 : vector<1x16xf32> to vector<16xf32>
      %swap3A_738 = vector.shape_cast %add3A_733 : vector<16xf32> to vector<1x16xf32>
      tpu.vector_store %arg8[%swap3A_734, %swap3A_735], %swap3A_738 {strides = array<i32>} : memref<16x1024xf32, #tpu.memory_space<vmem>>, vector<1x16xf32>,
      %get3A_739 = arith.index_cast %scan3A_180 : i32 to index
      %get3A_740 = arith.constant 640 : index
      %get3A_741 = tpu.vector_load %arg8[%get3A_739, %get3A_740] {strides = array<i32>} : memref<16x1024xf32, #tpu.memory_space<vmem>>, vector<1x16xf32>,
      %get3A_742 = vector.shape_cast %get3A_741 : vector<1x16xf32> to vector<16xf32>
      %get3A_743 = arith.index_cast %scan3A_180 : i32 to index
      %get3A_744 = arith.constant 640 : index
      %get3A_745 = tpu.vector_load %arg9[%get3A_743, %get3A_744] {strides = array<i32>} : memref<16x1024xf32, #tpu.memory_space<vmem>>, vector<1x16xf32>,
      %get3A_746 = vector.shape_cast %get3A_745 : vector<1x16xf32> to vector<16xf32>
      %add3A_747 = arith.addf %get3A_742, %get3A_746 : vector<16xf32>
      %swap3A_748 = arith.index_cast %scan3A_180 : i32 to index
      %swap3A_749 = arith.constant 640 : index
      %swap3A_750 = tpu.vector_load %arg8[%swap3A_748, %swap3A_749] {strides = array<i32>} : memref<16x1024xf32, #tpu.memory_space<vmem>>, vector<1x16xf32>,
      %swap3A_751 = vector.shape_cast %swap3A_750 : vector<1x16xf32> to vector<16xf32>
      %swap3A_752 = vector.shape_cast %add3A_747 : vector<16xf32> to vector<1x16xf32>
      tpu.vector_store %arg8[%swap3A_748, %swap3A_749], %swap3A_752 {strides = array<i32>} : memref<16x1024xf32, #tpu.memory_space<vmem>>, vector<1x16xf32>,
      %get3A_753 = arith.index_cast %scan3A_180 : i32 to index
      %get3A_754 = arith.constant 656 : index
      %get3A_755 = tpu.vector_load %arg8[%get3A_753, %get3A_754] {strides = array<i32>} : memref<16x1024xf32, #tpu.memory_space<vmem>>, vector<1x16xf32>,
      %get3A_756 = vector.shape_cast %get3A_755 : vector<1x16xf32> to vector<16xf32>
      %get3A_757 = arith.index_cast %scan3A_180 : i32 to index
      %get3A_758 = arith.constant 656 : index
      %get3A_759 = tpu.vector_load %arg9[%get3A_757, %get3A_758] {strides = array<i32>} : memref<16x1024xf32, #tpu.memory_space<vmem>>, vector<1x16xf32>,
      %get3A_760 = vector.shape_cast %get3A_759 : vector<1x16xf32> to vector<16xf32>
      %add3A_761 = arith.addf %get3A_756, %get3A_760 : vector<16xf32>
      %swap3A_762 = arith.index_cast %scan3A_180 : i32 to index
      %swap3A_763 = arith.constant 656 : index
      %swap3A_764 = tpu.vector_load %arg8[%swap3A_762, %swap3A_763] {strides = array<i32>} : memref<16x1024xf32, #tpu.memory_space<vmem>>, vector<1x16xf32>,
      %swap3A_765 = vector.shape_cast %swap3A_764 : vector<1x16xf32> to vector<16xf32>
      %swap3A_766 = vector.shape_cast %add3A_761 : vector<16xf32> to vector<1x16xf32>
      tpu.vector_store %arg8[%swap3A_762, %swap3A_763], %swap3A_766 {strides = array<i32>} : memref<16x1024xf32, #tpu.memory_space<vmem>>, vector<1x16xf32>,
      %get3A_767 = arith.index_cast %scan3A_180 : i32 to index
      %get3A_768 = arith.constant 672 : index
      %get3A_769 = tpu.vector_load %arg8[%get3A_767, %get3A_768] {strides = array<i32>} : memref<16x1024xf32, #tpu.memory_space<vmem>>, vector<1x16xf32>,
      %get3A_770 = vector.shape_cast %get3A_769 : vector<1x16xf32> to vector<16xf32>
      %get3A_771 = arith.index_cast %scan3A_180 : i32 to index
      %get3A_772 = arith.constant 672 : index
      %get3A_773 = tpu.vector_load %arg9[%get3A_771, %get3A_772] {strides = array<i32>} : memref<16x1024xf32, #tpu.memory_space<vmem>>, vector<1x16xf32>,
      %get3A_774 = vector.shape_cast %get3A_773 : vector<1x16xf32> to vector<16xf32>
      %add3A_775 = arith.addf %get3A_770, %get3A_774 : vector<16xf32>
      %swap3A_776 = arith.index_cast %scan3A_180 : i32 to index
      %swap3A_777 = arith.constant 672 : index
      %swap3A_778 = tpu.vector_load %arg8[%swap3A_776, %swap3A_777] {strides = array<i32>} : memref<16x1024xf32, #tpu.memory_space<vmem>>, vector<1x16xf32>,
      %swap3A_779 = vector.shape_cast %swap3A_778 : vector<1x16xf32> to vector<16xf32>
      %swap3A_780 = vector.shape_cast %add3A_775 : vector<16xf32> to vector<1x16xf32>
      tpu.vector_store %arg8[%swap3A_776, %swap3A_777], %swap3A_780 {strides = array<i32>} : memref<16x1024xf32, #tpu.memory_space<vmem>>, vector<1x16xf32>,
      %get3A_781 = arith.index_cast %scan3A_180 : i32 to index
      %get3A_782 = arith.constant 688 : index
      %get3A_783 = tpu.vector_load %arg8[%get3A_781, %get3A_782] {strides = array<i32>} : memref<16x1024xf32, #tpu.memory_space<vmem>>, vector<1x16xf32>,
      %get3A_784 = vector.shape_cast %get3A_783 : vector<1x16xf32> to vector<16xf32>
      %get3A_785 = arith.index_cast %scan3A_180 : i32 to index
      %get3A_786 = arith.constant 688 : index
      %get3A_787 = tpu.vector_load %arg9[%get3A_785, %get3A_786] {strides = array<i32>} : memref<16x1024xf32, #tpu.memory_space<vmem>>, vector<1x16xf32>,
      %get3A_788 = vector.shape_cast %get3A_787 : vector<1x16xf32> to vector<16xf32>
      %add3A_789 = arith.addf %get3A_784, %get3A_788 : vector<16xf32>
      %swap3A_790 = arith.index_cast %scan3A_180 : i32 to index
      %swap3A_791 = arith.constant 688 : index
      %swap3A_792 = tpu.vector_load %arg8[%swap3A_790, %swap3A_791] {strides = array<i32>} : memref<16x1024xf32, #tpu.memory_space<vmem>>, vector<1x16xf32>,
      %swap3A_793 = vector.shape_cast %swap3A_792 : vector<1x16xf32> to vector<16xf32>
      %swap3A_794 = vector.shape_cast %add3A_789 : vector<16xf32> to vector<1x16xf32>
      tpu.vector_store %arg8[%swap3A_790, %swap3A_791], %swap3A_794 {strides = array<i32>} : memref<16x1024xf32, #tpu.memory_space<vmem>>, vector<1x16xf32>,
      %get3A_795 = arith.index_cast %scan3A_180 : i32 to index
      %get3A_796 = arith.constant 704 : index
      %get3A_797 = tpu.vector_load %arg8[%get3A_795, %get3A_796] {strides = array<i32>} : memref<16x1024xf32, #tpu.memory_space<vmem>>, vector<1x16xf32>,
      %get3A_798 = vector.shape_cast %get3A_797 : vector<1x16xf32> to vector<16xf32>
      %get3A_799 = arith.index_cast %scan3A_180 : i32 to index
      %get3A_800 = arith.constant 704 : index
      %get3A_801 = tpu.vector_load %arg9[%get3A_799, %get3A_800] {strides = array<i32>} : memref<16x1024xf32, #tpu.memory_space<vmem>>, vector<1x16xf32>,
      %get3A_802 = vector.shape_cast %get3A_801 : vector<1x16xf32> to vector<16xf32>
      %add3A_803 = arith.addf %get3A_798, %get3A_802 : vector<16xf32>
      %swap3A_804 = arith.index_cast %scan3A_180 : i32 to index
      %swap3A_805 = arith.constant 704 : index
      %swap3A_806 = tpu.vector_load %arg8[%swap3A_804, %swap3A_805] {strides = array<i32>} : memref<16x1024xf32, #tpu.memory_space<vmem>>, vector<1x16xf32>,
      %swap3A_807 = vector.shape_cast %swap3A_806 : vector<1x16xf32> to vector<16xf32>
      %swap3A_808 = vector.shape_cast %add3A_803 : vector<16xf32> to vector<1x16xf32>
      tpu.vector_store %arg8[%swap3A_804, %swap3A_805], %swap3A_808 {strides = array<i32>} : memref<16x1024xf32, #tpu.memory_space<vmem>>, vector<1x16xf32>,
      %get3A_809 = arith.index_cast %scan3A_180 : i32 to index
      %get3A_810 = arith.constant 720 : index
      %get3A_811 = tpu.vector_load %arg8[%get3A_809, %get3A_810] {strides = array<i32>} : memref<16x1024xf32, #tpu.memory_space<vmem>>, vector<1x16xf32>,
      %get3A_812 = vector.shape_cast %get3A_811 : vector<1x16xf32> to vector<16xf32>
      %get3A_813 = arith.index_cast %scan3A_180 : i32 to index
      %get3A_814 = arith.constant 720 : index
      %get3A_815 = tpu.vector_load %arg9[%get3A_813, %get3A_814] {strides = array<i32>} : memref<16x1024xf32, #tpu.memory_space<vmem>>, vector<1x16xf32>,
      %get3A_816 = vector.shape_cast %get3A_815 : vector<1x16xf32> to vector<16xf32>
      %add3A_817 = arith.addf %get3A_812, %get3A_816 : vector<16xf32>
      %swap3A_818 = arith.index_cast %scan3A_180 : i32 to index
      %swap3A_819 = arith.constant 720 : index
      %swap3A_820 = tpu.vector_load %arg8[%swap3A_818, %swap3A_819] {strides = array<i32>} : memref<16x1024xf32, #tpu.memory_space<vmem>>, vector<1x16xf32>,
      %swap3A_821 = vector.shape_cast %swap3A_820 : vector<1x16xf32> to vector<16xf32>
      %swap3A_822 = vector.shape_cast %add3A_817 : vector<16xf32> to vector<1x16xf32>
      tpu.vector_store %arg8[%swap3A_818, %swap3A_819], %swap3A_822 {strides = array<i32>} : memref<16x1024xf32, #tpu.memory_space<vmem>>, vector<1x16xf32>,
      %get3A_823 = arith.index_cast %scan3A_180 : i32 to index
      %get3A_824 = arith.constant 736 : index
      %get3A_825 = tpu.vector_load %arg8[%get3A_823, %get3A_824] {strides = array<i32>} : memref<16x1024xf32, #tpu.memory_space<vmem>>, vector<1x16xf32>,
      %get3A_826 = vector.shape_cast %get3A_825 : vector<1x16xf32> to vector<16xf32>
      %get3A_827 = arith.index_cast %scan3A_180 : i32 to index
      %get3A_828 = arith.constant 736 : index
      %get3A_829 = tpu.vector_load %arg9[%get3A_827, %get3A_828] {strides = array<i32>} : memref<16x1024xf32, #tpu.memory_space<vmem>>, vector<1x16xf32>,
      %get3A_830 = vector.shape_cast %get3A_829 : vector<1x16xf32> to vector<16xf32>
      %add3A_831 = arith.addf %get3A_826, %get3A_830 : vector<16xf32>
      %swap3A_832 = arith.index_cast %scan3A_180 : i32 to index
      %swap3A_833 = arith.constant 736 : index
      %swap3A_834 = tpu.vector_load %arg8[%swap3A_832, %swap3A_833] {strides = array<i32>} : memref<16x1024xf32, #tpu.memory_space<vmem>>, vector<1x16xf32>,
      %swap3A_835 = vector.shape_cast %swap3A_834 : vector<1x16xf32> to vector<16xf32>
      %swap3A_836 = vector.shape_cast %add3A_831 : vector<16xf32> to vector<1x16xf32>
      tpu.vector_store %arg8[%swap3A_832, %swap3A_833], %swap3A_836 {strides = array<i32>} : memref<16x1024xf32, #tpu.memory_space<vmem>>, vector<1x16xf32>,
      %get3A_837 = arith.index_cast %scan3A_180 : i32 to index
      %get3A_838 = arith.constant 752 : index
      %get3A_839 = tpu.vector_load %arg8[%get3A_837, %get3A_838] {strides = array<i32>} : memref<16x1024xf32, #tpu.memory_space<vmem>>, vector<1x16xf32>,
      %get3A_840 = vector.shape_cast %get3A_839 : vector<1x16xf32> to vector<16xf32>
      %get3A_841 = arith.index_cast %scan3A_180 : i32 to index
      %get3A_842 = arith.constant 752 : index
      %get3A_843 = tpu.vector_load %arg9[%get3A_841, %get3A_842] {strides = array<i32>} : memref<16x1024xf32, #tpu.memory_space<vmem>>, vector<1x16xf32>,
      %get3A_844 = vector.shape_cast %get3A_843 : vector<1x16xf32> to vector<16xf32>
      %add3A_845 = arith.addf %get3A_840, %get3A_844 : vector<16xf32>
      %swap3A_846 = arith.index_cast %scan3A_180 : i32 to index
      %swap3A_847 = arith.constant 752 : index
      %swap3A_848 = tpu.vector_load %arg8[%swap3A_846, %swap3A_847] {strides = array<i32>} : memref<16x1024xf32, #tpu.memory_space<vmem>>, vector<1x16xf32>,
      %swap3A_849 = vector.shape_cast %swap3A_848 : vector<1x16xf32> to vector<16xf32>
      %swap3A_850 = vector.shape_cast %add3A_845 : vector<16xf32> to vector<1x16xf32>
      tpu.vector_store %arg8[%swap3A_846, %swap3A_847], %swap3A_850 {strides = array<i32>} : memref<16x1024xf32, #tpu.memory_space<vmem>>, vector<1x16xf32>,
      %get3A_851 = arith.index_cast %scan3A_180 : i32 to index
      %get3A_852 = arith.constant 768 : index
      %get3A_853 = tpu.vector_load %arg8[%get3A_851, %get3A_852] {strides = array<i32>} : memref<16x1024xf32, #tpu.memory_space<vmem>>, vector<1x16xf32>,
      %get3A_854 = vector.shape_cast %get3A_853 : vector<1x16xf32> to vector<16xf32>
      %get3A_855 = arith.index_cast %scan3A_180 : i32 to index
      %get3A_856 = arith.constant 768 : index
      %get3A_857 = tpu.vector_load %arg9[%get3A_855, %get3A_856] {strides = array<i32>} : memref<16x1024xf32, #tpu.memory_space<vmem>>, vector<1x16xf32>,
      %get3A_858 = vector.shape_cast %get3A_857 : vector<1x16xf32> to vector<16xf32>
      %add3A_859 = arith.addf %get3A_854, %get3A_858 : vector<16xf32>
      %swap3A_860 = arith.index_cast %scan3A_180 : i32 to index
      %swap3A_861 = arith.constant 768 : index
      %swap3A_862 = tpu.vector_load %arg8[%swap3A_860, %swap3A_861] {strides = array<i32>} : memref<16x1024xf32, #tpu.memory_space<vmem>>, vector<1x16xf32>,
      %swap3A_863 = vector.shape_cast %swap3A_862 : vector<1x16xf32> to vector<16xf32>
      %swap3A_864 = vector.shape_cast %add3A_859 : vector<16xf32> to vector<1x16xf32>
      tpu.vector_store %arg8[%swap3A_860, %swap3A_861], %swap3A_864 {strides = array<i32>} : memref<16x1024xf32, #tpu.memory_space<vmem>>, vector<1x16xf32>,
      %get3A_865 = arith.index_cast %scan3A_180 : i32 to index
      %get3A_866 = arith.constant 784 : index
      %get3A_867 = tpu.vector_load %arg8[%get3A_865, %get3A_866] {strides = array<i32>} : memref<16x1024xf32, #tpu.memory_space<vmem>>, vector<1x16xf32>,
      %get3A_868 = vector.shape_cast %get3A_867 : vector<1x16xf32> to vector<16xf32>
      %get3A_869 = arith.index_cast %scan3A_180 : i32 to index
      %get3A_870 = arith.constant 784 : index
      %get3A_871 = tpu.vector_load %arg9[%get3A_869, %get3A_870] {strides = array<i32>} : memref<16x1024xf32, #tpu.memory_space<vmem>>, vector<1x16xf32>,
      %get3A_872 = vector.shape_cast %get3A_871 : vector<1x16xf32> to vector<16xf32>
      %add3A_873 = arith.addf %get3A_868, %get3A_872 : vector<16xf32>
      %swap3A_874 = arith.index_cast %scan3A_180 : i32 to index
      %swap3A_875 = arith.constant 784 : index
      %swap3A_876 = tpu.vector_load %arg8[%swap3A_874, %swap3A_875] {strides = array<i32>} : memref<16x1024xf32, #tpu.memory_space<vmem>>, vector<1x16xf32>,
      %swap3A_877 = vector.shape_cast %swap3A_876 : vector<1x16xf32> to vector<16xf32>
      %swap3A_878 = vector.shape_cast %add3A_873 : vector<16xf32> to vector<1x16xf32>
      tpu.vector_store %arg8[%swap3A_874, %swap3A_875], %swap3A_878 {strides = array<i32>} : memref<16x1024xf32, #tpu.memory_space<vmem>>, vector<1x16xf32>,
      %get3A_879 = arith.index_cast %scan3A_180 : i32 to index
      %get3A_880 = arith.constant 800 : index
      %get3A_881 = tpu.vector_load %arg8[%get3A_879, %get3A_880] {strides = array<i32>} : memref<16x1024xf32, #tpu.memory_space<vmem>>, vector<1x16xf32>,
      %get3A_882 = vector.shape_cast %get3A_881 : vector<1x16xf32> to vector<16xf32>
      %get3A_883 = arith.index_cast %scan3A_180 : i32 to index
      %get3A_884 = arith.constant 800 : index
      %get3A_885 = tpu.vector_load %arg9[%get3A_883, %get3A_884] {strides = array<i32>} : memref<16x1024xf32, #tpu.memory_space<vmem>>, vector<1x16xf32>,
      %get3A_886 = vector.shape_cast %get3A_885 : vector<1x16xf32> to vector<16xf32>
      %add3A_887 = arith.addf %get3A_882, %get3A_886 : vector<16xf32>
      %swap3A_888 = arith.index_cast %scan3A_180 : i32 to index
      %swap3A_889 = arith.constant 800 : index
      %swap3A_890 = tpu.vector_load %arg8[%swap3A_888, %swap3A_889] {strides = array<i32>} : memref<16x1024xf32, #tpu.memory_space<vmem>>, vector<1x16xf32>,
      %swap3A_891 = vector.shape_cast %swap3A_890 : vector<1x16xf32> to vector<16xf32>
      %swap3A_892 = vector.shape_cast %add3A_887 : vector<16xf32> to vector<1x16xf32>
      tpu.vector_store %arg8[%swap3A_888, %swap3A_889], %swap3A_892 {strides = array<i32>} : memref<16x1024xf32, #tpu.memory_space<vmem>>, vector<1x16xf32>,
      %get3A_893 = arith.index_cast %scan3A_180 : i32 to index
      %get3A_894 = arith.constant 816 : index
      %get3A_895 = tpu.vector_load %arg8[%get3A_893, %get3A_894] {strides = array<i32>} : memref<16x1024xf32, #tpu.memory_space<vmem>>, vector<1x16xf32>,
      %get3A_896 = vector.shape_cast %get3A_895 : vector<1x16xf32> to vector<16xf32>
      %get3A_897 = arith.index_cast %scan3A_180 : i32 to index
      %get3A_898 = arith.constant 816 : index
      %get3A_899 = tpu.vector_load %arg9[%get3A_897, %get3A_898] {strides = array<i32>} : memref<16x1024xf32, #tpu.memory_space<vmem>>, vector<1x16xf32>,
      %get3A_900 = vector.shape_cast %get3A_899 : vector<1x16xf32> to vector<16xf32>
      %add3A_901 = arith.addf %get3A_896, %get3A_900 : vector<16xf32>
      %swap3A_902 = arith.index_cast %scan3A_180 : i32 to index
      %swap3A_903 = arith.constant 816 : index
      %swap3A_904 = tpu.vector_load %arg8[%swap3A_902, %swap3A_903] {strides = array<i32>} : memref<16x1024xf32, #tpu.memory_space<vmem>>, vector<1x16xf32>,
      %swap3A_905 = vector.shape_cast %swap3A_904 : vector<1x16xf32> to vector<16xf32>
      %swap3A_906 = vector.shape_cast %add3A_901 : vector<16xf32> to vector<1x16xf32>
      tpu.vector_store %arg8[%swap3A_902, %swap3A_903], %swap3A_906 {strides = array<i32>} : memref<16x1024xf32, #tpu.memory_space<vmem>>, vector<1x16xf32>,
      %get3A_907 = arith.index_cast %scan3A_180 : i32 to index
      %get3A_908 = arith.constant 832 : index
      %get3A_909 = tpu.vector_load %arg8[%get3A_907, %get3A_908] {strides = array<i32>} : memref<16x1024xf32, #tpu.memory_space<vmem>>, vector<1x16xf32>,
      %get3A_910 = vector.shape_cast %get3A_909 : vector<1x16xf32> to vector<16xf32>
      %get3A_911 = arith.index_cast %scan3A_180 : i32 to index
      %get3A_912 = arith.constant 832 : index
      %get3A_913 = tpu.vector_load %arg9[%get3A_911, %get3A_912] {strides = array<i32>} : memref<16x1024xf32, #tpu.memory_space<vmem>>, vector<1x16xf32>,
      %get3A_914 = vector.shape_cast %get3A_913 : vector<1x16xf32> to vector<16xf32>
      %add3A_915 = arith.addf %get3A_910, %get3A_914 : vector<16xf32>
      %swap3A_916 = arith.index_cast %scan3A_180 : i32 to index
      %swap3A_917 = arith.constant 832 : index
      %swap3A_918 = tpu.vector_load %arg8[%swap3A_916, %swap3A_917] {strides = array<i32>} : memref<16x1024xf32, #tpu.memory_space<vmem>>, vector<1x16xf32>,
      %swap3A_919 = vector.shape_cast %swap3A_918 : vector<1x16xf32> to vector<16xf32>
      %swap3A_920 = vector.shape_cast %add3A_915 : vector<16xf32> to vector<1x16xf32>
      tpu.vector_store %arg8[%swap3A_916, %swap3A_917], %swap3A_920 {strides = array<i32>} : memref<16x1024xf32, #tpu.memory_space<vmem>>, vector<1x16xf32>,
      %get3A_921 = arith.index_cast %scan3A_180 : i32 to index
      %get3A_922 = arith.constant 848 : index
      %get3A_923 = tpu.vector_load %arg8[%get3A_921, %get3A_922] {strides = array<i32>} : memref<16x1024xf32, #tpu.memory_space<vmem>>, vector<1x16xf32>,
      %get3A_924 = vector.shape_cast %get3A_923 : vector<1x16xf32> to vector<16xf32>
      %get3A_925 = arith.index_cast %scan3A_180 : i32 to index
      %get3A_926 = arith.constant 848 : index
      %get3A_927 = tpu.vector_load %arg9[%get3A_925, %get3A_926] {strides = array<i32>} : memref<16x1024xf32, #tpu.memory_space<vmem>>, vector<1x16xf32>,
      %get3A_928 = vector.shape_cast %get3A_927 : vector<1x16xf32> to vector<16xf32>
      %add3A_929 = arith.addf %get3A_924, %get3A_928 : vector<16xf32>
      %swap3A_930 = arith.index_cast %scan3A_180 : i32 to index
      %swap3A_931 = arith.constant 848 : index
      %swap3A_932 = tpu.vector_load %arg8[%swap3A_930, %swap3A_931] {strides = array<i32>} : memref<16x1024xf32, #tpu.memory_space<vmem>>, vector<1x16xf32>,
      %swap3A_933 = vector.shape_cast %swap3A_932 : vector<1x16xf32> to vector<16xf32>
      %swap3A_934 = vector.shape_cast %add3A_929 : vector<16xf32> to vector<1x16xf32>
      tpu.vector_store %arg8[%swap3A_930, %swap3A_931], %swap3A_934 {strides = array<i32>} : memref<16x1024xf32, #tpu.memory_space<vmem>>, vector<1x16xf32>,
      %get3A_935 = arith.index_cast %scan3A_180 : i32 to index
      %get3A_936 = arith.constant 864 : index
      %get3A_937 = tpu.vector_load %arg8[%get3A_935, %get3A_936] {strides = array<i32>} : memref<16x1024xf32, #tpu.memory_space<vmem>>, vector<1x16xf32>,
      %get3A_938 = vector.shape_cast %get3A_937 : vector<1x16xf32> to vector<16xf32>
      %get3A_939 = arith.index_cast %scan3A_180 : i32 to index
      %get3A_940 = arith.constant 864 : index
      %get3A_941 = tpu.vector_load %arg9[%get3A_939, %get3A_940] {strides = array<i32>} : memref<16x1024xf32, #tpu.memory_space<vmem>>, vector<1x16xf32>,
      %get3A_942 = vector.shape_cast %get3A_941 : vector<1x16xf32> to vector<16xf32>
      %add3A_943 = arith.addf %get3A_938, %get3A_942 : vector<16xf32>
      %swap3A_944 = arith.index_cast %scan3A_180 : i32 to index
      %swap3A_945 = arith.constant 864 : index
      %swap3A_946 = tpu.vector_load %arg8[%swap3A_944, %swap3A_945] {strides = array<i32>} : memref<16x1024xf32, #tpu.memory_space<vmem>>, vector<1x16xf32>,
      %swap3A_947 = vector.shape_cast %swap3A_946 : vector<1x16xf32> to vector<16xf32>
      %swap3A_948 = vector.shape_cast %add3A_943 : vector<16xf32> to vector<1x16xf32>
      tpu.vector_store %arg8[%swap3A_944, %swap3A_945], %swap3A_948 {strides = array<i32>} : memref<16x1024xf32, #tpu.memory_space<vmem>>, vector<1x16xf32>,
      %get3A_949 = arith.index_cast %scan3A_180 : i32 to index
      %get3A_950 = arith.constant 880 : index
      %get3A_951 = tpu.vector_load %arg8[%get3A_949, %get3A_950] {strides = array<i32>} : memref<16x1024xf32, #tpu.memory_space<vmem>>, vector<1x16xf32>,
      %get3A_952 = vector.shape_cast %get3A_951 : vector<1x16xf32> to vector<16xf32>
      %get3A_953 = arith.index_cast %scan3A_180 : i32 to index
      %get3A_954 = arith.constant 880 : index
      %get3A_955 = tpu.vector_load %arg9[%get3A_953, %get3A_954] {strides = array<i32>} : memref<16x1024xf32, #tpu.memory_space<vmem>>, vector<1x16xf32>,
      %get3A_956 = vector.shape_cast %get3A_955 : vector<1x16xf32> to vector<16xf32>
      %add3A_957 = arith.addf %get3A_952, %get3A_956 : vector<16xf32>
      %swap3A_958 = arith.index_cast %scan3A_180 : i32 to index
      %swap3A_959 = arith.constant 880 : index
      %swap3A_960 = tpu.vector_load %arg8[%swap3A_958, %swap3A_959] {strides = array<i32>} : memref<16x1024xf32, #tpu.memory_space<vmem>>, vector<1x16xf32>,
      %swap3A_961 = vector.shape_cast %swap3A_960 : vector<1x16xf32> to vector<16xf32>
      %swap3A_962 = vector.shape_cast %add3A_957 : vector<16xf32> to vector<1x16xf32>
      tpu.vector_store %arg8[%swap3A_958, %swap3A_959], %swap3A_962 {strides = array<i32>} : memref<16x1024xf32, #tpu.memory_space<vmem>>, vector<1x16xf32>,
      %get3A_963 = arith.index_cast %scan3A_180 : i32 to index
      %get3A_964 = arith.constant 896 : index
      %get3A_965 = tpu.vector_load %arg8[%get3A_963, %get3A_964] {strides = array<i32>} : memref<16x1024xf32, #tpu.memory_space<vmem>>, vector<1x16xf32>,
      %get3A_966 = vector.shape_cast %get3A_965 : vector<1x16xf32> to vector<16xf32>
      %get3A_967 = arith.index_cast %scan3A_180 : i32 to index
      %get3A_968 = arith.constant 896 : index
      %get3A_969 = tpu.vector_load %arg9[%get3A_967, %get3A_968] {strides = array<i32>} : memref<16x1024xf32, #tpu.memory_space<vmem>>, vector<1x16xf32>,
      %get3A_970 = vector.shape_cast %get3A_969 : vector<1x16xf32> to vector<16xf32>
      %add3A_971 = arith.addf %get3A_966, %get3A_970 : vector<16xf32>
      %swap3A_972 = arith.index_cast %scan3A_180 : i32 to index
      %swap3A_973 = arith.constant 896 : index
      %swap3A_974 = tpu.vector_load %arg8[%swap3A_972, %swap3A_973] {strides = array<i32>} : memref<16x1024xf32, #tpu.memory_space<vmem>>, vector<1x16xf32>,
      %swap3A_975 = vector.shape_cast %swap3A_974 : vector<1x16xf32> to vector<16xf32>
      %swap3A_976 = vector.shape_cast %add3A_971 : vector<16xf32> to vector<1x16xf32>
      tpu.vector_store %arg8[%swap3A_972, %swap3A_973], %swap3A_976 {strides = array<i32>} : memref<16x1024xf32, #tpu.memory_space<vmem>>, vector<1x16xf32>,
      %get3A_977 = arith.index_cast %scan3A_180 : i32 to index
      %get3A_978 = arith.constant 912 : index
      %get3A_979 = tpu.vector_load %arg8[%get3A_977, %get3A_978] {strides = array<i32>} : memref<16x1024xf32, #tpu.memory_space<vmem>>, vector<1x16xf32>,
      %get3A_980 = vector.shape_cast %get3A_979 : vector<1x16xf32> to vector<16xf32>
      %get3A_981 = arith.index_cast %scan3A_180 : i32 to index
      %get3A_982 = arith.constant 912 : index
      %get3A_983 = tpu.vector_load %arg9[%get3A_981, %get3A_982] {strides = array<i32>} : memref<16x1024xf32, #tpu.memory_space<vmem>>, vector<1x16xf32>,
      %get3A_984 = vector.shape_cast %get3A_983 : vector<1x16xf32> to vector<16xf32>
      %add3A_985 = arith.addf %get3A_980, %get3A_984 : vector<16xf32>
      %swap3A_986 = arith.index_cast %scan3A_180 : i32 to index
      %swap3A_987 = arith.constant 912 : index
      %swap3A_988 = tpu.vector_load %arg8[%swap3A_986, %swap3A_987] {strides = array<i32>} : memref<16x1024xf32, #tpu.memory_space<vmem>>, vector<1x16xf32>,
      %swap3A_989 = vector.shape_cast %swap3A_988 : vector<1x16xf32> to vector<16xf32>
      %swap3A_990 = vector.shape_cast %add3A_985 : vector<16xf32> to vector<1x16xf32>
      tpu.vector_store %arg8[%swap3A_986, %swap3A_987], %swap3A_990 {strides = array<i32>} : memref<16x1024xf32, #tpu.memory_space<vmem>>, vector<1x16xf32>,
      %get3A_991 = arith.index_cast %scan3A_180 : i32 to index
      %get3A_992 = arith.constant 928 : index
      %get3A_993 = tpu.vector_load %arg8[%get3A_991, %get3A_992] {strides = array<i32>} : memref<16x1024xf32, #tpu.memory_space<vmem>>, vector<1x16xf32>,
      %get3A_994 = vector.shape_cast %get3A_993 : vector<1x16xf32> to vector<16xf32>
      %get3A_995 = arith.index_cast %scan3A_180 : i32 to index
      %get3A_996 = arith.constant 928 : index
      %get3A_997 = tpu.vector_load %arg9[%get3A_995, %get3A_996] {strides = array<i32>} : memref<16x1024xf32, #tpu.memory_space<vmem>>, vector<1x16xf32>,
      %get3A_998 = vector.shape_cast %get3A_997 : vector<1x16xf32> to vector<16xf32>
      %add3A_999 = arith.addf %get3A_994, %get3A_998 : vector<16xf32>
      %swap3A_1000 = arith.index_cast %scan3A_180 : i32 to index
      %swap3A_1001 = arith.constant 928 : index
      %swap3A_1002 = tpu.vector_load %arg8[%swap3A_1000, %swap3A_1001] {strides = array<i32>} : memref<16x1024xf32, #tpu.memory_space<vmem>>, vector<1x16xf32>,
      %swap3A_1003 = vector.shape_cast %swap3A_1002 : vector<1x16xf32> to vector<16xf32>
      %swap3A_1004 = vector.shape_cast %add3A_999 : vector<16xf32> to vector<1x16xf32>
      tpu.vector_store %arg8[%swap3A_1000, %swap3A_1001], %swap3A_1004 {strides = array<i32>} : memref<16x1024xf32, #tpu.memory_space<vmem>>, vector<1x16xf32>,
      %get3A_1005 = arith.index_cast %scan3A_180 : i32 to index
      %get3A_1006 = arith.constant 944 : index
      %get3A_1007 = tpu.vector_load %arg8[%get3A_1005, %get3A_1006] {strides = array<i32>} : memref<16x1024xf32, #tpu.memory_space<vmem>>, vector<1x16xf32>,
      %get3A_1008 = vector.shape_cast %get3A_1007 : vector<1x16xf32> to vector<16xf32>
      %get3A_1009 = arith.index_cast %scan3A_180 : i32 to index
      %get3A_1010 = arith.constant 944 : index
      %get3A_1011 = tpu.vector_load %arg9[%get3A_1009, %get3A_1010] {strides = array<i32>} : memref<16x1024xf32, #tpu.memory_space<vmem>>, vector<1x16xf32>,
      %get3A_1012 = vector.shape_cast %get3A_1011 : vector<1x16xf32> to vector<16xf32>
      %add3A_1013 = arith.addf %get3A_1008, %get3A_1012 : vector<16xf32>
      %swap3A_1014 = arith.index_cast %scan3A_180 : i32 to index
      %swap3A_1015 = arith.constant 944 : index
      %swap3A_1016 = tpu.vector_load %arg8[%swap3A_1014, %swap3A_1015] {strides = array<i32>} : memref<16x1024xf32, #tpu.memory_space<vmem>>, vector<1x16xf32>,
      %swap3A_1017 = vector.shape_cast %swap3A_1016 : vector<1x16xf32> to vector<16xf32>
      %swap3A_1018 = vector.shape_cast %add3A_1013 : vector<16xf32> to vector<1x16xf32>
      tpu.vector_store %arg8[%swap3A_1014, %swap3A_1015], %swap3A_1018 {strides = array<i32>} : memref<16x1024xf32, #tpu.memory_space<vmem>>, vector<1x16xf32>,
      %get3A_1019 = arith.index_cast %scan3A_180 : i32 to index
      %get3A_1020 = arith.constant 960 : index
      %get3A_1021 = tpu.vector_load %arg8[%get3A_1019, %get3A_1020] {strides = array<i32>} : memref<16x1024xf32, #tpu.memory_space<vmem>>, vector<1x16xf32>,
      %get3A_1022 = vector.shape_cast %get3A_1021 : vector<1x16xf32> to vector<16xf32>
      %get3A_1023 = arith.index_cast %scan3A_180 : i32 to index
      %get3A_1024 = arith.constant 960 : index
      %get3A_1025 = tpu.vector_load %arg9[%get3A_1023, %get3A_1024] {strides = array<i32>} : memref<16x1024xf32, #tpu.memory_space<vmem>>, vector<1x16xf32>,
      %get3A_1026 = vector.shape_cast %get3A_1025 : vector<1x16xf32> to vector<16xf32>
      %add3A_1027 = arith.addf %get3A_1022, %get3A_1026 : vector<16xf32>
      %swap3A_1028 = arith.index_cast %scan3A_180 : i32 to index
      %swap3A_1029 = arith.constant 960 : index
      %swap3A_1030 = tpu.vector_load %arg8[%swap3A_1028, %swap3A_1029] {strides = array<i32>} : memref<16x1024xf32, #tpu.memory_space<vmem>>, vector<1x16xf32>,
      %swap3A_1031 = vector.shape_cast %swap3A_1030 : vector<1x16xf32> to vector<16xf32>
      %swap3A_1032 = vector.shape_cast %add3A_1027 : vector<16xf32> to vector<1x16xf32>
      tpu.vector_store %arg8[%swap3A_1028, %swap3A_1029], %swap3A_1032 {strides = array<i32>} : memref<16x1024xf32, #tpu.memory_space<vmem>>, vector<1x16xf32>,
      %get3A_1033 = arith.index_cast %scan3A_180 : i32 to index
      %get3A_1034 = arith.constant 976 : index
      %get3A_1035 = tpu.vector_load %arg8[%get3A_1033, %get3A_1034] {strides = array<i32>} : memref<16x1024xf32, #tpu.memory_space<vmem>>, vector<1x16xf32>,
      %get3A_1036 = vector.shape_cast %get3A_1035 : vector<1x16xf32> to vector<16xf32>
      %get3A_1037 = arith.index_cast %scan3A_180 : i32 to index
      %get3A_1038 = arith.constant 976 : index
      %get3A_1039 = tpu.vector_load %arg9[%get3A_1037, %get3A_1038] {strides = array<i32>} : memref<16x1024xf32, #tpu.memory_space<vmem>>, vector<1x16xf32>,
      %get3A_1040 = vector.shape_cast %get3A_1039 : vector<1x16xf32> to vector<16xf32>
      %add3A_1041 = arith.addf %get3A_1036, %get3A_1040 : vector<16xf32>
      %swap3A_1042 = arith.index_cast %scan3A_180 : i32 to index
      %swap3A_1043 = arith.constant 976 : index
      %swap3A_1044 = tpu.vector_load %arg8[%swap3A_1042, %swap3A_1043] {strides = array<i32>} : memref<16x1024xf32, #tpu.memory_space<vmem>>, vector<1x16xf32>,
      %swap3A_1045 = vector.shape_cast %swap3A_1044 : vector<1x16xf32> to vector<16xf32>
      %swap3A_1046 = vector.shape_cast %add3A_1041 : vector<16xf32> to vector<1x16xf32>
      tpu.vector_store %arg8[%swap3A_1042, %swap3A_1043], %swap3A_1046 {strides = array<i32>} : memref<16x1024xf32, #tpu.memory_space<vmem>>, vector<1x16xf32>,
      %get3A_1047 = arith.index_cast %scan3A_180 : i32 to index
      %get3A_1048 = arith.constant 992 : index
      %get3A_1049 = tpu.vector_load %arg8[%get3A_1047, %get3A_1048] {strides = array<i32>} : memref<16x1024xf32, #tpu.memory_space<vmem>>, vector<1x16xf32>,
      %get3A_1050 = vector.shape_cast %get3A_1049 : vector<1x16xf32> to vector<16xf32>
      %get3A_1051 = arith.index_cast %scan3A_180 : i32 to index
      %get3A_1052 = arith.constant 992 : index
      %get3A_1053 = tpu.vector_load %arg9[%get3A_1051, %get3A_1052] {strides = array<i32>} : memref<16x1024xf32, #tpu.memory_space<vmem>>, vector<1x16xf32>,
      %get3A_1054 = vector.shape_cast %get3A_1053 : vector<1x16xf32> to vector<16xf32>
      %add3A_1055 = arith.addf %get3A_1050, %get3A_1054 : vector<16xf32>
      %swap3A_1056 = arith.index_cast %scan3A_180 : i32 to index
      %swap3A_1057 = arith.constant 992 : index
      %swap3A_1058 = tpu.vector_load %arg8[%swap3A_1056, %swap3A_1057] {strides = array<i32>} : memref<16x1024xf32, #tpu.memory_space<vmem>>, vector<1x16xf32>,
      %swap3A_1059 = vector.shape_cast %swap3A_1058 : vector<1x16xf32> to vector<16xf32>
      %swap3A_1060 = vector.shape_cast %add3A_1055 : vector<16xf32> to vector<1x16xf32>
      tpu.vector_store %arg8[%swap3A_1056, %swap3A_1057], %swap3A_1060 {strides = array<i32>} : memref<16x1024xf32, #tpu.memory_space<vmem>>, vector<1x16xf32>,
      %get3A_1061 = arith.index_cast %scan3A_180 : i32 to index
      %get3A_1062 = arith.constant 1008 : index
      %get3A_1063 = tpu.vector_load %arg8[%get3A_1061, %get3A_1062] {strides = array<i32>} : memref<16x1024xf32, #tpu.memory_space<vmem>>, vector<1x16xf32>,
      %get3A_1064 = vector.shape_cast %get3A_1063 : vector<1x16xf32> to vector<16xf32>
      %get3A_1065 = arith.index_cast %scan3A_180 : i32 to index
      %get3A_1066 = arith.constant 1008 : index
      %get3A_1067 = tpu.vector_load %arg9[%get3A_1065, %get3A_1066] {strides = array<i32>} : memref<16x1024xf32, #tpu.memory_space<vmem>>, vector<1x16xf32>,
      %get3A_1068 = vector.shape_cast %get3A_1067 : vector<1x16xf32> to vector<16xf32>
      %add3A_1069 = arith.addf %get3A_1064, %get3A_1068 : vector<16xf32>
      %swap3A_1070 = arith.index_cast %scan3A_180 : i32 to index
      %swap3A_1071 = arith.constant 1008 : index
      %swap3A_1072 = tpu.vector_load %arg8[%swap3A_1070, %swap3A_1071] {strides = array<i32>} : memref<16x1024xf32, #tpu.memory_space<vmem>>, vector<1x16xf32>,
      %swap3A_1073 = vector.shape_cast %swap3A_1072 : vector<1x16xf32> to vector<16xf32>
      %swap3A_1074 = vector.shape_cast %add3A_1069 : vector<16xf32> to vector<1x16xf32>
      tpu.vector_store %arg8[%swap3A_1070, %swap3A_1071], %swap3A_1074 {strides = array<i32>} : memref<16x1024xf32, #tpu.memory_space<vmem>>, vector<1x16xf32>,
    }
    %scan3A_139 = arith.constant 16 : i32
    %add3A_140 = arith.constant 32 : i32
    %add3A_141 = arith.addi %mul3A_2, %add3A_140 : i32
    %dma_start3A_142 = arith.constant 0 : i32
    %dma_start3A_143 = tpu.memref_slice %arg5[%add3A_141, %dma_start3A_142] : memref<2048x1024xf32, #tpu.memory_space<hbm>> -> memref<16x1024xf32, #tpu.memory_space<hbm>>
    %dma_start3A_144 = arith.constant 0 : i32
    %dma_start3A_145 = tpu.memref_slice %arg5[%add3A_141, %dma_start3A_144] : memref<2048x1024xf32, #tpu.memory_space<hbm>> -> memref<16x1024xf32, #tpu.memory_space<hbm>>
    tpu.enqueue_dma source(%arg8 : memref<16x1024xf32, #tpu.memory_space<vmem>>) target(%dma_start3A_145 : memref<16x1024xf32, #tpu.memory_space<hbm>>) target_semaphore(%arg14 : memref<!tpu.dma_semaphore, #tpu.memory_space<semaphore_mem>>)
    %dma_wait3A_146 = arith.constant 3 : i32
    %dma_wait3A_147 = arith.constant 0 : i32
    %dma_wait3A_148 = tpu.memref_slice %arg6[%dma_wait3A_146, %dma_wait3A_147] : memref<4x16xi32, #tpu.memory_space<vmem>> -> memref<1x16xi32, #tpu.memory_space<vmem>>
    %dma_wait3A_149 = tpu.memref_squeeze %dma_wait3A_148 : memref<1x16xi32, #tpu.memory_space<vmem>> -> memref<16xi32, #tpu.memory_space<vmem>>
    %dma_wait3A_150 = arith.constant 0 : i32
    %dma_wait3A_151 = arith.constant 0 : i32
    %dma_wait3A_152 = tpu.memref_slice %arg2[%dma_wait3A_150, %dma_wait3A_151] : memref<5888x1024xf32, #tpu.memory_space<hbm>> -> memref<5888x1024xf32, #tpu.memory_space<hbm>>
    tpu.wait_indirect_dma semaphore(%arg13 : memref<!tpu.dma_semaphore, #tpu.memory_space<semaphore_mem>>) src(%dma_wait3A_152 : memref<5888x1024xf32, #tpu.memory_space<hbm>>) dst(%arg10 : memref<16x1024xf32, #tpu.memory_space<vmem>>)
    %dma_wait3A_153 = arith.constant 3 : i32
    %dma_wait3A_154 = arith.constant 0 : i32
    %dma_wait3A_155 = tpu.memref_slice %arg7[%dma_wait3A_153, %dma_wait3A_154] : memref<4x16xi32, #tpu.memory_space<vmem>> -> memref<1x16xi32, #tpu.memory_space<vmem>>
    %dma_wait3A_156 = tpu.memref_squeeze %dma_wait3A_155 : memref<1x16xi32, #tpu.memory_space<vmem>> -> memref<16xi32, #tpu.memory_space<vmem>>
    %dma_wait3A_157 = arith.constant 0 : i32
    %dma_wait3A_158 = arith.constant 0 : i32
    %dma_wait3A_159 = tpu.memref_slice %arg2[%dma_wait3A_157, %dma_wait3A_158] : memref<5888x1024xf32, #tpu.memory_space<hbm>> -> memref<5888x1024xf32, #tpu.memory_space<hbm>>
    tpu.wait_indirect_dma semaphore(%arg13 : memref<!tpu.dma_semaphore, #tpu.memory_space<semaphore_mem>>) src(%dma_wait3A_159 : memref<5888x1024xf32, #tpu.memory_space<hbm>>) dst(%arg11 : memref<16x1024xf32, #tpu.memory_space<vmem>>)
    %scan3A_160 = arith.constant 0 : i32
    %scan3A_161 = arith.constant 0 : i32
    %scan3A_162 = arith.constant 16 : i32
    %scan3A_163 = arith.addi %scan3A_161, %scan3A_162 : i32
    %scan3A_164 = arith.constant 1 : i32
    scf.for %scan3A_180 = %scan3A_161 to %scan3A_163 step %scan3A_164  : i32 {
      %get3A = arith.index_cast %scan3A_180 : i32 to index
      %get3A_181 = arith.constant 0 : index
      %get3A_182 = tpu.vector_load %arg10[%get3A, %get3A_181] {strides = array<i32>} : memref<16x1024xf32, #tpu.memory_space<vmem>>, vector<1x16xf32>,
      %get3A_183 = vector.shape_cast %get3A_182 : vector<1x16xf32> to vector<16xf32>
      %get3A_184 = arith.index_cast %scan3A_180 : i32 to index
      %get3A_185 = arith.constant 0 : index
      %get3A_186 = tpu.vector_load %arg11[%get3A_184, %get3A_185] {strides = array<i32>} : memref<16x1024xf32, #tpu.memory_space<vmem>>, vector<1x16xf32>,
      %get3A_187 = vector.shape_cast %get3A_186 : vector<1x16xf32> to vector<16xf32>
      %add3A_188 = arith.addf %get3A_183, %get3A_187 : vector<16xf32>
      %swap3A = arith.index_cast %scan3A_180 : i32 to index
      %swap3A_189 = arith.constant 0 : index
      %swap3A_190 = tpu.vector_load %arg10[%swap3A, %swap3A_189] {strides = array<i32>} : memref<16x1024xf32, #tpu.memory_space<vmem>>, vector<1x16xf32>,
      %swap3A_191 = vector.shape_cast %swap3A_190 : vector<1x16xf32> to vector<16xf32>
      %swap3A_192 = vector.shape_cast %add3A_188 : vector<16xf32> to vector<1x16xf32>
      tpu.vector_store %arg10[%swap3A, %swap3A_189], %swap3A_192 {strides = array<i32>} : memref<16x1024xf32, #tpu.memory_space<vmem>>, vector<1x16xf32>,
      %get3A_193 = arith.index_cast %scan3A_180 : i32 to index
      %get3A_194 = arith.constant 16 : index
      %get3A_195 = tpu.vector_load %arg10[%get3A_193, %get3A_194] {strides = array<i32>} : memref<16x1024xf32, #tpu.memory_space<vmem>>, vector<1x16xf32>,
      %get3A_196 = vector.shape_cast %get3A_195 : vector<1x16xf32> to vector<16xf32>
      %get3A_197 = arith.index_cast %scan3A_180 : i32 to index
      %get3A_198 = arith.constant 16 : index
      %get3A_199 = tpu.vector_load %arg11[%get3A_197, %get3A_198] {strides = array<i32>} : memref<16x1024xf32, #tpu.memory_space<vmem>>, vector<1x16xf32>,
      %get3A_200 = vector.shape_cast %get3A_199 : vector<1x16xf32> to vector<16xf32>
      %add3A_201 = arith.addf %get3A_196, %get3A_200 : vector<16xf32>
      %swap3A_202 = arith.index_cast %scan3A_180 : i32 to index
      %swap3A_203 = arith.constant 16 : index
      %swap3A_204 = tpu.vector_load %arg10[%swap3A_202, %swap3A_203] {strides = array<i32>} : memref<16x1024xf32, #tpu.memory_space<vmem>>, vector<1x16xf32>,
      %swap3A_205 = vector.shape_cast %swap3A_204 : vector<1x16xf32> to vector<16xf32>
      %swap3A_206 = vector.shape_cast %add3A_201 : vector<16xf32> to vector<1x16xf32>
      tpu.vector_store %arg10[%swap3A_202, %swap3A_203], %swap3A_206 {strides = array<i32>} : memref<16x1024xf32, #tpu.memory_space<vmem>>, vector<1x16xf32>,
      %get3A_207 = arith.index_cast %scan3A_180 : i32 to index
      %get3A_208 = arith.constant 32 : index
      %get3A_209 = tpu.vector_load %arg10[%get3A_207, %get3A_208] {strides = array<i32>} : memref<16x1024xf32, #tpu.memory_space<vmem>>, vector<1x16xf32>,
      %get3A_210 = vector.shape_cast %get3A_209 : vector<1x16xf32> to vector<16xf32>
      %get3A_211 = arith.index_cast %scan3A_180 : i32 to index
      %get3A_212 = arith.constant 32 : index
      %get3A_213 = tpu.vector_load %arg11[%get3A_211, %get3A_212] {strides = array<i32>} : memref<16x1024xf32, #tpu.memory_space<vmem>>, vector<1x16xf32>,
      %get3A_214 = vector.shape_cast %get3A_213 : vector<1x16xf32> to vector<16xf32>
      %add3A_215 = arith.addf %get3A_210, %get3A_214 : vector<16xf32>
      %swap3A_216 = arith.index_cast %scan3A_180 : i32 to index
      %swap3A_217 = arith.constant 32 : index
      %swap3A_218 = tpu.vector_load %arg10[%swap3A_216, %swap3A_217] {strides = array<i32>} : memref<16x1024xf32, #tpu.memory_space<vmem>>, vector<1x16xf32>,
      %swap3A_219 = vector.shape_cast %swap3A_218 : vector<1x16xf32> to vector<16xf32>
      %swap3A_220 = vector.shape_cast %add3A_215 : vector<16xf32> to vector<1x16xf32>
      tpu.vector_store %arg10[%swap3A_216, %swap3A_217], %swap3A_220 {strides = array<i32>} : memref<16x1024xf32, #tpu.memory_space<vmem>>, vector<1x16xf32>,
      %get3A_221 = arith.index_cast %scan3A_180 : i32 to index
      %get3A_222 = arith.constant 48 : index
      %get3A_223 = tpu.vector_load %arg10[%get3A_221, %get3A_222] {strides = array<i32>} : memref<16x1024xf32, #tpu.memory_space<vmem>>, vector<1x16xf32>,
      %get3A_224 = vector.shape_cast %get3A_223 : vector<1x16xf32> to vector<16xf32>
      %get3A_225 = arith.index_cast %scan3A_180 : i32 to index
      %get3A_226 = arith.constant 48 : index
      %get3A_227 = tpu.vector_load %arg11[%get3A_225, %get3A_226] {strides = array<i32>} : memref<16x1024xf32, #tpu.memory_space<vmem>>, vector<1x16xf32>,
      %get3A_228 = vector.shape_cast %get3A_227 : vector<1x16xf32> to vector<16xf32>
      %add3A_229 = arith.addf %get3A_224, %get3A_228 : vector<16xf32>
      %swap3A_230 = arith.index_cast %scan3A_180 : i32 to index
      %swap3A_231 = arith.constant 48 : index
      %swap3A_232 = tpu.vector_load %arg10[%swap3A_230, %swap3A_231] {strides = array<i32>} : memref<16x1024xf32, #tpu.memory_space<vmem>>, vector<1x16xf32>,
      %swap3A_233 = vector.shape_cast %swap3A_232 : vector<1x16xf32> to vector<16xf32>
      %swap3A_234 = vector.shape_cast %add3A_229 : vector<16xf32> to vector<1x16xf32>
      tpu.vector_store %arg10[%swap3A_230, %swap3A_231], %swap3A_234 {strides = array<i32>} : memref<16x1024xf32, #tpu.memory_space<vmem>>, vector<1x16xf32>,
      %get3A_235 = arith.index_cast %scan3A_180 : i32 to index
      %get3A_236 = arith.constant 64 : index
      %get3A_237 = tpu.vector_load %arg10[%get3A_235, %get3A_236] {strides = array<i32>} : memref<16x1024xf32, #tpu.memory_space<vmem>>, vector<1x16xf32>,
      %get3A_238 = vector.shape_cast %get3A_237 : vector<1x16xf32> to vector<16xf32>
      %get3A_239 = arith.index_cast %scan3A_180 : i32 to index
      %get3A_240 = arith.constant 64 : index
      %get3A_241 = tpu.vector_load %arg11[%get3A_239, %get3A_240] {strides = array<i32>} : memref<16x1024xf32, #tpu.memory_space<vmem>>, vector<1x16xf32>,
      %get3A_242 = vector.shape_cast %get3A_241 : vector<1x16xf32> to vector<16xf32>
      %add3A_243 = arith.addf %get3A_238, %get3A_242 : vector<16xf32>
      %swap3A_244 = arith.index_cast %scan3A_180 : i32 to index
      %swap3A_245 = arith.constant 64 : index
      %swap3A_246 = tpu.vector_load %arg10[%swap3A_244, %swap3A_245] {strides = array<i32>} : memref<16x1024xf32, #tpu.memory_space<vmem>>, vector<1x16xf32>,
      %swap3A_247 = vector.shape_cast %swap3A_246 : vector<1x16xf32> to vector<16xf32>
      %swap3A_248 = vector.shape_cast %add3A_243 : vector<16xf32> to vector<1x16xf32>
      tpu.vector_store %arg10[%swap3A_244, %swap3A_245], %swap3A_248 {strides = array<i32>} : memref<16x1024xf32, #tpu.memory_space<vmem>>, vector<1x16xf32>,
      %get3A_249 = arith.index_cast %scan3A_180 : i32 to index
      %get3A_250 = arith.constant 80 : index
      %get3A_251 = tpu.vector_load %arg10[%get3A_249, %get3A_250] {strides = array<i32>} : memref<16x1024xf32, #tpu.memory_space<vmem>>, vector<1x16xf32>,
      %get3A_252 = vector.shape_cast %get3A_251 : vector<1x16xf32> to vector<16xf32>
      %get3A_253 = arith.index_cast %scan3A_180 : i32 to index
      %get3A_254 = arith.constant 80 : index
      %get3A_255 = tpu.vector_load %arg11[%get3A_253, %get3A_254] {strides = array<i32>} : memref<16x1024xf32, #tpu.memory_space<vmem>>, vector<1x16xf32>,
      %get3A_256 = vector.shape_cast %get3A_255 : vector<1x16xf32> to vector<16xf32>
      %add3A_257 = arith.addf %get3A_252, %get3A_256 : vector<16xf32>
      %swap3A_258 = arith.index_cast %scan3A_180 : i32 to index
      %swap3A_259 = arith.constant 80 : index
      %swap3A_260 = tpu.vector_load %arg10[%swap3A_258, %swap3A_259] {strides = array<i32>} : memref<16x1024xf32, #tpu.memory_space<vmem>>, vector<1x16xf32>,
      %swap3A_261 = vector.shape_cast %swap3A_260 : vector<1x16xf32> to vector<16xf32>
      %swap3A_262 = vector.shape_cast %add3A_257 : vector<16xf32> to vector<1x16xf32>
      tpu.vector_store %arg10[%swap3A_258, %swap3A_259], %swap3A_262 {strides = array<i32>} : memref<16x1024xf32, #tpu.memory_space<vmem>>, vector<1x16xf32>,
      %get3A_263 = arith.index_cast %scan3A_180 : i32 to index
      %get3A_264 = arith.constant 96 : index
      %get3A_265 = tpu.vector_load %arg10[%get3A_263, %get3A_264] {strides = array<i32>} : memref<16x1024xf32, #tpu.memory_space<vmem>>, vector<1x16xf32>,
      %get3A_266 = vector.shape_cast %get3A_265 : vector<1x16xf32> to vector<16xf32>
      %get3A_267 = arith.index_cast %scan3A_180 : i32 to index
      %get3A_268 = arith.constant 96 : index
      %get3A_269 = tpu.vector_load %arg11[%get3A_267, %get3A_268] {strides = array<i32>} : memref<16x1024xf32, #tpu.memory_space<vmem>>, vector<1x16xf32>,
      %get3A_270 = vector.shape_cast %get3A_269 : vector<1x16xf32> to vector<16xf32>
      %add3A_271 = arith.addf %get3A_266, %get3A_270 : vector<16xf32>
      %swap3A_272 = arith.index_cast %scan3A_180 : i32 to index
      %swap3A_273 = arith.constant 96 : index
      %swap3A_274 = tpu.vector_load %arg10[%swap3A_272, %swap3A_273] {strides = array<i32>} : memref<16x1024xf32, #tpu.memory_space<vmem>>, vector<1x16xf32>,
      %swap3A_275 = vector.shape_cast %swap3A_274 : vector<1x16xf32> to vector<16xf32>
      %swap3A_276 = vector.shape_cast %add3A_271 : vector<16xf32> to vector<1x16xf32>
      tpu.vector_store %arg10[%swap3A_272, %swap3A_273], %swap3A_276 {strides = array<i32>} : memref<16x1024xf32, #tpu.memory_space<vmem>>, vector<1x16xf32>,
      %get3A_277 = arith.index_cast %scan3A_180 : i32 to index
      %get3A_278 = arith.constant 112 : index
      %get3A_279 = tpu.vector_load %arg10[%get3A_277, %get3A_278] {strides = array<i32>} : memref<16x1024xf32, #tpu.memory_space<vmem>>, vector<1x16xf32>,
      %get3A_280 = vector.shape_cast %get3A_279 : vector<1x16xf32> to vector<16xf32>
      %get3A_281 = arith.index_cast %scan3A_180 : i32 to index
      %get3A_282 = arith.constant 112 : index
      %get3A_283 = tpu.vector_load %arg11[%get3A_281, %get3A_282] {strides = array<i32>} : memref<16x1024xf32, #tpu.memory_space<vmem>>, vector<1x16xf32>,
      %get3A_284 = vector.shape_cast %get3A_283 : vector<1x16xf32> to vector<16xf32>
      %add3A_285 = arith.addf %get3A_280, %get3A_284 : vector<16xf32>
      %swap3A_286 = arith.index_cast %scan3A_180 : i32 to index
      %swap3A_287 = arith.constant 112 : index
      %swap3A_288 = tpu.vector_load %arg10[%swap3A_286, %swap3A_287] {strides = array<i32>} : memref<16x1024xf32, #tpu.memory_space<vmem>>, vector<1x16xf32>,
      %swap3A_289 = vector.shape_cast %swap3A_288 : vector<1x16xf32> to vector<16xf32>
      %swap3A_290 = vector.shape_cast %add3A_285 : vector<16xf32> to vector<1x16xf32>
      tpu.vector_store %arg10[%swap3A_286, %swap3A_287], %swap3A_290 {strides = array<i32>} : memref<16x1024xf32, #tpu.memory_space<vmem>>, vector<1x16xf32>,
      %get3A_291 = arith.index_cast %scan3A_180 : i32 to index
      %get3A_292 = arith.constant 128 : index
      %get3A_293 = tpu.vector_load %arg10[%get3A_291, %get3A_292] {strides = array<i32>} : memref<16x1024xf32, #tpu.memory_space<vmem>>, vector<1x16xf32>,
      %get3A_294 = vector.shape_cast %get3A_293 : vector<1x16xf32> to vector<16xf32>
      %get3A_295 = arith.index_cast %scan3A_180 : i32 to index
      %get3A_296 = arith.constant 128 : index
      %get3A_297 = tpu.vector_load %arg11[%get3A_295, %get3A_296] {strides = array<i32>} : memref<16x1024xf32, #tpu.memory_space<vmem>>, vector<1x16xf32>,
      %get3A_298 = vector.shape_cast %get3A_297 : vector<1x16xf32> to vector<16xf32>
      %add3A_299 = arith.addf %get3A_294, %get3A_298 : vector<16xf32>
      %swap3A_300 = arith.index_cast %scan3A_180 : i32 to index
      %swap3A_301 = arith.constant 128 : index
      %swap3A_302 = tpu.vector_load %arg10[%swap3A_300, %swap3A_301] {strides = array<i32>} : memref<16x1024xf32, #tpu.memory_space<vmem>>, vector<1x16xf32>,
      %swap3A_303 = vector.shape_cast %swap3A_302 : vector<1x16xf32> to vector<16xf32>
      %swap3A_304 = vector.shape_cast %add3A_299 : vector<16xf32> to vector<1x16xf32>
      tpu.vector_store %arg10[%swap3A_300, %swap3A_301], %swap3A_304 {strides = array<i32>} : memref<16x1024xf32, #tpu.memory_space<vmem>>, vector<1x16xf32>,
      %get3A_305 = arith.index_cast %scan3A_180 : i32 to index
      %get3A_306 = arith.constant 144 : index
      %get3A_307 = tpu.vector_load %arg10[%get3A_305, %get3A_306] {strides = array<i32>} : memref<16x1024xf32, #tpu.memory_space<vmem>>, vector<1x16xf32>,
      %get3A_308 = vector.shape_cast %get3A_307 : vector<1x16xf32> to vector<16xf32>
      %get3A_309 = arith.index_cast %scan3A_180 : i32 to index
      %get3A_310 = arith.constant 144 : index
      %get3A_311 = tpu.vector_load %arg11[%get3A_309, %get3A_310] {strides = array<i32>} : memref<16x1024xf32, #tpu.memory_space<vmem>>, vector<1x16xf32>,
      %get3A_312 = vector.shape_cast %get3A_311 : vector<1x16xf32> to vector<16xf32>
      %add3A_313 = arith.addf %get3A_308, %get3A_312 : vector<16xf32>
      %swap3A_314 = arith.index_cast %scan3A_180 : i32 to index
      %swap3A_315 = arith.constant 144 : index
      %swap3A_316 = tpu.vector_load %arg10[%swap3A_314, %swap3A_315] {strides = array<i32>} : memref<16x1024xf32, #tpu.memory_space<vmem>>, vector<1x16xf32>,
      %swap3A_317 = vector.shape_cast %swap3A_316 : vector<1x16xf32> to vector<16xf32>
      %swap3A_318 = vector.shape_cast %add3A_313 : vector<16xf32> to vector<1x16xf32>
      tpu.vector_store %arg10[%swap3A_314, %swap3A_315], %swap3A_318 {strides = array<i32>} : memref<16x1024xf32, #tpu.memory_space<vmem>>, vector<1x16xf32>,
      %get3A_319 = arith.index_cast %scan3A_180 : i32 to index
      %get3A_320 = arith.constant 160 : index
      %get3A_321 = tpu.vector_load %arg10[%get3A_319, %get3A_320] {strides = array<i32>} : memref<16x1024xf32, #tpu.memory_space<vmem>>, vector<1x16xf32>,
      %get3A_322 = vector.shape_cast %get3A_321 : vector<1x16xf32> to vector<16xf32>
      %get3A_323 = arith.index_cast %scan3A_180 : i32 to index
      %get3A_324 = arith.constant 160 : index
      %get3A_325 = tpu.vector_load %arg11[%get3A_323, %get3A_324] {strides = array<i32>} : memref<16x1024xf32, #tpu.memory_space<vmem>>, vector<1x16xf32>,
      %get3A_326 = vector.shape_cast %get3A_325 : vector<1x16xf32> to vector<16xf32>
      %add3A_327 = arith.addf %get3A_322, %get3A_326 : vector<16xf32>
      %swap3A_328 = arith.index_cast %scan3A_180 : i32 to index
      %swap3A_329 = arith.constant 160 : index
      %swap3A_330 = tpu.vector_load %arg10[%swap3A_328, %swap3A_329] {strides = array<i32>} : memref<16x1024xf32, #tpu.memory_space<vmem>>, vector<1x16xf32>,
      %swap3A_331 = vector.shape_cast %swap3A_330 : vector<1x16xf32> to vector<16xf32>
      %swap3A_332 = vector.shape_cast %add3A_327 : vector<16xf32> to vector<1x16xf32>
      tpu.vector_store %arg10[%swap3A_328, %swap3A_329], %swap3A_332 {strides = array<i32>} : memref<16x1024xf32, #tpu.memory_space<vmem>>, vector<1x16xf32>,
      %get3A_333 = arith.index_cast %scan3A_180 : i32 to index
      %get3A_334 = arith.constant 176 : index
      %get3A_335 = tpu.vector_load %arg10[%get3A_333, %get3A_334] {strides = array<i32>} : memref<16x1024xf32, #tpu.memory_space<vmem>>, vector<1x16xf32>,
      %get3A_336 = vector.shape_cast %get3A_335 : vector<1x16xf32> to vector<16xf32>
      %get3A_337 = arith.index_cast %scan3A_180 : i32 to index
      %get3A_338 = arith.constant 176 : index
      %get3A_339 = tpu.vector_load %arg11[%get3A_337, %get3A_338] {strides = array<i32>} : memref<16x1024xf32, #tpu.memory_space<vmem>>, vector<1x16xf32>,
      %get3A_340 = vector.shape_cast %get3A_339 : vector<1x16xf32> to vector<16xf32>
      %add3A_341 = arith.addf %get3A_336, %get3A_340 : vector<16xf32>
      %swap3A_342 = arith.index_cast %scan3A_180 : i32 to index
      %swap3A_343 = arith.constant 176 : index
      %swap3A_344 = tpu.vector_load %arg10[%swap3A_342, %swap3A_343] {strides = array<i32>} : memref<16x1024xf32, #tpu.memory_space<vmem>>, vector<1x16xf32>,
      %swap3A_345 = vector.shape_cast %swap3A_344 : vector<1x16xf32> to vector<16xf32>
      %swap3A_346 = vector.shape_cast %add3A_341 : vector<16xf32> to vector<1x16xf32>
      tpu.vector_store %arg10[%swap3A_342, %swap3A_343], %swap3A_346 {strides = array<i32>} : memref<16x1024xf32, #tpu.memory_space<vmem>>, vector<1x16xf32>,
      %get3A_347 = arith.index_cast %scan3A_180 : i32 to index
      %get3A_348 = arith.constant 192 : index
      %get3A_349 = tpu.vector_load %arg10[%get3A_347, %get3A_348] {strides = array<i32>} : memref<16x1024xf32, #tpu.memory_space<vmem>>, vector<1x16xf32>,
      %get3A_350 = vector.shape_cast %get3A_349 : vector<1x16xf32> to vector<16xf32>
      %get3A_351 = arith.index_cast %scan3A_180 : i32 to index
      %get3A_352 = arith.constant 192 : index
      %get3A_353 = tpu.vector_load %arg11[%get3A_351, %get3A_352] {strides = array<i32>} : memref<16x1024xf32, #tpu.memory_space<vmem>>, vector<1x16xf32>,
      %get3A_354 = vector.shape_cast %get3A_353 : vector<1x16xf32> to vector<16xf32>
      %add3A_355 = arith.addf %get3A_350, %get3A_354 : vector<16xf32>
      %swap3A_356 = arith.index_cast %scan3A_180 : i32 to index
      %swap3A_357 = arith.constant 192 : index
      %swap3A_358 = tpu.vector_load %arg10[%swap3A_356, %swap3A_357] {strides = array<i32>} : memref<16x1024xf32, #tpu.memory_space<vmem>>, vector<1x16xf32>,
      %swap3A_359 = vector.shape_cast %swap3A_358 : vector<1x16xf32> to vector<16xf32>
      %swap3A_360 = vector.shape_cast %add3A_355 : vector<16xf32> to vector<1x16xf32>
      tpu.vector_store %arg10[%swap3A_356, %swap3A_357], %swap3A_360 {strides = array<i32>} : memref<16x1024xf32, #tpu.memory_space<vmem>>, vector<1x16xf32>,
      %get3A_361 = arith.index_cast %scan3A_180 : i32 to index
      %get3A_362 = arith.constant 208 : index
      %get3A_363 = tpu.vector_load %arg10[%get3A_361, %get3A_362] {strides = array<i32>} : memref<16x1024xf32, #tpu.memory_space<vmem>>, vector<1x16xf32>,
      %get3A_364 = vector.shape_cast %get3A_363 : vector<1x16xf32> to vector<16xf32>
      %get3A_365 = arith.index_cast %scan3A_180 : i32 to index
      %get3A_366 = arith.constant 208 : index
      %get3A_367 = tpu.vector_load %arg11[%get3A_365, %get3A_366] {strides = array<i32>} : memref<16x1024xf32, #tpu.memory_space<vmem>>, vector<1x16xf32>,
      %get3A_368 = vector.shape_cast %get3A_367 : vector<1x16xf32> to vector<16xf32>
      %add3A_369 = arith.addf %get3A_364, %get3A_368 : vector<16xf32>
      %swap3A_370 = arith.index_cast %scan3A_180 : i32 to index
      %swap3A_371 = arith.constant 208 : index
      %swap3A_372 = tpu.vector_load %arg10[%swap3A_370, %swap3A_371] {strides = array<i32>} : memref<16x1024xf32, #tpu.memory_space<vmem>>, vector<1x16xf32>,
      %swap3A_373 = vector.shape_cast %swap3A_372 : vector<1x16xf32> to vector<16xf32>
      %swap3A_374 = vector.shape_cast %add3A_369 : vector<16xf32> to vector<1x16xf32>
      tpu.vector_store %arg10[%swap3A_370, %swap3A_371], %swap3A_374 {strides = array<i32>} : memref<16x1024xf32, #tpu.memory_space<vmem>>, vector<1x16xf32>,
      %get3A_375 = arith.index_cast %scan3A_180 : i32 to index
      %get3A_376 = arith.constant 224 : index
      %get3A_377 = tpu.vector_load %arg10[%get3A_375, %get3A_376] {strides = array<i32>} : memref<16x1024xf32, #tpu.memory_space<vmem>>, vector<1x16xf32>,
      %get3A_378 = vector.shape_cast %get3A_377 : vector<1x16xf32> to vector<16xf32>
      %get3A_379 = arith.index_cast %scan3A_180 : i32 to index
      %get3A_380 = arith.constant 224 : index
      %get3A_381 = tpu.vector_load %arg11[%get3A_379, %get3A_380] {strides = array<i32>} : memref<16x1024xf32, #tpu.memory_space<vmem>>, vector<1x16xf32>,
      %get3A_382 = vector.shape_cast %get3A_381 : vector<1x16xf32> to vector<16xf32>
      %add3A_383 = arith.addf %get3A_378, %get3A_382 : vector<16xf32>
      %swap3A_384 = arith.index_cast %scan3A_180 : i32 to index
      %swap3A_385 = arith.constant 224 : index
      %swap3A_386 = tpu.vector_load %arg10[%swap3A_384, %swap3A_385] {strides = array<i32>} : memref<16x1024xf32, #tpu.memory_space<vmem>>, vector<1x16xf32>,
      %swap3A_387 = vector.shape_cast %swap3A_386 : vector<1x16xf32> to vector<16xf32>
      %swap3A_388 = vector.shape_cast %add3A_383 : vector<16xf32> to vector<1x16xf32>
      tpu.vector_store %arg10[%swap3A_384, %swap3A_385], %swap3A_388 {strides = array<i32>} : memref<16x1024xf32, #tpu.memory_space<vmem>>, vector<1x16xf32>,
      %get3A_389 = arith.index_cast %scan3A_180 : i32 to index
      %get3A_390 = arith.constant 240 : index
      %get3A_391 = tpu.vector_load %arg10[%get3A_389, %get3A_390] {strides = array<i32>} : memref<16x1024xf32, #tpu.memory_space<vmem>>, vector<1x16xf32>,
      %get3A_392 = vector.shape_cast %get3A_391 : vector<1x16xf32> to vector<16xf32>
      %get3A_393 = arith.index_cast %scan3A_180 : i32 to index
      %get3A_394 = arith.constant 240 : index
      %get3A_395 = tpu.vector_load %arg11[%get3A_393, %get3A_394] {strides = array<i32>} : memref<16x1024xf32, #tpu.memory_space<vmem>>, vector<1x16xf32>,
      %get3A_396 = vector.shape_cast %get3A_395 : vector<1x16xf32> to vector<16xf32>
      %add3A_397 = arith.addf %get3A_392, %get3A_396 : vector<16xf32>
      %swap3A_398 = arith.index_cast %scan3A_180 : i32 to index
      %swap3A_399 = arith.constant 240 : index
      %swap3A_400 = tpu.vector_load %arg10[%swap3A_398, %swap3A_399] {strides = array<i32>} : memref<16x1024xf32, #tpu.memory_space<vmem>>, vector<1x16xf32>,
      %swap3A_401 = vector.shape_cast %swap3A_400 : vector<1x16xf32> to vector<16xf32>
      %swap3A_402 = vector.shape_cast %add3A_397 : vector<16xf32> to vector<1x16xf32>
      tpu.vector_store %arg10[%swap3A_398, %swap3A_399], %swap3A_402 {strides = array<i32>} : memref<16x1024xf32, #tpu.memory_space<vmem>>, vector<1x16xf32>,
      %get3A_403 = arith.index_cast %scan3A_180 : i32 to index
      %get3A_404 = arith.constant 256 : index
      %get3A_405 = tpu.vector_load %arg10[%get3A_403, %get3A_404] {strides = array<i32>} : memref<16x1024xf32, #tpu.memory_space<vmem>>, vector<1x16xf32>,
      %get3A_406 = vector.shape_cast %get3A_405 : vector<1x16xf32> to vector<16xf32>
      %get3A_407 = arith.index_cast %scan3A_180 : i32 to index
      %get3A_408 = arith.constant 256 : index
      %get3A_409 = tpu.vector_load %arg11[%get3A_407, %get3A_408] {strides = array<i32>} : memref<16x1024xf32, #tpu.memory_space<vmem>>, vector<1x16xf32>,
      %get3A_410 = vector.shape_cast %get3A_409 : vector<1x16xf32> to vector<16xf32>
      %add3A_411 = arith.addf %get3A_406, %get3A_410 : vector<16xf32>
      %swap3A_412 = arith.index_cast %scan3A_180 : i32 to index
      %swap3A_413 = arith.constant 256 : index
      %swap3A_414 = tpu.vector_load %arg10[%swap3A_412, %swap3A_413] {strides = array<i32>} : memref<16x1024xf32, #tpu.memory_space<vmem>>, vector<1x16xf32>,
      %swap3A_415 = vector.shape_cast %swap3A_414 : vector<1x16xf32> to vector<16xf32>
      %swap3A_416 = vector.shape_cast %add3A_411 : vector<16xf32> to vector<1x16xf32>
      tpu.vector_store %arg10[%swap3A_412, %swap3A_413], %swap3A_416 {strides = array<i32>} : memref<16x1024xf32, #tpu.memory_space<vmem>>, vector<1x16xf32>,
      %get3A_417 = arith.index_cast %scan3A_180 : i32 to index
      %get3A_418 = arith.constant 272 : index
      %get3A_419 = tpu.vector_load %arg10[%get3A_417, %get3A_418] {strides = array<i32>} : memref<16x1024xf32, #tpu.memory_space<vmem>>, vector<1x16xf32>,
      %get3A_420 = vector.shape_cast %get3A_419 : vector<1x16xf32> to vector<16xf32>
      %get3A_421 = arith.index_cast %scan3A_180 : i32 to index
      %get3A_422 = arith.constant 272 : index
      %get3A_423 = tpu.vector_load %arg11[%get3A_421, %get3A_422] {strides = array<i32>} : memref<16x1024xf32, #tpu.memory_space<vmem>>, vector<1x16xf32>,
      %get3A_424 = vector.shape_cast %get3A_423 : vector<1x16xf32> to vector<16xf32>
      %add3A_425 = arith.addf %get3A_420, %get3A_424 : vector<16xf32>
      %swap3A_426 = arith.index_cast %scan3A_180 : i32 to index
      %swap3A_427 = arith.constant 272 : index
      %swap3A_428 = tpu.vector_load %arg10[%swap3A_426, %swap3A_427] {strides = array<i32>} : memref<16x1024xf32, #tpu.memory_space<vmem>>, vector<1x16xf32>,
      %swap3A_429 = vector.shape_cast %swap3A_428 : vector<1x16xf32> to vector<16xf32>
      %swap3A_430 = vector.shape_cast %add3A_425 : vector<16xf32> to vector<1x16xf32>
      tpu.vector_store %arg10[%swap3A_426, %swap3A_427], %swap3A_430 {strides = array<i32>} : memref<16x1024xf32, #tpu.memory_space<vmem>>, vector<1x16xf32>,
      %get3A_431 = arith.index_cast %scan3A_180 : i32 to index
      %get3A_432 = arith.constant 288 : index
      %get3A_433 = tpu.vector_load %arg10[%get3A_431, %get3A_432] {strides = array<i32>} : memref<16x1024xf32, #tpu.memory_space<vmem>>, vector<1x16xf32>,
      %get3A_434 = vector.shape_cast %get3A_433 : vector<1x16xf32> to vector<16xf32>
      %get3A_435 = arith.index_cast %scan3A_180 : i32 to index
      %get3A_436 = arith.constant 288 : index
      %get3A_437 = tpu.vector_load %arg11[%get3A_435, %get3A_436] {strides = array<i32>} : memref<16x1024xf32, #tpu.memory_space<vmem>>, vector<1x16xf32>,
      %get3A_438 = vector.shape_cast %get3A_437 : vector<1x16xf32> to vector<16xf32>
      %add3A_439 = arith.addf %get3A_434, %get3A_438 : vector<16xf32>
      %swap3A_440 = arith.index_cast %scan3A_180 : i32 to index
      %swap3A_441 = arith.constant 288 : index
      %swap3A_442 = tpu.vector_load %arg10[%swap3A_440, %swap3A_441] {strides = array<i32>} : memref<16x1024xf32, #tpu.memory_space<vmem>>, vector<1x16xf32>,
      %swap3A_443 = vector.shape_cast %swap3A_442 : vector<1x16xf32> to vector<16xf32>
      %swap3A_444 = vector.shape_cast %add3A_439 : vector<16xf32> to vector<1x16xf32>
      tpu.vector_store %arg10[%swap3A_440, %swap3A_441], %swap3A_444 {strides = array<i32>} : memref<16x1024xf32, #tpu.memory_space<vmem>>, vector<1x16xf32>,
      %get3A_445 = arith.index_cast %scan3A_180 : i32 to index
      %get3A_446 = arith.constant 304 : index
      %get3A_447 = tpu.vector_load %arg10[%get3A_445, %get3A_446] {strides = array<i32>} : memref<16x1024xf32, #tpu.memory_space<vmem>>, vector<1x16xf32>,
      %get3A_448 = vector.shape_cast %get3A_447 : vector<1x16xf32> to vector<16xf32>
      %get3A_449 = arith.index_cast %scan3A_180 : i32 to index
      %get3A_450 = arith.constant 304 : index
      %get3A_451 = tpu.vector_load %arg11[%get3A_449, %get3A_450] {strides = array<i32>} : memref<16x1024xf32, #tpu.memory_space<vmem>>, vector<1x16xf32>,
      %get3A_452 = vector.shape_cast %get3A_451 : vector<1x16xf32> to vector<16xf32>
      %add3A_453 = arith.addf %get3A_448, %get3A_452 : vector<16xf32>
      %swap3A_454 = arith.index_cast %scan3A_180 : i32 to index
      %swap3A_455 = arith.constant 304 : index
      %swap3A_456 = tpu.vector_load %arg10[%swap3A_454, %swap3A_455] {strides = array<i32>} : memref<16x1024xf32, #tpu.memory_space<vmem>>, vector<1x16xf32>,
      %swap3A_457 = vector.shape_cast %swap3A_456 : vector<1x16xf32> to vector<16xf32>
      %swap3A_458 = vector.shape_cast %add3A_453 : vector<16xf32> to vector<1x16xf32>
      tpu.vector_store %arg10[%swap3A_454, %swap3A_455], %swap3A_458 {strides = array<i32>} : memref<16x1024xf32, #tpu.memory_space<vmem>>, vector<1x16xf32>,
      %get3A_459 = arith.index_cast %scan3A_180 : i32 to index
      %get3A_460 = arith.constant 320 : index
      %get3A_461 = tpu.vector_load %arg10[%get3A_459, %get3A_460] {strides = array<i32>} : memref<16x1024xf32, #tpu.memory_space<vmem>>, vector<1x16xf32>,
      %get3A_462 = vector.shape_cast %get3A_461 : vector<1x16xf32> to vector<16xf32>
      %get3A_463 = arith.index_cast %scan3A_180 : i32 to index
      %get3A_464 = arith.constant 320 : index
      %get3A_465 = tpu.vector_load %arg11[%get3A_463, %get3A_464] {strides = array<i32>} : memref<16x1024xf32, #tpu.memory_space<vmem>>, vector<1x16xf32>,
      %get3A_466 = vector.shape_cast %get3A_465 : vector<1x16xf32> to vector<16xf32>
      %add3A_467 = arith.addf %get3A_462, %get3A_466 : vector<16xf32>
      %swap3A_468 = arith.index_cast %scan3A_180 : i32 to index
      %swap3A_469 = arith.constant 320 : index
      %swap3A_470 = tpu.vector_load %arg10[%swap3A_468, %swap3A_469] {strides = array<i32>} : memref<16x1024xf32, #tpu.memory_space<vmem>>, vector<1x16xf32>,
      %swap3A_471 = vector.shape_cast %swap3A_470 : vector<1x16xf32> to vector<16xf32>
      %swap3A_472 = vector.shape_cast %add3A_467 : vector<16xf32> to vector<1x16xf32>
      tpu.vector_store %arg10[%swap3A_468, %swap3A_469], %swap3A_472 {strides = array<i32>} : memref<16x1024xf32, #tpu.memory_space<vmem>>, vector<1x16xf32>,
      %get3A_473 = arith.index_cast %scan3A_180 : i32 to index
      %get3A_474 = arith.constant 336 : index
      %get3A_475 = tpu.vector_load %arg10[%get3A_473, %get3A_474] {strides = array<i32>} : memref<16x1024xf32, #tpu.memory_space<vmem>>, vector<1x16xf32>,
      %get3A_476 = vector.shape_cast %get3A_475 : vector<1x16xf32> to vector<16xf32>
      %get3A_477 = arith.index_cast %scan3A_180 : i32 to index
      %get3A_478 = arith.constant 336 : index
      %get3A_479 = tpu.vector_load %arg11[%get3A_477, %get3A_478] {strides = array<i32>} : memref<16x1024xf32, #tpu.memory_space<vmem>>, vector<1x16xf32>,
      %get3A_480 = vector.shape_cast %get3A_479 : vector<1x16xf32> to vector<16xf32>
      %add3A_481 = arith.addf %get3A_476, %get3A_480 : vector<16xf32>
      %swap3A_482 = arith.index_cast %scan3A_180 : i32 to index
      %swap3A_483 = arith.constant 336 : index
      %swap3A_484 = tpu.vector_load %arg10[%swap3A_482, %swap3A_483] {strides = array<i32>} : memref<16x1024xf32, #tpu.memory_space<vmem>>, vector<1x16xf32>,
      %swap3A_485 = vector.shape_cast %swap3A_484 : vector<1x16xf32> to vector<16xf32>
      %swap3A_486 = vector.shape_cast %add3A_481 : vector<16xf32> to vector<1x16xf32>
      tpu.vector_store %arg10[%swap3A_482, %swap3A_483], %swap3A_486 {strides = array<i32>} : memref<16x1024xf32, #tpu.memory_space<vmem>>, vector<1x16xf32>,
      %get3A_487 = arith.index_cast %scan3A_180 : i32 to index
      %get3A_488 = arith.constant 352 : index
      %get3A_489 = tpu.vector_load %arg10[%get3A_487, %get3A_488] {strides = array<i32>} : memref<16x1024xf32, #tpu.memory_space<vmem>>, vector<1x16xf32>,
      %get3A_490 = vector.shape_cast %get3A_489 : vector<1x16xf32> to vector<16xf32>
      %get3A_491 = arith.index_cast %scan3A_180 : i32 to index
      %get3A_492 = arith.constant 352 : index
      %get3A_493 = tpu.vector_load %arg11[%get3A_491, %get3A_492] {strides = array<i32>} : memref<16x1024xf32, #tpu.memory_space<vmem>>, vector<1x16xf32>,
      %get3A_494 = vector.shape_cast %get3A_493 : vector<1x16xf32> to vector<16xf32>
      %add3A_495 = arith.addf %get3A_490, %get3A_494 : vector<16xf32>
      %swap3A_496 = arith.index_cast %scan3A_180 : i32 to index
      %swap3A_497 = arith.constant 352 : index
      %swap3A_498 = tpu.vector_load %arg10[%swap3A_496, %swap3A_497] {strides = array<i32>} : memref<16x1024xf32, #tpu.memory_space<vmem>>, vector<1x16xf32>,
      %swap3A_499 = vector.shape_cast %swap3A_498 : vector<1x16xf32> to vector<16xf32>
      %swap3A_500 = vector.shape_cast %add3A_495 : vector<16xf32> to vector<1x16xf32>
      tpu.vector_store %arg10[%swap3A_496, %swap3A_497], %swap3A_500 {strides = array<i32>} : memref<16x1024xf32, #tpu.memory_space<vmem>>, vector<1x16xf32>,
      %get3A_501 = arith.index_cast %scan3A_180 : i32 to index
      %get3A_502 = arith.constant 368 : index
      %get3A_503 = tpu.vector_load %arg10[%get3A_501, %get3A_502] {strides = array<i32>} : memref<16x1024xf32, #tpu.memory_space<vmem>>, vector<1x16xf32>,
      %get3A_504 = vector.shape_cast %get3A_503 : vector<1x16xf32> to vector<16xf32>
      %get3A_505 = arith.index_cast %scan3A_180 : i32 to index
      %get3A_506 = arith.constant 368 : index
      %get3A_507 = tpu.vector_load %arg11[%get3A_505, %get3A_506] {strides = array<i32>} : memref<16x1024xf32, #tpu.memory_space<vmem>>, vector<1x16xf32>,
      %get3A_508 = vector.shape_cast %get3A_507 : vector<1x16xf32> to vector<16xf32>
      %add3A_509 = arith.addf %get3A_504, %get3A_508 : vector<16xf32>
      %swap3A_510 = arith.index_cast %scan3A_180 : i32 to index
      %swap3A_511 = arith.constant 368 : index
      %swap3A_512 = tpu.vector_load %arg10[%swap3A_510, %swap3A_511] {strides = array<i32>} : memref<16x1024xf32, #tpu.memory_space<vmem>>, vector<1x16xf32>,
      %swap3A_513 = vector.shape_cast %swap3A_512 : vector<1x16xf32> to vector<16xf32>
      %swap3A_514 = vector.shape_cast %add3A_509 : vector<16xf32> to vector<1x16xf32>
      tpu.vector_store %arg10[%swap3A_510, %swap3A_511], %swap3A_514 {strides = array<i32>} : memref<16x1024xf32, #tpu.memory_space<vmem>>, vector<1x16xf32>,
      %get3A_515 = arith.index_cast %scan3A_180 : i32 to index
      %get3A_516 = arith.constant 384 : index
      %get3A_517 = tpu.vector_load %arg10[%get3A_515, %get3A_516] {strides = array<i32>} : memref<16x1024xf32, #tpu.memory_space<vmem>>, vector<1x16xf32>,
      %get3A_518 = vector.shape_cast %get3A_517 : vector<1x16xf32> to vector<16xf32>
      %get3A_519 = arith.index_cast %scan3A_180 : i32 to index
      %get3A_520 = arith.constant 384 : index
      %get3A_521 = tpu.vector_load %arg11[%get3A_519, %get3A_520] {strides = array<i32>} : memref<16x1024xf32, #tpu.memory_space<vmem>>, vector<1x16xf32>,
      %get3A_522 = vector.shape_cast %get3A_521 : vector<1x16xf32> to vector<16xf32>
      %add3A_523 = arith.addf %get3A_518, %get3A_522 : vector<16xf32>
      %swap3A_524 = arith.index_cast %scan3A_180 : i32 to index
      %swap3A_525 = arith.constant 384 : index
      %swap3A_526 = tpu.vector_load %arg10[%swap3A_524, %swap3A_525] {strides = array<i32>} : memref<16x1024xf32, #tpu.memory_space<vmem>>, vector<1x16xf32>,
      %swap3A_527 = vector.shape_cast %swap3A_526 : vector<1x16xf32> to vector<16xf32>
      %swap3A_528 = vector.shape_cast %add3A_523 : vector<16xf32> to vector<1x16xf32>
      tpu.vector_store %arg10[%swap3A_524, %swap3A_525], %swap3A_528 {strides = array<i32>} : memref<16x1024xf32, #tpu.memory_space<vmem>>, vector<1x16xf32>,
      %get3A_529 = arith.index_cast %scan3A_180 : i32 to index
      %get3A_530 = arith.constant 400 : index
      %get3A_531 = tpu.vector_load %arg10[%get3A_529, %get3A_530] {strides = array<i32>} : memref<16x1024xf32, #tpu.memory_space<vmem>>, vector<1x16xf32>,
      %get3A_532 = vector.shape_cast %get3A_531 : vector<1x16xf32> to vector<16xf32>
      %get3A_533 = arith.index_cast %scan3A_180 : i32 to index
      %get3A_534 = arith.constant 400 : index
      %get3A_535 = tpu.vector_load %arg11[%get3A_533, %get3A_534] {strides = array<i32>} : memref<16x1024xf32, #tpu.memory_space<vmem>>, vector<1x16xf32>,
      %get3A_536 = vector.shape_cast %get3A_535 : vector<1x16xf32> to vector<16xf32>
      %add3A_537 = arith.addf %get3A_532, %get3A_536 : vector<16xf32>
      %swap3A_538 = arith.index_cast %scan3A_180 : i32 to index
      %swap3A_539 = arith.constant 400 : index
      %swap3A_540 = tpu.vector_load %arg10[%swap3A_538, %swap3A_539] {strides = array<i32>} : memref<16x1024xf32, #tpu.memory_space<vmem>>, vector<1x16xf32>,
      %swap3A_541 = vector.shape_cast %swap3A_540 : vector<1x16xf32> to vector<16xf32>
      %swap3A_542 = vector.shape_cast %add3A_537 : vector<16xf32> to vector<1x16xf32>
      tpu.vector_store %arg10[%swap3A_538, %swap3A_539], %swap3A_542 {strides = array<i32>} : memref<16x1024xf32, #tpu.memory_space<vmem>>, vector<1x16xf32>,
      %get3A_543 = arith.index_cast %scan3A_180 : i32 to index
      %get3A_544 = arith.constant 416 : index
      %get3A_545 = tpu.vector_load %arg10[%get3A_543, %get3A_544] {strides = array<i32>} : memref<16x1024xf32, #tpu.memory_space<vmem>>, vector<1x16xf32>,
      %get3A_546 = vector.shape_cast %get3A_545 : vector<1x16xf32> to vector<16xf32>
      %get3A_547 = arith.index_cast %scan3A_180 : i32 to index
      %get3A_548 = arith.constant 416 : index
      %get3A_549 = tpu.vector_load %arg11[%get3A_547, %get3A_548] {strides = array<i32>} : memref<16x1024xf32, #tpu.memory_space<vmem>>, vector<1x16xf32>,
      %get3A_550 = vector.shape_cast %get3A_549 : vector<1x16xf32> to vector<16xf32>
      %add3A_551 = arith.addf %get3A_546, %get3A_550 : vector<16xf32>
      %swap3A_552 = arith.index_cast %scan3A_180 : i32 to index
      %swap3A_553 = arith.constant 416 : index
      %swap3A_554 = tpu.vector_load %arg10[%swap3A_552, %swap3A_553] {strides = array<i32>} : memref<16x1024xf32, #tpu.memory_space<vmem>>, vector<1x16xf32>,
      %swap3A_555 = vector.shape_cast %swap3A_554 : vector<1x16xf32> to vector<16xf32>
      %swap3A_556 = vector.shape_cast %add3A_551 : vector<16xf32> to vector<1x16xf32>
      tpu.vector_store %arg10[%swap3A_552, %swap3A_553], %swap3A_556 {strides = array<i32>} : memref<16x1024xf32, #tpu.memory_space<vmem>>, vector<1x16xf32>,
      %get3A_557 = arith.index_cast %scan3A_180 : i32 to index
      %get3A_558 = arith.constant 432 : index
      %get3A_559 = tpu.vector_load %arg10[%get3A_557, %get3A_558] {strides = array<i32>} : memref<16x1024xf32, #tpu.memory_space<vmem>>, vector<1x16xf32>,
      %get3A_560 = vector.shape_cast %get3A_559 : vector<1x16xf32> to vector<16xf32>
      %get3A_561 = arith.index_cast %scan3A_180 : i32 to index
      %get3A_562 = arith.constant 432 : index
      %get3A_563 = tpu.vector_load %arg11[%get3A_561, %get3A_562] {strides = array<i32>} : memref<16x1024xf32, #tpu.memory_space<vmem>>, vector<1x16xf32>,
      %get3A_564 = vector.shape_cast %get3A_563 : vector<1x16xf32> to vector<16xf32>
      %add3A_565 = arith.addf %get3A_560, %get3A_564 : vector<16xf32>
      %swap3A_566 = arith.index_cast %scan3A_180 : i32 to index
      %swap3A_567 = arith.constant 432 : index
      %swap3A_568 = tpu.vector_load %arg10[%swap3A_566, %swap3A_567] {strides = array<i32>} : memref<16x1024xf32, #tpu.memory_space<vmem>>, vector<1x16xf32>,
      %swap3A_569 = vector.shape_cast %swap3A_568 : vector<1x16xf32> to vector<16xf32>
      %swap3A_570 = vector.shape_cast %add3A_565 : vector<16xf32> to vector<1x16xf32>
      tpu.vector_store %arg10[%swap3A_566, %swap3A_567], %swap3A_570 {strides = array<i32>} : memref<16x1024xf32, #tpu.memory_space<vmem>>, vector<1x16xf32>,
      %get3A_571 = arith.index_cast %scan3A_180 : i32 to index
      %get3A_572 = arith.constant 448 : index
      %get3A_573 = tpu.vector_load %arg10[%get3A_571, %get3A_572] {strides = array<i32>} : memref<16x1024xf32, #tpu.memory_space<vmem>>, vector<1x16xf32>,
      %get3A_574 = vector.shape_cast %get3A_573 : vector<1x16xf32> to vector<16xf32>
      %get3A_575 = arith.index_cast %scan3A_180 : i32 to index
      %get3A_576 = arith.constant 448 : index
      %get3A_577 = tpu.vector_load %arg11[%get3A_575, %get3A_576] {strides = array<i32>} : memref<16x1024xf32, #tpu.memory_space<vmem>>, vector<1x16xf32>,
      %get3A_578 = vector.shape_cast %get3A_577 : vector<1x16xf32> to vector<16xf32>
      %add3A_579 = arith.addf %get3A_574, %get3A_578 : vector<16xf32>
      %swap3A_580 = arith.index_cast %scan3A_180 : i32 to index
      %swap3A_581 = arith.constant 448 : index
      %swap3A_582 = tpu.vector_load %arg10[%swap3A_580, %swap3A_581] {strides = array<i32>} : memref<16x1024xf32, #tpu.memory_space<vmem>>, vector<1x16xf32>,
      %swap3A_583 = vector.shape_cast %swap3A_582 : vector<1x16xf32> to vector<16xf32>
      %swap3A_584 = vector.shape_cast %add3A_579 : vector<16xf32> to vector<1x16xf32>
      tpu.vector_store %arg10[%swap3A_580, %swap3A_581], %swap3A_584 {strides = array<i32>} : memref<16x1024xf32, #tpu.memory_space<vmem>>, vector<1x16xf32>,
      %get3A_585 = arith.index_cast %scan3A_180 : i32 to index
      %get3A_586 = arith.constant 464 : index
      %get3A_587 = tpu.vector_load %arg10[%get3A_585, %get3A_586] {strides = array<i32>} : memref<16x1024xf32, #tpu.memory_space<vmem>>, vector<1x16xf32>,
      %get3A_588 = vector.shape_cast %get3A_587 : vector<1x16xf32> to vector<16xf32>
      %get3A_589 = arith.index_cast %scan3A_180 : i32 to index
      %get3A_590 = arith.constant 464 : index
      %get3A_591 = tpu.vector_load %arg11[%get3A_589, %get3A_590] {strides = array<i32>} : memref<16x1024xf32, #tpu.memory_space<vmem>>, vector<1x16xf32>,
      %get3A_592 = vector.shape_cast %get3A_591 : vector<1x16xf32> to vector<16xf32>
      %add3A_593 = arith.addf %get3A_588, %get3A_592 : vector<16xf32>
      %swap3A_594 = arith.index_cast %scan3A_180 : i32 to index
      %swap3A_595 = arith.constant 464 : index
      %swap3A_596 = tpu.vector_load %arg10[%swap3A_594, %swap3A_595] {strides = array<i32>} : memref<16x1024xf32, #tpu.memory_space<vmem>>, vector<1x16xf32>,
      %swap3A_597 = vector.shape_cast %swap3A_596 : vector<1x16xf32> to vector<16xf32>
      %swap3A_598 = vector.shape_cast %add3A_593 : vector<16xf32> to vector<1x16xf32>
      tpu.vector_store %arg10[%swap3A_594, %swap3A_595], %swap3A_598 {strides = array<i32>} : memref<16x1024xf32, #tpu.memory_space<vmem>>, vector<1x16xf32>,
      %get3A_599 = arith.index_cast %scan3A_180 : i32 to index
      %get3A_600 = arith.constant 480 : index
      %get3A_601 = tpu.vector_load %arg10[%get3A_599, %get3A_600] {strides = array<i32>} : memref<16x1024xf32, #tpu.memory_space<vmem>>, vector<1x16xf32>,
      %get3A_602 = vector.shape_cast %get3A_601 : vector<1x16xf32> to vector<16xf32>
      %get3A_603 = arith.index_cast %scan3A_180 : i32 to index
      %get3A_604 = arith.constant 480 : index
      %get3A_605 = tpu.vector_load %arg11[%get3A_603, %get3A_604] {strides = array<i32>} : memref<16x1024xf32, #tpu.memory_space<vmem>>, vector<1x16xf32>,
      %get3A_606 = vector.shape_cast %get3A_605 : vector<1x16xf32> to vector<16xf32>
      %add3A_607 = arith.addf %get3A_602, %get3A_606 : vector<16xf32>
      %swap3A_608 = arith.index_cast %scan3A_180 : i32 to index
      %swap3A_609 = arith.constant 480 : index
      %swap3A_610 = tpu.vector_load %arg10[%swap3A_608, %swap3A_609] {strides = array<i32>} : memref<16x1024xf32, #tpu.memory_space<vmem>>, vector<1x16xf32>,
      %swap3A_611 = vector.shape_cast %swap3A_610 : vector<1x16xf32> to vector<16xf32>
      %swap3A_612 = vector.shape_cast %add3A_607 : vector<16xf32> to vector<1x16xf32>
      tpu.vector_store %arg10[%swap3A_608, %swap3A_609], %swap3A_612 {strides = array<i32>} : memref<16x1024xf32, #tpu.memory_space<vmem>>, vector<1x16xf32>,
      %get3A_613 = arith.index_cast %scan3A_180 : i32 to index
      %get3A_614 = arith.constant 496 : index
      %get3A_615 = tpu.vector_load %arg10[%get3A_613, %get3A_614] {strides = array<i32>} : memref<16x1024xf32, #tpu.memory_space<vmem>>, vector<1x16xf32>,
      %get3A_616 = vector.shape_cast %get3A_615 : vector<1x16xf32> to vector<16xf32>
      %get3A_617 = arith.index_cast %scan3A_180 : i32 to index
      %get3A_618 = arith.constant 496 : index
      %get3A_619 = tpu.vector_load %arg11[%get3A_617, %get3A_618] {strides = array<i32>} : memref<16x1024xf32, #tpu.memory_space<vmem>>, vector<1x16xf32>,
      %get3A_620 = vector.shape_cast %get3A_619 : vector<1x16xf32> to vector<16xf32>
      %add3A_621 = arith.addf %get3A_616, %get3A_620 : vector<16xf32>
      %swap3A_622 = arith.index_cast %scan3A_180 : i32 to index
      %swap3A_623 = arith.constant 496 : index
      %swap3A_624 = tpu.vector_load %arg10[%swap3A_622, %swap3A_623] {strides = array<i32>} : memref<16x1024xf32, #tpu.memory_space<vmem>>, vector<1x16xf32>,
      %swap3A_625 = vector.shape_cast %swap3A_624 : vector<1x16xf32> to vector<16xf32>
      %swap3A_626 = vector.shape_cast %add3A_621 : vector<16xf32> to vector<1x16xf32>
      tpu.vector_store %arg10[%swap3A_622, %swap3A_623], %swap3A_626 {strides = array<i32>} : memref<16x1024xf32, #tpu.memory_space<vmem>>, vector<1x16xf32>,
      %get3A_627 = arith.index_cast %scan3A_180 : i32 to index
      %get3A_628 = arith.constant 512 : index
      %get3A_629 = tpu.vector_load %arg10[%get3A_627, %get3A_628] {strides = array<i32>} : memref<16x1024xf32, #tpu.memory_space<vmem>>, vector<1x16xf32>,
      %get3A_630 = vector.shape_cast %get3A_629 : vector<1x16xf32> to vector<16xf32>
      %get3A_631 = arith.index_cast %scan3A_180 : i32 to index
      %get3A_632 = arith.constant 512 : index
      %get3A_633 = tpu.vector_load %arg11[%get3A_631, %get3A_632] {strides = array<i32>} : memref<16x1024xf32, #tpu.memory_space<vmem>>, vector<1x16xf32>,
      %get3A_634 = vector.shape_cast %get3A_633 : vector<1x16xf32> to vector<16xf32>
      %add3A_635 = arith.addf %get3A_630, %get3A_634 : vector<16xf32>
      %swap3A_636 = arith.index_cast %scan3A_180 : i32 to index
      %swap3A_637 = arith.constant 512 : index
      %swap3A_638 = tpu.vector_load %arg10[%swap3A_636, %swap3A_637] {strides = array<i32>} : memref<16x1024xf32, #tpu.memory_space<vmem>>, vector<1x16xf32>,
      %swap3A_639 = vector.shape_cast %swap3A_638 : vector<1x16xf32> to vector<16xf32>
      %swap3A_640 = vector.shape_cast %add3A_635 : vector<16xf32> to vector<1x16xf32>
      tpu.vector_store %arg10[%swap3A_636, %swap3A_637], %swap3A_640 {strides = array<i32>} : memref<16x1024xf32, #tpu.memory_space<vmem>>, vector<1x16xf32>,
      %get3A_641 = arith.index_cast %scan3A_180 : i32 to index
      %get3A_642 = arith.constant 528 : index
      %get3A_643 = tpu.vector_load %arg10[%get3A_641, %get3A_642] {strides = array<i32>} : memref<16x1024xf32, #tpu.memory_space<vmem>>, vector<1x16xf32>,
      %get3A_644 = vector.shape_cast %get3A_643 : vector<1x16xf32> to vector<16xf32>
      %get3A_645 = arith.index_cast %scan3A_180 : i32 to index
      %get3A_646 = arith.constant 528 : index
      %get3A_647 = tpu.vector_load %arg11[%get3A_645, %get3A_646] {strides = array<i32>} : memref<16x1024xf32, #tpu.memory_space<vmem>>, vector<1x16xf32>,
      %get3A_648 = vector.shape_cast %get3A_647 : vector<1x16xf32> to vector<16xf32>
      %add3A_649 = arith.addf %get3A_644, %get3A_648 : vector<16xf32>
      %swap3A_650 = arith.index_cast %scan3A_180 : i32 to index
      %swap3A_651 = arith.constant 528 : index
      %swap3A_652 = tpu.vector_load %arg10[%swap3A_650, %swap3A_651] {strides = array<i32>} : memref<16x1024xf32, #tpu.memory_space<vmem>>, vector<1x16xf32>,
      %swap3A_653 = vector.shape_cast %swap3A_652 : vector<1x16xf32> to vector<16xf32>
      %swap3A_654 = vector.shape_cast %add3A_649 : vector<16xf32> to vector<1x16xf32>
      tpu.vector_store %arg10[%swap3A_650, %swap3A_651], %swap3A_654 {strides = array<i32>} : memref<16x1024xf32, #tpu.memory_space<vmem>>, vector<1x16xf32>,
      %get3A_655 = arith.index_cast %scan3A_180 : i32 to index
      %get3A_656 = arith.constant 544 : index
      %get3A_657 = tpu.vector_load %arg10[%get3A_655, %get3A_656] {strides = array<i32>} : memref<16x1024xf32, #tpu.memory_space<vmem>>, vector<1x16xf32>,
      %get3A_658 = vector.shape_cast %get3A_657 : vector<1x16xf32> to vector<16xf32>
      %get3A_659 = arith.index_cast %scan3A_180 : i32 to index
      %get3A_660 = arith.constant 544 : index
      %get3A_661 = tpu.vector_load %arg11[%get3A_659, %get3A_660] {strides = array<i32>} : memref<16x1024xf32, #tpu.memory_space<vmem>>, vector<1x16xf32>,
      %get3A_662 = vector.shape_cast %get3A_661 : vector<1x16xf32> to vector<16xf32>
      %add3A_663 = arith.addf %get3A_658, %get3A_662 : vector<16xf32>
      %swap3A_664 = arith.index_cast %scan3A_180 : i32 to index
      %swap3A_665 = arith.constant 544 : index
      %swap3A_666 = tpu.vector_load %arg10[%swap3A_664, %swap3A_665] {strides = array<i32>} : memref<16x1024xf32, #tpu.memory_space<vmem>>, vector<1x16xf32>,
      %swap3A_667 = vector.shape_cast %swap3A_666 : vector<1x16xf32> to vector<16xf32>
      %swap3A_668 = vector.shape_cast %add3A_663 : vector<16xf32> to vector<1x16xf32>
      tpu.vector_store %arg10[%swap3A_664, %swap3A_665], %swap3A_668 {strides = array<i32>} : memref<16x1024xf32, #tpu.memory_space<vmem>>, vector<1x16xf32>,
      %get3A_669 = arith.index_cast %scan3A_180 : i32 to index
      %get3A_670 = arith.constant 560 : index
      %get3A_671 = tpu.vector_load %arg10[%get3A_669, %get3A_670] {strides = array<i32>} : memref<16x1024xf32, #tpu.memory_space<vmem>>, vector<1x16xf32>,
      %get3A_672 = vector.shape_cast %get3A_671 : vector<1x16xf32> to vector<16xf32>
      %get3A_673 = arith.index_cast %scan3A_180 : i32 to index
      %get3A_674 = arith.constant 560 : index
      %get3A_675 = tpu.vector_load %arg11[%get3A_673, %get3A_674] {strides = array<i32>} : memref<16x1024xf32, #tpu.memory_space<vmem>>, vector<1x16xf32>,
      %get3A_676 = vector.shape_cast %get3A_675 : vector<1x16xf32> to vector<16xf32>
      %add3A_677 = arith.addf %get3A_672, %get3A_676 : vector<16xf32>
      %swap3A_678 = arith.index_cast %scan3A_180 : i32 to index
      %swap3A_679 = arith.constant 560 : index
      %swap3A_680 = tpu.vector_load %arg10[%swap3A_678, %swap3A_679] {strides = array<i32>} : memref<16x1024xf32, #tpu.memory_space<vmem>>, vector<1x16xf32>,
      %swap3A_681 = vector.shape_cast %swap3A_680 : vector<1x16xf32> to vector<16xf32>
      %swap3A_682 = vector.shape_cast %add3A_677 : vector<16xf32> to vector<1x16xf32>
      tpu.vector_store %arg10[%swap3A_678, %swap3A_679], %swap3A_682 {strides = array<i32>} : memref<16x1024xf32, #tpu.memory_space<vmem>>, vector<1x16xf32>,
      %get3A_683 = arith.index_cast %scan3A_180 : i32 to index
      %get3A_684 = arith.constant 576 : index
      %get3A_685 = tpu.vector_load %arg10[%get3A_683, %get3A_684] {strides = array<i32>} : memref<16x1024xf32, #tpu.memory_space<vmem>>, vector<1x16xf32>,
      %get3A_686 = vector.shape_cast %get3A_685 : vector<1x16xf32> to vector<16xf32>
      %get3A_687 = arith.index_cast %scan3A_180 : i32 to index
      %get3A_688 = arith.constant 576 : index
      %get3A_689 = tpu.vector_load %arg11[%get3A_687, %get3A_688] {strides = array<i32>} : memref<16x1024xf32, #tpu.memory_space<vmem>>, vector<1x16xf32>,
      %get3A_690 = vector.shape_cast %get3A_689 : vector<1x16xf32> to vector<16xf32>
      %add3A_691 = arith.addf %get3A_686, %get3A_690 : vector<16xf32>
      %swap3A_692 = arith.index_cast %scan3A_180 : i32 to index
      %swap3A_693 = arith.constant 576 : index
      %swap3A_694 = tpu.vector_load %arg10[%swap3A_692, %swap3A_693] {strides = array<i32>} : memref<16x1024xf32, #tpu.memory_space<vmem>>, vector<1x16xf32>,
      %swap3A_695 = vector.shape_cast %swap3A_694 : vector<1x16xf32> to vector<16xf32>
      %swap3A_696 = vector.shape_cast %add3A_691 : vector<16xf32> to vector<1x16xf32>
      tpu.vector_store %arg10[%swap3A_692, %swap3A_693], %swap3A_696 {strides = array<i32>} : memref<16x1024xf32, #tpu.memory_space<vmem>>, vector<1x16xf32>,
      %get3A_697 = arith.index_cast %scan3A_180 : i32 to index
      %get3A_698 = arith.constant 592 : index
      %get3A_699 = tpu.vector_load %arg10[%get3A_697, %get3A_698] {strides = array<i32>} : memref<16x1024xf32, #tpu.memory_space<vmem>>, vector<1x16xf32>,
      %get3A_700 = vector.shape_cast %get3A_699 : vector<1x16xf32> to vector<16xf32>
      %get3A_701 = arith.index_cast %scan3A_180 : i32 to index
      %get3A_702 = arith.constant 592 : index
      %get3A_703 = tpu.vector_load %arg11[%get3A_701, %get3A_702] {strides = array<i32>} : memref<16x1024xf32, #tpu.memory_space<vmem>>, vector<1x16xf32>,
      %get3A_704 = vector.shape_cast %get3A_703 : vector<1x16xf32> to vector<16xf32>
      %add3A_705 = arith.addf %get3A_700, %get3A_704 : vector<16xf32>
      %swap3A_706 = arith.index_cast %scan3A_180 : i32 to index
      %swap3A_707 = arith.constant 592 : index
      %swap3A_708 = tpu.vector_load %arg10[%swap3A_706, %swap3A_707] {strides = array<i32>} : memref<16x1024xf32, #tpu.memory_space<vmem>>, vector<1x16xf32>,
      %swap3A_709 = vector.shape_cast %swap3A_708 : vector<1x16xf32> to vector<16xf32>
      %swap3A_710 = vector.shape_cast %add3A_705 : vector<16xf32> to vector<1x16xf32>
      tpu.vector_store %arg10[%swap3A_706, %swap3A_707], %swap3A_710 {strides = array<i32>} : memref<16x1024xf32, #tpu.memory_space<vmem>>, vector<1x16xf32>,
      %get3A_711 = arith.index_cast %scan3A_180 : i32 to index
      %get3A_712 = arith.constant 608 : index
      %get3A_713 = tpu.vector_load %arg10[%get3A_711, %get3A_712] {strides = array<i32>} : memref<16x1024xf32, #tpu.memory_space<vmem>>, vector<1x16xf32>,
      %get3A_714 = vector.shape_cast %get3A_713 : vector<1x16xf32> to vector<16xf32>
      %get3A_715 = arith.index_cast %scan3A_180 : i32 to index
      %get3A_716 = arith.constant 608 : index
      %get3A_717 = tpu.vector_load %arg11[%get3A_715, %get3A_716] {strides = array<i32>} : memref<16x1024xf32, #tpu.memory_space<vmem>>, vector<1x16xf32>,
      %get3A_718 = vector.shape_cast %get3A_717 : vector<1x16xf32> to vector<16xf32>
      %add3A_719 = arith.addf %get3A_714, %get3A_718 : vector<16xf32>
      %swap3A_720 = arith.index_cast %scan3A_180 : i32 to index
      %swap3A_721 = arith.constant 608 : index
      %swap3A_722 = tpu.vector_load %arg10[%swap3A_720, %swap3A_721] {strides = array<i32>} : memref<16x1024xf32, #tpu.memory_space<vmem>>, vector<1x16xf32>,
      %swap3A_723 = vector.shape_cast %swap3A_722 : vector<1x16xf32> to vector<16xf32>
      %swap3A_724 = vector.shape_cast %add3A_719 : vector<16xf32> to vector<1x16xf32>
      tpu.vector_store %arg10[%swap3A_720, %swap3A_721], %swap3A_724 {strides = array<i32>} : memref<16x1024xf32, #tpu.memory_space<vmem>>, vector<1x16xf32>,
      %get3A_725 = arith.index_cast %scan3A_180 : i32 to index
      %get3A_726 = arith.constant 624 : index
      %get3A_727 = tpu.vector_load %arg10[%get3A_725, %get3A_726] {strides = array<i32>} : memref<16x1024xf32, #tpu.memory_space<vmem>>, vector<1x16xf32>,
      %get3A_728 = vector.shape_cast %get3A_727 : vector<1x16xf32> to vector<16xf32>
      %get3A_729 = arith.index_cast %scan3A_180 : i32 to index
      %get3A_730 = arith.constant 624 : index
      %get3A_731 = tpu.vector_load %arg11[%get3A_729, %get3A_730] {strides = array<i32>} : memref<16x1024xf32, #tpu.memory_space<vmem>>, vector<1x16xf32>,
      %get3A_732 = vector.shape_cast %get3A_731 : vector<1x16xf32> to vector<16xf32>
      %add3A_733 = arith.addf %get3A_728, %get3A_732 : vector<16xf32>
      %swap3A_734 = arith.index_cast %scan3A_180 : i32 to index
      %swap3A_735 = arith.constant 624 : index
      %swap3A_736 = tpu.vector_load %arg10[%swap3A_734, %swap3A_735] {strides = array<i32>} : memref<16x1024xf32, #tpu.memory_space<vmem>>, vector<1x16xf32>,
      %swap3A_737 = vector.shape_cast %swap3A_736 : vector<1x16xf32> to vector<16xf32>
      %swap3A_738 = vector.shape_cast %add3A_733 : vector<16xf32> to vector<1x16xf32>
      tpu.vector_store %arg10[%swap3A_734, %swap3A_735], %swap3A_738 {strides = array<i32>} : memref<16x1024xf32, #tpu.memory_space<vmem>>, vector<1x16xf32>,
      %get3A_739 = arith.index_cast %scan3A_180 : i32 to index
      %get3A_740 = arith.constant 640 : index
      %get3A_741 = tpu.vector_load %arg10[%get3A_739, %get3A_740] {strides = array<i32>} : memref<16x1024xf32, #tpu.memory_space<vmem>>, vector<1x16xf32>,
      %get3A_742 = vector.shape_cast %get3A_741 : vector<1x16xf32> to vector<16xf32>
      %get3A_743 = arith.index_cast %scan3A_180 : i32 to index
      %get3A_744 = arith.constant 640 : index
      %get3A_745 = tpu.vector_load %arg11[%get3A_743, %get3A_744] {strides = array<i32>} : memref<16x1024xf32, #tpu.memory_space<vmem>>, vector<1x16xf32>,
      %get3A_746 = vector.shape_cast %get3A_745 : vector<1x16xf32> to vector<16xf32>
      %add3A_747 = arith.addf %get3A_742, %get3A_746 : vector<16xf32>
      %swap3A_748 = arith.index_cast %scan3A_180 : i32 to index
      %swap3A_749 = arith.constant 640 : index
      %swap3A_750 = tpu.vector_load %arg10[%swap3A_748, %swap3A_749] {strides = array<i32>} : memref<16x1024xf32, #tpu.memory_space<vmem>>, vector<1x16xf32>,
      %swap3A_751 = vector.shape_cast %swap3A_750 : vector<1x16xf32> to vector<16xf32>
      %swap3A_752 = vector.shape_cast %add3A_747 : vector<16xf32> to vector<1x16xf32>
      tpu.vector_store %arg10[%swap3A_748, %swap3A_749], %swap3A_752 {strides = array<i32>} : memref<16x1024xf32, #tpu.memory_space<vmem>>, vector<1x16xf32>,
      %get3A_753 = arith.index_cast %scan3A_180 : i32 to index
      %get3A_754 = arith.constant 656 : index
      %get3A_755 = tpu.vector_load %arg10[%get3A_753, %get3A_754] {strides = array<i32>} : memref<16x1024xf32, #tpu.memory_space<vmem>>, vector<1x16xf32>,
      %get3A_756 = vector.shape_cast %get3A_755 : vector<1x16xf32> to vector<16xf32>
      %get3A_757 = arith.index_cast %scan3A_180 : i32 to index
      %get3A_758 = arith.constant 656 : index
      %get3A_759 = tpu.vector_load %arg11[%get3A_757, %get3A_758] {strides = array<i32>} : memref<16x1024xf32, #tpu.memory_space<vmem>>, vector<1x16xf32>,
      %get3A_760 = vector.shape_cast %get3A_759 : vector<1x16xf32> to vector<16xf32>
      %add3A_761 = arith.addf %get3A_756, %get3A_760 : vector<16xf32>
      %swap3A_762 = arith.index_cast %scan3A_180 : i32 to index
      %swap3A_763 = arith.constant 656 : index
      %swap3A_764 = tpu.vector_load %arg10[%swap3A_762, %swap3A_763] {strides = array<i32>} : memref<16x1024xf32, #tpu.memory_space<vmem>>, vector<1x16xf32>,
      %swap3A_765 = vector.shape_cast %swap3A_764 : vector<1x16xf32> to vector<16xf32>
      %swap3A_766 = vector.shape_cast %add3A_761 : vector<16xf32> to vector<1x16xf32>
      tpu.vector_store %arg10[%swap3A_762, %swap3A_763], %swap3A_766 {strides = array<i32>} : memref<16x1024xf32, #tpu.memory_space<vmem>>, vector<1x16xf32>,
      %get3A_767 = arith.index_cast %scan3A_180 : i32 to index
      %get3A_768 = arith.constant 672 : index
      %get3A_769 = tpu.vector_load %arg10[%get3A_767, %get3A_768] {strides = array<i32>} : memref<16x1024xf32, #tpu.memory_space<vmem>>, vector<1x16xf32>,
      %get3A_770 = vector.shape_cast %get3A_769 : vector<1x16xf32> to vector<16xf32>
      %get3A_771 = arith.index_cast %scan3A_180 : i32 to index
      %get3A_772 = arith.constant 672 : index
      %get3A_773 = tpu.vector_load %arg11[%get3A_771, %get3A_772] {strides = array<i32>} : memref<16x1024xf32, #tpu.memory_space<vmem>>, vector<1x16xf32>,
      %get3A_774 = vector.shape_cast %get3A_773 : vector<1x16xf32> to vector<16xf32>
      %add3A_775 = arith.addf %get3A_770, %get3A_774 : vector<16xf32>
      %swap3A_776 = arith.index_cast %scan3A_180 : i32 to index
      %swap3A_777 = arith.constant 672 : index
      %swap3A_778 = tpu.vector_load %arg10[%swap3A_776, %swap3A_777] {strides = array<i32>} : memref<16x1024xf32, #tpu.memory_space<vmem>>, vector<1x16xf32>,
      %swap3A_779 = vector.shape_cast %swap3A_778 : vector<1x16xf32> to vector<16xf32>
      %swap3A_780 = vector.shape_cast %add3A_775 : vector<16xf32> to vector<1x16xf32>
      tpu.vector_store %arg10[%swap3A_776, %swap3A_777], %swap3A_780 {strides = array<i32>} : memref<16x1024xf32, #tpu.memory_space<vmem>>, vector<1x16xf32>,
      %get3A_781 = arith.index_cast %scan3A_180 : i32 to index
      %get3A_782 = arith.constant 688 : index
      %get3A_783 = tpu.vector_load %arg10[%get3A_781, %get3A_782] {strides = array<i32>} : memref<16x1024xf32, #tpu.memory_space<vmem>>, vector<1x16xf32>,
      %get3A_784 = vector.shape_cast %get3A_783 : vector<1x16xf32> to vector<16xf32>
      %get3A_785 = arith.index_cast %scan3A_180 : i32 to index
      %get3A_786 = arith.constant 688 : index
      %get3A_787 = tpu.vector_load %arg11[%get3A_785, %get3A_786] {strides = array<i32>} : memref<16x1024xf32, #tpu.memory_space<vmem>>, vector<1x16xf32>,
      %get3A_788 = vector.shape_cast %get3A_787 : vector<1x16xf32> to vector<16xf32>
      %add3A_789 = arith.addf %get3A_784, %get3A_788 : vector<16xf32>
      %swap3A_790 = arith.index_cast %scan3A_180 : i32 to index
      %swap3A_791 = arith.constant 688 : index
      %swap3A_792 = tpu.vector_load %arg10[%swap3A_790, %swap3A_791] {strides = array<i32>} : memref<16x1024xf32, #tpu.memory_space<vmem>>, vector<1x16xf32>,
      %swap3A_793 = vector.shape_cast %swap3A_792 : vector<1x16xf32> to vector<16xf32>
      %swap3A_794 = vector.shape_cast %add3A_789 : vector<16xf32> to vector<1x16xf32>
      tpu.vector_store %arg10[%swap3A_790, %swap3A_791], %swap3A_794 {strides = array<i32>} : memref<16x1024xf32, #tpu.memory_space<vmem>>, vector<1x16xf32>,
      %get3A_795 = arith.index_cast %scan3A_180 : i32 to index
      %get3A_796 = arith.constant 704 : index
      %get3A_797 = tpu.vector_load %arg10[%get3A_795, %get3A_796] {strides = array<i32>} : memref<16x1024xf32, #tpu.memory_space<vmem>>, vector<1x16xf32>,
      %get3A_798 = vector.shape_cast %get3A_797 : vector<1x16xf32> to vector<16xf32>
      %get3A_799 = arith.index_cast %scan3A_180 : i32 to index
      %get3A_800 = arith.constant 704 : index
      %get3A_801 = tpu.vector_load %arg11[%get3A_799, %get3A_800] {strides = array<i32>} : memref<16x1024xf32, #tpu.memory_space<vmem>>, vector<1x16xf32>,
      %get3A_802 = vector.shape_cast %get3A_801 : vector<1x16xf32> to vector<16xf32>
      %add3A_803 = arith.addf %get3A_798, %get3A_802 : vector<16xf32>
      %swap3A_804 = arith.index_cast %scan3A_180 : i32 to index
      %swap3A_805 = arith.constant 704 : index
      %swap3A_806 = tpu.vector_load %arg10[%swap3A_804, %swap3A_805] {strides = array<i32>} : memref<16x1024xf32, #tpu.memory_space<vmem>>, vector<1x16xf32>,
      %swap3A_807 = vector.shape_cast %swap3A_806 : vector<1x16xf32> to vector<16xf32>
      %swap3A_808 = vector.shape_cast %add3A_803 : vector<16xf32> to vector<1x16xf32>
      tpu.vector_store %arg10[%swap3A_804, %swap3A_805], %swap3A_808 {strides = array<i32>} : memref<16x1024xf32, #tpu.memory_space<vmem>>, vector<1x16xf32>,
      %get3A_809 = arith.index_cast %scan3A_180 : i32 to index
      %get3A_810 = arith.constant 720 : index
      %get3A_811 = tpu.vector_load %arg10[%get3A_809, %get3A_810] {strides = array<i32>} : memref<16x1024xf32, #tpu.memory_space<vmem>>, vector<1x16xf32>,
      %get3A_812 = vector.shape_cast %get3A_811 : vector<1x16xf32> to vector<16xf32>
      %get3A_813 = arith.index_cast %scan3A_180 : i32 to index
      %get3A_814 = arith.constant 720 : index
      %get3A_815 = tpu.vector_load %arg11[%get3A_813, %get3A_814] {strides = array<i32>} : memref<16x1024xf32, #tpu.memory_space<vmem>>, vector<1x16xf32>,
      %get3A_816 = vector.shape_cast %get3A_815 : vector<1x16xf32> to vector<16xf32>
      %add3A_817 = arith.addf %get3A_812, %get3A_816 : vector<16xf32>
      %swap3A_818 = arith.index_cast %scan3A_180 : i32 to index
      %swap3A_819 = arith.constant 720 : index
      %swap3A_820 = tpu.vector_load %arg10[%swap3A_818, %swap3A_819] {strides = array<i32>} : memref<16x1024xf32, #tpu.memory_space<vmem>>, vector<1x16xf32>,
      %swap3A_821 = vector.shape_cast %swap3A_820 : vector<1x16xf32> to vector<16xf32>
      %swap3A_822 = vector.shape_cast %add3A_817 : vector<16xf32> to vector<1x16xf32>
      tpu.vector_store %arg10[%swap3A_818, %swap3A_819], %swap3A_822 {strides = array<i32>} : memref<16x1024xf32, #tpu.memory_space<vmem>>, vector<1x16xf32>,
      %get3A_823 = arith.index_cast %scan3A_180 : i32 to index
      %get3A_824 = arith.constant 736 : index
      %get3A_825 = tpu.vector_load %arg10[%get3A_823, %get3A_824] {strides = array<i32>} : memref<16x1024xf32, #tpu.memory_space<vmem>>, vector<1x16xf32>,
      %get3A_826 = vector.shape_cast %get3A_825 : vector<1x16xf32> to vector<16xf32>
      %get3A_827 = arith.index_cast %scan3A_180 : i32 to index
      %get3A_828 = arith.constant 736 : index
      %get3A_829 = tpu.vector_load %arg11[%get3A_827, %get3A_828] {strides = array<i32>} : memref<16x1024xf32, #tpu.memory_space<vmem>>, vector<1x16xf32>,
      %get3A_830 = vector.shape_cast %get3A_829 : vector<1x16xf32> to vector<16xf32>
      %add3A_831 = arith.addf %get3A_826, %get3A_830 : vector<16xf32>
      %swap3A_832 = arith.index_cast %scan3A_180 : i32 to index
      %swap3A_833 = arith.constant 736 : index
      %swap3A_834 = tpu.vector_load %arg10[%swap3A_832, %swap3A_833] {strides = array<i32>} : memref<16x1024xf32, #tpu.memory_space<vmem>>, vector<1x16xf32>,
      %swap3A_835 = vector.shape_cast %swap3A_834 : vector<1x16xf32> to vector<16xf32>
      %swap3A_836 = vector.shape_cast %add3A_831 : vector<16xf32> to vector<1x16xf32>
      tpu.vector_store %arg10[%swap3A_832, %swap3A_833], %swap3A_836 {strides = array<i32>} : memref<16x1024xf32, #tpu.memory_space<vmem>>, vector<1x16xf32>,
      %get3A_837 = arith.index_cast %scan3A_180 : i32 to index
      %get3A_838 = arith.constant 752 : index
      %get3A_839 = tpu.vector_load %arg10[%get3A_837, %get3A_838] {strides = array<i32>} : memref<16x1024xf32, #tpu.memory_space<vmem>>, vector<1x16xf32>,
      %get3A_840 = vector.shape_cast %get3A_839 : vector<1x16xf32> to vector<16xf32>
      %get3A_841 = arith.index_cast %scan3A_180 : i32 to index
      %get3A_842 = arith.constant 752 : index
      %get3A_843 = tpu.vector_load %arg11[%get3A_841, %get3A_842] {strides = array<i32>} : memref<16x1024xf32, #tpu.memory_space<vmem>>, vector<1x16xf32>,
      %get3A_844 = vector.shape_cast %get3A_843 : vector<1x16xf32> to vector<16xf32>
      %add3A_845 = arith.addf %get3A_840, %get3A_844 : vector<16xf32>
      %swap3A_846 = arith.index_cast %scan3A_180 : i32 to index
      %swap3A_847 = arith.constant 752 : index
      %swap3A_848 = tpu.vector_load %arg10[%swap3A_846, %swap3A_847] {strides = array<i32>} : memref<16x1024xf32, #tpu.memory_space<vmem>>, vector<1x16xf32>,
      %swap3A_849 = vector.shape_cast %swap3A_848 : vector<1x16xf32> to vector<16xf32>
      %swap3A_850 = vector.shape_cast %add3A_845 : vector<16xf32> to vector<1x16xf32>
      tpu.vector_store %arg10[%swap3A_846, %swap3A_847], %swap3A_850 {strides = array<i32>} : memref<16x1024xf32, #tpu.memory_space<vmem>>, vector<1x16xf32>,
      %get3A_851 = arith.index_cast %scan3A_180 : i32 to index
      %get3A_852 = arith.constant 768 : index
      %get3A_853 = tpu.vector_load %arg10[%get3A_851, %get3A_852] {strides = array<i32>} : memref<16x1024xf32, #tpu.memory_space<vmem>>, vector<1x16xf32>,
      %get3A_854 = vector.shape_cast %get3A_853 : vector<1x16xf32> to vector<16xf32>
      %get3A_855 = arith.index_cast %scan3A_180 : i32 to index
      %get3A_856 = arith.constant 768 : index
      %get3A_857 = tpu.vector_load %arg11[%get3A_855, %get3A_856] {strides = array<i32>} : memref<16x1024xf32, #tpu.memory_space<vmem>>, vector<1x16xf32>,
      %get3A_858 = vector.shape_cast %get3A_857 : vector<1x16xf32> to vector<16xf32>
      %add3A_859 = arith.addf %get3A_854, %get3A_858 : vector<16xf32>
      %swap3A_860 = arith.index_cast %scan3A_180 : i32 to index
      %swap3A_861 = arith.constant 768 : index
      %swap3A_862 = tpu.vector_load %arg10[%swap3A_860, %swap3A_861] {strides = array<i32>} : memref<16x1024xf32, #tpu.memory_space<vmem>>, vector<1x16xf32>,
      %swap3A_863 = vector.shape_cast %swap3A_862 : vector<1x16xf32> to vector<16xf32>
      %swap3A_864 = vector.shape_cast %add3A_859 : vector<16xf32> to vector<1x16xf32>
      tpu.vector_store %arg10[%swap3A_860, %swap3A_861], %swap3A_864 {strides = array<i32>} : memref<16x1024xf32, #tpu.memory_space<vmem>>, vector<1x16xf32>,
      %get3A_865 = arith.index_cast %scan3A_180 : i32 to index
      %get3A_866 = arith.constant 784 : index
      %get3A_867 = tpu.vector_load %arg10[%get3A_865, %get3A_866] {strides = array<i32>} : memref<16x1024xf32, #tpu.memory_space<vmem>>, vector<1x16xf32>,
      %get3A_868 = vector.shape_cast %get3A_867 : vector<1x16xf32> to vector<16xf32>
      %get3A_869 = arith.index_cast %scan3A_180 : i32 to index
      %get3A_870 = arith.constant 784 : index
      %get3A_871 = tpu.vector_load %arg11[%get3A_869, %get3A_870] {strides = array<i32>} : memref<16x1024xf32, #tpu.memory_space<vmem>>, vector<1x16xf32>,
      %get3A_872 = vector.shape_cast %get3A_871 : vector<1x16xf32> to vector<16xf32>
      %add3A_873 = arith.addf %get3A_868, %get3A_872 : vector<16xf32>
      %swap3A_874 = arith.index_cast %scan3A_180 : i32 to index
      %swap3A_875 = arith.constant 784 : index
      %swap3A_876 = tpu.vector_load %arg10[%swap3A_874, %swap3A_875] {strides = array<i32>} : memref<16x1024xf32, #tpu.memory_space<vmem>>, vector<1x16xf32>,
      %swap3A_877 = vector.shape_cast %swap3A_876 : vector<1x16xf32> to vector<16xf32>
      %swap3A_878 = vector.shape_cast %add3A_873 : vector<16xf32> to vector<1x16xf32>
      tpu.vector_store %arg10[%swap3A_874, %swap3A_875], %swap3A_878 {strides = array<i32>} : memref<16x1024xf32, #tpu.memory_space<vmem>>, vector<1x16xf32>,
      %get3A_879 = arith.index_cast %scan3A_180 : i32 to index
      %get3A_880 = arith.constant 800 : index
      %get3A_881 = tpu.vector_load %arg10[%get3A_879, %get3A_880] {strides = array<i32>} : memref<16x1024xf32, #tpu.memory_space<vmem>>, vector<1x16xf32>,
      %get3A_882 = vector.shape_cast %get3A_881 : vector<1x16xf32> to vector<16xf32>
      %get3A_883 = arith.index_cast %scan3A_180 : i32 to index
      %get3A_884 = arith.constant 800 : index
      %get3A_885 = tpu.vector_load %arg11[%get3A_883, %get3A_884] {strides = array<i32>} : memref<16x1024xf32, #tpu.memory_space<vmem>>, vector<1x16xf32>,
      %get3A_886 = vector.shape_cast %get3A_885 : vector<1x16xf32> to vector<16xf32>
      %add3A_887 = arith.addf %get3A_882, %get3A_886 : vector<16xf32>
      %swap3A_888 = arith.index_cast %scan3A_180 : i32 to index
      %swap3A_889 = arith.constant 800 : index
      %swap3A_890 = tpu.vector_load %arg10[%swap3A_888, %swap3A_889] {strides = array<i32>} : memref<16x1024xf32, #tpu.memory_space<vmem>>, vector<1x16xf32>,
      %swap3A_891 = vector.shape_cast %swap3A_890 : vector<1x16xf32> to vector<16xf32>
      %swap3A_892 = vector.shape_cast %add3A_887 : vector<16xf32> to vector<1x16xf32>
      tpu.vector_store %arg10[%swap3A_888, %swap3A_889], %swap3A_892 {strides = array<i32>} : memref<16x1024xf32, #tpu.memory_space<vmem>>, vector<1x16xf32>,
      %get3A_893 = arith.index_cast %scan3A_180 : i32 to index
      %get3A_894 = arith.constant 816 : index
      %get3A_895 = tpu.vector_load %arg10[%get3A_893, %get3A_894] {strides = array<i32>} : memref<16x1024xf32, #tpu.memory_space<vmem>>, vector<1x16xf32>,
      %get3A_896 = vector.shape_cast %get3A_895 : vector<1x16xf32> to vector<16xf32>
      %get3A_897 = arith.index_cast %scan3A_180 : i32 to index
      %get3A_898 = arith.constant 816 : index
      %get3A_899 = tpu.vector_load %arg11[%get3A_897, %get3A_898] {strides = array<i32>} : memref<16x1024xf32, #tpu.memory_space<vmem>>, vector<1x16xf32>,
      %get3A_900 = vector.shape_cast %get3A_899 : vector<1x16xf32> to vector<16xf32>
      %add3A_901 = arith.addf %get3A_896, %get3A_900 : vector<16xf32>
      %swap3A_902 = arith.index_cast %scan3A_180 : i32 to index
      %swap3A_903 = arith.constant 816 : index
      %swap3A_904 = tpu.vector_load %arg10[%swap3A_902, %swap3A_903] {strides = array<i32>} : memref<16x1024xf32, #tpu.memory_space<vmem>>, vector<1x16xf32>,
      %swap3A_905 = vector.shape_cast %swap3A_904 : vector<1x16xf32> to vector<16xf32>
      %swap3A_906 = vector.shape_cast %add3A_901 : vector<16xf32> to vector<1x16xf32>
      tpu.vector_store %arg10[%swap3A_902, %swap3A_903], %swap3A_906 {strides = array<i32>} : memref<16x1024xf32, #tpu.memory_space<vmem>>, vector<1x16xf32>,
      %get3A_907 = arith.index_cast %scan3A_180 : i32 to index
      %get3A_908 = arith.constant 832 : index
      %get3A_909 = tpu.vector_load %arg10[%get3A_907, %get3A_908] {strides = array<i32>} : memref<16x1024xf32, #tpu.memory_space<vmem>>, vector<1x16xf32>,
      %get3A_910 = vector.shape_cast %get3A_909 : vector<1x16xf32> to vector<16xf32>
      %get3A_911 = arith.index_cast %scan3A_180 : i32 to index
      %get3A_912 = arith.constant 832 : index
      %get3A_913 = tpu.vector_load %arg11[%get3A_911, %get3A_912] {strides = array<i32>} : memref<16x1024xf32, #tpu.memory_space<vmem>>, vector<1x16xf32>,
      %get3A_914 = vector.shape_cast %get3A_913 : vector<1x16xf32> to vector<16xf32>
      %add3A_915 = arith.addf %get3A_910, %get3A_914 : vector<16xf32>
      %swap3A_916 = arith.index_cast %scan3A_180 : i32 to index
      %swap3A_917 = arith.constant 832 : index
      %swap3A_918 = tpu.vector_load %arg10[%swap3A_916, %swap3A_917] {strides = array<i32>} : memref<16x1024xf32, #tpu.memory_space<vmem>>, vector<1x16xf32>,
      %swap3A_919 = vector.shape_cast %swap3A_918 : vector<1x16xf32> to vector<16xf32>
      %swap3A_920 = vector.shape_cast %add3A_915 : vector<16xf32> to vector<1x16xf32>
      tpu.vector_store %arg10[%swap3A_916, %swap3A_917], %swap3A_920 {strides = array<i32>} : memref<16x1024xf32, #tpu.memory_space<vmem>>, vector<1x16xf32>,
      %get3A_921 = arith.index_cast %scan3A_180 : i32 to index
      %get3A_922 = arith.constant 848 : index
      %get3A_923 = tpu.vector_load %arg10[%get3A_921, %get3A_922] {strides = array<i32>} : memref<16x1024xf32, #tpu.memory_space<vmem>>, vector<1x16xf32>,
      %get3A_924 = vector.shape_cast %get3A_923 : vector<1x16xf32> to vector<16xf32>
      %get3A_925 = arith.index_cast %scan3A_180 : i32 to index
      %get3A_926 = arith.constant 848 : index
      %get3A_927 = tpu.vector_load %arg11[%get3A_925, %get3A_926] {strides = array<i32>} : memref<16x1024xf32, #tpu.memory_space<vmem>>, vector<1x16xf32>,
      %get3A_928 = vector.shape_cast %get3A_927 : vector<1x16xf32> to vector<16xf32>
      %add3A_929 = arith.addf %get3A_924, %get3A_928 : vector<16xf32>
      %swap3A_930 = arith.index_cast %scan3A_180 : i32 to index
      %swap3A_931 = arith.constant 848 : index
      %swap3A_932 = tpu.vector_load %arg10[%swap3A_930, %swap3A_931] {strides = array<i32>} : memref<16x1024xf32, #tpu.memory_space<vmem>>, vector<1x16xf32>,
      %swap3A_933 = vector.shape_cast %swap3A_932 : vector<1x16xf32> to vector<16xf32>
      %swap3A_934 = vector.shape_cast %add3A_929 : vector<16xf32> to vector<1x16xf32>
      tpu.vector_store %arg10[%swap3A_930, %swap3A_931], %swap3A_934 {strides = array<i32>} : memref<16x1024xf32, #tpu.memory_space<vmem>>, vector<1x16xf32>,
      %get3A_935 = arith.index_cast %scan3A_180 : i32 to index
      %get3A_936 = arith.constant 864 : index
      %get3A_937 = tpu.vector_load %arg10[%get3A_935, %get3A_936] {strides = array<i32>} : memref<16x1024xf32, #tpu.memory_space<vmem>>, vector<1x16xf32>,
      %get3A_938 = vector.shape_cast %get3A_937 : vector<1x16xf32> to vector<16xf32>
      %get3A_939 = arith.index_cast %scan3A_180 : i32 to index
      %get3A_940 = arith.constant 864 : index
      %get3A_941 = tpu.vector_load %arg11[%get3A_939, %get3A_940] {strides = array<i32>} : memref<16x1024xf32, #tpu.memory_space<vmem>>, vector<1x16xf32>,
      %get3A_942 = vector.shape_cast %get3A_941 : vector<1x16xf32> to vector<16xf32>
      %add3A_943 = arith.addf %get3A_938, %get3A_942 : vector<16xf32>
      %swap3A_944 = arith.index_cast %scan3A_180 : i32 to index
      %swap3A_945 = arith.constant 864 : index
      %swap3A_946 = tpu.vector_load %arg10[%swap3A_944, %swap3A_945] {strides = array<i32>} : memref<16x1024xf32, #tpu.memory_space<vmem>>, vector<1x16xf32>,
      %swap3A_947 = vector.shape_cast %swap3A_946 : vector<1x16xf32> to vector<16xf32>
      %swap3A_948 = vector.shape_cast %add3A_943 : vector<16xf32> to vector<1x16xf32>
      tpu.vector_store %arg10[%swap3A_944, %swap3A_945], %swap3A_948 {strides = array<i32>} : memref<16x1024xf32, #tpu.memory_space<vmem>>, vector<1x16xf32>,
      %get3A_949 = arith.index_cast %scan3A_180 : i32 to index
      %get3A_950 = arith.constant 880 : index
      %get3A_951 = tpu.vector_load %arg10[%get3A_949, %get3A_950] {strides = array<i32>} : memref<16x1024xf32, #tpu.memory_space<vmem>>, vector<1x16xf32>,
      %get3A_952 = vector.shape_cast %get3A_951 : vector<1x16xf32> to vector<16xf32>
      %get3A_953 = arith.index_cast %scan3A_180 : i32 to index
      %get3A_954 = arith.constant 880 : index
      %get3A_955 = tpu.vector_load %arg11[%get3A_953, %get3A_954] {strides = array<i32>} : memref<16x1024xf32, #tpu.memory_space<vmem>>, vector<1x16xf32>,
      %get3A_956 = vector.shape_cast %get3A_955 : vector<1x16xf32> to vector<16xf32>
      %add3A_957 = arith.addf %get3A_952, %get3A_956 : vector<16xf32>
      %swap3A_958 = arith.index_cast %scan3A_180 : i32 to index
      %swap3A_959 = arith.constant 880 : index
      %swap3A_960 = tpu.vector_load %arg10[%swap3A_958, %swap3A_959] {strides = array<i32>} : memref<16x1024xf32, #tpu.memory_space<vmem>>, vector<1x16xf32>,
      %swap3A_961 = vector.shape_cast %swap3A_960 : vector<1x16xf32> to vector<16xf32>
      %swap3A_962 = vector.shape_cast %add3A_957 : vector<16xf32> to vector<1x16xf32>
      tpu.vector_store %arg10[%swap3A_958, %swap3A_959], %swap3A_962 {strides = array<i32>} : memref<16x1024xf32, #tpu.memory_space<vmem>>, vector<1x16xf32>,
      %get3A_963 = arith.index_cast %scan3A_180 : i32 to index
      %get3A_964 = arith.constant 896 : index
      %get3A_965 = tpu.vector_load %arg10[%get3A_963, %get3A_964] {strides = array<i32>} : memref<16x1024xf32, #tpu.memory_space<vmem>>, vector<1x16xf32>,
      %get3A_966 = vector.shape_cast %get3A_965 : vector<1x16xf32> to vector<16xf32>
      %get3A_967 = arith.index_cast %scan3A_180 : i32 to index
      %get3A_968 = arith.constant 896 : index
      %get3A_969 = tpu.vector_load %arg11[%get3A_967, %get3A_968] {strides = array<i32>} : memref<16x1024xf32, #tpu.memory_space<vmem>>, vector<1x16xf32>,
      %get3A_970 = vector.shape_cast %get3A_969 : vector<1x16xf32> to vector<16xf32>
      %add3A_971 = arith.addf %get3A_966, %get3A_970 : vector<16xf32>
      %swap3A_972 = arith.index_cast %scan3A_180 : i32 to index
      %swap3A_973 = arith.constant 896 : index
      %swap3A_974 = tpu.vector_load %arg10[%swap3A_972, %swap3A_973] {strides = array<i32>} : memref<16x1024xf32, #tpu.memory_space<vmem>>, vector<1x16xf32>,
      %swap3A_975 = vector.shape_cast %swap3A_974 : vector<1x16xf32> to vector<16xf32>
      %swap3A_976 = vector.shape_cast %add3A_971 : vector<16xf32> to vector<1x16xf32>
      tpu.vector_store %arg10[%swap3A_972, %swap3A_973], %swap3A_976 {strides = array<i32>} : memref<16x1024xf32, #tpu.memory_space<vmem>>, vector<1x16xf32>,
      %get3A_977 = arith.index_cast %scan3A_180 : i32 to index
      %get3A_978 = arith.constant 912 : index
      %get3A_979 = tpu.vector_load %arg10[%get3A_977, %get3A_978] {strides = array<i32>} : memref<16x1024xf32, #tpu.memory_space<vmem>>, vector<1x16xf32>,
      %get3A_980 = vector.shape_cast %get3A_979 : vector<1x16xf32> to vector<16xf32>
      %get3A_981 = arith.index_cast %scan3A_180 : i32 to index
      %get3A_982 = arith.constant 912 : index
      %get3A_983 = tpu.vector_load %arg11[%get3A_981, %get3A_982] {strides = array<i32>} : memref<16x1024xf32, #tpu.memory_space<vmem>>, vector<1x16xf32>,
      %get3A_984 = vector.shape_cast %get3A_983 : vector<1x16xf32> to vector<16xf32>
      %add3A_985 = arith.addf %get3A_980, %get3A_984 : vector<16xf32>
      %swap3A_986 = arith.index_cast %scan3A_180 : i32 to index
      %swap3A_987 = arith.constant 912 : index
      %swap3A_988 = tpu.vector_load %arg10[%swap3A_986, %swap3A_987] {strides = array<i32>} : memref<16x1024xf32, #tpu.memory_space<vmem>>, vector<1x16xf32>,
      %swap3A_989 = vector.shape_cast %swap3A_988 : vector<1x16xf32> to vector<16xf32>
      %swap3A_990 = vector.shape_cast %add3A_985 : vector<16xf32> to vector<1x16xf32>
      tpu.vector_store %arg10[%swap3A_986, %swap3A_987], %swap3A_990 {strides = array<i32>} : memref<16x1024xf32, #tpu.memory_space<vmem>>, vector<1x16xf32>,
      %get3A_991 = arith.index_cast %scan3A_180 : i32 to index
      %get3A_992 = arith.constant 928 : index
      %get3A_993 = tpu.vector_load %arg10[%get3A_991, %get3A_992] {strides = array<i32>} : memref<16x1024xf32, #tpu.memory_space<vmem>>, vector<1x16xf32>,
      %get3A_994 = vector.shape_cast %get3A_993 : vector<1x16xf32> to vector<16xf32>
      %get3A_995 = arith.index_cast %scan3A_180 : i32 to index
      %get3A_996 = arith.constant 928 : index
      %get3A_997 = tpu.vector_load %arg11[%get3A_995, %get3A_996] {strides = array<i32>} : memref<16x1024xf32, #tpu.memory_space<vmem>>, vector<1x16xf32>,
      %get3A_998 = vector.shape_cast %get3A_997 : vector<1x16xf32> to vector<16xf32>
      %add3A_999 = arith.addf %get3A_994, %get3A_998 : vector<16xf32>
      %swap3A_1000 = arith.index_cast %scan3A_180 : i32 to index
      %swap3A_1001 = arith.constant 928 : index
      %swap3A_1002 = tpu.vector_load %arg10[%swap3A_1000, %swap3A_1001] {strides = array<i32>} : memref<16x1024xf32, #tpu.memory_space<vmem>>, vector<1x16xf32>,
      %swap3A_1003 = vector.shape_cast %swap3A_1002 : vector<1x16xf32> to vector<16xf32>
      %swap3A_1004 = vector.shape_cast %add3A_999 : vector<16xf32> to vector<1x16xf32>
      tpu.vector_store %arg10[%swap3A_1000, %swap3A_1001], %swap3A_1004 {strides = array<i32>} : memref<16x1024xf32, #tpu.memory_space<vmem>>, vector<1x16xf32>,
      %get3A_1005 = arith.index_cast %scan3A_180 : i32 to index
      %get3A_1006 = arith.constant 944 : index
      %get3A_1007 = tpu.vector_load %arg10[%get3A_1005, %get3A_1006] {strides = array<i32>} : memref<16x1024xf32, #tpu.memory_space<vmem>>, vector<1x16xf32>,
      %get3A_1008 = vector.shape_cast %get3A_1007 : vector<1x16xf32> to vector<16xf32>
      %get3A_1009 = arith.index_cast %scan3A_180 : i32 to index
      %get3A_1010 = arith.constant 944 : index
      %get3A_1011 = tpu.vector_load %arg11[%get3A_1009, %get3A_1010] {strides = array<i32>} : memref<16x1024xf32, #tpu.memory_space<vmem>>, vector<1x16xf32>,
      %get3A_1012 = vector.shape_cast %get3A_1011 : vector<1x16xf32> to vector<16xf32>
      %add3A_1013 = arith.addf %get3A_1008, %get3A_1012 : vector<16xf32>
      %swap3A_1014 = arith.index_cast %scan3A_180 : i32 to index
      %swap3A_1015 = arith.constant 944 : index
      %swap3A_1016 = tpu.vector_load %arg10[%swap3A_1014, %swap3A_1015] {strides = array<i32>} : memref<16x1024xf32, #tpu.memory_space<vmem>>, vector<1x16xf32>,
      %swap3A_1017 = vector.shape_cast %swap3A_1016 : vector<1x16xf32> to vector<16xf32>
      %swap3A_1018 = vector.shape_cast %add3A_1013 : vector<16xf32> to vector<1x16xf32>
      tpu.vector_store %arg10[%swap3A_1014, %swap3A_1015], %swap3A_1018 {strides = array<i32>} : memref<16x1024xf32, #tpu.memory_space<vmem>>, vector<1x16xf32>,
      %get3A_1019 = arith.index_cast %scan3A_180 : i32 to index
      %get3A_1020 = arith.constant 960 : index
      %get3A_1021 = tpu.vector_load %arg10[%get3A_1019, %get3A_1020] {strides = array<i32>} : memref<16x1024xf32, #tpu.memory_space<vmem>>, vector<1x16xf32>,
      %get3A_1022 = vector.shape_cast %get3A_1021 : vector<1x16xf32> to vector<16xf32>
      %get3A_1023 = arith.index_cast %scan3A_180 : i32 to index
      %get3A_1024 = arith.constant 960 : index
      %get3A_1025 = tpu.vector_load %arg11[%get3A_1023, %get3A_1024] {strides = array<i32>} : memref<16x1024xf32, #tpu.memory_space<vmem>>, vector<1x16xf32>,
      %get3A_1026 = vector.shape_cast %get3A_1025 : vector<1x16xf32> to vector<16xf32>
      %add3A_1027 = arith.addf %get3A_1022, %get3A_1026 : vector<16xf32>
      %swap3A_1028 = arith.index_cast %scan3A_180 : i32 to index
      %swap3A_1029 = arith.constant 960 : index
      %swap3A_1030 = tpu.vector_load %arg10[%swap3A_1028, %swap3A_1029] {strides = array<i32>} : memref<16x1024xf32, #tpu.memory_space<vmem>>, vector<1x16xf32>,
      %swap3A_1031 = vector.shape_cast %swap3A_1030 : vector<1x16xf32> to vector<16xf32>
      %swap3A_1032 = vector.shape_cast %add3A_1027 : vector<16xf32> to vector<1x16xf32>
      tpu.vector_store %arg10[%swap3A_1028, %swap3A_1029], %swap3A_1032 {strides = array<i32>} : memref<16x1024xf32, #tpu.memory_space<vmem>>, vector<1x16xf32>,
      %get3A_1033 = arith.index_cast %scan3A_180 : i32 to index
      %get3A_1034 = arith.constant 976 : index
      %get3A_1035 = tpu.vector_load %arg10[%get3A_1033, %get3A_1034] {strides = array<i32>} : memref<16x1024xf32, #tpu.memory_space<vmem>>, vector<1x16xf32>,
      %get3A_1036 = vector.shape_cast %get3A_1035 : vector<1x16xf32> to vector<16xf32>
      %get3A_1037 = arith.index_cast %scan3A_180 : i32 to index
      %get3A_1038 = arith.constant 976 : index
      %get3A_1039 = tpu.vector_load %arg11[%get3A_1037, %get3A_1038] {strides = array<i32>} : memref<16x1024xf32, #tpu.memory_space<vmem>>, vector<1x16xf32>,
      %get3A_1040 = vector.shape_cast %get3A_1039 : vector<1x16xf32> to vector<16xf32>
      %add3A_1041 = arith.addf %get3A_1036, %get3A_1040 : vector<16xf32>
      %swap3A_1042 = arith.index_cast %scan3A_180 : i32 to index
      %swap3A_1043 = arith.constant 976 : index
      %swap3A_1044 = tpu.vector_load %arg10[%swap3A_1042, %swap3A_1043] {strides = array<i32>} : memref<16x1024xf32, #tpu.memory_space<vmem>>, vector<1x16xf32>,
      %swap3A_1045 = vector.shape_cast %swap3A_1044 : vector<1x16xf32> to vector<16xf32>
      %swap3A_1046 = vector.shape_cast %add3A_1041 : vector<16xf32> to vector<1x16xf32>
      tpu.vector_store %arg10[%swap3A_1042, %swap3A_1043], %swap3A_1046 {strides = array<i32>} : memref<16x1024xf32, #tpu.memory_space<vmem>>, vector<1x16xf32>,
      %get3A_1047 = arith.index_cast %scan3A_180 : i32 to index
      %get3A_1048 = arith.constant 992 : index
      %get3A_1049 = tpu.vector_load %arg10[%get3A_1047, %get3A_1048] {strides = array<i32>} : memref<16x1024xf32, #tpu.memory_space<vmem>>, vector<1x16xf32>,
      %get3A_1050 = vector.shape_cast %get3A_1049 : vector<1x16xf32> to vector<16xf32>
      %get3A_1051 = arith.index_cast %scan3A_180 : i32 to index
      %get3A_1052 = arith.constant 992 : index
      %get3A_1053 = tpu.vector_load %arg11[%get3A_1051, %get3A_1052] {strides = array<i32>} : memref<16x1024xf32, #tpu.memory_space<vmem>>, vector<1x16xf32>,
      %get3A_1054 = vector.shape_cast %get3A_1053 : vector<1x16xf32> to vector<16xf32>
      %add3A_1055 = arith.addf %get3A_1050, %get3A_1054 : vector<16xf32>
      %swap3A_1056 = arith.index_cast %scan3A_180 : i32 to index
      %swap3A_1057 = arith.constant 992 : index
      %swap3A_1058 = tpu.vector_load %arg10[%swap3A_1056, %swap3A_1057] {strides = array<i32>} : memref<16x1024xf32, #tpu.memory_space<vmem>>, vector<1x16xf32>,
      %swap3A_1059 = vector.shape_cast %swap3A_1058 : vector<1x16xf32> to vector<16xf32>
      %swap3A_1060 = vector.shape_cast %add3A_1055 : vector<16xf32> to vector<1x16xf32>
      tpu.vector_store %arg10[%swap3A_1056, %swap3A_1057], %swap3A_1060 {strides = array<i32>} : memref<16x1024xf32, #tpu.memory_space<vmem>>, vector<1x16xf32>,
      %get3A_1061 = arith.index_cast %scan3A_180 : i32 to index
      %get3A_1062 = arith.constant 1008 : index
      %get3A_1063 = tpu.vector_load %arg10[%get3A_1061, %get3A_1062] {strides = array<i32>} : memref<16x1024xf32, #tpu.memory_space<vmem>>, vector<1x16xf32>,
      %get3A_1064 = vector.shape_cast %get3A_1063 : vector<1x16xf32> to vector<16xf32>
      %get3A_1065 = arith.index_cast %scan3A_180 : i32 to index
      %get3A_1066 = arith.constant 1008 : index
      %get3A_1067 = tpu.vector_load %arg11[%get3A_1065, %get3A_1066] {strides = array<i32>} : memref<16x1024xf32, #tpu.memory_space<vmem>>, vector<1x16xf32>,
      %get3A_1068 = vector.shape_cast %get3A_1067 : vector<1x16xf32> to vector<16xf32>
      %add3A_1069 = arith.addf %get3A_1064, %get3A_1068 : vector<16xf32>
      %swap3A_1070 = arith.index_cast %scan3A_180 : i32 to index
      %swap3A_1071 = arith.constant 1008 : index
      %swap3A_1072 = tpu.vector_load %arg10[%swap3A_1070, %swap3A_1071] {strides = array<i32>} : memref<16x1024xf32, #tpu.memory_space<vmem>>, vector<1x16xf32>,
      %swap3A_1073 = vector.shape_cast %swap3A_1072 : vector<1x16xf32> to vector<16xf32>
      %swap3A_1074 = vector.shape_cast %add3A_1069 : vector<16xf32> to vector<1x16xf32>
      tpu.vector_store %arg10[%swap3A_1070, %swap3A_1071], %swap3A_1074 {strides = array<i32>} : memref<16x1024xf32, #tpu.memory_space<vmem>>, vector<1x16xf32>,
    }
    %scan3A_165 = arith.constant 16 : i32
    %add3A_166 = arith.constant 48 : i32
    %add3A_167 = arith.addi %mul3A_2, %add3A_166 : i32
    %dma_start3A_168 = arith.constant 0 : i32
    %dma_start3A_169 = tpu.memref_slice %arg5[%add3A_167, %dma_start3A_168] : memref<2048x1024xf32, #tpu.memory_space<hbm>> -> memref<16x1024xf32, #tpu.memory_space<hbm>>
    %dma_start3A_170 = arith.constant 0 : i32
    %dma_start3A_171 = tpu.memref_slice %arg5[%add3A_167, %dma_start3A_170] : memref<2048x1024xf32, #tpu.memory_space<hbm>> -> memref<16x1024xf32, #tpu.memory_space<hbm>>
    tpu.enqueue_dma source(%arg10 : memref<16x1024xf32, #tpu.memory_space<vmem>>) target(%dma_start3A_171 : memref<16x1024xf32, #tpu.memory_space<hbm>>) target_semaphore(%arg14 : memref<!tpu.dma_semaphore, #tpu.memory_space<semaphore_mem>>)
    %dma_wait3A_172 = arith.constant 0 : i32
    %dma_wait3A_173 = tpu.memref_slice %arg5[%add3A_141, %dma_wait3A_172] : memref<2048x1024xf32, #tpu.memory_space<hbm>> -> memref<16x1024xf32, #tpu.memory_space<hbm>>
    %dma_wait3A_174 = arith.constant 0 : i32
    %dma_wait3A_175 = tpu.memref_slice %arg5[%add3A_141, %dma_wait3A_174] : memref<2048x1024xf32, #tpu.memory_space<hbm>> -> memref<16x1024xf32, #tpu.memory_space<hbm>>
    tpu.wait_dma2 semaphore(%arg14 : memref<!tpu.dma_semaphore, #tpu.memory_space<semaphore_mem>>) src(%arg8 : memref<16x1024xf32, #tpu.memory_space<vmem>>) dst(%dma_wait3A_175 : memref<16x1024xf32, #tpu.memory_space<hbm>>)
    %dma_wait3A_176 = arith.constant 0 : i32
    %dma_wait3A_177 = tpu.memref_slice %arg5[%add3A_167, %dma_wait3A_176] : memref<2048x1024xf32, #tpu.memory_space<hbm>> -> memref<16x1024xf32, #tpu.memory_space<hbm>>
    %dma_wait3A_178 = arith.constant 0 : i32
    %dma_wait3A_179 = tpu.memref_slice %arg5[%add3A_167, %dma_wait3A_178] : memref<2048x1024xf32, #tpu.memory_space<hbm>> -> memref<16x1024xf32, #tpu.memory_space<hbm>>
    tpu.wait_dma2 semaphore(%arg14 : memref<!tpu.dma_semaphore, #tpu.memory_space<semaphore_mem>>) src(%arg10 : memref<16x1024xf32, #tpu.memory_space<vmem>>) dst(%dma_wait3A_179 : memref<16x1024xf32, #tpu.memory_space<hbm>>)
    return
  }
}

#map = affine_map<(d0, d1) -> (0, 0)>
#map1 = affine_map<(d0, d1) -> (0)>
module attributes {stable_mosaic.version = 14 : i64} {
  func.func @_dispatch_body(%arg0: i32, %arg1: i32, %arg2: memref<2048x1024xf32, #tpu.memory_space<hbm>>, %arg3: memref<2048xi32, #tpu.memory_space<hbm>>, %arg4: memref<2048xi32, #tpu.memory_space<hbm>>, %arg5: memref<2048x128xf32, #tpu.memory_space<hbm>>, %arg6: memref<2048x128xf32, #tpu.memory_space<hbm>>, %arg7: memref<5888x1024xf32, #tpu.memory_space<hbm>>, %arg8: memref<5888x128xf32, #tpu.memory_space<hbm>>, %arg9: memref<64x1024xf32, #tpu.memory_space<vmem>>, %arg10: memref<64xi32, #tpu.memory_space<vmem>>, %arg11: memref<64xi32, #tpu.memory_space<vmem>>, %arg12: memref<64x128xf32, #tpu.memory_space<vmem>>, %arg13: memref<64x128xf32, #tpu.memory_space<vmem>>, %arg14: memref<!tpu.dma_semaphore, #tpu.memory_space<semaphore_mem>>, %arg15: memref<!tpu.dma_semaphore, #tpu.memory_space<semaphore_mem>>) attributes {dimension_semantics = [#tpu.dimension_semantics<core_parallel>, #tpu.dimension_semantics<subcore_parallel>], iteration_bounds = array<i64: 2, 16>, scalar_prefetch = 0 : i64, scratch_operands = 7 : i64, tpu.core_type = #tpu.core_type<sc_vector_subcore>, window_params = [{transform_indices = #map}, {transform_indices = #map1}, {transform_indices = #map1}, {transform_indices = #map}, {transform_indices = #map}, {transform_indices = #map}, {transform_indices = #map}]} {
    %mul3A = arith.constant 2 : i32
    %mul3A_0 = arith.muli %arg1, %mul3A : i32
    %add3A = arith.addi %mul3A_0, %arg0 : i32
    %mul3A_1 = arith.constant 64 : i32
    %mul3A_2 = arith.muli %add3A, %mul3A_1 : i32
    %dma_start3A = arith.constant 0 : i32
    %dma_start3A_3 = tpu.memref_slice %arg2[%mul3A_2, %dma_start3A] : memref<2048x1024xf32, #tpu.memory_space<hbm>> -> memref<64x1024xf32, #tpu.memory_space<hbm>>
    %dma_start3A_4 = arith.constant 0 : i32
    %dma_start3A_5 = tpu.memref_slice %arg2[%mul3A_2, %dma_start3A_4] : memref<2048x1024xf32, #tpu.memory_space<hbm>> -> memref<64x1024xf32, #tpu.memory_space<hbm>>
    tpu.enqueue_dma source(%dma_start3A_5 : memref<64x1024xf32, #tpu.memory_space<hbm>>) target(%arg9 : memref<64x1024xf32, #tpu.memory_space<vmem>>) target_semaphore(%arg14 : memref<!tpu.dma_semaphore, #tpu.memory_space<semaphore_mem>>)
    %dma_start3A_6 = tpu.memref_slice %arg3[%mul3A_2] : memref<2048xi32, #tpu.memory_space<hbm>> -> memref<64xi32, #tpu.memory_space<hbm>>
    %dma_start3A_7 = tpu.memref_slice %arg3[%mul3A_2] : memref<2048xi32, #tpu.memory_space<hbm>> -> memref<64xi32, #tpu.memory_space<hbm>>
    tpu.enqueue_dma source(%dma_start3A_7 : memref<64xi32, #tpu.memory_space<hbm>>) target(%arg10 : memref<64xi32, #tpu.memory_space<vmem>>) target_semaphore(%arg14 : memref<!tpu.dma_semaphore, #tpu.memory_space<semaphore_mem>>)
    %dma_start3A_8 = tpu.memref_slice %arg4[%mul3A_2] : memref<2048xi32, #tpu.memory_space<hbm>> -> memref<64xi32, #tpu.memory_space<hbm>>
    %dma_start3A_9 = tpu.memref_slice %arg4[%mul3A_2] : memref<2048xi32, #tpu.memory_space<hbm>> -> memref<64xi32, #tpu.memory_space<hbm>>
    tpu.enqueue_dma source(%dma_start3A_9 : memref<64xi32, #tpu.memory_space<hbm>>) target(%arg11 : memref<64xi32, #tpu.memory_space<vmem>>) target_semaphore(%arg14 : memref<!tpu.dma_semaphore, #tpu.memory_space<semaphore_mem>>)
    %dma_start3A_10 = arith.constant 0 : i32
    %dma_start3A_11 = tpu.memref_slice %arg5[%mul3A_2, %dma_start3A_10] : memref<2048x128xf32, #tpu.memory_space<hbm>> -> memref<64x128xf32, #tpu.memory_space<hbm>>
    %dma_start3A_12 = arith.constant 0 : i32
    %dma_start3A_13 = tpu.memref_slice %arg5[%mul3A_2, %dma_start3A_12] : memref<2048x128xf32, #tpu.memory_space<hbm>> -> memref<64x128xf32, #tpu.memory_space<hbm>>
    tpu.enqueue_dma source(%dma_start3A_13 : memref<64x128xf32, #tpu.memory_space<hbm>>) target(%arg12 : memref<64x128xf32, #tpu.memory_space<vmem>>) target_semaphore(%arg14 : memref<!tpu.dma_semaphore, #tpu.memory_space<semaphore_mem>>)
    %dma_start3A_14 = arith.constant 0 : i32
    %dma_start3A_15 = tpu.memref_slice %arg6[%mul3A_2, %dma_start3A_14] : memref<2048x128xf32, #tpu.memory_space<hbm>> -> memref<64x128xf32, #tpu.memory_space<hbm>>
    %dma_start3A_16 = arith.constant 0 : i32
    %dma_start3A_17 = tpu.memref_slice %arg6[%mul3A_2, %dma_start3A_16] : memref<2048x128xf32, #tpu.memory_space<hbm>> -> memref<64x128xf32, #tpu.memory_space<hbm>>
    tpu.enqueue_dma source(%dma_start3A_17 : memref<64x128xf32, #tpu.memory_space<hbm>>) target(%arg13 : memref<64x128xf32, #tpu.memory_space<vmem>>) target_semaphore(%arg14 : memref<!tpu.dma_semaphore, #tpu.memory_space<semaphore_mem>>)
    %dma_wait3A = arith.constant 0 : i32
    %dma_wait3A_18 = tpu.memref_slice %arg2[%mul3A_2, %dma_wait3A] : memref<2048x1024xf32, #tpu.memory_space<hbm>> -> memref<64x1024xf32, #tpu.memory_space<hbm>>
    %dma_wait3A_19 = arith.constant 0 : i32
    %dma_wait3A_20 = tpu.memref_slice %arg2[%mul3A_2, %dma_wait3A_19] : memref<2048x1024xf32, #tpu.memory_space<hbm>> -> memref<64x1024xf32, #tpu.memory_space<hbm>>
    tpu.wait_dma2 semaphore(%arg14 : memref<!tpu.dma_semaphore, #tpu.memory_space<semaphore_mem>>) src(%dma_wait3A_20 : memref<64x1024xf32, #tpu.memory_space<hbm>>) dst(%arg9 : memref<64x1024xf32, #tpu.memory_space<vmem>>)
    %dma_wait3A_21 = tpu.memref_slice %arg3[%mul3A_2] : memref<2048xi32, #tpu.memory_space<hbm>> -> memref<64xi32, #tpu.memory_space<hbm>>
    %dma_wait3A_22 = tpu.memref_slice %arg3[%mul3A_2] : memref<2048xi32, #tpu.memory_space<hbm>> -> memref<64xi32, #tpu.memory_space<hbm>>
    tpu.wait_dma2 semaphore(%arg14 : memref<!tpu.dma_semaphore, #tpu.memory_space<semaphore_mem>>) src(%dma_wait3A_22 : memref<64xi32, #tpu.memory_space<hbm>>) dst(%arg10 : memref<64xi32, #tpu.memory_space<vmem>>)
    %dma_wait3A_23 = tpu.memref_slice %arg4[%mul3A_2] : memref<2048xi32, #tpu.memory_space<hbm>> -> memref<64xi32, #tpu.memory_space<hbm>>
    %dma_wait3A_24 = tpu.memref_slice %arg4[%mul3A_2] : memref<2048xi32, #tpu.memory_space<hbm>> -> memref<64xi32, #tpu.memory_space<hbm>>
    tpu.wait_dma2 semaphore(%arg14 : memref<!tpu.dma_semaphore, #tpu.memory_space<semaphore_mem>>) src(%dma_wait3A_24 : memref<64xi32, #tpu.memory_space<hbm>>) dst(%arg11 : memref<64xi32, #tpu.memory_space<vmem>>)
    %dma_wait3A_25 = arith.constant 0 : i32
    %dma_wait3A_26 = tpu.memref_slice %arg5[%mul3A_2, %dma_wait3A_25] : memref<2048x128xf32, #tpu.memory_space<hbm>> -> memref<64x128xf32, #tpu.memory_space<hbm>>
    %dma_wait3A_27 = arith.constant 0 : i32
    %dma_wait3A_28 = tpu.memref_slice %arg5[%mul3A_2, %dma_wait3A_27] : memref<2048x128xf32, #tpu.memory_space<hbm>> -> memref<64x128xf32, #tpu.memory_space<hbm>>
    tpu.wait_dma2 semaphore(%arg14 : memref<!tpu.dma_semaphore, #tpu.memory_space<semaphore_mem>>) src(%dma_wait3A_28 : memref<64x128xf32, #tpu.memory_space<hbm>>) dst(%arg12 : memref<64x128xf32, #tpu.memory_space<vmem>>)
    %dma_wait3A_29 = arith.constant 0 : i32
    %dma_wait3A_30 = tpu.memref_slice %arg6[%mul3A_2, %dma_wait3A_29] : memref<2048x128xf32, #tpu.memory_space<hbm>> -> memref<64x128xf32, #tpu.memory_space<hbm>>
    %dma_wait3A_31 = arith.constant 0 : i32
    %dma_wait3A_32 = tpu.memref_slice %arg6[%mul3A_2, %dma_wait3A_31] : memref<2048x128xf32, #tpu.memory_space<hbm>> -> memref<64x128xf32, #tpu.memory_space<hbm>>
    tpu.wait_dma2 semaphore(%arg14 : memref<!tpu.dma_semaphore, #tpu.memory_space<semaphore_mem>>) src(%dma_wait3A_32 : memref<64x128xf32, #tpu.memory_space<hbm>>) dst(%arg13 : memref<64x128xf32, #tpu.memory_space<vmem>>)
    %dma_start3A_33 = arith.constant 0 : i32
    %dma_start3A_34 = arith.constant 0 : i32
    %dma_start3A_35 = tpu.memref_slice %arg7[%dma_start3A_33, %dma_start3A_34] : memref<5888x1024xf32, #tpu.memory_space<hbm>> -> memref<5888x1024xf32, #tpu.memory_space<hbm>>
    tpu.enqueue_indirect_dma source(%arg9 : memref<64x1024xf32, #tpu.memory_space<vmem>>) target(%dma_start3A_35 : memref<5888x1024xf32, #tpu.memory_space<hbm>>) offsets(%arg10 : memref<64xi32, #tpu.memory_space<vmem>>) semaphore(%arg15 : memref<!tpu.dma_semaphore, #tpu.memory_space<semaphore_mem>>)
    %dma_start3A_36 = arith.constant 0 : i32
    %dma_start3A_37 = arith.constant 0 : i32
    %dma_start3A_38 = tpu.memref_slice %arg7[%dma_start3A_36, %dma_start3A_37] : memref<5888x1024xf32, #tpu.memory_space<hbm>> -> memref<5888x1024xf32, #tpu.memory_space<hbm>>
    tpu.enqueue_indirect_dma source(%arg9 : memref<64x1024xf32, #tpu.memory_space<vmem>>) target(%dma_start3A_38 : memref<5888x1024xf32, #tpu.memory_space<hbm>>) offsets(%arg11 : memref<64xi32, #tpu.memory_space<vmem>>) semaphore(%arg15 : memref<!tpu.dma_semaphore, #tpu.memory_space<semaphore_mem>>)
    %dma_start3A_39 = arith.constant 0 : i32
    %dma_start3A_40 = arith.constant 0 : i32
    %dma_start3A_41 = tpu.memref_slice %arg8[%dma_start3A_39, %dma_start3A_40] : memref<5888x128xf32, #tpu.memory_space<hbm>> -> memref<5888x128xf32, #tpu.memory_space<hbm>>
    tpu.enqueue_indirect_dma source(%arg12 : memref<64x128xf32, #tpu.memory_space<vmem>>) target(%dma_start3A_41 : memref<5888x128xf32, #tpu.memory_space<hbm>>) offsets(%arg10 : memref<64xi32, #tpu.memory_space<vmem>>) semaphore(%arg15 : memref<!tpu.dma_semaphore, #tpu.memory_space<semaphore_mem>>)
    %dma_start3A_42 = arith.constant 0 : i32
    %dma_start3A_43 = arith.constant 0 : i32
    %dma_start3A_44 = tpu.memref_slice %arg8[%dma_start3A_42, %dma_start3A_43] : memref<5888x128xf32, #tpu.memory_space<hbm>> -> memref<5888x128xf32, #tpu.memory_space<hbm>>
    tpu.enqueue_indirect_dma source(%arg13 : memref<64x128xf32, #tpu.memory_space<vmem>>) target(%dma_start3A_44 : memref<5888x128xf32, #tpu.memory_space<hbm>>) offsets(%arg11 : memref<64xi32, #tpu.memory_space<vmem>>) semaphore(%arg15 : memref<!tpu.dma_semaphore, #tpu.memory_space<semaphore_mem>>)
    %dma_wait3A_45 = arith.constant 0 : i32
    %dma_wait3A_46 = arith.constant 0 : i32
    %dma_wait3A_47 = tpu.memref_slice %arg7[%dma_wait3A_45, %dma_wait3A_46] : memref<5888x1024xf32, #tpu.memory_space<hbm>> -> memref<5888x1024xf32, #tpu.memory_space<hbm>>
    tpu.wait_indirect_dma semaphore(%arg15 : memref<!tpu.dma_semaphore, #tpu.memory_space<semaphore_mem>>) src(%arg9 : memref<64x1024xf32, #tpu.memory_space<vmem>>) dst(%dma_wait3A_47 : memref<5888x1024xf32, #tpu.memory_space<hbm>>)
    %dma_wait3A_48 = arith.constant 0 : i32
    %dma_wait3A_49 = arith.constant 0 : i32
    %dma_wait3A_50 = tpu.memref_slice %arg7[%dma_wait3A_48, %dma_wait3A_49] : memref<5888x1024xf32, #tpu.memory_space<hbm>> -> memref<5888x1024xf32, #tpu.memory_space<hbm>>
    tpu.wait_indirect_dma semaphore(%arg15 : memref<!tpu.dma_semaphore, #tpu.memory_space<semaphore_mem>>) src(%arg9 : memref<64x1024xf32, #tpu.memory_space<vmem>>) dst(%dma_wait3A_50 : memref<5888x1024xf32, #tpu.memory_space<hbm>>)
    %dma_wait3A_51 = arith.constant 0 : i32
    %dma_wait3A_52 = arith.constant 0 : i32
    %dma_wait3A_53 = tpu.memref_slice %arg8[%dma_wait3A_51, %dma_wait3A_52] : memref<5888x128xf32, #tpu.memory_space<hbm>> -> memref<5888x128xf32, #tpu.memory_space<hbm>>
    tpu.wait_indirect_dma semaphore(%arg15 : memref<!tpu.dma_semaphore, #tpu.memory_space<semaphore_mem>>) src(%arg12 : memref<64x128xf32, #tpu.memory_space<vmem>>) dst(%dma_wait3A_53 : memref<5888x128xf32, #tpu.memory_space<hbm>>)
    %dma_wait3A_54 = arith.constant 0 : i32
    %dma_wait3A_55 = arith.constant 0 : i32
    %dma_wait3A_56 = tpu.memref_slice %arg8[%dma_wait3A_54, %dma_wait3A_55] : memref<5888x128xf32, #tpu.memory_space<hbm>> -> memref<5888x128xf32, #tpu.memory_space<hbm>>
    tpu.wait_indirect_dma semaphore(%arg15 : memref<!tpu.dma_semaphore, #tpu.memory_space<semaphore_mem>>) src(%arg13 : memref<64x128xf32, #tpu.memory_space<vmem>>) dst(%dma_wait3A_56 : memref<5888x128xf32, #tpu.memory_space<hbm>>)
    return
  }
}

module attributes {stable_mosaic.version = 14 : i64} {
  func.func @_meta_body(%arg0: memref<2048x2xi32, #tpu.memory_space<vmem>>, %arg1: memref<2048x2xf32, #tpu.memory_space<vmem>>, %arg2: memref<1x2048xi32, #tpu.memory_space<vmem>>, %arg3: memref<1x2048xi32, #tpu.memory_space<vmem>>, %arg4: memref<1x23xi32, #tpu.memory_space<vmem>>, %arg5: memref<1x1xi32, #tpu.memory_space<vmem>>, %arg6: memref<2048x128xf32, #tpu.memory_space<vmem>>, %arg7: memref<2048x128xf32, #tpu.memory_space<vmem>>) attributes {dimension_semantics = [], scalar_prefetch = 0 : i64, scratch_operands = 0 : i64, tpu.core_type = #tpu.core_type<tc>} {
    %get3A = arith.constant 0 : index
    %get3A_0 = arith.constant 0 : index
    %get3A_1 = vector.load %arg0[%get3A, %get3A_0] : memref<2048x2xi32, #tpu.memory_space<vmem>>, vector<2048x2xi32>
    %slice3A = vector.extract_strided_slice %get3A_1 {offsets = [0, 0], sizes = [2048, 1], strides = [1, 1]} : vector<2048x2xi32> to vector<2048x1xi32>
    %squeeze3A = vector.shape_cast %slice3A : vector<2048x1xi32> to vector<2048xi32>
    %broadcast_in_dim3A = vector.shape_cast %squeeze3A : vector<2048xi32> to vector<1x2048xi32>
    %slice3A_2 = vector.extract_strided_slice %get3A_1 {offsets = [0, 1], sizes = [2048, 1], strides = [1, 1]} : vector<2048x2xi32> to vector<2048x1xi32>
    %squeeze3A_3 = vector.shape_cast %slice3A_2 : vector<2048x1xi32> to vector<2048xi32>
    %broadcast_in_dim3A_4 = vector.shape_cast %squeeze3A_3 : vector<2048xi32> to vector<1x2048xi32>
    %iota3A = tpu.iota {dimensions = array<i32: 0>} : vector<8x2048xi32>
    %eq3A = vector.broadcast %broadcast_in_dim3A : vector<1x2048xi32> to vector<8x2048xi32>
    %eq3A_5 = arith.cmpi eq, %iota3A, %eq3A : vector<8x2048xi32>
    %eq3A_6 = vector.broadcast %broadcast_in_dim3A_4 : vector<1x2048xi32> to vector<8x2048xi32>
    %eq3A_7 = arith.cmpi eq, %iota3A, %eq3A_6 : vector<8x2048xi32>
    %convert_element_type3A = arith.extui %eq3A_5 : vector<8x2048xi1> to vector<8x2048xi32>
    %convert_element_type3A_8 = arith.extui %eq3A_7 : vector<8x2048xi1> to vector<8x2048xi32>
    %add3A = arith.addi %convert_element_type3A, %convert_element_type3A_8 : vector<8x2048xi32>
    %broadcast_in_dim3A_9 = arith.constant 0 : i32
    %broadcast_in_dim3A_10 = vector.broadcast %broadcast_in_dim3A_9 : i32 to vector<8x1xi32>
    %slice3A_11 = vector.extract_strided_slice %add3A {offsets = [0, 0], sizes = [8, 2047], strides = [1, 1]} : vector<8x2048xi32> to vector<8x2047xi32>
    %concatenate3A = tpu.concatenate %broadcast_in_dim3A_10, %slice3A_11 in 1 : vector<8x1xi32>, vector<8x2047xi32> -> vector<8x2048xi32>
    %add3A_12 = arith.addi %add3A, %concatenate3A : vector<8x2048xi32>
    %broadcast_in_dim3A_13 = arith.constant 0 : i32
    %broadcast_in_dim3A_14 = vector.broadcast %broadcast_in_dim3A_13 : i32 to vector<8x2xi32>
    %slice3A_15 = vector.extract_strided_slice %add3A_12 {offsets = [0, 0], sizes = [8, 2046], strides = [1, 1]} : vector<8x2048xi32> to vector<8x2046xi32>
    %concatenate3A_16 = tpu.concatenate %broadcast_in_dim3A_14, %slice3A_15 in 1 : vector<8x2xi32>, vector<8x2046xi32> -> vector<8x2048xi32>
    %add3A_17 = arith.addi %add3A_12, %concatenate3A_16 : vector<8x2048xi32>
    %broadcast_in_dim3A_18 = arith.constant 0 : i32
    %broadcast_in_dim3A_19 = vector.broadcast %broadcast_in_dim3A_18 : i32 to vector<8x4xi32>
    %slice3A_20 = vector.extract_strided_slice %add3A_17 {offsets = [0, 0], sizes = [8, 2044], strides = [1, 1]} : vector<8x2048xi32> to vector<8x2044xi32>
    %concatenate3A_21 = tpu.concatenate %broadcast_in_dim3A_19, %slice3A_20 in 1 : vector<8x4xi32>, vector<8x2044xi32> -> vector<8x2048xi32>
    %add3A_22 = arith.addi %add3A_17, %concatenate3A_21 : vector<8x2048xi32>
    %broadcast_in_dim3A_23 = arith.constant 0 : i32
    %broadcast_in_dim3A_24 = vector.broadcast %broadcast_in_dim3A_23 : i32 to vector<8x8xi32>
    %slice3A_25 = vector.extract_strided_slice %add3A_22 {offsets = [0, 0], sizes = [8, 2040], strides = [1, 1]} : vector<8x2048xi32> to vector<8x2040xi32>
    %concatenate3A_26 = tpu.concatenate %broadcast_in_dim3A_24, %slice3A_25 in 1 : vector<8x8xi32>, vector<8x2040xi32> -> vector<8x2048xi32>
    %add3A_27 = arith.addi %add3A_22, %concatenate3A_26 : vector<8x2048xi32>
    %broadcast_in_dim3A_28 = arith.constant 0 : i32
    %broadcast_in_dim3A_29 = vector.broadcast %broadcast_in_dim3A_28 : i32 to vector<8x16xi32>
    %slice3A_30 = vector.extract_strided_slice %add3A_27 {offsets = [0, 0], sizes = [8, 2032], strides = [1, 1]} : vector<8x2048xi32> to vector<8x2032xi32>
    %concatenate3A_31 = tpu.concatenate %broadcast_in_dim3A_29, %slice3A_30 in 1 : vector<8x16xi32>, vector<8x2032xi32> -> vector<8x2048xi32>
    %add3A_32 = arith.addi %add3A_27, %concatenate3A_31 : vector<8x2048xi32>
    %broadcast_in_dim3A_33 = arith.constant 0 : i32
    %broadcast_in_dim3A_34 = vector.broadcast %broadcast_in_dim3A_33 : i32 to vector<8x32xi32>
    %slice3A_35 = vector.extract_strided_slice %add3A_32 {offsets = [0, 0], sizes = [8, 2016], strides = [1, 1]} : vector<8x2048xi32> to vector<8x2016xi32>
    %concatenate3A_36 = tpu.concatenate %broadcast_in_dim3A_34, %slice3A_35 in 1 : vector<8x32xi32>, vector<8x2016xi32> -> vector<8x2048xi32>
    %add3A_37 = arith.addi %add3A_32, %concatenate3A_36 : vector<8x2048xi32>
    %broadcast_in_dim3A_38 = arith.constant 0 : i32
    %broadcast_in_dim3A_39 = vector.broadcast %broadcast_in_dim3A_38 : i32 to vector<8x64xi32>
    %slice3A_40 = vector.extract_strided_slice %add3A_37 {offsets = [0, 0], sizes = [8, 1984], strides = [1, 1]} : vector<8x2048xi32> to vector<8x1984xi32>
    %concatenate3A_41 = tpu.concatenate %broadcast_in_dim3A_39, %slice3A_40 in 1 : vector<8x64xi32>, vector<8x1984xi32> -> vector<8x2048xi32>
    %add3A_42 = arith.addi %add3A_37, %concatenate3A_41 : vector<8x2048xi32>
    %broadcast_in_dim3A_43 = arith.constant 0 : i32
    %broadcast_in_dim3A_44 = vector.broadcast %broadcast_in_dim3A_43 : i32 to vector<8x128xi32>
    %slice3A_45 = vector.extract_strided_slice %add3A_42 {offsets = [0, 0], sizes = [8, 1920], strides = [1, 1]} : vector<8x2048xi32> to vector<8x1920xi32>
    %concatenate3A_46 = tpu.concatenate %broadcast_in_dim3A_44, %slice3A_45 in 1 : vector<8x128xi32>, vector<8x1920xi32> -> vector<8x2048xi32>
    %add3A_47 = arith.addi %add3A_42, %concatenate3A_46 : vector<8x2048xi32>
    %broadcast_in_dim3A_48 = arith.constant 0 : i32
    %broadcast_in_dim3A_49 = vector.broadcast %broadcast_in_dim3A_48 : i32 to vector<8x256xi32>
    %slice3A_50 = vector.extract_strided_slice %add3A_47 {offsets = [0, 0], sizes = [8, 1792], strides = [1, 1]} : vector<8x2048xi32> to vector<8x1792xi32>
    %concatenate3A_51 = tpu.concatenate %broadcast_in_dim3A_49, %slice3A_50 in 1 : vector<8x256xi32>, vector<8x1792xi32> -> vector<8x2048xi32>
    %add3A_52 = arith.addi %add3A_47, %concatenate3A_51 : vector<8x2048xi32>
    %broadcast_in_dim3A_53 = arith.constant 0 : i32
    %broadcast_in_dim3A_54 = vector.broadcast %broadcast_in_dim3A_53 : i32 to vector<8x512xi32>
    %slice3A_55 = vector.extract_strided_slice %add3A_52 {offsets = [0, 0], sizes = [8, 1536], strides = [1, 1]} : vector<8x2048xi32> to vector<8x1536xi32>
    %concatenate3A_56 = tpu.concatenate %broadcast_in_dim3A_54, %slice3A_55 in 1 : vector<8x512xi32>, vector<8x1536xi32> -> vector<8x2048xi32>
    %add3A_57 = arith.addi %add3A_52, %concatenate3A_56 : vector<8x2048xi32>
    %broadcast_in_dim3A_58 = arith.constant 0 : i32
    %broadcast_in_dim3A_59 = vector.broadcast %broadcast_in_dim3A_58 : i32 to vector<8x1024xi32>
    %slice3A_60 = vector.extract_strided_slice %add3A_57 {offsets = [0, 0], sizes = [8, 1024], strides = [1, 1]} : vector<8x2048xi32> to vector<8x1024xi32>
    %concatenate3A_61 = tpu.concatenate %broadcast_in_dim3A_59, %slice3A_60 in 1 : vector<8x1024xi32>, vector<8x1024xi32> -> vector<8x2048xi32>
    %add3A_62 = arith.addi %add3A_57, %concatenate3A_61 : vector<8x2048xi32>
    %sub3A = arith.subi %add3A_62, %add3A : vector<8x2048xi32>
    %jit3A = arith.constant 0 : i32
    %broadcast_in_dim3A_63 = vector.broadcast %jit3A : i32 to vector<8x2048xi32>
    %select_n3A = arith.select %eq3A_5, %sub3A, %broadcast_in_dim3A_63 : vector<8x2048xi1>, vector<8x2048xi32>
    %reduce_sum3A = arith.constant dense<0> : vector<2048xi32>
    %reduce_sum3A_64 = vector.multi_reduction <add>, %select_n3A, %reduce_sum3A [0] : vector<8x2048xi32> to vector<2048xi32>
    %jit3A_65 = arith.constant 0 : i32
    %broadcast_in_dim3A_66 = vector.broadcast %jit3A_65 : i32 to vector<8x2048xi32>
    %select_n3A_67 = arith.select %eq3A_7, %sub3A, %broadcast_in_dim3A_66 : vector<8x2048xi1>, vector<8x2048xi32>
    %reduce_sum3A_68 = arith.constant dense<0> : vector<2048xi32>
    %reduce_sum3A_69 = vector.multi_reduction <add>, %select_n3A_67, %reduce_sum3A_68 [0] : vector<8x2048xi32> to vector<2048xi32>
    %slice3A_70 = vector.extract_strided_slice %get3A_1 {offsets = [0, 0], sizes = [2048, 1], strides = [1, 1]} : vector<2048x2xi32> to vector<2048x1xi32>
    %squeeze3A_71 = vector.shape_cast %slice3A_70 : vector<2048x1xi32> to vector<2048xi32>
    %slice3A_72 = vector.extract_strided_slice %get3A_1 {offsets = [0, 1], sizes = [2048, 1], strides = [1, 1]} : vector<2048x2xi32> to vector<2048x1xi32>
    %squeeze3A_73 = vector.shape_cast %slice3A_72 : vector<2048x1xi32> to vector<2048xi32>
    %eq3A_74 = arith.cmpi eq, %squeeze3A_71, %squeeze3A_73 : vector<2048xi32>
    %convert_element_type3A_75 = arith.extui %eq3A_74 : vector<2048xi1> to vector<2048xi32>
    %add3A_76 = arith.addi %reduce_sum3A_69, %convert_element_type3A_75 : vector<2048xi32>
    %slice3A_77 = vector.extract_strided_slice %add3A_62 {offsets = [0, 2047], sizes = [8, 1], strides = [1, 1]} : vector<8x2048xi32> to vector<8x1xi32>
    %add3A_78 = arith.constant 256 : i32
    %add3A_79 = vector.broadcast %add3A_78 : i32 to vector<8x1xi32>
    %add3A_80 = arith.addi %slice3A_77, %add3A_79 : vector<8x1xi32>
    %sub3A_81 = arith.constant 1 : i32
    %sub3A_82 = vector.broadcast %sub3A_81 : i32 to vector<8x1xi32>
    %sub3A_83 = arith.subi %add3A_80, %sub3A_82 : vector<8x1xi32>
    %jit3A_84 = arith.constant 256 : i32
    %div3A = vector.broadcast %jit3A_84 : i32 to vector<8x1xi32>
    %div3A_85 = arith.divsi %sub3A_83, %div3A : vector<8x1xi32>
    %sign3A = arith.constant 0 : i32
    %sign3A_86 = vector.broadcast %sign3A : i32 to vector<8x1xi32>
    %sign3A_87 = arith.cmpi sgt, %sub3A_83, %sign3A_86 : vector<8x1xi32>
    %sign3A_88 = arith.extui %sign3A_87 : vector<8x1xi1> to vector<8x1xi32>
    %sign3A_89 = arith.constant 0 : i32
    %sign3A_90 = vector.broadcast %sign3A_89 : i32 to vector<8x1xi32>
    %sign3A_91 = arith.cmpi slt, %sub3A_83, %sign3A_90 : vector<8x1xi32>
    %sign3A_92 = arith.extui %sign3A_91 : vector<8x1xi1> to vector<8x1xi32>
    %sign3A_93 = arith.subi %sign3A_88, %sign3A_92 : vector<8x1xi32>
    %sign3A_94 = arith.constant 0 : i32
    %sign3A_95 = arith.cmpi sgt, %jit3A_84, %sign3A_94 : i32
    %sign3A_96 = arith.extui %sign3A_95 : i1 to i32
    %sign3A_97 = arith.constant 0 : i32
    %sign3A_98 = arith.cmpi slt, %jit3A_84, %sign3A_97 : i32
    %sign3A_99 = arith.extui %sign3A_98 : i1 to i32
    %sign3A_100 = arith.subi %sign3A_96, %sign3A_99 : i32
    %ne3A = vector.broadcast %sign3A_100 : i32 to vector<8x1xi32>
    %ne3A_101 = arith.cmpi ne, %sign3A_93, %ne3A : vector<8x1xi32>
    %rem3A = vector.broadcast %jit3A_84 : i32 to vector<8x1xi32>
    %rem3A_102 = arith.remsi %sub3A_83, %rem3A : vector<8x1xi32>
    %ne3A_103 = arith.constant 0 : i32
    %ne3A_104 = vector.broadcast %ne3A_103 : i32 to vector<8x1xi32>
    %ne3A_105 = arith.cmpi ne, %rem3A_102, %ne3A_104 : vector<8x1xi32>
    %and3A = arith.andi %ne3A_101, %ne3A_105 : vector<8x1xi1>
    %sub3A_106 = arith.constant 1 : i32
    %sub3A_107 = vector.broadcast %sub3A_106 : i32 to vector<8x1xi32>
    %sub3A_108 = arith.subi %div3A_85, %sub3A_107 : vector<8x1xi32>
    %select_n3A_109 = arith.select %and3A, %sub3A_108, %div3A_85 : vector<8x1xi1>, vector<8x1xi32>
    %mul3A = arith.constant 256 : i32
    %mul3A_110 = vector.broadcast %mul3A : i32 to vector<8x1xi32>
    %mul3A_111 = arith.muli %select_n3A_109, %mul3A_110 : vector<8x1xi32>
    %broadcast_in_dim3A_112 = arith.constant 0 : i32
    %broadcast_in_dim3A_113 = vector.broadcast %broadcast_in_dim3A_112 : i32 to vector<1x1xi32>
    %slice3A_114 = vector.extract_strided_slice %mul3A_111 {offsets = [0, 0], sizes = [7, 1], strides = [1, 1]} : vector<8x1xi32> to vector<7x1xi32>
    %concatenate3A_115 = tpu.concatenate %broadcast_in_dim3A_113, %slice3A_114 in 0 : vector<1x1xi32>, vector<7x1xi32> -> vector<8x1xi32>
    %add3A_116 = arith.addi %mul3A_111, %concatenate3A_115 : vector<8x1xi32>
    %broadcast_in_dim3A_117 = arith.constant 0 : i32
    %broadcast_in_dim3A_118 = vector.broadcast %broadcast_in_dim3A_117 : i32 to vector<2x1xi32>
    %slice3A_119 = vector.extract_strided_slice %add3A_116 {offsets = [0, 0], sizes = [6, 1], strides = [1, 1]} : vector<8x1xi32> to vector<6x1xi32>
    %concatenate3A_120 = tpu.concatenate %broadcast_in_dim3A_118, %slice3A_119 in 0 : vector<2x1xi32>, vector<6x1xi32> -> vector<8x1xi32>
    %add3A_121 = arith.addi %add3A_116, %concatenate3A_120 : vector<8x1xi32>
    %broadcast_in_dim3A_122 = arith.constant 0 : i32
    %broadcast_in_dim3A_123 = vector.broadcast %broadcast_in_dim3A_122 : i32 to vector<4x1xi32>
    %slice3A_124 = vector.extract_strided_slice %add3A_121 {offsets = [0, 0], sizes = [4, 1], strides = [1, 1]} : vector<8x1xi32> to vector<4x1xi32>
    %concatenate3A_125 = tpu.concatenate %broadcast_in_dim3A_123, %slice3A_124 in 0 : vector<4x1xi32>, vector<4x1xi32> -> vector<8x1xi32>
    %add3A_126 = arith.addi %add3A_121, %concatenate3A_125 : vector<8x1xi32>
    %sub3A_127 = arith.subi %add3A_126, %mul3A_111 : vector<8x1xi32>
    %jit3A_128 = arith.constant 0 : i32
    %broadcast_in_dim3A_129 = vector.shape_cast %sub3A_127 : vector<8x1xi32> to vector<8x1xi32>
    %broadcast_in_dim3A_130 = vector.broadcast %broadcast_in_dim3A_129 : vector<8x1xi32> to vector<8x2048xi32>
    %broadcast_in_dim3A_131 = vector.broadcast %jit3A_128 : i32 to vector<8x2048xi32>
    %select_n3A_132 = arith.select %eq3A_5, %broadcast_in_dim3A_130, %broadcast_in_dim3A_131 : vector<8x2048xi1>, vector<8x2048xi32>
    %reduce_sum3A_133 = arith.constant dense<0> : vector<2048xi32>
    %reduce_sum3A_134 = vector.multi_reduction <add>, %select_n3A_132, %reduce_sum3A_133 [0] : vector<8x2048xi32> to vector<2048xi32>
    %jit3A_135 = arith.constant 0 : i32
    %broadcast_in_dim3A_136 = vector.shape_cast %sub3A_127 : vector<8x1xi32> to vector<8x1xi32>
    %broadcast_in_dim3A_137 = vector.broadcast %broadcast_in_dim3A_136 : vector<8x1xi32> to vector<8x2048xi32>
    %broadcast_in_dim3A_138 = vector.broadcast %jit3A_135 : i32 to vector<8x2048xi32>
    %select_n3A_139 = arith.select %eq3A_7, %broadcast_in_dim3A_137, %broadcast_in_dim3A_138 : vector<8x2048xi1>, vector<8x2048xi32>
    %reduce_sum3A_140 = arith.constant dense<0> : vector<2048xi32>
    %reduce_sum3A_141 = vector.multi_reduction <add>, %select_n3A_139, %reduce_sum3A_140 [0] : vector<8x2048xi32> to vector<2048xi32>
    %add3A_142 = arith.addi %reduce_sum3A_134, %reduce_sum3A_64 : vector<2048xi32>
    %broadcast_in_dim3A_143 = vector.shape_cast %add3A_142 : vector<2048xi32> to vector<1x2048xi32>
    %swap3A = arith.constant 0 : index
    %swap3A_144 = arith.constant 0 : index
    %swap3A_145 = vector.load %arg2[%swap3A, %swap3A_144] : memref<1x2048xi32, #tpu.memory_space<vmem>>, vector<1x2048xi32>
    tpu.vector_store %arg2[%swap3A, %swap3A_144], %broadcast_in_dim3A_143 {strides = array<i32>} : memref<1x2048xi32, #tpu.memory_space<vmem>>, vector<1x2048xi32>,
    %add3A_146 = arith.addi %reduce_sum3A_141, %add3A_76 : vector<2048xi32>
    %broadcast_in_dim3A_147 = vector.shape_cast %add3A_146 : vector<2048xi32> to vector<1x2048xi32>
    %swap3A_148 = arith.constant 0 : index
    %swap3A_149 = arith.constant 0 : index
    %swap3A_150 = vector.load %arg3[%swap3A_148, %swap3A_149] : memref<1x2048xi32, #tpu.memory_space<vmem>>, vector<1x2048xi32>
    tpu.vector_store %arg3[%swap3A_148, %swap3A_149], %broadcast_in_dim3A_147 {strides = array<i32>} : memref<1x2048xi32, #tpu.memory_space<vmem>>, vector<1x2048xi32>,
    %iota3A_151 = tpu.iota {dimensions = array<i32: 1>} : vector<8x23xi32>
    %mul3A_152 = arith.constant 256 : i32
    %mul3A_153 = vector.broadcast %mul3A_152 : i32 to vector<8x23xi32>
    %mul3A_154 = arith.muli %iota3A_151, %mul3A_153 : vector<8x23xi32>
    %le3A = vector.broadcast %add3A_126 : vector<8x1xi32> to vector<8x23xi32>
    %le3A_155 = arith.cmpi sle, %le3A, %mul3A_154 : vector<8x23xi32>
    %convert_element_type3A_156 = arith.extui %le3A_155 : vector<8x23xi1> to vector<8x23xi32>
    %reduce_sum3A_157 = arith.constant dense<0> : vector<23xi32>
    %reduce_sum3A_158 = vector.multi_reduction <add>, %convert_element_type3A_156, %reduce_sum3A_157 [0] : vector<8x23xi32> to vector<23xi32>
    %min3A = arith.constant 7 : i32
    %min3A_159 = vector.broadcast %min3A : i32 to vector<23xi32>
    %min3A_160 = arith.minsi %reduce_sum3A_158, %min3A_159 : vector<23xi32>
    %broadcast_in_dim3A_161 = vector.shape_cast %min3A_160 : vector<23xi32> to vector<1x23xi32>
    %swap3A_162 = arith.constant 0 : index
    %swap3A_163 = arith.constant 0 : index
    %swap3A_164 = vector.load %arg4[%swap3A_162, %swap3A_163] : memref<1x23xi32, #tpu.memory_space<vmem>>, vector<1x23xi32>
    tpu.vector_store %arg4[%swap3A_162, %swap3A_163], %broadcast_in_dim3A_161 {strides = array<i32>} : memref<1x23xi32, #tpu.memory_space<vmem>>, vector<1x23xi32>,
    %slice3A_165 = vector.extract_strided_slice %add3A_126 {offsets = [7, 0], sizes = [1, 1], strides = [1, 1]} : vector<8x1xi32> to vector<1x1xi32>
    %jit3A_166 = arith.constant 256 : i32
    %div3A_167 = vector.broadcast %jit3A_166 : i32 to vector<1x1xi32>
    %div3A_168 = arith.divsi %slice3A_165, %div3A_167 : vector<1x1xi32>
    %sign3A_169 = arith.constant 0 : i32
    %sign3A_170 = vector.broadcast %sign3A_169 : i32 to vector<1x1xi32>
    %sign3A_171 = arith.cmpi sgt, %slice3A_165, %sign3A_170 : vector<1x1xi32>
    %sign3A_172 = arith.extui %sign3A_171 : vector<1x1xi1> to vector<1x1xi32>
    %sign3A_173 = arith.constant 0 : i32
    %sign3A_174 = vector.broadcast %sign3A_173 : i32 to vector<1x1xi32>
    %sign3A_175 = arith.cmpi slt, %slice3A_165, %sign3A_174 : vector<1x1xi32>
    %sign3A_176 = arith.extui %sign3A_175 : vector<1x1xi1> to vector<1x1xi32>
    %sign3A_177 = arith.subi %sign3A_172, %sign3A_176 : vector<1x1xi32>
    %sign3A_178 = arith.constant 0 : i32
    %sign3A_179 = arith.cmpi sgt, %jit3A_166, %sign3A_178 : i32
    %sign3A_180 = arith.extui %sign3A_179 : i1 to i32
    %sign3A_181 = arith.constant 0 : i32
    %sign3A_182 = arith.cmpi slt, %jit3A_166, %sign3A_181 : i32
    %sign3A_183 = arith.extui %sign3A_182 : i1 to i32
    %sign3A_184 = arith.subi %sign3A_180, %sign3A_183 : i32
    %ne3A_185 = vector.broadcast %sign3A_184 : i32 to vector<1x1xi32>
    %ne3A_186 = arith.cmpi ne, %sign3A_177, %ne3A_185 : vector<1x1xi32>
    %rem3A_187 = vector.broadcast %jit3A_166 : i32 to vector<1x1xi32>
    %rem3A_188 = arith.remsi %slice3A_165, %rem3A_187 : vector<1x1xi32>
    %ne3A_189 = arith.constant 0 : i32
    %ne3A_190 = vector.broadcast %ne3A_189 : i32 to vector<1x1xi32>
    %ne3A_191 = arith.cmpi ne, %rem3A_188, %ne3A_190 : vector<1x1xi32>
    %and3A_192 = arith.andi %ne3A_186, %ne3A_191 : vector<1x1xi1>
    %sub3A_193 = arith.constant 1 : i32
    %sub3A_194 = vector.broadcast %sub3A_193 : i32 to vector<1x1xi32>
    %sub3A_195 = arith.subi %div3A_168, %sub3A_194 : vector<1x1xi32>
    %select_n3A_196 = arith.select %and3A_192, %sub3A_195, %div3A_168 : vector<1x1xi1>, vector<1x1xi32>
    %swap3A_197 = arith.constant 0 : index
    %swap3A_198 = arith.constant 0 : index
    %swap3A_199 = vector.load %arg5[%swap3A_197, %swap3A_198] : memref<1x1xi32, #tpu.memory_space<vmem>>, vector<1x1xi32>
    tpu.vector_store %arg5[%swap3A_197, %swap3A_198], %select_n3A_196 {strides = array<i32>} : memref<1x1xi32, #tpu.memory_space<vmem>>, vector<1x1xi32>,
    %get3A_200 = arith.constant 0 : index
    %get3A_201 = arith.constant 0 : index
    %get3A_202 = vector.load %arg1[%get3A_200, %get3A_201] : memref<2048x2xf32, #tpu.memory_space<vmem>>, vector<2048x2xf32>
    %slice3A_203 = vector.extract_strided_slice %get3A_202 {offsets = [0, 0], sizes = [2048, 1], strides = [1, 1]} : vector<2048x2xf32> to vector<2048x1xf32>
    %broadcast_in_dim3A_204 = vector.shape_cast %slice3A_203 : vector<2048x1xf32> to vector<2048x1xf32>
    %broadcast_in_dim3A_205 = vector.broadcast %broadcast_in_dim3A_204 : vector<2048x1xf32> to vector<2048x128xf32>
    %swap3A_206 = arith.constant 0 : index
    %swap3A_207 = arith.constant 0 : index
    %swap3A_208 = vector.load %arg6[%swap3A_206, %swap3A_207] : memref<2048x128xf32, #tpu.memory_space<vmem>>, vector<2048x128xf32>
    tpu.vector_store %arg6[%swap3A_206, %swap3A_207], %broadcast_in_dim3A_205 {strides = array<i32>} : memref<2048x128xf32, #tpu.memory_space<vmem>>, vector<2048x128xf32>,
    %slice3A_209 = vector.extract_strided_slice %get3A_202 {offsets = [0, 1], sizes = [2048, 1], strides = [1, 1]} : vector<2048x2xf32> to vector<2048x1xf32>
    %broadcast_in_dim3A_210 = vector.shape_cast %slice3A_209 : vector<2048x1xf32> to vector<2048x1xf32>
    %broadcast_in_dim3A_211 = vector.broadcast %broadcast_in_dim3A_210 : vector<2048x1xf32> to vector<2048x128xf32>
    %swap3A_212 = arith.constant 0 : index
    %swap3A_213 = arith.constant 0 : index
    %swap3A_214 = vector.load %arg7[%swap3A_212, %swap3A_213] : memref<2048x128xf32, #tpu.memory_space<vmem>>, vector<2048x128xf32>
    tpu.vector_store %arg7[%swap3A_212, %swap3A_213], %broadcast_in_dim3A_211 {strides = array<i32>} : memref<2048x128xf32, #tpu.memory_space<vmem>>, vector<2048x128xf32>,
    return
  }
}

module attributes {stable_mosaic.version = 14 : i64} {
  func.func @_gemm_body(%arg0: i32, %arg1: memref<23xi32, #tpu.memory_space<smem>>, %arg2: memref<1xi32, #tpu.memory_space<smem>>, %arg3: memref<256x1024xf32, #tpu.memory_space<vmem>>, %arg4: memref<1x1536x1024xf32, #tpu.memory_space<vmem>>, %arg5: memref<1x1024x768xf32, #tpu.memory_space<vmem>>, %arg6: memref<256x128xf32, #tpu.memory_space<vmem>>, %arg7: memref<256x1024xf32, #tpu.memory_space<vmem>>) attributes {dimension_semantics = [#tpu.dimension_semantics<arbitrary>], iteration_bounds = array<i64: 23>, scalar_prefetch = 2 : i64, scratch_operands = 0 : i64, tpu.core_type = #tpu.core_type<tc>, window_params = [{transform_indices = @transform_0, window_bounds = array<i64: 256, 1024>}, {transform_indices = @transform_1, window_bounds = array<i64: 1, 1536, 1024>}, {transform_indices = @transform_2, window_bounds = array<i64: 1, 1024, 768>}, {transform_indices = @transform_3, window_bounds = array<i64: 256, 128>}, {transform_indices = @transform_4, window_bounds = array<i64: 256, 1024>}]} {
    %get3A = arith.constant 0 : index
    %get3A_0 = memref.load %arg2[%get3A] : memref<1xi32, #tpu.memory_space<smem>>
    %lt3A = arith.cmpi slt, %arg0, %get3A_0 : i32
    %convert_element_type3A = arith.extui %lt3A : i1 to i32
    %cond3A = arith.constant 0 : i32
    %cond3A_1 = arith.cmpi ne, %convert_element_type3A, %cond3A : i32
    scf.if %cond3A_1 {
      %get3A_2 = arith.constant 0 : index
      %get3A_3 = arith.constant 0 : index
      %get3A_4 = vector.load %arg3[%get3A_2, %get3A_3] : memref<256x1024xf32, #tpu.memory_space<vmem>>, vector<256x1024xf32>
      %get3A_5 = arith.constant 0 : index
      %get3A_6 = arith.constant 0 : index
      %get3A_7 = arith.constant 0 : index
      %get3A_8 = vector.load %arg4[%get3A_5, %get3A_6, %get3A_7] : memref<1x1536x1024xf32, #tpu.memory_space<vmem>>, vector<1x1536x1024xf32>
      %get3A_9 = vector.shape_cast %get3A_8 : vector<1x1536x1024xf32> to vector<1536x1024xf32>
      %dot_general3A = arith.constant dense<0.000000e+00> : vector<256x1536xf32>
      %dot_general3A_10 = tpu.matmul %get3A_4, %get3A_9, %dot_general3A {dimension_numbers = #tpu.dot_dimension_numbers<[1], [1], [0], [0], [0, 0, 1, 0], [], []>, transpose_lhs_hint = false} : vector<256x1024xf32>, vector<1536x1024xf32>, vector<256x1536xf32> -> vector<256x1536xf32>
      %slice3A = vector.extract_strided_slice %dot_general3A_10 {offsets = [0, 0], sizes = [256, 768], strides = [1, 1]} : vector<256x1536xf32> to vector<256x768xf32>
      %slice3A_11 = vector.extract_strided_slice %dot_general3A_10 {offsets = [0, 768], sizes = [256, 768], strides = [1, 1]} : vector<256x1536xf32> to vector<256x768xf32>
      %logistic3A = arith.negf %slice3A : vector<256x768xf32>
      %logistic3A_12 = math.exp %logistic3A : vector<256x768xf32>
      %logistic3A_13 = arith.constant 1.000000e+00 : f32
      %logistic3A_14 = vector.broadcast %logistic3A_13 : f32 to vector<256x768xf32>
      %logistic3A_15 = arith.addf %logistic3A_14, %logistic3A_12 : vector<256x768xf32>
      %logistic3A_16 = arith.divf %logistic3A_14, %logistic3A_15 : vector<256x768xf32>
      %mul3A = arith.mulf %slice3A, %logistic3A_16 : vector<256x768xf32>
      %mul3A_17 = arith.mulf %mul3A, %slice3A_11 : vector<256x768xf32>
      %get3A_18 = arith.constant 0 : index
      %get3A_19 = arith.constant 0 : index
      %get3A_20 = arith.constant 0 : index
      %get3A_21 = vector.load %arg5[%get3A_18, %get3A_19, %get3A_20] : memref<1x1024x768xf32, #tpu.memory_space<vmem>>, vector<1x1024x768xf32>
      %get3A_22 = vector.shape_cast %get3A_21 : vector<1x1024x768xf32> to vector<1024x768xf32>
      %dot_general3A_23 = arith.constant dense<0.000000e+00> : vector<256x1024xf32>
      %dot_general3A_24 = tpu.matmul %mul3A_17, %get3A_22, %dot_general3A_23 {dimension_numbers = #tpu.dot_dimension_numbers<[1], [1], [0], [0], [0, 0, 1, 0], [], []>, transpose_lhs_hint = false} : vector<256x768xf32>, vector<1024x768xf32>, vector<256x1024xf32> -> vector<256x1024xf32>
      %get3A_25 = arith.constant 0 : index
      %get3A_26 = arith.constant 0 : index
      %get3A_27 = vector.load %arg6[%get3A_25, %get3A_26] : memref<256x128xf32, #tpu.memory_space<vmem>>, vector<256x1xf32>
      %mul3A_28 = vector.broadcast %get3A_27 : vector<256x1xf32> to vector<256x1024xf32>
      %mul3A_29 = arith.mulf %dot_general3A_24, %mul3A_28 : vector<256x1024xf32>
      %swap3A = arith.constant 0 : index
      %swap3A_30 = arith.constant 0 : index
      %swap3A_31 = vector.load %arg7[%swap3A, %swap3A_30] : memref<256x1024xf32, #tpu.memory_space<vmem>>, vector<256x1024xf32>
      tpu.vector_store %arg7[%swap3A, %swap3A_30], %mul3A_29 {strides = array<i32>} : memref<256x1024xf32, #tpu.memory_space<vmem>>, vector<256x1024xf32>,
    } else {
    }
    return
  }
  func.func @transform_0(%arg0: i32, %arg1: memref<23xi32, #tpu.memory_space<smem>>, %arg2: memref<1xi32, #tpu.memory_space<smem>>) -> (i32, i32) {
    %get3A = arith.constant 0 : index
    %get3A_0 = memref.load %arg2[%get3A] : memref<1xi32, #tpu.memory_space<smem>>
    %sub3A = arith.constant 1 : i32
    %sub3A_1 = arith.subi %get3A_0, %sub3A : i32
    %min3A = arith.minsi %arg0, %sub3A_1 : i32
    %c0_i32 = arith.constant 0 : i32
    %c0_i32_2 = arith.constant 0 : i32
    return %min3A, %c0_i32 : i32, i32
  }
  func.func @transform_1(%arg0: i32, %arg1: memref<23xi32, #tpu.memory_space<smem>>, %arg2: memref<1xi32, #tpu.memory_space<smem>>) -> (i32, i32, i32) {
    %get3A = arith.index_cast %arg0 : i32 to index
    %get3A_0 = memref.load %arg1[%get3A] : memref<23xi32, #tpu.memory_space<smem>>
    %c0_i32 = arith.constant 0 : i32
    %c0_i32_1 = arith.constant 0 : i32
    %c0_i32_2 = arith.constant 0 : i32
    return %get3A_0, %c0_i32, %c0_i32_1 : i32, i32, i32
  }
  func.func @transform_2(%arg0: i32, %arg1: memref<23xi32, #tpu.memory_space<smem>>, %arg2: memref<1xi32, #tpu.memory_space<smem>>) -> (i32, i32, i32) {
    %get3A = arith.index_cast %arg0 : i32 to index
    %get3A_0 = memref.load %arg1[%get3A] : memref<23xi32, #tpu.memory_space<smem>>
    %c0_i32 = arith.constant 0 : i32
    %c0_i32_1 = arith.constant 0 : i32
    %c0_i32_2 = arith.constant 0 : i32
    return %get3A_0, %c0_i32, %c0_i32_1 : i32, i32, i32
  }
  func.func @transform_3(%arg0: i32, %arg1: memref<23xi32, #tpu.memory_space<smem>>, %arg2: memref<1xi32, #tpu.memory_space<smem>>) -> (i32, i32) {
    %get3A = arith.constant 0 : index
    %get3A_0 = memref.load %arg2[%get3A] : memref<1xi32, #tpu.memory_space<smem>>
    %sub3A = arith.constant 1 : i32
    %sub3A_1 = arith.subi %get3A_0, %sub3A : i32
    %min3A = arith.minsi %arg0, %sub3A_1 : i32
    %c0_i32 = arith.constant 0 : i32
    %c0_i32_2 = arith.constant 0 : i32
    return %min3A, %c0_i32 : i32, i32
  }
  func.func @transform_4(%arg0: i32, %arg1: memref<23xi32, #tpu.memory_space<smem>>, %arg2: memref<1xi32, #tpu.memory_space<smem>>) -> (i32, i32) {
    %get3A = arith.constant 0 : index
    %get3A_0 = memref.load %arg2[%get3A] : memref<1xi32, #tpu.memory_space<smem>>
    %sub3A = arith.constant 1 : i32
    %sub3A_1 = arith.subi %get3A_0, %sub3A : i32
    %min3A = arith.minsi %arg0, %sub3A_1 : i32
    %c0_i32 = arith.constant 0 : i32
    %c0_i32_2 = arith.constant 0 : i32
    return %min3A, %c0_i32 : i32, i32
  }
}

</mosaic_0001>

<sc_bundles>
// kernel: kernel.6.cloned.1.call-start
scs
__scs_entry_jumppad:
0x0: {  	(pc) =	sbr.rel $0x88, $3  }
0x1: {  	(tag) =	ssettag $0x0;
	lr =	simm.s32 $0x1  }
0x2: {  	[smem:$0x3F9C] =	sst lr;
	_ =	strace $0xD0000000  }
0x3: {  	_ = 	snop  }
0x4: {  	_ = 	snop  }
0x5: {  	_ = 	snop  }
0x6: {  	_ = 	snop  }
0x7: {  	_ = 	snop  }
__scs_overlays_trampoline_lowered:
0x8: {  	[smem:$0x3FAB] =	sst s0  }
0x9: {  	[smem:$0x3FAC] =	sst s1  }
0xa: {  	[smem:$0x3FAD] =	sst s2  }
0xb: {  	[smem:$0x3FAE] =	sst s3  }
0xc: {  	[smem:$0x3FAF] =	sst s4  }
0xd: {  	[smem:$0x3FB0] =	sst s5  }
0xe: {  	[smem:$0x3FB1] =	sst s6  }
0xf: {  	[smem:$0x3FB2] =	sst s7  }
0x10: {  	[smem:$0x3FB3] =	sst s8  }
0x11: {  	[smem:$0x3FB4] =	sst s9;
	s0 =	simm.s32 @!p0 $0x0  }
0x12: {  	s1 =	sld [smem:$0x3F9A];
	s0 =	simm.s32 @p0 $0x1  }
0x13: {  	[smem:$0x3FB5] =	sst s0;
	s0 =	simm.s32 @!p1 $0x0  }
0x14: {  	s2 =	sld [smem:$0x3F99];
	s0 =	simm.s32 @p1 $0x1  }
0x15: {  	[smem:$0x3FB6] =	sst s0;
	s0 =	simm.s32 @!p2 $0x0  }
0x16: {  	s3 =	sld [smem:$0x3FDB];
	s0 =	simm.s32 @p2 $0x1  }
0x17: {  	s4 =	simm.s32 $0x1BF5;
	[smem:$0x3FB8] =	sst s0  }
0x18: {  	s0 =	sld [smem:$0x3F9B];
	_ =	swait.ge [sflag:s4], $0x0  }
0x19: {  	s7 =	sld [smem:$0x3F9C]  }
0x1a: {  	s8 =	sadd.s32 $0xFFFFE003, lr  }
0x1b: {  	s9 =	sadd.s32 $0xFFFFFEF7, lr;
	s5 =	simm.s32 $0xFFFFFFFF;
	p2 =	slt.u32 s8, $0xFFFFF086  }
0x1c: {  	p1 =	slt.u32 s9, $0xF7A;
	s5 =	simm.s32 @!p2 $0x0  }
0x1d: {  	s5 =	simm.s32 @p1 $0x1;
	p0 =	seq.s32 s7, s2  }
0x1e: {  	s7 =	smul.u32 @!p0 $0xF7A, s2;
	p2 =	seq.s32 @!p0 s5, $0x0  }
0x1f: {  	s9 =	smul.u32 $0xF7A, s1;
	s8 =	simm.s32 @!p0 $0x1BF5;
	p2 =	por !p2, p0  }
0x20: {  	[sflag:s8] =	ssyncset.s32 @!p0 $0xFFFFF086;
	s6 =	sadd.s32 @!p0 s3, s7;
	s7 =	simm.s32 @!p0 $0x108  }
0x21: {  	s3 =	sadd.s32 s3, s9;
	s6 =	sadd.s32 @!p0 $0x88, s6;
	s7 =	simm.s32 @p2 $0x1082  }
0x22: {  	[simem:s7], [sflag:s8] =	dma.local @!p0 [hbm:s6], $0xF7A  }
0x23: {  	s9 =	sor.u32 $0xD0000000, s2;
	s6 =	simm.s32 $0x108;
	_ =	swait.ge @!p0 [sflag:s8], $0x0  }
0x24: {  	s3 =	sadd.s32 $0x88, s3;
	s6 =	simm.s32 @!p1 $0x1082;
	[sflag:s4] =	ssyncset.s32 $0xFFFFF086  }
0x25: {  	[simem:s6], [sflag:s4] =	dma.local [hbm:s3], $0xF7A  }
0x26: {  	[smem:$0x3F9C] =	sst s1;
	(tag) =	ssettag s2;
	_ =	strace s9  }
0x27: {  	s1 =	sld [smem:$0x3FAC]  }
0x28: {  	s2 =	sld [smem:$0x3FAD]  }
0x29: {  	s4 =	sld [smem:$0x3FAF]  }
0x2a: {  	p0 =	seq.s32 s5, $0x0;
	s5 =	sld [smem:$0x3FB0]  }
0x2b: {  	s6 =	sld [smem:$0x3FB1]  }
0x2c: {  	s7 =	sld [smem:$0x3FB2]  }
0x2d: {  	s3 =	simm.s32 $0x108;
	s8 =	sld [smem:$0x3FB3]  }
0x2e: {  	s3 =	simm.s32 @!p0 $0x1082;
	s9 =	sld [smem:$0x3FB4]  }
0x2f: {  	lr =	sadd.s32 s0, s3;
	s0 =	sld [smem:$0x3FAB]  }
0x30: {  	s3 =	sld [smem:$0x3FAE]  }
0x31: {  	[smem:$0x3FB7] =	sst s10  }
0x32: {  	s10 =	sld [smem:$0x3FB5];
	_ =	sdelay $0x3  }
0x33: {  	p0 =	seq.s32 s10, $0x1;
	s10 =	sld [smem:$0x3FB7];
	_ =	sdelay $0x3  }
0x34: {  	[smem:$0x3FB7] =	sst s10  }
0x35: {  	s10 =	sld [smem:$0x3FB6];
	_ =	sdelay $0x3  }
0x36: {  	p1 =	seq.s32 s10, $0x1;
	s10 =	sld [smem:$0x3FB7];
	_ =	sdelay $0x3  }
0x37: {  	[smem:$0x3FB7] =	sst s10  }
0x38: {  	s10 =	sld [smem:$0x3FB8]  }
0x39: {  	_ = 	snop;
	(pc) =	sbr.ind lr, $3  }
0x3a: {  	_ = 	snop  }
0x3b: {  	_ = 	snop  }
0x3c: {  	p2 =	seq.s32 s10, $0x1;
	s10 =	sld [smem:$0x3FB7]  }
0x3d: {  	_ =	shalt  }
0x3e: {  	_ =	shalt  }
0x3f: {  	_ =	shalt  }
0x40: {  	_ =	shalt  }
0x41: {  	_ =	shalt  }
0x42: {  	_ =	shalt  }
0x43: {  	_ =	shalt  }
0x44: {  	_ =	shalt  }
0x45: {  	_ =	shalt  }
0x46: {  	_ =	shalt  }
0x47: {  	_ =	shalt  }
0x48: {  	_ =	shalt  }
0x49: {  	_ =	shalt  }
0x4a: {  	_ =	shalt  }
0x4b: {  	_ =	shalt  }
0x4c: {  	_ =	shalt  }
0x4d: {  	_ =	shalt  }
0x4e: {  	_ =	shalt  }
0x4f: {  	_ =	shalt  }
0x50: {  	_ =	shalt  }
0x51: {  	_ =	shalt  }
0x52: {  	_ =	shalt  }
0x53: {  	_ =	shalt  }
0x54: {  	_ =	shalt  }
0x55: {  	_ =	shalt  }
0x56: {  	_ =	shalt  }
0x57: {  	_ =	shalt  }
0x58: {  	_ =	shalt  }
0x59: {  	_ =	shalt  }
0x5a: {  	_ =	shalt  }
0x5b: {  	_ =	shalt  }
0x5c: {  	_ =	shalt  }
0x5d: {  	_ =	shalt  }
0x5e: {  	_ =	shalt  }
0x5f: {  	_ =	shalt  }
0x60: {  	_ =	shalt  }
0x61: {  	_ =	shalt  }
0x62: {  	_ =	shalt  }
0x63: {  	_ =	shalt  }
0x64: {  	_ =	shalt  }
0x65: {  	_ =	shalt  }
0x66: {  	_ =	shalt  }
0x67: {  	_ =	shalt  }
0x68: {  	_ =	shalt  }
0x69: {  	_ =	shalt  }
0x6a: {  	_ =	shalt  }
0x6b: {  	_ =	shalt  }
0x6c: {  	_ =	shalt  }
0x6d: {  	_ =	shalt  }
0x6e: {  	_ =	shalt  }
0x6f: {  	_ =	shalt  }
0x70: {  	_ =	shalt  }
0x71: {  	_ =	shalt  }
0x72: {  	_ =	shalt  }
0x73: {  	_ =	shalt  }
0x74: {  	_ =	shalt  }
0x75: {  	_ =	shalt  }
0x76: {  	_ =	shalt  }
0x77: {  	_ =	shalt  }
0x78: {  	_ =	shalt  }
0x79: {  	_ =	shalt  }
0x7a: {  	_ =	shalt  }
0x7b: {  	_ =	shalt  }
0x7c: {  	_ =	shalt  }
0x7d: {  	_ =	shalt  }
0x7e: {  	_ =	shalt  }
0x7f: {  	_ =	shalt  }
0x80: {  	_ =	shalt  }
0x81: {  	_ =	shalt  }
0x82: {  	_ =	shalt  }
0x83: {  	_ =	shalt  }
0x84: {  	_ =	shalt  }
0x85: {  	_ =	shalt  }
0x86: {  	_ =	shalt  }
0x87: {  	_ =	shalt  }
.Lfunc_end0:
.L_simem_size_0:
called_computation_lowered:
.L_overlay_start_0:
0x88: {  	s2 =	sld [smem:$0x3FD9]  }
0x89: {  	s3 =	sld [smem:$0x3FFE];
	_ =	sdelay $0x1  }
0x8a: {  	s1 =	srdreg.scid  }
0x8b: {  	s0 =	sand.u32 $0x1, s1  }
0x8c: {  	s17 =	sshll.u32 s0, $0xA;
	s2 =	sadd.s32 s3, s2  }
0x8d: {  	s2 =	sadd.s32 s2, s17  }
0x8e: {  	[smem:$0x3FC3] =	sst s2  }
0x8f: {  	_ = 	snop  }
0x90: {  	s2 =	sld [smem:$0x3FC9]  }
0x91: {  	s18 =	sld [smem:$0x3FD0];
	(tm) =	ssettm $0x1  }
0x92: {  	s4 =	sld [smem:$0x3FFB];
	_ =	sdelay $0x3  }
0x93: {  	_ =	strace s4  }
0x94: {  	s4 =	sld [smem:$0x3FFC];
	_ =	sdelay $0x3  }
0x95: {  	_ =	strace s4  }
0x96: {  	s4 =	sld [smem:$0x3FFD];
	_ =	sdelay $0x3  }
0x97: {  	_ =	strace s4  }
0x98: {  	_ =	strace $0x8FFFFFFF  }
0x99: {  	s19 =	sld [smem:$0x3FDB];
	_ =	sdelay $0x1  }
0x9a: {  	s5 =	simm.s32 $_scs_section_size  }
0x9b: {  	s6 =	simm.s32 $_size__tile_overlayer_lowered;
	s7 =	simm.s32 $_tile_overlayer_lowered  }
0x9c: {  	s22 =	simm.s32 $0x1BFF;
	s21 =	sshll.u32 s7, $0x1;
	s4 =	sadd.s32 s5, s19  }
0x9d: {  	s8 =	simm.s32 $0x0;
	s20 =	sshll.u32 s6, $0x1;
	s6 =	sadd.s32 s21, s4  }
0x9e: {  	[timem:s8], [sflag:s22] =	dma.local [hbm:s6], s20  }
0x9f: {  	_ =	swait.ge [sflag:s22], s20  }
0xa0: {  	s5 =	ssub.s32 $0x0, s20;
	[sflag:s22] =	ssyncset.done $0x0  }
0xa1: {  	[sflag:s22] =	ssyncadd.s32 s5;
	_ =	sdelay $0x1  }
0xa2: {  	s23 =	simm.s32 $0x1B8B  }
0xa3: {  	_ =	swait.ge [sflag:s23], $0x1  }
0xa4: {  	[sflag:s23] =	ssyncset.done $0x0  }
0xa5: {  	s25 =	simm.s32 $0x1B8E;
	s24 =	sld [smem:$0x3FFE];
	[sflag:s23] =	ssyncadd.s32 $0xFFFFFFFF  }
0xa6: {  	s26 =	simm.s32 $execute0_lowered;
	[smem:$0x3FD2] =	sst s25  }
0xa7: {  	s6 =	sshll.u32 s26, $0x1;
	_ =	strace $0x80000046;
	[dreg:$0x1] =	wrdreg $0xFFFFFFFF  }
0xa8: {  	s28 =	simm.s32 $_size_execute0_lowered;
	s4 =	sadd.s32 s4, s6;
	[dreg:$0x0] =	wrdreg $0x0  }
0xa9: {  	s6 =	sshll.u32 s28, $0x1;
	[dreg:$0x2] =	wrdreg s4  }
0xaa: {  	[dreg:$0x3] =	wrdreg s6  }
0xab: {  	[dreg:$0x4] =	wrdreg $0xC0  }
0xac: {  	_ =	task [dreg:s8], $0x5FFFF  }
0xad: {  	[dreg:$0x1] =	wrdreg $0xFFFFFFFF  }
0xae: {  	[dreg:$0x0] =	wrdreg $0x60  }
0xaf: {  	[dreg:$0x2] =	wrdreg s2  }
0xb0: {  	[dreg:$0x3] =	wrdreg s24  }
0xb1: {  	[dreg:$0x4] =	wrdreg s18  }
0xb2: {  	[dreg:$0x5] =	wrdreg $0x9  }
0xb3: {  	_ =	task.clear_ibuf [dreg:s8], $0x6FFFF;
	_ =	strace $0x90000046  }
0xb4: {  	s29 =	simm.s32 $0x9;
	_ =	strace $0x80000048  }
0xb5: {  	_ =	swait.ge [sflag:s29], $0x1  }
0xb6: {  	[sflag:s29] =	ssyncadd.s32 $0xFFFFFFFF  }
0xb7: {  	_ =	strace $0x90000048  }
0xb8: {  	_ =	sfence  }
0xb9: {  	s30 =	sld [smem:$0x0];
	_ =	sdelay $0x2  }
0xba: {  	s31 =	sshll.u32 s1, $0xD;
	s1 =	sshrl.u32 s1, $0x2  }
0xbb: {  	s3 =	sand.u32 $0x4000, s31;
	s1 =	sadd.s32 s1, s30  }
0xbc: {  	s0 =	sor.u32 s3, s0;
	s1 =	sshll.u32 s1, $0x11  }
0xbd: {  	s0 =	sor.u32 s1, s0  }
0xbe: {  	s0 =	sadd.s32 $0x8F2B, s0  }
0xbf: {  	[sflag:s0] =	ssyncadd.remote.s32 $0x1  }
0xc0: {  	_ =	sfence.sel $0xFFFF  }
0xc1: {  	[dreg:$0x0] =	wrdreg $0xFFFFFFFF;
	(pc) =	sbr.abs _section_cstart, $3  }
0xc2: {  	[dreg:$0x1] =	wrdreg $0xFFFFFFFF  }
0xc3: {  	_ =	task.clear_ibuf [dreg:s8], $0x2FFFF;
	_ =	strace $0x9FFFFFFF  }
0xc4: {  	(tm) =	ssettm $0x7FFFFFFF  }
0xc5: {  	_ =	shalt  }
tec
execute0_lowered:
.L_overlay_start_1:
0x0: {  	(tag) =	ssettag $0x1  }
0x1: {  	s0 =	rddreg [dreg:$0x0]  }
0x2: {  	s1 =	srdreg.scid;
	s2 =	rddreg [dreg:$0x1]  }
0x3: {  	s3 =	stileid.u32;
	s13 =	simm.s32 $0x1;
	s29 =	simm.s32 $0x1000  }
0x4: {  	s30 =	simm.s32 $0x1800;
	s31 =	simm.s32 $0x2000;
	s9 =	simm.s32 $0x4000  }
0x5: {  	s10 =	simm.s32 $0x4800;
	s11 =	simm.s32 $0x5000;
	s12 =	simm.s32 $0x5800  }
0x6: {  	s14 =	simm.s32 $0x6000;
	s15 =	simm.s32 $0x6800;
	s16 =	simm.s32 $0x7000  }
0x7: {  	s17 =	simm.s32 $0x7800;
	s18 =	simm.s32 $0x8000;
	s19 =	simm.s32 $0x8800  }
0x8: {  	s20 =	simm.s32 $0x9000;
	s21 =	simm.s32 $0x9800;
	s28 =	simm.s32 $0xB800  }
0x9: {  	s1 =	sand.u32 $0x1, s1;
	s4 =	sshll.u32 s3, $0x7;
	s3 =	simm.s32 $0x0  }
0xa: {  	s7 =	sadd.s32 $0x11B00, s2;
	s5 =	sshll.u32 s1, $0x6;
	[smem:$0x7FF] =	sst s3  }
0xb: {  	s1 =	ssub.s32 $0x2, s1;
	s4 =	sor.u32 s5, s4;
	_ =	strace $0x80000047  }
0xc: {  	s25 =	sshrl.u32 s1, $0x1;
	s5 =	sshrl.u32 s4, $0x3;
	s6 =	sshll.u32 s4, $0x7  }
0xd: {  	s4 =	sshll.u32 s4, $0x4;
	s1 =	ssub.s32 s1, s25;
	s25 =	simm.s32 $0xA800  }
0xe: {  	s5 =	sadd.s32 s5, s2;
	s0 =	sadd.s32 s0, s6;
	s4 =	sadd.s32 s4, s2  }
0xf: {  	s6 =	sadd.s32 $0x11A00, s2;
	[dreg:$0x4] =	wrdreg s0;
	s22 =	sadd.s32 $0x11600, s5  }
0x10: {  	s8 =	smax.u32 s1, $0x1;
	s23 =	sadd.s32 $0x11400, s5;
	[dreg:$0x5] =	wrdreg s22  }
0x11: {  	v2 =	vlaneseq.u32;
	s24 =	sadd.s32 $0x1400, s4;
	s26 =	sadd.s32 $0x9400, s4;
	[dreg:$0x6] =	wrdreg s23  }
0x12: {  	vm0 =	vmmov $0xffff;
	v1 =	vshrl.u32 v2, $0x3;
	s4 =	sadd.s32 $0x11800, s2;
	s5 =	sadd.s32 $0x11900, s2;
	[dreg:$0x7] =	wrdreg s24  }
0x13: {  	v0 =	vand.u32 $0x7, v2;
	v2 =	vor.u32 $0x8, v2;
	v1 =	vmul.u32 $0x8, v1;
	[dreg:$0x8] =	wrdreg s26;
	s22 =	simm.s32 $0x2;
	s26 =	simm.s32 $0xB000  }
.LBB2_1:
0x14: {  	s23 =	rddreg [dreg:$0x4]  }
0x15: {  	[tilespmem:s3], [sflag:$0x1] =	stream.linear.gather [hbm4b:s23+s3], $0x10000, $0x38;
	[tilespmem:$0x14100] =	vst v63  }
0x16: {  	s24 =	rddreg [dreg:$0x5];
	s0 =	simm.s32 $0x10000  }
0x17: {  	[tilespmem:s0], [sflag:$0x1] =	stream.linear.gather [hbm4b:s24+s3], $0x40, $0x38;
	[tilespmem:$0x14100] =	vst v63  }
0x18: {  	s2 =	rddreg [dreg:$0x6];
	s1 =	simm.s32 $0x10080  }
0x19: {  	[tilespmem:s1], [sflag:$0x1] =	stream.linear.gather [hbm4b:s2+s3], $0x40, $0x38;
	[tilespmem:$0x14100] =	vst v63  }
0x1a: {  	s24 =	rddreg [dreg:$0x7];
	s2 =	simm.s32 $0x10100  }
0x1b: {  	[tilespmem:s2], [sflag:$0x1] =	stream.linear.gather [hbm4b:s24+s3], $0x2000, $0x38;
	[tilespmem:$0x14100] =	vst v63  }
0x1c: {  	s23 =	rddreg [dreg:$0x8];
	s1 =	simm.s32 $0x12100  }
0x1d: {  	[tilespmem:s1], [sflag:$0x1] =	stream.linear.gather [hbm4b:s23+s3], $0x2000, $0x38;
	[tilespmem:$0x14100] =	vst v63  }
0x1e: {  	_ =	swait.ge [sflag:s13], $0x10000  }
0x1f: {  	[sflag:s13] =	ssyncset.done $0x0  }
0x20: {  	[sflag:s13] =	ssyncadd.s32 $0xFFFF0000  }
0x21: {  	_ =	swait.ge [sflag:s13], $0x40  }
0x22: {  	[sflag:s13] =	ssyncset.done $0x0  }
0x23: {  	[sflag:s13] =	ssyncadd.s32 $0xFFFFFFC0  }
0x24: {  	_ =	swait.ge [sflag:s13], $0x40  }
0x25: {  	[sflag:s13] =	ssyncset.done $0x0  }
0x26: {  	[sflag:s13] =	ssyncadd.s32 $0xFFFFFFC0  }
0x27: {  	_ =	swait.ge [sflag:s13], $0x2000  }
0x28: {  	[sflag:s13] =	ssyncset.done $0x0  }
0x29: {  	[sflag:s13] =	ssyncadd.s32 $0xFFFFE000  }
0x2a: {  	_ =	swait.ge [sflag:s13], $0x2000  }
0x2b: {  	[sflag:s13] =	ssyncset.done $0x0  }
0x2c: {  	[sflag:s13] =	ssyncadd.s32 $0xFFFFE000  }
0x2d: {  	v3 =	vld [tilespmem:$0x10000];
	_ =	sdelay $0x4  }
0x2e: {  	v4 =	vshll.u32 v3, $0x3  }
0x2f: {  	v3 =	vand.u32 $0x7, v3;
	v4 =	vand.u32 $0xFFFFFFC0, v4  }
0x30: {  	v3 =	vor.u32 v3, v4  }
0x31: {  	v4 =	vperm.xlane v3, v0;
	_ =	sdelay $0x1  }
0x32: {  	v4 =	vadd.s32 v1, v4;
	_ =	sdelay $0x4  }
0x33: {  	[hbm4b:s4+s3] =	stream.indirect_vreg.scatter [tilespmem:s3], [sflag:$0x2], $0x80, v4, vm0, $0xb8;
	[tilespmem:$0x14100] =	vst v63  }
0x34: {  	s23 =	simm.s32 $0x800;
	v3 =	vperm.xlane v3, v2  }
0x35: {  	[hbm4b:s5+s3] =	stream.indirect_vreg.scatter [tilespmem:s23], [sflag:$0x2], $0x80, v4, vm0, $0xb8;
	[tilespmem:$0x14100] =	vst v63  }
0x36: {  	v3 =	vadd.s32 v1, v3  }
0x37: {  	[hbm4b:s6+s3] =	stream.indirect_vreg.scatter [tilespmem:s29], [sflag:$0x2], $0x80, v4, vm0, $0xb8;
	[tilespmem:$0x14100] =	vst v63  }
0x38: {  	_ = 	snop  }
0x39: {  	[hbm4b:s7+s3] =	stream.indirect_vreg.scatter [tilespmem:s30], [sflag:$0x2], $0x80, v4, vm0, $0xb8;
	[tilespmem:$0x14100] =	vst v63  }
0x3a: {  	_ = 	snop  }
0x3b: {  	[hbm4b:s4+s3] =	stream.indirect_vreg.scatter [tilespmem:s31], [sflag:$0x2], $0x80, v3, vm0, $0xb8;
	[tilespmem:$0x14100] =	vst v63  }
0x3c: {  	s1 =	simm.s32 $0x2800  }
0x3d: {  	[hbm4b:s5+s3] =	stream.indirect_vreg.scatter [tilespmem:s1], [sflag:$0x2], $0x80, v3, vm0, $0xb8;
	[tilespmem:$0x14100] =	vst v63  }
0x3e: {  	s2 =	simm.s32 $0x3000  }
0x3f: {  	[hbm4b:s6+s3] =	stream.indirect_vreg.scatter [tilespmem:s2], [sflag:$0x2], $0x80, v3, vm0, $0xb8;
	[tilespmem:$0x14100] =	vst v63  }
0x40: {  	s2 =	simm.s32 $0x3800  }
0x41: {  	[hbm4b:s7+s3] =	stream.indirect_vreg.scatter [tilespmem:s2], [sflag:$0x2], $0x80, v3, vm0, $0xb8;
	[tilespmem:$0x14100] =	vst v63  }
0x42: {  	v3 =	vld [tilespmem:$0x10010];
	_ =	sdelay $0x4  }
0x43: {  	v57 =	vshll.u32 v3, $0x3  }
0x44: {  	v3 =	vand.u32 $0x7, v3;
	v4 =	vand.u32 $0xFFFFFFC0, v57  }
0x45: {  	v3 =	vor.u32 v3, v4  }
0x46: {  	v4 =	vperm.xlane v3, v0;
	_ =	sdelay $0x1  }
0x47: {  	v4 =	vadd.s32 v1, v4;
	_ =	sdelay $0x4  }
0x48: {  	[hbm4b:s4+s3] =	stream.indirect_vreg.scatter [tilespmem:s9], [sflag:$0x2], $0x80, v4, vm0, $0xb8;
	[tilespmem:$0x14100] =	vst v63  }
0x49: {  	v3 =	vperm.xlane v3, v2  }
0x4a: {  	[hbm4b:s5+s3] =	stream.indirect_vreg.scatter [tilespmem:s10], [sflag:$0x2], $0x80, v4, vm0, $0xb8;
	[tilespmem:$0x14100] =	vst v63  }
0x4b: {  	v3 =	vadd.s32 v1, v3  }
0x4c: {  	[hbm4b:s6+s3] =	stream.indirect_vreg.scatter [tilespmem:s11], [sflag:$0x2], $0x80, v4, vm0, $0xb8;
	[tilespmem:$0x14100] =	vst v63  }
0x4d: {  	_ = 	snop  }
0x4e: {  	[hbm4b:s7+s3] =	stream.indirect_vreg.scatter [tilespmem:s12], [sflag:$0x2], $0x80, v4, vm0, $0xb8;
	[tilespmem:$0x14100] =	vst v63  }
0x4f: {  	_ = 	snop  }
0x50: {  	[hbm4b:s4+s3] =	stream.indirect_vreg.scatter [tilespmem:s14], [sflag:$0x2], $0x80, v3, vm0, $0xb8;
	[tilespmem:$0x14100] =	vst v63  }
0x51: {  	_ = 	snop  }
0x52: {  	[hbm4b:s5+s3] =	stream.indirect_vreg.scatter [tilespmem:s15], [sflag:$0x2], $0x80, v3, vm0, $0xb8;
	[tilespmem:$0x14100] =	vst v63  }
0x53: {  	_ = 	snop  }
0x54: {  	[hbm4b:s6+s3] =	stream.indirect_vreg.scatter [tilespmem:s16], [sflag:$0x2], $0x80, v3, vm0, $0xb8;
	[tilespmem:$0x14100] =	vst v63  }
0x55: {  	_ = 	snop  }
0x56: {  	[hbm4b:s7+s3] =	stream.indirect_vreg.scatter [tilespmem:s17], [sflag:$0x2], $0x80, v3, vm0, $0xb8;
	[tilespmem:$0x14100] =	vst v63  }
0x57: {  	v3 =	vld [tilespmem:$0x10020];
	_ =	sdelay $0x4  }
0x58: {  	v58 =	vshll.u32 v3, $0x3  }
0x59: {  	v3 =	vand.u32 $0x7, v3;
	v4 =	vand.u32 $0xFFFFFFC0, v58  }
0x5a: {  	v3 =	vor.u32 v3, v4  }
0x5b: {  	v4 =	vperm.xlane v3, v0;
	_ =	sdelay $0x1  }
0x5c: {  	v4 =	vadd.s32 v1, v4;
	_ =	sdelay $0x4  }
0x5d: {  	[hbm4b:s4+s3] =	stream.indirect_vreg.scatter [tilespmem:s18], [sflag:$0x2], $0x80, v4, vm0, $0xb8;
	[tilespmem:$0x14100] =	vst v63  }
0x5e: {  	v3 =	vperm.xlane v3, v2  }
0x5f: {  	[hbm4b:s5+s3] =	stream.indirect_vreg.scatter [tilespmem:s19], [sflag:$0x2], $0x80, v4, vm0, $0xb8;
	[tilespmem:$0x14100] =	vst v63  }
0x60: {  	v3 =	vadd.s32 v1, v3  }
0x61: {  	[hbm4b:s6+s3] =	stream.indirect_vreg.scatter [tilespmem:s20], [sflag:$0x2], $0x80, v4, vm0, $0xb8;
	[tilespmem:$0x14100] =	vst v63  }
0x62: {  	_ = 	snop  }
0x63: {  	[hbm4b:s7+s3] =	stream.indirect_vreg.scatter [tilespmem:s21], [sflag:$0x2], $0x80, v4, vm0, $0xb8;
	[tilespmem:$0x14100] =	vst v63  }
0x64: {  	s24 =	simm.s32 $0xA000  }
0x65: {  	[hbm4b:s4+s3] =	stream.indirect_vreg.scatter [tilespmem:s24], [sflag:$0x2], $0x80, v3, vm0, $0xb8;
	[tilespmem:$0x14100] =	vst v63  }
0x66: {  	_ = 	snop  }
0x67: {  	[hbm4b:s5+s3] =	stream.indirect_vreg.scatter [tilespmem:s25], [sflag:$0x2], $0x80, v3, vm0, $0xb8;
	[tilespmem:$0x14100] =	vst v63  }
0x68: {  	_ = 	snop  }
0x69: {  	[hbm4b:s6+s3] =	stream.indirect_vreg.scatter [tilespmem:s26], [sflag:$0x2], $0x80, v3, vm0, $0xb8;
	[tilespmem:$0x14100] =	vst v63  }
0x6a: {  	_ = 	snop  }
0x6b: {  	[hbm4b:s7+s3] =	stream.indirect_vreg.scatter [tilespmem:s28], [sflag:$0x2], $0x80, v3, vm0, $0xb8;
	[tilespmem:$0x14100] =	vst v63  }
0x6c: {  	v3 =	vld [tilespmem:$0x10030];
	_ =	sdelay $0x4  }
0x6d: {  	v59 =	vshll.u32 v3, $0x3  }
0x6e: {  	v3 =	vand.u32 $0x7, v3;
	v4 =	vand.u32 $0xFFFFFFC0, v59  }
0x6f: {  	v3 =	vor.u32 v3, v4  }
0x70: {  	v4 =	vperm.xlane v3, v0;
	_ =	sdelay $0x1  }
0x71: {  	v4 =	vadd.s32 v1, v4;
	_ =	sdelay $0x3  }
0x72: {  	s0 =	simm.s32 $0xC000  }
0x73: {  	[hbm4b:s4+s3] =	stream.indirect_vreg.scatter [tilespmem:s0], [sflag:$0x2], $0x80, v4, vm0, $0xb8;
	[tilespmem:$0x14100] =	vst v63  }
0x74: {  	v3 =	vperm.xlane v3, v2;
	s0 =	simm.s32 $0xC800  }
0x75: {  	[hbm4b:s5+s3] =	stream.indirect_vreg.scatter [tilespmem:s0], [sflag:$0x2], $0x80, v4, vm0, $0xb8;
	[tilespmem:$0x14100] =	vst v63  }
0x76: {  	v3 =	vadd.s32 v1, v3;
	s0 =	simm.s32 $0xD000  }
0x77: {  	[hbm4b:s6+s3] =	stream.indirect_vreg.scatter [tilespmem:s0], [sflag:$0x2], $0x80, v4, vm0, $0xb8;
	[tilespmem:$0x14100] =	vst v63  }
0x78: {  	s0 =	simm.s32 $0xD800  }
0x79: {  	[hbm4b:s7+s3] =	stream.indirect_vreg.scatter [tilespmem:s0], [sflag:$0x2], $0x80, v4, vm0, $0xb8;
	[tilespmem:$0x14100] =	vst v63  }
0x7a: {  	s0 =	simm.s32 $0xE000  }
0x7b: {  	[hbm4b:s4+s3] =	stream.indirect_vreg.scatter [tilespmem:s0], [sflag:$0x2], $0x80, v3, vm0, $0xb8;
	[tilespmem:$0x14100] =	vst v63  }
0x7c: {  	s0 =	simm.s32 $0xE800  }
0x7d: {  	[hbm4b:s5+s3] =	stream.indirect_vreg.scatter [tilespmem:s0], [sflag:$0x2], $0x80, v3, vm0, $0xb8;
	[tilespmem:$0x14100] =	vst v63  }
0x7e: {  	s0 =	simm.s32 $0xF000  }
0x7f: {  	[hbm4b:s6+s3] =	stream.indirect_vreg.scatter [tilespmem:s0], [sflag:$0x2], $0x80, v3, vm0, $0xb8;
	[tilespmem:$0x14100] =	vst v63  }
0x80: {  	s0 =	simm.s32 $0xF800  }
0x81: {  	[hbm4b:s7+s3] =	stream.indirect_vreg.scatter [tilespmem:s0], [sflag:$0x2], $0x80, v3, vm0, $0xb8;
	[tilespmem:$0x14100] =	vst v63  }
0x82: {  	v3 =	vld [tilespmem:$0x10080];
	_ =	sdelay $0x4  }
0x83: {  	v60 =	vshll.u32 v3, $0x3  }
0x84: {  	v3 =	vand.u32 $0x7, v3;
	v4 =	vand.u32 $0xFFFFFFC0, v60  }
0x85: {  	v3 =	vor.u32 v3, v4  }
0x86: {  	v4 =	vperm.xlane v3, v0;
	_ =	sdelay $0x1  }
0x87: {  	v4 =	vadd.s32 v1, v4;
	_ =	sdelay $0x4  }
0x88: {  	[hbm4b:s4+s3] =	stream.indirect_vreg.scatter [tilespmem:s3], [sflag:$0x2], $0x80, v4, vm0, $0xb8;
	[tilespmem:$0x14100] =	vst v63  }
0x89: {  	v3 =	vperm.xlane v3, v2  }
0x8a: {  	[hbm4b:s5+s3] =	stream.indirect_vreg.scatter [tilespmem:s23], [sflag:$0x2], $0x80, v4, vm0, $0xb8;
	[tilespmem:$0x14100] =	vst v63  }
0x8b: {  	v3 =	vadd.s32 v1, v3  }
0x8c: {  	[hbm4b:s6+s3] =	stream.indirect_vreg.scatter [tilespmem:s29], [sflag:$0x2], $0x80, v4, vm0, $0xb8;
	[tilespmem:$0x14100] =	vst v63  }
0x8d: {  	_ = 	snop  }
0x8e: {  	[hbm4b:s7+s3] =	stream.indirect_vreg.scatter [tilespmem:s30], [sflag:$0x2], $0x80, v4, vm0, $0xb8;
	[tilespmem:$0x14100] =	vst v63  }
0x8f: {  	_ = 	snop  }
0x90: {  	[hbm4b:s4+s3] =	stream.indirect_vreg.scatter [tilespmem:s31], [sflag:$0x2], $0x80, v3, vm0, $0xb8;
	[tilespmem:$0x14100] =	vst v63  }
0x91: {  	_ = 	snop  }
0x92: {  	[hbm4b:s5+s3] =	stream.indirect_vreg.scatter [tilespmem:s1], [sflag:$0x2], $0x80, v3, vm0, $0xb8;
	[tilespmem:$0x14100] =	vst v63  }
0x93: {  	s23 =	simm.s32 $0x3000  }
0x94: {  	[hbm4b:s6+s3] =	stream.indirect_vreg.scatter [tilespmem:s23], [sflag:$0x2], $0x80, v3, vm0, $0xb8;
	[tilespmem:$0x14100] =	vst v63  }
0x95: {  	_ = 	snop  }
0x96: {  	[hbm4b:s7+s3] =	stream.indirect_vreg.scatter [tilespmem:s2], [sflag:$0x2], $0x80, v3, vm0, $0xb8;
	[tilespmem:$0x14100] =	vst v63  }
0x97: {  	v3 =	vld [tilespmem:$0x10090];
	_ =	sdelay $0x4  }
0x98: {  	v61 =	vshll.u32 v3, $0x3  }
0x99: {  	v3 =	vand.u32 $0x7, v3;
	v4 =	vand.u32 $0xFFFFFFC0, v61  }
0x9a: {  	v3 =	vor.u32 v3, v4  }
0x9b: {  	v4 =	vperm.xlane v3, v0;
	_ =	sdelay $0x1  }
0x9c: {  	v4 =	vadd.s32 v1, v4;
	_ =	sdelay $0x4  }
0x9d: {  	[hbm4b:s4+s3] =	stream.indirect_vreg.scatter [tilespmem:s9], [sflag:$0x2], $0x80, v4, vm0, $0xb8;
	[tilespmem:$0x14100] =	vst v63  }
0x9e: {  	v3 =	vperm.xlane v3, v2  }
0x9f: {  	[hbm4b:s5+s3] =	stream.indirect_vreg.scatter [tilespmem:s10], [sflag:$0x2], $0x80, v4, vm0, $0xb8;
	[tilespmem:$0x14100] =	vst v63  }
0xa0: {  	v3 =	vadd.s32 v1, v3  }
0xa1: {  	[hbm4b:s6+s3] =	stream.indirect_vreg.scatter [tilespmem:s11], [sflag:$0x2], $0x80, v4, vm0, $0xb8;
	[tilespmem:$0x14100] =	vst v63  }
0xa2: {  	_ = 	snop  }
0xa3: {  	[hbm4b:s7+s3] =	stream.indirect_vreg.scatter [tilespmem:s12], [sflag:$0x2], $0x80, v4, vm0, $0xb8;
	[tilespmem:$0x14100] =	vst v63  }
0xa4: {  	_ = 	snop  }
0xa5: {  	[hbm4b:s4+s3] =	stream.indirect_vreg.scatter [tilespmem:s14], [sflag:$0x2], $0x80, v3, vm0, $0xb8;
	[tilespmem:$0x14100] =	vst v63  }
0xa6: {  	_ = 	snop  }
0xa7: {  	[hbm4b:s5+s3] =	stream.indirect_vreg.scatter [tilespmem:s15], [sflag:$0x2], $0x80, v3, vm0, $0xb8;
	[tilespmem:$0x14100] =	vst v63  }
0xa8: {  	_ = 	snop  }
0xa9: {  	[hbm4b:s6+s3] =	stream.indirect_vreg.scatter [tilespmem:s16], [sflag:$0x2], $0x80, v3, vm0, $0xb8;
	[tilespmem:$0x14100] =	vst v63  }
0xaa: {  	_ = 	snop  }
0xab: {  	[hbm4b:s7+s3] =	stream.indirect_vreg.scatter [tilespmem:s17], [sflag:$0x2], $0x80, v3, vm0, $0xb8;
	[tilespmem:$0x14100] =	vst v63  }
0xac: {  	v3 =	vld [tilespmem:$0x100A0];
	_ =	sdelay $0x4  }
0xad: {  	v62 =	vshll.u32 v3, $0x3  }
0xae: {  	v3 =	vand.u32 $0x7, v3;
	v4 =	vand.u32 $0xFFFFFFC0, v62  }
0xaf: {  	v3 =	vor.u32 v3, v4  }
0xb0: {  	v4 =	vperm.xlane v3, v0;
	_ =	sdelay $0x1  }
0xb1: {  	v4 =	vadd.s32 v1, v4;
	_ =	sdelay $0x4  }
0xb2: {  	[hbm4b:s4+s3] =	stream.indirect_vreg.scatter [tilespmem:s18], [sflag:$0x2], $0x80, v4, vm0, $0xb8;
	[tilespmem:$0x14100] =	vst v63  }
0xb3: {  	v3 =	vperm.xlane v3, v2  }
0xb4: {  	[hbm4b:s5+s3] =	stream.indirect_vreg.scatter [tilespmem:s19], [sflag:$0x2], $0x80, v4, vm0, $0xb8;
	[tilespmem:$0x14100] =	vst v63  }
0xb5: {  	v3 =	vadd.s32 v1, v3  }
0xb6: {  	[hbm4b:s6+s3] =	stream.indirect_vreg.scatter [tilespmem:s20], [sflag:$0x2], $0x80, v4, vm0, $0xb8;
	[tilespmem:$0x14100] =	vst v63  }
0xb7: {  	_ = 	snop  }
0xb8: {  	[hbm4b:s7+s3] =	stream.indirect_vreg.scatter [tilespmem:s21], [sflag:$0x2], $0x80, v4, vm0, $0xb8;
	[tilespmem:$0x14100] =	vst v63  }
0xb9: {  	_ = 	snop  }
0xba: {  	[hbm4b:s4+s3] =	stream.indirect_vreg.scatter [tilespmem:s24], [sflag:$0x2], $0x80, v3, vm0, $0xb8;
	[tilespmem:$0x14100] =	vst v63  }
0xbb: {  	_ = 	snop  }
0xbc: {  	[hbm4b:s5+s3] =	stream.indirect_vreg.scatter [tilespmem:s25], [sflag:$0x2], $0x80, v3, vm0, $0xb8;
	[tilespmem:$0x14100] =	vst v63  }
0xbd: {  	_ = 	snop  }
0xbe: {  	[hbm4b:s6+s3] =	stream.indirect_vreg.scatter [tilespmem:s26], [sflag:$0x2], $0x80, v3, vm0, $0xb8;
	[tilespmem:$0x14100] =	vst v63  }
0xbf: {  	_ = 	snop  }
0xc0: {  	[hbm4b:s7+s3] =	stream.indirect_vreg.scatter [tilespmem:s28], [sflag:$0x2], $0x80, v3, vm0, $0xb8;
	[tilespmem:$0x14100] =	vst v63  }
0xc1: {  	v3 =	vld [tilespmem:$0x100B0];
	_ =	sdelay $0x4  }
0xc2: {  	v63 =	vshll.u32 v3, $0x3  }
0xc3: {  	v3 =	vand.u32 $0x7, v3;
	v4 =	vand.u32 $0xFFFFFFC0, v63  }
0xc4: {  	v3 =	vor.u32 v3, v4  }
0xc5: {  	v4 =	vperm.xlane v3, v0;
	_ =	sdelay $0x1  }
0xc6: {  	v4 =	vadd.s32 v1, v4;
	_ =	sdelay $0x3  }
0xc7: {  	s24 =	simm.s32 $0xC000  }
0xc8: {  	[hbm4b:s4+s3] =	stream.indirect_vreg.scatter [tilespmem:s24], [sflag:$0x2], $0x80, v4, vm0, $0xb8;
	[tilespmem:$0x14100] =	vst v63  }
0xc9: {  	s2 =	simm.s32 $0xC800;
	v3 =	vperm.xlane v3, v2  }
0xca: {  	[hbm4b:s5+s3] =	stream.indirect_vreg.scatter [tilespmem:s2], [sflag:$0x2], $0x80, v4, vm0, $0xb8;
	[tilespmem:$0x14100] =	vst v63  }
0xcb: {  	s23 =	simm.s32 $0xD000;
	v3 =	vadd.s32 v1, v3  }
0xcc: {  	[hbm4b:s6+s3] =	stream.indirect_vreg.scatter [tilespmem:s23], [sflag:$0x2], $0x80, v4, vm0, $0xb8;
	[tilespmem:$0x14100] =	vst v63  }
0xcd: {  	s24 =	simm.s32 $0xD800  }
0xce: {  	[hbm4b:s7+s3] =	stream.indirect_vreg.scatter [tilespmem:s24], [sflag:$0x2], $0x80, v4, vm0, $0xb8;
	[tilespmem:$0x14100] =	vst v63  }
0xcf: {  	s2 =	simm.s32 $0xE000  }
0xd0: {  	[hbm4b:s4+s3] =	stream.indirect_vreg.scatter [tilespmem:s2], [sflag:$0x2], $0x80, v3, vm0, $0xb8;
	[tilespmem:$0x14100] =	vst v63  }
0xd1: {  	s23 =	simm.s32 $0xE800  }
0xd2: {  	[hbm4b:s5+s3] =	stream.indirect_vreg.scatter [tilespmem:s23], [sflag:$0x2], $0x80, v3, vm0, $0xb8;
	[tilespmem:$0x14100] =	vst v63  }
0xd3: {  	s24 =	simm.s32 $0xF000  }
0xd4: {  	[hbm4b:s6+s3] =	stream.indirect_vreg.scatter [tilespmem:s24], [sflag:$0x2], $0x80, v3, vm0, $0xb8;
	[tilespmem:$0x14100] =	vst v63  }
0xd5: {  	s2 =	simm.s32 $0x10000  }
0xd6: {  	[hbm4b:s7+s3] =	stream.indirect_vreg.scatter [tilespmem:s0], [sflag:$0x2], $0x80, v3, vm0, $0xb8;
	[tilespmem:$0x14100] =	vst v63  }
0xd7: {  	s23 =	rddreg [dreg:$0x2];
	s24 =	simm.s32 $0x10100;
	s0 =	simm.s32 $0x40  }
0xd8: {  	[hbm4b:s23+s0] =	stream.indirect.scatter [tilespmem:s24], [sflag:$0x2], $0x80, s2, s0, $0xb8;
	[tilespmem:$0x14100] =	vst v63  }
0xd9: {  	s2 =	simm.s32 $0x10080;
	s24 =	simm.s32 $0x12100  }
0xda: {  	[hbm4b:s23+s0] =	stream.indirect.scatter [tilespmem:s24], [sflag:$0x2], $0x80, s2, s0, $0xb8;
	[tilespmem:$0x14100] =	vst v63  }
0xdb: {  	_ =	swait.ge [sflag:s22], $0x10000  }
0xdc: {  	[sflag:s22] =	ssyncset.done $0x0  }
0xdd: {  	[sflag:s22] =	ssyncadd.s32 $0xFFFF0000  }
0xde: {  	_ =	swait.ge [sflag:s22], $0x10000  }
0xdf: {  	[sflag:s22] =	ssyncset.done $0x0  }
0xe0: {  	[sflag:s22] =	ssyncadd.s32 $0xFFFF0000  }
0xe1: {  	p0 =	sne.s32 s8, $0x1;
	_ =	swait.ge [sflag:s22], $0x2000  }
.Ltmp0:
0xe2: {  	[sflag:s22] =	ssyncset.done $0x0;
	(pc) =	sbr.rel @p0 .LBB2_1-.Ltmp0, $4  }
0xe3: {  	[sflag:s22] =	ssyncadd.s32 $0xFFFFE000  }
0xe4: {  	_ =	swait.ge [sflag:s22], $0x2000  }
0xe5: {  	[sflag:s22] =	ssyncset.done $0x0  }
0xe6: {  	s8 =	sadd.s32 $0xFFFFFFFF, s8;
	[sflag:s22] =	ssyncadd.s32 $0xFFFFE000  }
0xe7: {  	_ =	sfence.sel $0x180000  }
0xe8: {  	[bflag:$0x0] =	sbarrier.arrive $0xFFFF  }
0xe9: {  	_ =	strace $0x90000047  }
0xea: {  	s0 =	stileid.u32;
	[bflag:$0x2] =	sbarrier.arrive $0xFFFF  }
0xeb: {  	p0 =	sne.s32 s0, $0x0;
	s0 =	rddreg [dreg:$0x3]  }
0xec: {  	s0 =	sadd.s32 @!p0 $0x100000, s0  }
0xed: {  	[sflag:s0] =	ssyncadd.tile.s32 @!p0 $0x1;
	_ =	shalt  }
.Lfunc_end2:
_tile_overlayer_lowered:
.L_overlay_start_2:
0xee: {  	(tag) =	ssettag $0x2  }
0xef: {  	s0 =	rddreg [dreg:$0x0];
	s2 =	stileid.u32  }
0xf0: {  	s1 =	rddreg [dreg:$0x1];
	p0 =	sne.s32 s2, $0x0  }
0xf1: {  	s3 =	rddreg [dreg:$0x2];
	[bflag:$0x3] =	sbarrier.arrive $0xFFFF;
	s2 =	simm.s32 @!p0 $0x1C03  }
0xf2: {  	[timem:s3], [sflag:s2] =	dma.local @!p0 [hbm:s0], s1  }
0xf3: {  	s0 =	simm.s32 @!p0 $0x3  }
0xf4: {  	_ =	swait.ge @!p0 [sflag:s0], s1  }
0xf5: {  	s1 =	ssub.s32 @!p0 $0x0, s1;
	[sflag:s0] =	ssyncset.done @!p0 $0x0  }
0xf6: {  	[sflag:s0] =	ssyncadd.s32 @!p0 s1  }
0xf7: {  	[bflag:$0x3] =	sbarrier.arrive $0xFFFF  }
0xf8: {  	_ =	shalt  }

// kernel: kernel.9.cloned.1.call-start
scs
__scs_entry_jumppad:
0x0: {  	(pc) =	sbr.rel $0x88, $3  }
0x1: {  	(tag) =	ssettag $0x0;
	lr =	simm.s32 $0x1  }
0x2: {  	[smem:$0x3F9C] =	sst lr;
	_ =	strace $0xD0000000  }
0x3: {  	_ = 	snop  }
0x4: {  	_ = 	snop  }
0x5: {  	_ = 	snop  }
0x6: {  	_ = 	snop  }
0x7: {  	_ = 	snop  }
__scs_overlays_trampoline_lowered:
0x8: {  	[smem:$0x3FAB] =	sst s0  }
0x9: {  	[smem:$0x3FAC] =	sst s1  }
0xa: {  	[smem:$0x3FAD] =	sst s2  }
0xb: {  	[smem:$0x3FAE] =	sst s3  }
0xc: {  	[smem:$0x3FAF] =	sst s4  }
0xd: {  	[smem:$0x3FB0] =	sst s5  }
0xe: {  	[smem:$0x3FB1] =	sst s6  }
0xf: {  	[smem:$0x3FB2] =	sst s7  }
0x10: {  	[smem:$0x3FB3] =	sst s8  }
0x11: {  	[smem:$0x3FB4] =	sst s9;
	s0 =	simm.s32 @!p0 $0x0  }
0x12: {  	s1 =	sld [smem:$0x3F9A];
	s0 =	simm.s32 @p0 $0x1  }
0x13: {  	[smem:$0x3FB5] =	sst s0;
	s0 =	simm.s32 @!p1 $0x0  }
0x14: {  	s2 =	sld [smem:$0x3F99];
	s0 =	simm.s32 @p1 $0x1  }
0x15: {  	[smem:$0x3FB6] =	sst s0;
	s0 =	simm.s32 @!p2 $0x0  }
0x16: {  	s3 =	sld [smem:$0x3FDB];
	s0 =	simm.s32 @p2 $0x1  }
0x17: {  	s4 =	simm.s32 $0x1BF5;
	[smem:$0x3FB8] =	sst s0  }
0x18: {  	s0 =	sld [smem:$0x3F9B];
	_ =	swait.ge [sflag:s4], $0x0  }
0x19: {  	s7 =	sld [smem:$0x3F9C]  }
0x1a: {  	s8 =	sadd.s32 $0xFFFFE003, lr  }
0x1b: {  	s9 =	sadd.s32 $0xFFFFFEF7, lr;
	s5 =	simm.s32 $0xFFFFFFFF;
	p2 =	slt.u32 s8, $0xFFFFF086  }
0x1c: {  	p1 =	slt.u32 s9, $0xF7A;
	s5 =	simm.s32 @!p2 $0x0  }
0x1d: {  	s5 =	simm.s32 @p1 $0x1;
	p0 =	seq.s32 s7, s2  }
0x1e: {  	s7 =	smul.u32 @!p0 $0xF7A, s2;
	p2 =	seq.s32 @!p0 s5, $0x0  }
0x1f: {  	s9 =	smul.u32 $0xF7A, s1;
	s8 =	simm.s32 @!p0 $0x1BF5;
	p2 =	por !p2, p0  }
0x20: {  	[sflag:s8] =	ssyncset.s32 @!p0 $0xFFFFF086;
	s6 =	sadd.s32 @!p0 s3, s7;
	s7 =	simm.s32 @!p0 $0x108  }
0x21: {  	s3 =	sadd.s32 s3, s9;
	s6 =	sadd.s32 @!p0 $0x88, s6;
	s7 =	simm.s32 @p2 $0x1082  }
0x22: {  	[simem:s7], [sflag:s8] =	dma.local @!p0 [hbm:s6], $0xF7A  }
0x23: {  	s9 =	sor.u32 $0xD0000000, s2;
	s6 =	simm.s32 $0x108;
	_ =	swait.ge @!p0 [sflag:s8], $0x0  }
0x24: {  	s3 =	sadd.s32 $0x88, s3;
	s6 =	simm.s32 @!p1 $0x1082;
	[sflag:s4] =	ssyncset.s32 $0xFFFFF086  }
0x25: {  	[simem:s6], [sflag:s4] =	dma.local [hbm:s3], $0xF7A  }
0x26: {  	[smem:$0x3F9C] =	sst s1;
	(tag) =	ssettag s2;
	_ =	strace s9  }
0x27: {  	s1 =	sld [smem:$0x3FAC]  }
0x28: {  	s2 =	sld [smem:$0x3FAD]  }
0x29: {  	s4 =	sld [smem:$0x3FAF]  }
0x2a: {  	p0 =	seq.s32 s5, $0x0;
	s5 =	sld [smem:$0x3FB0]  }
0x2b: {  	s6 =	sld [smem:$0x3FB1]  }
0x2c: {  	s7 =	sld [smem:$0x3FB2]  }
0x2d: {  	s3 =	simm.s32 $0x108;
	s8 =	sld [smem:$0x3FB3]  }
0x2e: {  	s3 =	simm.s32 @!p0 $0x1082;
	s9 =	sld [smem:$0x3FB4]  }
0x2f: {  	lr =	sadd.s32 s0, s3;
	s0 =	sld [smem:$0x3FAB]  }
0x30: {  	s3 =	sld [smem:$0x3FAE]  }
0x31: {  	[smem:$0x3FB7] =	sst s10  }
0x32: {  	s10 =	sld [smem:$0x3FB5];
	_ =	sdelay $0x3  }
0x33: {  	p0 =	seq.s32 s10, $0x1;
	s10 =	sld [smem:$0x3FB7];
	_ =	sdelay $0x3  }
0x34: {  	[smem:$0x3FB7] =	sst s10  }
0x35: {  	s10 =	sld [smem:$0x3FB6];
	_ =	sdelay $0x3  }
0x36: {  	p1 =	seq.s32 s10, $0x1;
	s10 =	sld [smem:$0x3FB7];
	_ =	sdelay $0x3  }
0x37: {  	[smem:$0x3FB7] =	sst s10  }
0x38: {  	s10 =	sld [smem:$0x3FB8]  }
0x39: {  	_ = 	snop;
	(pc) =	sbr.ind lr, $3  }
0x3a: {  	_ = 	snop  }
0x3b: {  	_ = 	snop  }
0x3c: {  	p2 =	seq.s32 s10, $0x1;
	s10 =	sld [smem:$0x3FB7]  }
0x3d: {  	_ =	shalt  }
0x3e: {  	_ =	shalt  }
0x3f: {  	_ =	shalt  }
0x40: {  	_ =	shalt  }
0x41: {  	_ =	shalt  }
0x42: {  	_ =	shalt  }
0x43: {  	_ =	shalt  }
0x44: {  	_ =	shalt  }
0x45: {  	_ =	shalt  }
0x46: {  	_ =	shalt  }
0x47: {  	_ =	shalt  }
0x48: {  	_ =	shalt  }
0x49: {  	_ =	shalt  }
0x4a: {  	_ =	shalt  }
0x4b: {  	_ =	shalt  }
0x4c: {  	_ =	shalt  }
0x4d: {  	_ =	shalt  }
0x4e: {  	_ =	shalt  }
0x4f: {  	_ =	shalt  }
0x50: {  	_ =	shalt  }
0x51: {  	_ =	shalt  }
0x52: {  	_ =	shalt  }
0x53: {  	_ =	shalt  }
0x54: {  	_ =	shalt  }
0x55: {  	_ =	shalt  }
0x56: {  	_ =	shalt  }
0x57: {  	_ =	shalt  }
0x58: {  	_ =	shalt  }
0x59: {  	_ =	shalt  }
0x5a: {  	_ =	shalt  }
0x5b: {  	_ =	shalt  }
0x5c: {  	_ =	shalt  }
0x5d: {  	_ =	shalt  }
0x5e: {  	_ =	shalt  }
0x5f: {  	_ =	shalt  }
0x60: {  	_ =	shalt  }
0x61: {  	_ =	shalt  }
0x62: {  	_ =	shalt  }
0x63: {  	_ =	shalt  }
0x64: {  	_ =	shalt  }
0x65: {  	_ =	shalt  }
0x66: {  	_ =	shalt  }
0x67: {  	_ =	shalt  }
0x68: {  	_ =	shalt  }
0x69: {  	_ =	shalt  }
0x6a: {  	_ =	shalt  }
0x6b: {  	_ =	shalt  }
0x6c: {  	_ =	shalt  }
0x6d: {  	_ =	shalt  }
0x6e: {  	_ =	shalt  }
0x6f: {  	_ =	shalt  }
0x70: {  	_ =	shalt  }
0x71: {  	_ =	shalt  }
0x72: {  	_ =	shalt  }
0x73: {  	_ =	shalt  }
0x74: {  	_ =	shalt  }
0x75: {  	_ =	shalt  }
0x76: {  	_ =	shalt  }
0x77: {  	_ =	shalt  }
0x78: {  	_ =	shalt  }
0x79: {  	_ =	shalt  }
0x7a: {  	_ =	shalt  }
0x7b: {  	_ =	shalt  }
0x7c: {  	_ =	shalt  }
0x7d: {  	_ =	shalt  }
0x7e: {  	_ =	shalt  }
0x7f: {  	_ =	shalt  }
0x80: {  	_ =	shalt  }
0x81: {  	_ =	shalt  }
0x82: {  	_ =	shalt  }
0x83: {  	_ =	shalt  }
0x84: {  	_ =	shalt  }
0x85: {  	_ =	shalt  }
0x86: {  	_ =	shalt  }
0x87: {  	_ =	shalt  }
.Lfunc_end0:
.L_simem_size_0:
called_computation.1_lowered:
.L_overlay_start_0:
0x88: {  	s2 =	sld [smem:$0x3FD9]  }
0x89: {  	s3 =	sld [smem:$0x3FFE];
	_ =	sdelay $0x1  }
0x8a: {  	s1 =	srdreg.scid  }
0x8b: {  	s0 =	sand.u32 $0x1, s1  }
0x8c: {  	s17 =	sshll.u32 s0, $0xA;
	s2 =	sadd.s32 s3, s2  }
0x8d: {  	s2 =	sadd.s32 s2, s17  }
0x8e: {  	[smem:$0x3FC3] =	sst s2  }
0x8f: {  	_ = 	snop  }
0x90: {  	s2 =	sld [smem:$0x3FD0];
	(tm) =	ssettm $0x1  }
0x91: {  	s18 =	sld [smem:$0x3FFB];
	_ =	sdelay $0x3  }
0x92: {  	_ =	strace s18  }
0x93: {  	s3 =	sld [smem:$0x3FFC];
	_ =	sdelay $0x3  }
0x94: {  	_ =	strace s3  }
0x95: {  	s3 =	sld [smem:$0x3FFD];
	_ =	sdelay $0x3  }
0x96: {  	_ =	strace s3  }
0x97: {  	_ =	strace $0x8FFFFFFF  }
0x98: {  	s19 =	sld [smem:$0x3FDB];
	_ =	sdelay $0x1  }
0x99: {  	s4 =	simm.s32 $_scs_section_size  }
0x9a: {  	s5 =	simm.s32 $_size__tile_overlayer_lowered;
	s6 =	simm.s32 $_tile_overlayer_lowered  }
0x9b: {  	s22 =	simm.s32 $0x1BFF;
	s21 =	sshll.u32 s6, $0x1;
	s3 =	sadd.s32 s4, s19  }
0x9c: {  	s7 =	simm.s32 $0x0;
	s20 =	sshll.u32 s5, $0x1;
	s5 =	sadd.s32 s21, s3  }
0x9d: {  	[timem:s7], [sflag:s22] =	dma.local [hbm:s5], s20  }
0x9e: {  	_ =	swait.ge [sflag:s22], s20  }
0x9f: {  	s4 =	ssub.s32 $0x0, s20;
	[sflag:s22] =	ssyncset.done $0x0  }
0xa0: {  	[sflag:s22] =	ssyncadd.s32 s4;
	_ =	sdelay $0x1  }
0xa1: {  	s23 =	simm.s32 $0x1B8B  }
0xa2: {  	_ =	swait.ge [sflag:s23], $0x1  }
0xa3: {  	[sflag:s23] =	ssyncset.done $0x0  }
0xa4: {  	s25 =	simm.s32 $0x1B8E;
	s24 =	sld [smem:$0x3FFE];
	[sflag:s23] =	ssyncadd.s32 $0xFFFFFFFF  }
0xa5: {  	s26 =	simm.s32 $execute0_lowered;
	[smem:$0x3FD2] =	sst s25  }
0xa6: {  	s5 =	sshll.u32 s26, $0x1;
	_ =	strace $0x80000049;
	[dreg:$0x1] =	wrdreg $0xFFFFFFFF  }
0xa7: {  	s28 =	simm.s32 $_size_execute0_lowered;
	s3 =	sadd.s32 s3, s5;
	[dreg:$0x0] =	wrdreg $0x0  }
0xa8: {  	s5 =	sshll.u32 s28, $0x1;
	[dreg:$0x2] =	wrdreg s3  }
0xa9: {  	[dreg:$0x3] =	wrdreg s5  }
0xaa: {  	[dreg:$0x4] =	wrdreg $0xC0  }
0xab: {  	_ =	task [dreg:s7], $0x5FFFF  }
0xac: {  	[dreg:$0x1] =	wrdreg $0xFFFFFFFF  }
0xad: {  	[dreg:$0x0] =	wrdreg $0x60  }
0xae: {  	[dreg:$0x2] =	wrdreg s24  }
0xaf: {  	[dreg:$0x3] =	wrdreg s2  }
0xb0: {  	[dreg:$0x4] =	wrdreg $0x9  }
0xb1: {  	_ =	task.clear_ibuf [dreg:s7], $0x5FFFF;
	_ =	strace $0x90000049  }
0xb2: {  	s29 =	simm.s32 $0x9;
	_ =	strace $0x8000004B  }
0xb3: {  	_ =	swait.ge [sflag:s29], $0x1  }
0xb4: {  	[sflag:s29] =	ssyncadd.s32 $0xFFFFFFFF  }
0xb5: {  	_ =	strace $0x9000004B  }
0xb6: {  	_ =	sfence  }
0xb7: {  	s30 =	sld [smem:$0x0];
	_ =	sdelay $0x2  }
0xb8: {  	s31 =	sshll.u32 s1, $0xD;
	s1 =	sshrl.u32 s1, $0x2  }
0xb9: {  	s3 =	sand.u32 $0x4000, s31;
	s1 =	sadd.s32 s1, s30  }
0xba: {  	s0 =	sor.u32 s3, s0;
	s1 =	sshll.u32 s1, $0x11  }
0xbb: {  	s0 =	sor.u32 s1, s0  }
0xbc: {  	s0 =	sadd.s32 $0x8F2B, s0  }
0xbd: {  	[sflag:s0] =	ssyncadd.remote.s32 $0x1  }
0xbe: {  	_ =	sfence.sel $0xFFFF  }
0xbf: {  	[dreg:$0x0] =	wrdreg $0xFFFFFFFF;
	(pc) =	sbr.abs _section_cstart, $3  }
0xc0: {  	[dreg:$0x1] =	wrdreg $0xFFFFFFFF  }
0xc1: {  	_ =	task.clear_ibuf [dreg:s7], $0x2FFFF;
	_ =	strace $0x9FFFFFFF  }
0xc2: {  	(tm) =	ssettm $0x7FFFFFFF  }
0xc3: {  	_ =	shalt  }
tec
execute0_lowered:
.L_overlay_start_1:
0x0: {  	(tag) =	ssettag $0x1  }
0x1: {  	s0 =	rddreg [dreg:$0x0]  }
0x2: {  	s1 =	rddreg [dreg:$0x1]  }
0x3: {  	s2 =	simm.s32 $0x0;
	s3 =	srdreg.scid;
	s8 =	stileid.u32  }
0x4: {  	s14 =	simm.s32 $0x4;
	s16 =	simm.s32 $0x400;
	s28 =	simm.s32 $0xF400  }
0x5: {  	s29 =	simm.s32 $0xFC00;
	s30 =	simm.s32 $0x1;
	s31 =	simm.s32 $0x3  }
0x6: {  	[smem:$0x7FF] =	sst s2;
	s4 =	sand.u32 $0x1, s3;
	s20 =	sshll.u32 s8, $0x7  }
0x7: {  	s3 =	sadd.s32 $0xCA800, s0;
	s22 =	sshll.u32 s8, $0xE;
	s8 =	sadd.s32 $0xCAB00, s0  }
0x8: {  	s5 =	sshll.u32 s4, $0x6;
	s6 =	ssub.s32 $0x2, s4;
	_ =	strace $0x8000004A  }
0x9: {  	s4 =	sshll.u32 s4, $0xD;
	s5 =	sor.u32 s5, s20;
	s7 =	sshrl.u32 s6, $0x1  }
0xa: {  	s4 =	sor.u32 s4, s22;
	s20 =	simm.s32 $0xAC00;
	s5 =	sadd.s32 s5, s0  }
0xb: {  	s22 =	simm.s32 $0xBC00;
	s10 =	ssub.s32 s6, s7;
	s21 =	sadd.s32 $0xC9800, s5  }
0xc: {  	s9 =	sadd.s32 s1, s4;
	s5 =	sadd.s32 $0xCA000, s5;
	[dreg:$0x3] =	wrdreg s21  }
0xd: {  	s6 =	sadd.s32 $0xCA900, s0;
	s23 =	sadd.s32 $0x800, s9;
	[dreg:$0x4] =	wrdreg s5  }
0xe: {  	s7 =	sadd.s32 $0xCAA00, s0;
	s24 =	sadd.s32 $0x1000, s9;
	[dreg:$0x5] =	wrdreg s23  }
0xf: {  	s1 =	simm.s32 $0x8400;
	s25 =	sadd.s32 $0x1800, s9;
	[dreg:$0x6] =	wrdreg s24  }
0x10: {  	s4 =	simm.s32 $0xC400;
	s26 =	smax.u32 s10, $0x1;
	[dreg:$0x7] =	wrdreg s25  }
0x11: {  	v2 =	vlaneseq.u32;
	s0 =	simm.s32 $0x2;
	s10 =	simm.s32 $0x0;
	[dreg:$0x8] =	wrdreg s26  }
0x12: {  	vm0 =	vmmov $0xffff;
	v1 =	vshrl.u32 v2, $0x3;
	s21 =	simm.s32 $0xB400;
	s23 =	simm.s32 $0xCC00;
	s24 =	simm.s32 $0xD400  }
0x13: {  	v0 =	vand.u32 $0x7, v2;
	v2 =	vor.u32 $0x8, v2;
	v1 =	vmul.u32 $0x8, v1;
	s25 =	simm.s32 $0xDC00;
	s5 =	simm.s32 $0xE400;
	s26 =	simm.s32 $0xEC00  }
.LBB2_1:
0x14: {  	s11 =	rddreg [dreg:$0x3]  }
0x15: {  	[tilespmem:s2], [sflag:$0x4] =	stream.linear.gather [hbm4b:s11+s2], $0x200, $0x38;
	[tilespmem:$0x10400] =	vst v63  }
0x16: {  	_ =	swait.ge [sflag:s14], $0x200  }
0x17: {  	[sflag:s14] =	ssyncset.done $0x0  }
0x18: {  	s12 =	simm.s32 $0x200;
	s18 =	rddreg [dreg:$0x4];
	[sflag:s14] =	ssyncadd.s32 $0xFFFFFE00  }
0x19: {  	[tilespmem:s12], [sflag:$0x4] =	stream.linear.gather [hbm4b:s18+s2], $0x200, $0x38;
	[tilespmem:$0x10400] =	vst v63  }
0x1a: {  	_ =	swait.ge [sflag:s14], $0x200  }
0x1b: {  	[sflag:s14] =	ssyncset.done $0x0  }
0x1c: {  	[sflag:s14] =	ssyncadd.s32 $0xFFFFFE00  }
0x1d: {  	v3 =	vld [tilespmem:$0x0];
	_ =	sdelay $0x4  }
0x1e: {  	v4 =	vshll.u32 v3, $0x3  }
0x1f: {  	v3 =	vand.u32 $0x7, v3;
	v4 =	vand.u32 $0xFFFFFFC0, v4  }
0x20: {  	v3 =	vor.u32 v3, v4  }
0x21: {  	v4 =	vperm.xlane v3, v0;
	_ =	sdelay $0x1  }
0x22: {  	v4 =	vadd.s32 v1, v4;
	_ =	sdelay $0x4  }
0x23: {  	[tilespmem:s16], [sflag:$0x1] =	stream.indirect_vreg.gather [hbm4b:s3+s2], $0x80, v4, vm0, $0xb8;
	[tilespmem:$0x10400] =	vst v63  }
0x24: {  	s19 =	simm.s32 $0xC00;
	v3 =	vperm.xlane v3, v2  }
0x25: {  	[tilespmem:s19], [sflag:$0x1] =	stream.indirect_vreg.gather [hbm4b:s6+s2], $0x80, v4, vm0, $0xb8;
	[tilespmem:$0x10400] =	vst v63  }
0x26: {  	s12 =	simm.s32 $0x1400;
	v3 =	vadd.s32 v1, v3  }
0x27: {  	[tilespmem:s12], [sflag:$0x1] =	stream.indirect_vreg.gather [hbm4b:s7+s2], $0x80, v4, vm0, $0xb8;
	[tilespmem:$0x10400] =	vst v63  }
0x28: {  	s13 =	simm.s32 $0x1C00  }
0x29: {  	[tilespmem:s13], [sflag:$0x1] =	stream.indirect_vreg.gather [hbm4b:s8+s2], $0x80, v4, vm0, $0xb8;
	[tilespmem:$0x10400] =	vst v63  }
0x2a: {  	s15 =	simm.s32 $0x2400  }
0x2b: {  	[tilespmem:s15], [sflag:$0x1] =	stream.indirect_vreg.gather [hbm4b:s3+s2], $0x80, v3, vm0, $0xb8;
	[tilespmem:$0x10400] =	vst v63  }
0x2c: {  	s17 =	simm.s32 $0x2C00  }
0x2d: {  	[tilespmem:s17], [sflag:$0x1] =	stream.indirect_vreg.gather [hbm4b:s6+s2], $0x80, v3, vm0, $0xb8;
	[tilespmem:$0x10400] =	vst v63  }
0x2e: {  	s18 =	simm.s32 $0x3400  }
0x2f: {  	[tilespmem:s18], [sflag:$0x1] =	stream.indirect_vreg.gather [hbm4b:s7+s2], $0x80, v3, vm0, $0xb8;
	[tilespmem:$0x10400] =	vst v63  }
0x30: {  	s19 =	simm.s32 $0x3C00  }
0x31: {  	[tilespmem:s19], [sflag:$0x1] =	stream.indirect_vreg.gather [hbm4b:s8+s2], $0x80, v3, vm0, $0xb8;
	[tilespmem:$0x10400] =	vst v63  }
0x32: {  	v3 =	vld [tilespmem:$0x200];
	_ =	sdelay $0x4  }
0x33: {  	v61 =	vshll.u32 v3, $0x3  }
0x34: {  	v3 =	vand.u32 $0x7, v3;
	v4 =	vand.u32 $0xFFFFFFC0, v61  }
0x35: {  	v3 =	vor.u32 v3, v4  }
0x36: {  	v4 =	vperm.xlane v3, v0;
	_ =	sdelay $0x1  }
0x37: {  	v4 =	vadd.s32 v1, v4;
	_ =	sdelay $0x3  }
0x38: {  	s12 =	simm.s32 $0x4400  }
0x39: {  	[tilespmem:s12], [sflag:$0x1] =	stream.indirect_vreg.gather [hbm4b:s3+s2], $0x80, v4, vm0, $0xb8;
	[tilespmem:$0x10400] =	vst v63  }
0x3a: {  	s13 =	simm.s32 $0x4C00;
	v3 =	vperm.xlane v3, v2  }
0x3b: {  	[tilespmem:s13], [sflag:$0x1] =	stream.indirect_vreg.gather [hbm4b:s6+s2], $0x80, v4, vm0, $0xb8;
	[tilespmem:$0x10400] =	vst v63  }
0x3c: {  	s15 =	simm.s32 $0x5400;
	v3 =	vadd.s32 v1, v3  }
0x3d: {  	[tilespmem:s15], [sflag:$0x1] =	stream.indirect_vreg.gather [hbm4b:s7+s2], $0x80, v4, vm0, $0xb8;
	[tilespmem:$0x10400] =	vst v63  }
0x3e: {  	s17 =	simm.s32 $0x5C00  }
0x3f: {  	[tilespmem:s17], [sflag:$0x1] =	stream.indirect_vreg.gather [hbm4b:s8+s2], $0x80, v4, vm0, $0xb8;
	[tilespmem:$0x10400] =	vst v63  }
0x40: {  	s18 =	simm.s32 $0x6400  }
0x41: {  	[tilespmem:s18], [sflag:$0x1] =	stream.indirect_vreg.gather [hbm4b:s3+s2], $0x80, v3, vm0, $0xb8;
	[tilespmem:$0x10400] =	vst v63  }
0x42: {  	s19 =	simm.s32 $0x6C00  }
0x43: {  	[tilespmem:s19], [sflag:$0x1] =	stream.indirect_vreg.gather [hbm4b:s6+s2], $0x80, v3, vm0, $0xb8;
	[tilespmem:$0x10400] =	vst v63  }
0x44: {  	s12 =	simm.s32 $0x7400  }
0x45: {  	[tilespmem:s12], [sflag:$0x1] =	stream.indirect_vreg.gather [hbm4b:s7+s2], $0x80, v3, vm0, $0xb8;
	[tilespmem:$0x10400] =	vst v63  }
0x46: {  	s13 =	simm.s32 $0x7C00  }
0x47: {  	[tilespmem:s13], [sflag:$0x1] =	stream.indirect_vreg.gather [hbm4b:s8+s2], $0x80, v3, vm0, $0xb8;
	[tilespmem:$0x10400] =	vst v63  }
0x48: {  	v3 =	vld [tilespmem:$0x80];
	_ =	sdelay $0x4  }
0x49: {  	v62 =	vshll.u32 v3, $0x3  }
0x4a: {  	v3 =	vand.u32 $0x7, v3;
	v4 =	vand.u32 $0xFFFFFFC0, v62  }
0x4b: {  	v3 =	vor.u32 v3, v4  }
0x4c: {  	v4 =	vperm.xlane v3, v0;
	_ =	sdelay $0x1  }
0x4d: {  	v4 =	vadd.s32 v1, v4;
	_ =	sdelay $0x4  }
0x4e: {  	[tilespmem:s1], [sflag:$0x2] =	stream.indirect_vreg.gather [hbm4b:s3+s2], $0x80, v4, vm0, $0xb8;
	[tilespmem:$0x10400] =	vst v63  }
0x4f: {  	s15 =	simm.s32 $0x8C00;
	v3 =	vperm.xlane v3, v2  }
0x50: {  	[tilespmem:s15], [sflag:$0x2] =	stream.indirect_vreg.gather [hbm4b:s6+s2], $0x80, v4, vm0, $0xb8;
	[tilespmem:$0x10400] =	vst v63  }
0x51: {  	s17 =	simm.s32 $0x9400;
	v3 =	vadd.s32 v1, v3  }
0x52: {  	[tilespmem:s17], [sflag:$0x2] =	stream.indirect_vreg.gather [hbm4b:s7+s2], $0x80, v4, vm0, $0xb8;
	[tilespmem:$0x10400] =	vst v63  }
0x53: {  	s18 =	simm.s32 $0x9C00  }
0x54: {  	[tilespmem:s18], [sflag:$0x2] =	stream.indirect_vreg.gather [hbm4b:s8+s2], $0x80, v4, vm0, $0xb8;
	[tilespmem:$0x10400] =	vst v63  }
0x55: {  	s19 =	simm.s32 $0xA400  }
0x56: {  	[tilespmem:s19], [sflag:$0x2] =	stream.indirect_vreg.gather [hbm4b:s3+s2], $0x80, v3, vm0, $0xb8;
	[tilespmem:$0x10400] =	vst v63  }
0x57: {  	_ = 	snop  }
0x58: {  	[tilespmem:s20], [sflag:$0x2] =	stream.indirect_vreg.gather [hbm4b:s6+s2], $0x80, v3, vm0, $0xb8;
	[tilespmem:$0x10400] =	vst v63  }
0x59: {  	_ = 	snop  }
0x5a: {  	[tilespmem:s21], [sflag:$0x2] =	stream.indirect_vreg.gather [hbm4b:s7+s2], $0x80, v3, vm0, $0xb8;
	[tilespmem:$0x10400] =	vst v63  }
0x5b: {  	_ = 	snop  }
0x5c: {  	[tilespmem:s22], [sflag:$0x2] =	stream.indirect_vreg.gather [hbm4b:s8+s2], $0x80, v3, vm0, $0xb8;
	[tilespmem:$0x10400] =	vst v63  }
0x5d: {  	v3 =	vld [tilespmem:$0x280];
	_ =	sdelay $0x4  }
0x5e: {  	v63 =	vshll.u32 v3, $0x3  }
0x5f: {  	v3 =	vand.u32 $0x7, v3;
	v4 =	vand.u32 $0xFFFFFFC0, v63  }
0x60: {  	v3 =	vor.u32 v3, v4  }
0x61: {  	v4 =	vperm.xlane v3, v0;
	_ =	sdelay $0x1  }
0x62: {  	v4 =	vadd.s32 v1, v4;
	_ =	sdelay $0x4  }
0x63: {  	[tilespmem:s4], [sflag:$0x2] =	stream.indirect_vreg.gather [hbm4b:s3+s2], $0x80, v4, vm0, $0xb8;
	[tilespmem:$0x10400] =	vst v63  }
0x64: {  	v3 =	vperm.xlane v3, v2  }
0x65: {  	[tilespmem:s23], [sflag:$0x2] =	stream.indirect_vreg.gather [hbm4b:s6+s2], $0x80, v4, vm0, $0xb8;
	[tilespmem:$0x10400] =	vst v63  }
0x66: {  	v3 =	vadd.s32 v1, v3  }
0x67: {  	[tilespmem:s24], [sflag:$0x2] =	stream.indirect_vreg.gather [hbm4b:s7+s2], $0x80, v4, vm0, $0xb8;
	[tilespmem:$0x10400] =	vst v63  }
0x68: {  	_ = 	snop  }
0x69: {  	[tilespmem:s25], [sflag:$0x2] =	stream.indirect_vreg.gather [hbm4b:s8+s2], $0x80, v4, vm0, $0xb8;
	[tilespmem:$0x10400] =	vst v63  }
0x6a: {  	_ = 	snop  }
0x6b: {  	[tilespmem:s5], [sflag:$0x2] =	stream.indirect_vreg.gather [hbm4b:s3+s2], $0x80, v3, vm0, $0xb8;
	[tilespmem:$0x10400] =	vst v63  }
0x6c: {  	_ = 	snop  }
0x6d: {  	[tilespmem:s26], [sflag:$0x2] =	stream.indirect_vreg.gather [hbm4b:s6+s2], $0x80, v3, vm0, $0xb8;
	[tilespmem:$0x10400] =	vst v63  }
0x6e: {  	_ = 	snop  }
0x6f: {  	[tilespmem:s28], [sflag:$0x2] =	stream.indirect_vreg.gather [hbm4b:s7+s2], $0x80, v3, vm0, $0xb8;
	[tilespmem:$0x10400] =	vst v63  }
0x70: {  	_ = 	snop  }
0x71: {  	[tilespmem:s29], [sflag:$0x2] =	stream.indirect_vreg.gather [hbm4b:s8+s2], $0x80, v3, vm0, $0xb8;
	[tilespmem:$0x10400] =	vst v63  }
0x72: {  	_ =	swait.ge [sflag:s30], $0x4000  }
0x73: {  	[sflag:s30] =	ssyncset.done $0x0  }
0x74: {  	[sflag:s30] =	ssyncadd.s32 $0xFFFFC000  }
0x75: {  	_ =	swait.ge [sflag:s30], $0x4000  }
0x76: {  	s11 =	simm.s32 $0xFFFFC000;
	s12 =	simm.s32 $0x0;
	[sflag:s30] =	ssyncset.done $0x0  }
0x77: {  	s15 =	simm.s32 $0x0;
	s17 =	simm.s32 $0x0;
	[sflag:s30] =	ssyncadd.s32 $0xFFFFC000  }
.LBB2_2:
0x78: {  	s13 =	sadd.s32 $0x4000, s11  }
0x79: {  	s18 =	sand.u32 $0x380, s17;
	s13 =	sand.u32 $0x2000, s13  }
0x7a: {  	s13 =	sor.u32 s18, s13  }
0x7b: {  	v3 =	vld [tilespmem:s13+$0x400]  }
0x7c: {  	v4 =	vld [tilespmem:s13+$0x4400]  }
0x7d: {  	v5 =	vld [tilespmem:s13+$0x410]  }
0x7e: {  	v6 =	vld [tilespmem:s13+$0x4410]  }
0x7f: {  	v7 =	vld [tilespmem:s13+$0x420]  }
0x80: {  	v8 =	vld [tilespmem:s13+$0x4420]  }
0x81: {  	v9 =	vld [tilespmem:s13+$0x430]  }
0x82: {  	v10 =	vld [tilespmem:s13+$0x4430]  }
0x83: {  	v11 =	vld [tilespmem:s13+$0x440]  }
0x84: {  	v12 =	vld [tilespmem:s13+$0x4440]  }
0x85: {  	v13 =	vld [tilespmem:s13+$0x450]  }
0x86: {  	v14 =	vld [tilespmem:s13+$0x4450]  }
0x87: {  	v15 =	vld [tilespmem:s13+$0x460]  }
0x88: {  	v16 =	vld [tilespmem:s13+$0x4460]  }
0x89: {  	v17 =	vld [tilespmem:s13+$0x470]  }
0x8a: {  	v18 =	vld [tilespmem:s13+$0x4470]  }
0x8b: {  	v19 =	vld [tilespmem:s13+$0x800]  }
0x8c: {  	v20 =	vld [tilespmem:s13+$0x4800]  }
0x8d: {  	v21 =	vld [tilespmem:s13+$0x810]  }
0x8e: {  	v22 =	vld [tilespmem:s13+$0x4810]  }
0x8f: {  	v23 =	vld [tilespmem:s13+$0x820]  }
0x90: {  	v24 =	vld [tilespmem:s13+$0x4820]  }
0x91: {  	v25 =	vld [tilespmem:s13+$0x830]  }
0x92: {  	v26 =	vld [tilespmem:s13+$0x4830]  }
0x93: {  	v27 =	vld [tilespmem:s13+$0x840]  }
0x94: {  	v28 =	vld [tilespmem:s13+$0x4840]  }
0x95: {  	v29 =	vld [tilespmem:s13+$0x850]  }
0x96: {  	v30 =	vld [tilespmem:s13+$0x4850]  }
0x97: {  	v31 =	vld [tilespmem:s13+$0x860]  }
0x98: {  	v32 =	vld [tilespmem:s13+$0x4860]  }
0x99: {  	v33 =	vld [tilespmem:s13+$0x870]  }
0x9a: {  	v34 =	vld [tilespmem:s13+$0x4870]  }
0x9b: {  	v35 =	vld [tilespmem:s13+$0xC00]  }
0x9c: {  	v36 =	vld [tilespmem:s13+$0x4C00]  }
0x9d: {  	v37 =	vld [tilespmem:s13+$0xC10]  }
0x9e: {  	v38 =	vld [tilespmem:s13+$0x4C10]  }
0x9f: {  	v39 =	vld [tilespmem:s13+$0xC20]  }
0xa0: {  	v40 =	vld [tilespmem:s13+$0x4C20]  }
0xa1: {  	v41 =	vld [tilespmem:s13+$0xC30]  }
0xa2: {  	v42 =	vld [tilespmem:s13+$0x4C30]  }
0xa3: {  	v43 =	vld [tilespmem:s13+$0xC40]  }
0xa4: {  	v44 =	vld [tilespmem:s13+$0x4C40]  }
0xa5: {  	v45 =	vld [tilespmem:s13+$0xC50]  }
0xa6: {  	v46 =	vld [tilespmem:s13+$0x4C50]  }
0xa7: {  	v47 =	vld [tilespmem:s13+$0xC60]  }
0xa8: {  	v48 =	vld [tilespmem:s13+$0x4C60]  }
0xa9: {  	v49 =	vld [tilespmem:s13+$0xC70]  }
0xaa: {  	v50 =	vld [tilespmem:s13+$0x4C70]  }
0xab: {  	v51 =	vld [tilespmem:s13+$0x1000]  }
0xac: {  	v52 =	vld [tilespmem:s13+$0x5000]  }
0xad: {  	v53 =	vld [tilespmem:s13+$0x1010]  }
0xae: {  	v54 =	vld [tilespmem:s13+$0x5010]  }
0xaf: {  	v55 =	vld [tilespmem:s13+$0x1020]  }
0xb0: {  	v56 =	vld [tilespmem:s13+$0x5020]  }
0xb1: {  	v57 =	vld [tilespmem:s13+$0x1030]  }
0xb2: {  	v58 =	vld [tilespmem:s13+$0x5030]  }
0xb3: {  	v59 =	vld [tilespmem:s13+$0x1040]  }
0xb4: {  	v60 =	vld [tilespmem:s13+$0x5040]  }
0xb5: {  	v61 =	vld [tilespmem:s13+$0x1050]  }
0xb6: {  	v62 =	vld [tilespmem:s13+$0x5050]  }
0xb7: {  	v63 =	vld [tilespmem:s13+$0x1060]  }
0xb8: {  	v3 =	vadd.f32 v4, v3;
	v4 =	vld [tilespmem:s13+$0x5060]  }
0xb9: {  	v5 =	vadd.f32 v6, v5;
	v6 =	vld [tilespmem:s13+$0x1070]  }
0xba: {  	v14 =	vadd.f32 v14, v13;
	v13 =	vld [tilespmem:s13+$0x5420];
	[tilespmem:s13+$0x400] =	vst v3;
	v3 =	vadd.f32 v8, v7  }
0xbb: {  	v18 =	vadd.f32 v18, v17;
	v17 =	vld [tilespmem:s13+$0x5440];
	[tilespmem:s13+$0x410] =	vst v5  }
0xbc: {  	v22 =	vadd.f32 v22, v21;
	v21 =	vld [tilespmem:s13+$0x5460];
	[tilespmem:s13+$0x420] =	vst v3;
	v3 =	vadd.f32 v12, v11  }
0xbd: {  	v7 =	vld [tilespmem:s13+$0x5070];
	[tilespmem:s13+$0x450] =	vst v14  }
0xbe: {  	v8 =	vld [tilespmem:s13+$0x1400];
	[tilespmem:s13+$0x440] =	vst v3;
	v3 =	vadd.f32 v16, v15  }
0xbf: {  	v5 =	vadd.f32 v10, v9;
	v9 =	vld [tilespmem:s13+$0x5400];
	[tilespmem:s13+$0x470] =	vst v18  }
0xc0: {  	v10 =	vld [tilespmem:s13+$0x1410];
	[tilespmem:s13+$0x460] =	vst v3;
	v3 =	vadd.f32 v20, v19  }
0xc1: {  	v26 =	vadd.f32 v26, v25;
	v14 =	vld [tilespmem:s13+$0x1430];
	[tilespmem:s13+$0x810] =	vst v22  }
0xc2: {  	v18 =	vld [tilespmem:s13+$0x1450];
	[tilespmem:s13+$0x800] =	vst v3;
	v3 =	vadd.f32 v24, v23  }
0xc3: {  	v30 =	vadd.f32 v30, v29;
	[tilespmem:s13+$0x830] =	vst v26;
	v22 =	vld [tilespmem:s13+$0x1470]  }
0xc4: {  	v19 =	vld [tilespmem:s13+$0x5450];
	[tilespmem:s13+$0x820] =	vst v3;
	v3 =	vadd.f32 v28, v27  }
0xc5: {  	v34 =	vadd.f32 v34, v33;
	[tilespmem:s13+$0x850] =	vst v30;
	v11 =	vld [tilespmem:s13+$0x5410]  }
0xc6: {  	v12 =	vld [tilespmem:s13+$0x1420];
	[tilespmem:s13+$0x840] =	vst v3;
	v3 =	vadd.f32 v32, v31  }
0xc7: {  	[tilespmem:s13+$0x870] =	vst v34;
	v15 =	vld [tilespmem:s13+$0x5430]  }
0xc8: {  	v16 =	vld [tilespmem:s13+$0x1440];
	[tilespmem:s13+$0x860] =	vst v3;
	v3 =	vadd.f32 v36, v35  }
0xc9: {  	[tilespmem:s13+$0x430] =	vst v5;
	v20 =	vld [tilespmem:s13+$0x1460];
	v19 =	vadd.f32 v19, v18  }
0xca: {  	v24 =	vld [tilespmem:s13+$0x1800];
	[tilespmem:s13+$0xC00] =	vst v3;
	v3 =	vadd.f32 v40, v39  }
0xcb: {  	[tilespmem:s13+$0x1450] =	vst v19;
	v36 =	vadd.f32 v38, v37;
	v37 =	vld [tilespmem:s13+$0x5470]  }
0xcc: {  	v38 =	vadd.f32 v42, v41;
	v41 =	vld [tilespmem:s13+$0x1810];
	[tilespmem:s13+$0xC20] =	vst v3;
	v3 =	vadd.f32 v44, v43  }
0xcd: {  	v42 =	vld [tilespmem:s13+$0x5810];
	[tilespmem:s13+$0xC10] =	vst v36  }
0xce: {  	v35 =	vld [tilespmem:s13+$0x1C10];
	[tilespmem:s13+$0xC40] =	vst v3;
	v3 =	vadd.f32 v48, v47  }
0xcf: {  	v39 =	vld [tilespmem:s13+$0x5800];
	[tilespmem:s13+$0xC30] =	vst v38;
	v40 =	vadd.f32 v46, v45  }
0xd0: {  	v45 =	vld [tilespmem:s13+$0x5820];
	[tilespmem:s13+$0xC60] =	vst v3;
	v3 =	vadd.f32 v52, v51  }
0xd1: {  	v46 =	vadd.f32 v54, v53;
	v53 =	vld [tilespmem:s13+$0x1850];
	[tilespmem:s13+$0xC50] =	vst v40  }
0xd2: {  	v54 =	vld [tilespmem:s13+$0x5850];
	[tilespmem:s13+$0x1000] =	vst v3;
	v3 =	vadd.f32 v56, v55  }
0xd3: {  	v36 =	vld [tilespmem:s13+$0x5C10];
	v43 =	vadd.f32 v50, v49;
	[tilespmem:s13+$0x1010] =	vst v46  }
0xd4: {  	v38 =	vld [tilespmem:s13+$0x1C20];
	[tilespmem:s13+$0x1020] =	vst v3;
	v3 =	vadd.f32 v60, v59  }
0xd5: {  	v44 =	vld [tilespmem:s13+$0x1820];
	v49 =	vadd.f32 v58, v57;
	[tilespmem:s13+$0xC70] =	vst v43  }
0xd6: {  	v50 =	vld [tilespmem:s13+$0x1840];
	[tilespmem:s13+$0x1040] =	vst v3;
	v3 =	vadd.f32 v4, v63  }
0xd7: {  	v57 =	vld [tilespmem:s13+$0x5860];
	v58 =	vadd.f32 v11, v10;
	[tilespmem:s13+$0x1030] =	vst v49  }
0xd8: {  	v46 =	vld [tilespmem:s13+$0x5C50];
	[tilespmem:s13+$0x1060] =	vst v3;
	v3 =	vadd.f32 v9, v8  }
0xd9: {  	v37 =	vadd.f32 v37, v22;
	v40 =	vadd.f32 v42, v41;
	v41 =	vld [tilespmem:s13+$0x1C30];
	[tilespmem:s13+$0x1410] =	vst v58  }
0xda: {  	v42 =	vld [tilespmem:s13+$0x5C30];
	[tilespmem:s13+$0x1400] =	vst v3;
	v3 =	vadd.f32 v13, v12  }
0xdb: {  	v47 =	vld [tilespmem:s13+$0x1830];
	[tilespmem:s13+$0x1470] =	vst v37  }
0xdc: {  	v48 =	vld [tilespmem:s13+$0x5830];
	[tilespmem:s13+$0x1420] =	vst v3;
	v3 =	vadd.f32 v17, v16  }
0xdd: {  	v49 =	vld [tilespmem:s13+$0x5C60];
	[tilespmem:s13+$0x1810] =	vst v40;
	v52 =	vadd.f32 v62, v61  }
0xde: {  	v51 =	vld [tilespmem:s13+$0x5840];
	[tilespmem:s13+$0x1440] =	vst v3;
	v3 =	vadd.f32 v21, v20  }
0xdf: {  	v61 =	vadd.f32 v15, v14;
	v62 =	vld [tilespmem:s13+$0x1C00];
	[tilespmem:s13+$0x1050] =	vst v52  }
0xe0: {  	v56 =	vld [tilespmem:s13+$0x1860];
	[tilespmem:s13+$0x1460] =	vst v3;
	v3 =	vadd.f32 v39, v24  }
0xe1: {  	v55 =	vadd.f32 v7, v6;
	[tilespmem:s13+$0x1430] =	vst v61;
	v52 =	vld [tilespmem:s13+$0x5C70]  }
0xe2: {  	v43 =	vadd.f32 v48, v47;
	v47 =	vld [tilespmem:s13+$0x1C60];
	[tilespmem:s13+$0x1800] =	vst v3;
	v3 =	vadd.f32 v45, v44  }
0xe3: {  	[tilespmem:s13+$0x1070] =	vst v55;
	v63 =	vld [tilespmem:s13+$0x5C00]  }
0xe4: {  	v59 =	vld [tilespmem:s13+$0x1870];
	[tilespmem:s13+$0x1820] =	vst v3;
	v3 =	vadd.f32 v51, v50  }
0xe5: {  	[tilespmem:s13+$0x1830] =	vst v43;
	v4 =	vadd.f32 v54, v53;
	v39 =	vld [tilespmem:s13+$0x5C20]  }
0xe6: {  	v60 =	vld [tilespmem:s13+$0x5870];
	[tilespmem:s13+$0x1840] =	vst v3;
	v3 =	vadd.f32 v57, v56  }
0xe7: {  	v54 =	vadd.f32 v42, v41;
	[tilespmem:s13+$0x1850] =	vst v4;
	v45 =	vld [tilespmem:s13+$0x1C50]  }
0xe8: {  	v53 =	vld [tilespmem:s13+$0x5C40];
	[tilespmem:s13+$0x1860] =	vst v3;
	v3 =	vadd.f32 v63, v62  }
0xe9: {  	[tilespmem:s13+$0x1C30] =	vst v54;
	v55 =	vadd.f32 v49, v47;
	v50 =	vld [tilespmem:s13+$0x1C70]  }
0xea: {  	v44 =	vld [tilespmem:s13+$0x1C40];
	[tilespmem:s13+$0x1C00] =	vst v3;
	v3 =	vadd.f32 v39, v38  }
0xeb: {  	v48 =	vadd.f32 v60, v59;
	[tilespmem:s13+$0x1C60] =	vst v55  }
0xec: {  	[tilespmem:s13+$0x1C20] =	vst v3;
	v3 =	vadd.f32 v46, v45  }
0xed: {  	s19 =	sand.u32 $0x7, s15;
	[tilespmem:s13+$0x1870] =	vst v48;
	v51 =	vadd.f32 v36, v35  }
0xee: {  	s18 =	sshll.u32 s19, $0x7;
	[tilespmem:s13+$0x1C50] =	vst v3;
	v3 =	vadd.f32 v52, v50  }
0xef: {  	s18 =	sadd.s32 s18, s12;
	[tilespmem:s13+$0x1C10] =	vst v51;
	v56 =	vadd.f32 v53, v44  }
0xf0: {  	s19 =	sor.u32 $0x1C00, s18;
	[tilespmem:s13+$0x1C70] =	vst v3  }
0xf1: {  	[tilespmem:s13+$0x1C40] =	vst v56;
	v3 =	vld [tilespmem:s19+$0x400]  }
0xf2: {  	v4 =	vld [tilespmem:s19+$0x4400];
	_ =	sdelay $0x4  }
0xf3: {  	v3 =	vadd.f32 v4, v3;
	_ =	sdelay $0x1  }
0xf4: {  	[tilespmem:s19+$0x400] =	vst v3;
	s19 =	sor.u32 $0x1C10, s18  }
0xf5: {  	v3 =	vld [tilespmem:s19+$0x400]  }
0xf6: {  	v57 =	vld [tilespmem:s19+$0x4400];
	_ =	sdelay $0x4  }
0xf7: {  	v3 =	vadd.f32 v57, v3;
	_ =	sdelay $0x1  }
0xf8: {  	[tilespmem:s19+$0x400] =	vst v3;
	s19 =	sor.u32 $0x1C20, s18  }
0xf9: {  	v3 =	vld [tilespmem:s19+$0x400]  }
0xfa: {  	v58 =	vld [tilespmem:s19+$0x4400];
	_ =	sdelay $0x4  }
0xfb: {  	v3 =	vadd.f32 v58, v3;
	_ =	sdelay $0x1  }
0xfc: {  	[tilespmem:s19+$0x400] =	vst v3;
	s19 =	sor.u32 $0x1C30, s18  }
0xfd: {  	v3 =	vld [tilespmem:s19+$0x400]  }
0xfe: {  	v59 =	vld [tilespmem:s19+$0x4400];
	_ =	sdelay $0x4  }
0xff: {  	v3 =	vadd.f32 v59, v3;
	_ =	sdelay $0x1  }
0x100: {  	[tilespmem:s19+$0x400] =	vst v3;
	s19 =	sor.u32 $0x1C40, s18  }
0x101: {  	v3 =	vld [tilespmem:s19+$0x400]  }
0x102: {  	v60 =	vld [tilespmem:s19+$0x4400];
	_ =	sdelay $0x4  }
0x103: {  	v3 =	vadd.f32 v60, v3;
	_ =	sdelay $0x1  }
0x104: {  	[tilespmem:s19+$0x400] =	vst v3;
	s19 =	sor.u32 $0x1C50, s18  }
0x105: {  	v3 =	vld [tilespmem:s19+$0x400]  }
0x106: {  	v61 =	vld [tilespmem:s19+$0x4400];
	_ =	sdelay $0x4  }
0x107: {  	v3 =	vadd.f32 v61, v3;
	_ =	sdelay $0x1  }
0x108: {  	[tilespmem:s19+$0x400] =	vst v3;
	s19 =	sor.u32 $0x1C60, s18  }
0x109: {  	v3 =	vld [tilespmem:s19+$0x400]  }
0x10a: {  	v62 =	vld [tilespmem:s19+$0x4400];
	_ =	sdelay $0x4  }
0x10b: {  	v3 =	vadd.f32 v62, v3;
	_ =	sdelay $0x1  }
0x10c: {  	[tilespmem:s19+$0x400] =	vst v3;
	s19 =	sor.u32 $0x1C70, s18  }
0x10d: {  	v3 =	vld [tilespmem:s19+$0x400]  }
0x10e: {  	v63 =	vld [tilespmem:s19+$0x4400];
	_ =	sdelay $0x1  }
0x10f: {  	p0 =	sne.s32 s17, $0x780  }
.Ltmp0:
0x110: {  	_ = 	snop;
	(pc) =	sbr.rel @p0 .LBB2_2-.Ltmp0, $4  }
0x111: {  	_ = 	snop  }
0x112: {  	v3 =	vadd.f32 v63, v3  }
0x113: {  	s15 =	sadd.s32 $0x1, s15  }
0x114: {  	s11 =	sadd.s32 $0x400, s11;
	s17 =	sadd.s32 $0x80, s17;
	s12 =	sadd.s32 $0x400, s12;
	[tilespmem:s19+$0x400] =	vst v3  }
0x115: {  	s11 =	simm.s32 $0x0  }
0x116: {  	[hbm4b:s9+s11] =	stream.linear.scatter [tilespmem:s16], [sflag:$0x3], $0x4000, $0x38;
	[tilespmem:$0x10400] =	vst v63  }
0x117: {  	_ =	swait.ge [sflag:s31], $0x4000  }
0x118: {  	[sflag:s31] =	ssyncset.done $0x0  }
0x119: {  	[sflag:s31] =	ssyncadd.s32 $0xFFFFC000  }
0x11a: {  	v3 =	vld [tilespmem:$0x100];
	_ =	sdelay $0x4  }
0x11b: {  	v4 =	vshll.u32 v3, $0x3  }
0x11c: {  	v3 =	vand.u32 $0x7, v3;
	v4 =	vand.u32 $0xFFFFFFC0, v4  }
0x11d: {  	v3 =	vor.u32 v3, v4  }
0x11e: {  	v4 =	vperm.xlane v3, v0;
	_ =	sdelay $0x1  }
0x11f: {  	v4 =	vadd.s32 v1, v4;
	_ =	sdelay $0x4  }
0x120: {  	[tilespmem:s16], [sflag:$0x1] =	stream.indirect_vreg.gather [hbm4b:s3+s11], $0x80, v4, vm0, $0xb8;
	[tilespmem:$0x10400] =	vst v63  }
0x121: {  	s12 =	simm.s32 $0xC00;
	v3 =	vperm.xlane v3, v2  }
0x122: {  	[tilespmem:s12], [sflag:$0x1] =	stream.indirect_vreg.gather [hbm4b:s6+s11], $0x80, v4, vm0, $0xb8;
	[tilespmem:$0x10400] =	vst v63  }
0x123: {  	s15 =	simm.s32 $0x1400;
	v3 =	vadd.s32 v1, v3  }
0x124: {  	[tilespmem:s15], [sflag:$0x1] =	stream.indirect_vreg.gather [hbm4b:s7+s11], $0x80, v4, vm0, $0xb8;
	[tilespmem:$0x10400] =	vst v63  }
0x125: {  	s17 =	simm.s32 $0x1C00  }
0x126: {  	[tilespmem:s17], [sflag:$0x1] =	stream.indirect_vreg.gather [hbm4b:s8+s11], $0x80, v4, vm0, $0xb8;
	[tilespmem:$0x10400] =	vst v63  }
0x127: {  	s18 =	simm.s32 $0x2400  }
0x128: {  	[tilespmem:s18], [sflag:$0x1] =	stream.indirect_vreg.gather [hbm4b:s3+s11], $0x80, v3, vm0, $0xb8;
	[tilespmem:$0x10400] =	vst v63  }
0x129: {  	s19 =	simm.s32 $0x2C00  }
0x12a: {  	[tilespmem:s19], [sflag:$0x1] =	stream.indirect_vreg.gather [hbm4b:s6+s11], $0x80, v3, vm0, $0xb8;
	[tilespmem:$0x10400] =	vst v63  }
0x12b: {  	s13 =	simm.s32 $0x3400  }
0x12c: {  	[tilespmem:s13], [sflag:$0x1] =	stream.indirect_vreg.gather [hbm4b:s7+s11], $0x80, v3, vm0, $0xb8;
	[tilespmem:$0x10400] =	vst v63  }
0x12d: {  	s15 =	simm.s32 $0x3C00  }
0x12e: {  	[tilespmem:s15], [sflag:$0x1] =	stream.indirect_vreg.gather [hbm4b:s8+s11], $0x80, v3, vm0, $0xb8;
	[tilespmem:$0x10400] =	vst v63  }
0x12f: {  	v3 =	vld [tilespmem:$0x300];
	_ =	sdelay $0x4  }
0x130: {  	v63 =	vshll.u32 v3, $0x3  }
0x131: {  	v3 =	vand.u32 $0x7, v3;
	v4 =	vand.u32 $0xFFFFFFC0, v63  }
0x132: {  	v3 =	vor.u32 v3, v4  }
0x133: {  	v4 =	vperm.xlane v3, v0;
	_ =	sdelay $0x1  }
0x134: {  	v4 =	vadd.s32 v1, v4;
	_ =	sdelay $0x3  }
0x135: {  	s17 =	simm.s32 $0x4400  }
0x136: {  	[tilespmem:s17], [sflag:$0x1] =	stream.indirect_vreg.gather [hbm4b:s3+s11], $0x80, v4, vm0, $0xb8;
	[tilespmem:$0x10400] =	vst v63  }
0x137: {  	s18 =	simm.s32 $0x4C00;
	v3 =	vperm.xlane v3, v2  }
0x138: {  	[tilespmem:s18], [sflag:$0x1] =	stream.indirect_vreg.gather [hbm4b:s6+s11], $0x80, v4, vm0, $0xb8;
	[tilespmem:$0x10400] =	vst v63  }
0x139: {  	s19 =	simm.s32 $0x5400;
	v3 =	vadd.s32 v1, v3  }
0x13a: {  	[tilespmem:s19], [sflag:$0x1] =	stream.indirect_vreg.gather [hbm4b:s7+s11], $0x80, v4, vm0, $0xb8;
	[tilespmem:$0x10400] =	vst v63  }
0x13b: {  	s13 =	simm.s32 $0x5C00  }
0x13c: {  	[tilespmem:s13], [sflag:$0x1] =	stream.indirect_vreg.gather [hbm4b:s8+s11], $0x80, v4, vm0, $0xb8;
	[tilespmem:$0x10400] =	vst v63  }
0x13d: {  	s15 =	simm.s32 $0x6400  }
0x13e: {  	[tilespmem:s15], [sflag:$0x1] =	stream.indirect_vreg.gather [hbm4b:s3+s11], $0x80, v3, vm0, $0xb8;
	[tilespmem:$0x10400] =	vst v63  }
0x13f: {  	s17 =	simm.s32 $0x6C00  }
0x140: {  	[tilespmem:s17], [sflag:$0x1] =	stream.indirect_vreg.gather [hbm4b:s6+s11], $0x80, v3, vm0, $0xb8;
	[tilespmem:$0x10400] =	vst v63  }
0x141: {  	s18 =	simm.s32 $0x7400  }
0x142: {  	[tilespmem:s18], [sflag:$0x1] =	stream.indirect_vreg.gather [hbm4b:s7+s11], $0x80, v3, vm0, $0xb8;
	[tilespmem:$0x10400] =	vst v63  }
0x143: {  	s19 =	simm.s32 $0x7C00  }
0x144: {  	[tilespmem:s19], [sflag:$0x1] =	stream.indirect_vreg.gather [hbm4b:s8+s11], $0x80, v3, vm0, $0xb8;
	[tilespmem:$0x10400] =	vst v63  }
0x145: {  	_ =	swait.ge [sflag:s0], $0x4000  }
0x146: {  	[sflag:s0] =	ssyncset.done $0x0  }
0x147: {  	[sflag:s0] =	ssyncadd.s32 $0xFFFFC000  }
0x148: {  	_ =	swait.ge [sflag:s0], $0x4000  }
0x149: {  	s12 =	simm.s32 $0x0;
	[sflag:s0] =	ssyncset.done $0x0  }
0x14a: {  	s15 =	simm.s32 $0xFFFFC000;
	s17 =	simm.s32 $0x0;
	[sflag:s0] =	ssyncadd.s32 $0xFFFFC000  }
.LBB2_4:
0x14b: {  	s13 =	sadd.s32 $0x4000, s15  }
0x14c: {  	s18 =	sand.u32 $0x380, s17;
	s13 =	sand.u32 $0x2000, s13  }
0x14d: {  	s13 =	sor.u32 s18, s13  }
0x14e: {  	v3 =	vld [tilespmem:s13+$0x8400]  }
0x14f: {  	v4 =	vld [tilespmem:s13+$0xC400]  }
0x150: {  	v5 =	vld [tilespmem:s13+$0x8410]  }
0x151: {  	v6 =	vld [tilespmem:s13+$0xC410]  }
0x152: {  	v7 =	vld [tilespmem:s13+$0x8420]  }
0x153: {  	v8 =	vld [tilespmem:s13+$0xC420]  }
0x154: {  	v9 =	vld [tilespmem:s13+$0x8430]  }
0x155: {  	v10 =	vld [tilespmem:s13+$0xC430]  }
0x156: {  	v11 =	vld [tilespmem:s13+$0x8440]  }
0x157: {  	v12 =	vld [tilespmem:s13+$0xC440]  }
0x158: {  	v13 =	vld [tilespmem:s13+$0x8450]  }
0x159: {  	v14 =	vld [tilespmem:s13+$0xC450]  }
0x15a: {  	v15 =	vld [tilespmem:s13+$0x8460]  }
0x15b: {  	v16 =	vld [tilespmem:s13+$0xC460]  }
0x15c: {  	v17 =	vld [tilespmem:s13+$0x8470]  }
0x15d: {  	v18 =	vld [tilespmem:s13+$0xC470]  }
0x15e: {  	v19 =	vld [tilespmem:s13+$0x8800]  }
0x15f: {  	v20 =	vld [tilespmem:s13+$0xC800]  }
0x160: {  	v21 =	vld [tilespmem:s13+$0x8810]  }
0x161: {  	v22 =	vld [tilespmem:s13+$0xC810]  }
0x162: {  	v23 =	vld [tilespmem:s13+$0x8820]  }
0x163: {  	v24 =	vld [tilespmem:s13+$0xC820]  }
0x164: {  	v25 =	vld [tilespmem:s13+$0x8830]  }
0x165: {  	v26 =	vld [tilespmem:s13+$0xC830]  }
0x166: {  	v27 =	vld [tilespmem:s13+$0x8840]  }
0x167: {  	v28 =	vld [tilespmem:s13+$0xC840]  }
0x168: {  	v29 =	vld [tilespmem:s13+$0x8850]  }
0x169: {  	v30 =	vld [tilespmem:s13+$0xC850]  }
0x16a: {  	v31 =	vld [tilespmem:s13+$0x8860]  }
0x16b: {  	v32 =	vld [tilespmem:s13+$0xC860]  }
0x16c: {  	v33 =	vld [tilespmem:s13+$0x8870]  }
0x16d: {  	v34 =	vld [tilespmem:s13+$0xC870]  }
0x16e: {  	v35 =	vld [tilespmem:s13+$0x8C00]  }
0x16f: {  	v36 =	vld [tilespmem:s13+$0xCC00]  }
0x170: {  	v37 =	vld [tilespmem:s13+$0x8C10]  }
0x171: {  	v38 =	vld [tilespmem:s13+$0xCC10]  }
0x172: {  	v39 =	vld [tilespmem:s13+$0x8C20]  }
0x173: {  	v40 =	vld [tilespmem:s13+$0xCC20]  }
0x174: {  	v41 =	vld [tilespmem:s13+$0x8C30]  }
0x175: {  	v42 =	vld [tilespmem:s13+$0xCC30]  }
0x176: {  	v43 =	vld [tilespmem:s13+$0x8C40]  }
0x177: {  	v44 =	vld [tilespmem:s13+$0xCC40]  }
0x178: {  	v45 =	vld [tilespmem:s13+$0x8C50]  }
0x179: {  	v46 =	vld [tilespmem:s13+$0xCC50]  }
0x17a: {  	v47 =	vld [tilespmem:s13+$0x8C60]  }
0x17b: {  	v48 =	vld [tilespmem:s13+$0xCC60]  }
0x17c: {  	v49 =	vld [tilespmem:s13+$0x8C70]  }
0x17d: {  	v50 =	vld [tilespmem:s13+$0xCC70]  }
0x17e: {  	v51 =	vld [tilespmem:s13+$0x9000]  }
0x17f: {  	v52 =	vld [tilespmem:s13+$0xD000]  }
0x180: {  	v53 =	vld [tilespmem:s13+$0x9010]  }
0x181: {  	v54 =	vld [tilespmem:s13+$0xD010]  }
0x182: {  	v55 =	vld [tilespmem:s13+$0x9020]  }
0x183: {  	v56 =	vld [tilespmem:s13+$0xD020]  }
0x184: {  	v57 =	vld [tilespmem:s13+$0x9030]  }
0x185: {  	v58 =	vld [tilespmem:s13+$0xD030]  }
0x186: {  	v59 =	vld [tilespmem:s13+$0x9040]  }
0x187: {  	v60 =	vld [tilespmem:s13+$0xD040]  }
0x188: {  	v61 =	vld [tilespmem:s13+$0x9050]  }
0x189: {  	v62 =	vld [tilespmem:s13+$0xD050]  }
0x18a: {  	v63 =	vld [tilespmem:s13+$0x9060]  }
0x18b: {  	v3 =	vadd.f32 v4, v3;
	v4 =	vld [tilespmem:s13+$0xD060]  }
0x18c: {  	v5 =	vadd.f32 v6, v5;
	v6 =	vld [tilespmem:s13+$0x9070]  }
0x18d: {  	v14 =	vadd.f32 v14, v13;
	v13 =	vld [tilespmem:s13+$0xD420];
	[tilespmem:s13+$0x8400] =	vst v3;
	v3 =	vadd.f32 v8, v7  }
0x18e: {  	v18 =	vadd.f32 v18, v17;
	v17 =	vld [tilespmem:s13+$0xD440];
	[tilespmem:s13+$0x8410] =	vst v5  }
0x18f: {  	v22 =	vadd.f32 v22, v21;
	v21 =	vld [tilespmem:s13+$0xD460];
	[tilespmem:s13+$0x8420] =	vst v3;
	v3 =	vadd.f32 v12, v11  }
0x190: {  	v7 =	vld [tilespmem:s13+$0xD070];
	[tilespmem:s13+$0x8450] =	vst v14  }
0x191: {  	v8 =	vld [tilespmem:s13+$0x9400];
	[tilespmem:s13+$0x8440] =	vst v3;
	v3 =	vadd.f32 v16, v15  }
0x192: {  	v5 =	vadd.f32 v10, v9;
	v9 =	vld [tilespmem:s13+$0xD400];
	[tilespmem:s13+$0x8470] =	vst v18  }
0x193: {  	v10 =	vld [tilespmem:s13+$0x9410];
	[tilespmem:s13+$0x8460] =	vst v3;
	v3 =	vadd.f32 v20, v19  }
0x194: {  	v26 =	vadd.f32 v26, v25;
	v14 =	vld [tilespmem:s13+$0x9430];
	[tilespmem:s13+$0x8810] =	vst v22  }
0x195: {  	v18 =	vld [tilespmem:s13+$0x9450];
	[tilespmem:s13+$0x8800] =	vst v3;
	v3 =	vadd.f32 v24, v23  }
0x196: {  	v30 =	vadd.f32 v30, v29;
	[tilespmem:s13+$0x8830] =	vst v26;
	v22 =	vld [tilespmem:s13+$0x9470]  }
0x197: {  	v19 =	vld [tilespmem:s13+$0xD450];
	[tilespmem:s13+$0x8820] =	vst v3;
	v3 =	vadd.f32 v28, v27  }
0x198: {  	v34 =	vadd.f32 v34, v33;
	[tilespmem:s13+$0x8850] =	vst v30;
	v11 =	vld [tilespmem:s13+$0xD410]  }
0x199: {  	v12 =	vld [tilespmem:s13+$0x9420];
	[tilespmem:s13+$0x8840] =	vst v3;
	v3 =	vadd.f32 v32, v31  }
0x19a: {  	[tilespmem:s13+$0x8870] =	vst v34;
	v15 =	vld [tilespmem:s13+$0xD430]  }
0x19b: {  	v16 =	vld [tilespmem:s13+$0x9440];
	[tilespmem:s13+$0x8860] =	vst v3;
	v3 =	vadd.f32 v36, v35  }
0x19c: {  	[tilespmem:s13+$0x8430] =	vst v5;
	v20 =	vld [tilespmem:s13+$0x9460];
	v19 =	vadd.f32 v19, v18  }
0x19d: {  	v24 =	vld [tilespmem:s13+$0x9800];
	[tilespmem:s13+$0x8C00] =	vst v3;
	v3 =	vadd.f32 v40, v39  }
0x19e: {  	[tilespmem:s13+$0x9450] =	vst v19;
	v36 =	vadd.f32 v38, v37;
	v37 =	vld [tilespmem:s13+$0xD470]  }
0x19f: {  	v38 =	vadd.f32 v42, v41;
	v41 =	vld [tilespmem:s13+$0x9810];
	[tilespmem:s13+$0x8C20] =	vst v3;
	v3 =	vadd.f32 v44, v43  }
0x1a0: {  	v42 =	vld [tilespmem:s13+$0xD810];
	[tilespmem:s13+$0x8C10] =	vst v36  }
0x1a1: {  	v35 =	vld [tilespmem:s13+$0x9C10];
	[tilespmem:s13+$0x8C40] =	vst v3;
	v3 =	vadd.f32 v48, v47  }
0x1a2: {  	v39 =	vld [tilespmem:s13+$0xD800];
	[tilespmem:s13+$0x8C30] =	vst v38;
	v40 =	vadd.f32 v46, v45  }
0x1a3: {  	v45 =	vld [tilespmem:s13+$0xD820];
	[tilespmem:s13+$0x8C60] =	vst v3;
	v3 =	vadd.f32 v52, v51  }
0x1a4: {  	v46 =	vadd.f32 v54, v53;
	v53 =	vld [tilespmem:s13+$0x9850];
	[tilespmem:s13+$0x8C50] =	vst v40  }
0x1a5: {  	v54 =	vld [tilespmem:s13+$0xD850];
	[tilespmem:s13+$0x9000] =	vst v3;
	v3 =	vadd.f32 v56, v55  }
0x1a6: {  	v36 =	vld [tilespmem:s13+$0xDC10];
	v43 =	vadd.f32 v50, v49;
	[tilespmem:s13+$0x9010] =	vst v46  }
0x1a7: {  	v38 =	vld [tilespmem:s13+$0x9C20];
	[tilespmem:s13+$0x9020] =	vst v3;
	v3 =	vadd.f32 v60, v59  }
0x1a8: {  	v44 =	vld [tilespmem:s13+$0x9820];
	v49 =	vadd.f32 v58, v57;
	[tilespmem:s13+$0x8C70] =	vst v43  }
0x1a9: {  	v50 =	vld [tilespmem:s13+$0x9840];
	[tilespmem:s13+$0x9040] =	vst v3;
	v3 =	vadd.f32 v4, v63  }
0x1aa: {  	v57 =	vld [tilespmem:s13+$0xD860];
	v58 =	vadd.f32 v11, v10;
	[tilespmem:s13+$0x9030] =	vst v49  }
0x1ab: {  	v46 =	vld [tilespmem:s13+$0xDC50];
	[tilespmem:s13+$0x9060] =	vst v3;
	v3 =	vadd.f32 v9, v8  }
0x1ac: {  	v37 =	vadd.f32 v37, v22;
	v40 =	vadd.f32 v42, v41;
	v41 =	vld [tilespmem:s13+$0x9C30];
	[tilespmem:s13+$0x9410] =	vst v58  }
0x1ad: {  	v42 =	vld [tilespmem:s13+$0xDC30];
	[tilespmem:s13+$0x9400] =	vst v3;
	v3 =	vadd.f32 v13, v12  }
0x1ae: {  	v47 =	vld [tilespmem:s13+$0x9830];
	[tilespmem:s13+$0x9470] =	vst v37  }
0x1af: {  	v48 =	vld [tilespmem:s13+$0xD830];
	[tilespmem:s13+$0x9420] =	vst v3;
	v3 =	vadd.f32 v17, v16  }
0x1b0: {  	v49 =	vld [tilespmem:s13+$0xDC60];
	[tilespmem:s13+$0x9810] =	vst v40;
	v52 =	vadd.f32 v62, v61  }
0x1b1: {  	v51 =	vld [tilespmem:s13+$0xD840];
	[tilespmem:s13+$0x9440] =	vst v3;
	v3 =	vadd.f32 v21, v20  }
0x1b2: {  	v61 =	vadd.f32 v15, v14;
	v62 =	vld [tilespmem:s13+$0x9C00];
	[tilespmem:s13+$0x9050] =	vst v52  }
0x1b3: {  	v56 =	vld [tilespmem:s13+$0x9860];
	[tilespmem:s13+$0x9460] =	vst v3;
	v3 =	vadd.f32 v39, v24  }
0x1b4: {  	v55 =	vadd.f32 v7, v6;
	[tilespmem:s13+$0x9430] =	vst v61;
	v52 =	vld [tilespmem:s13+$0xDC70]  }
0x1b5: {  	v43 =	vadd.f32 v48, v47;
	v47 =	vld [tilespmem:s13+$0x9C60];
	[tilespmem:s13+$0x9800] =	vst v3;
	v3 =	vadd.f32 v45, v44  }
0x1b6: {  	[tilespmem:s13+$0x9070] =	vst v55;
	v63 =	vld [tilespmem:s13+$0xDC00]  }
0x1b7: {  	v59 =	vld [tilespmem:s13+$0x9870];
	[tilespmem:s13+$0x9820] =	vst v3;
	v3 =	vadd.f32 v51, v50  }
0x1b8: {  	[tilespmem:s13+$0x9830] =	vst v43;
	v4 =	vadd.f32 v54, v53;
	v39 =	vld [tilespmem:s13+$0xDC20]  }
0x1b9: {  	v60 =	vld [tilespmem:s13+$0xD870];
	[tilespmem:s13+$0x9840] =	vst v3;
	v3 =	vadd.f32 v57, v56  }
0x1ba: {  	v54 =	vadd.f32 v42, v41;
	[tilespmem:s13+$0x9850] =	vst v4;
	v45 =	vld [tilespmem:s13+$0x9C50]  }
0x1bb: {  	v53 =	vld [tilespmem:s13+$0xDC40];
	[tilespmem:s13+$0x9860] =	vst v3;
	v3 =	vadd.f32 v63, v62  }
0x1bc: {  	[tilespmem:s13+$0x9C30] =	vst v54;
	v55 =	vadd.f32 v49, v47;
	v50 =	vld [tilespmem:s13+$0x9C70]  }
0x1bd: {  	v44 =	vld [tilespmem:s13+$0x9C40];
	[tilespmem:s13+$0x9C00] =	vst v3;
	v3 =	vadd.f32 v39, v38  }
0x1be: {  	v48 =	vadd.f32 v60, v59;
	[tilespmem:s13+$0x9C60] =	vst v55  }
0x1bf: {  	[tilespmem:s13+$0x9C20] =	vst v3;
	v3 =	vadd.f32 v46, v45  }
0x1c0: {  	s19 =	sand.u32 $0x7, s11;
	[tilespmem:s13+$0x9870] =	vst v48;
	v51 =	vadd.f32 v36, v35  }
0x1c1: {  	s18 =	sshll.u32 s19, $0x7;
	[tilespmem:s13+$0x9C50] =	vst v3;
	v3 =	vadd.f32 v52, v50  }
0x1c2: {  	s18 =	sadd.s32 s18, s12;
	[tilespmem:s13+$0x9C10] =	vst v51;
	v56 =	vadd.f32 v53, v44  }
0x1c3: {  	s19 =	sor.u32 $0x1C00, s18;
	[tilespmem:s13+$0x9C70] =	vst v3  }
0x1c4: {  	[tilespmem:s13+$0x9C40] =	vst v56;
	v3 =	vld [tilespmem:s19+$0x8400]  }
0x1c5: {  	v4 =	vld [tilespmem:s19+$0xC400];
	_ =	sdelay $0x4  }
0x1c6: {  	v3 =	vadd.f32 v4, v3;
	_ =	sdelay $0x1  }
0x1c7: {  	[tilespmem:s19+$0x8400] =	vst v3;
	s19 =	sor.u32 $0x1C10, s18  }
0x1c8: {  	v3 =	vld [tilespmem:s19+$0x8400]  }
0x1c9: {  	v57 =	vld [tilespmem:s19+$0xC400];
	_ =	sdelay $0x4  }
0x1ca: {  	v3 =	vadd.f32 v57, v3;
	_ =	sdelay $0x1  }
0x1cb: {  	[tilespmem:s19+$0x8400] =	vst v3;
	s19 =	sor.u32 $0x1C20, s18  }
0x1cc: {  	v3 =	vld [tilespmem:s19+$0x8400]  }
0x1cd: {  	v58 =	vld [tilespmem:s19+$0xC400];
	_ =	sdelay $0x4  }
0x1ce: {  	v3 =	vadd.f32 v58, v3;
	_ =	sdelay $0x1  }
0x1cf: {  	[tilespmem:s19+$0x8400] =	vst v3;
	s19 =	sor.u32 $0x1C30, s18  }
0x1d0: {  	v3 =	vld [tilespmem:s19+$0x8400]  }
0x1d1: {  	v59 =	vld [tilespmem:s19+$0xC400];
	_ =	sdelay $0x4  }
0x1d2: {  	v3 =	vadd.f32 v59, v3;
	_ =	sdelay $0x1  }
0x1d3: {  	[tilespmem:s19+$0x8400] =	vst v3;
	s19 =	sor.u32 $0x1C40, s18  }
0x1d4: {  	v3 =	vld [tilespmem:s19+$0x8400]  }
0x1d5: {  	v60 =	vld [tilespmem:s19+$0xC400];
	_ =	sdelay $0x4  }
0x1d6: {  	v3 =	vadd.f32 v60, v3;
	_ =	sdelay $0x1  }
0x1d7: {  	[tilespmem:s19+$0x8400] =	vst v3;
	s19 =	sor.u32 $0x1C50, s18  }
0x1d8: {  	v3 =	vld [tilespmem:s19+$0x8400]  }
0x1d9: {  	v61 =	vld [tilespmem:s19+$0xC400];
	_ =	sdelay $0x4  }
0x1da: {  	v3 =	vadd.f32 v61, v3;
	_ =	sdelay $0x1  }
0x1db: {  	[tilespmem:s19+$0x8400] =	vst v3;
	s19 =	sor.u32 $0x1C60, s18  }
0x1dc: {  	v3 =	vld [tilespmem:s19+$0x8400]  }
0x1dd: {  	v62 =	vld [tilespmem:s19+$0xC400];
	_ =	sdelay $0x4  }
0x1de: {  	v3 =	vadd.f32 v62, v3;
	_ =	sdelay $0x1  }
0x1df: {  	[tilespmem:s19+$0x8400] =	vst v3;
	s19 =	sor.u32 $0x1C70, s18  }
0x1e0: {  	v3 =	vld [tilespmem:s19+$0x8400]  }
0x1e1: {  	v63 =	vld [tilespmem:s19+$0xC400];
	_ =	sdelay $0x1  }
0x1e2: {  	p0 =	sne.s32 s17, $0x780  }
.Ltmp1:
0x1e3: {  	_ = 	snop;
	(pc) =	sbr.rel @p0 .LBB2_4-.Ltmp1, $4  }
0x1e4: {  	_ = 	snop  }
0x1e5: {  	v3 =	vadd.f32 v63, v3  }
0x1e6: {  	s11 =	sadd.s32 $0x1, s11  }
0x1e7: {  	s15 =	sadd.s32 $0x400, s15;
	s17 =	sadd.s32 $0x80, s17;
	s12 =	sadd.s32 $0x400, s12;
	[tilespmem:s19+$0x8400] =	vst v3  }
0x1e8: {  	s11 =	simm.s32 $0x0;
	s12 =	rddreg [dreg:$0x5]  }
0x1e9: {  	[hbm4b:s12+s11] =	stream.linear.scatter [tilespmem:s1], [sflag:$0x3], $0x4000, $0x38;
	[tilespmem:$0x10400] =	vst v63  }
0x1ea: {  	_ =	swait.ge [sflag:s31], $0x4000  }
0x1eb: {  	[sflag:s31] =	ssyncset.done $0x0  }
0x1ec: {  	[sflag:s31] =	ssyncadd.s32 $0xFFFFC000  }
0x1ed: {  	v3 =	vld [tilespmem:$0x180];
	_ =	sdelay $0x4  }
0x1ee: {  	v4 =	vshll.u32 v3, $0x3  }
0x1ef: {  	v3 =	vand.u32 $0x7, v3;
	v4 =	vand.u32 $0xFFFFFFC0, v4  }
0x1f0: {  	v3 =	vor.u32 v3, v4  }
0x1f1: {  	v4 =	vperm.xlane v3, v0;
	_ =	sdelay $0x1  }
0x1f2: {  	v4 =	vadd.s32 v1, v4;
	_ =	sdelay $0x4  }
0x1f3: {  	[tilespmem:s1], [sflag:$0x2] =	stream.indirect_vreg.gather [hbm4b:s3+s11], $0x80, v4, vm0, $0xb8;
	[tilespmem:$0x10400] =	vst v63  }
0x1f4: {  	s15 =	simm.s32 $0x8C00;
	v3 =	vperm.xlane v3, v2  }
0x1f5: {  	[tilespmem:s15], [sflag:$0x2] =	stream.indirect_vreg.gather [hbm4b:s6+s11], $0x80, v4, vm0, $0xb8;
	[tilespmem:$0x10400] =	vst v63  }
0x1f6: {  	s17 =	simm.s32 $0x9400;
	v3 =	vadd.s32 v1, v3  }
0x1f7: {  	[tilespmem:s17], [sflag:$0x2] =	stream.indirect_vreg.gather [hbm4b:s7+s11], $0x80, v4, vm0, $0xb8;
	[tilespmem:$0x10400] =	vst v63  }
0x1f8: {  	s18 =	simm.s32 $0x9C00  }
0x1f9: {  	[tilespmem:s18], [sflag:$0x2] =	stream.indirect_vreg.gather [hbm4b:s8+s11], $0x80, v4, vm0, $0xb8;
	[tilespmem:$0x10400] =	vst v63  }
0x1fa: {  	s19 =	simm.s32 $0xA400  }
0x1fb: {  	[tilespmem:s19], [sflag:$0x2] =	stream.indirect_vreg.gather [hbm4b:s3+s11], $0x80, v3, vm0, $0xb8;
	[tilespmem:$0x10400] =	vst v63  }
0x1fc: {  	_ = 	snop  }
0x1fd: {  	[tilespmem:s20], [sflag:$0x2] =	stream.indirect_vreg.gather [hbm4b:s6+s11], $0x80, v3, vm0, $0xb8;
	[tilespmem:$0x10400] =	vst v63  }
0x1fe: {  	_ = 	snop  }
0x1ff: {  	[tilespmem:s21], [sflag:$0x2] =	stream.indirect_vreg.gather [hbm4b:s7+s11], $0x80, v3, vm0, $0xb8;
	[tilespmem:$0x10400] =	vst v63  }
0x200: {  	_ = 	snop  }
0x201: {  	[tilespmem:s22], [sflag:$0x2] =	stream.indirect_vreg.gather [hbm4b:s8+s11], $0x80, v3, vm0, $0xb8;
	[tilespmem:$0x10400] =	vst v63  }
0x202: {  	v3 =	vld [tilespmem:$0x380];
	_ =	sdelay $0x4  }
0x203: {  	v63 =	vshll.u32 v3, $0x3  }
0x204: {  	v3 =	vand.u32 $0x7, v3;
	v4 =	vand.u32 $0xFFFFFFC0, v63  }
0x205: {  	v3 =	vor.u32 v3, v4  }
0x206: {  	v4 =	vperm.xlane v3, v0;
	_ =	sdelay $0x1  }
0x207: {  	v4 =	vadd.s32 v1, v4;
	_ =	sdelay $0x4  }
0x208: {  	[tilespmem:s4], [sflag:$0x2] =	stream.indirect_vreg.gather [hbm4b:s3+s11], $0x80, v4, vm0, $0xb8;
	[tilespmem:$0x10400] =	vst v63  }
0x209: {  	v3 =	vperm.xlane v3, v2  }
0x20a: {  	[tilespmem:s23], [sflag:$0x2] =	stream.indirect_vreg.gather [hbm4b:s6+s11], $0x80, v4, vm0, $0xb8;
	[tilespmem:$0x10400] =	vst v63  }
0x20b: {  	v3 =	vadd.s32 v1, v3  }
0x20c: {  	[tilespmem:s24], [sflag:$0x2] =	stream.indirect_vreg.gather [hbm4b:s7+s11], $0x80, v4, vm0, $0xb8;
	[tilespmem:$0x10400] =	vst v63  }
0x20d: {  	_ = 	snop  }
0x20e: {  	[tilespmem:s25], [sflag:$0x2] =	stream.indirect_vreg.gather [hbm4b:s8+s11], $0x80, v4, vm0, $0xb8;
	[tilespmem:$0x10400] =	vst v63  }
0x20f: {  	_ = 	snop  }
0x210: {  	[tilespmem:s5], [sflag:$0x2] =	stream.indirect_vreg.gather [hbm4b:s3+s11], $0x80, v3, vm0, $0xb8;
	[tilespmem:$0x10400] =	vst v63  }
0x211: {  	_ = 	snop  }
0x212: {  	[tilespmem:s26], [sflag:$0x2] =	stream.indirect_vreg.gather [hbm4b:s6+s11], $0x80, v3, vm0, $0xb8;
	[tilespmem:$0x10400] =	vst v63  }
0x213: {  	_ = 	snop  }
0x214: {  	[tilespmem:s28], [sflag:$0x2] =	stream.indirect_vreg.gather [hbm4b:s7+s11], $0x80, v3, vm0, $0xb8;
	[tilespmem:$0x10400] =	vst v63  }
0x215: {  	_ = 	snop  }
0x216: {  	[tilespmem:s29], [sflag:$0x2] =	stream.indirect_vreg.gather [hbm4b:s8+s11], $0x80, v3, vm0, $0xb8;
	[tilespmem:$0x10400] =	vst v63  }
0x217: {  	_ =	swait.ge [sflag:s30], $0x4000  }
0x218: {  	[sflag:s30] =	ssyncset.done $0x0  }
0x219: {  	[sflag:s30] =	ssyncadd.s32 $0xFFFFC000  }
0x21a: {  	_ =	swait.ge [sflag:s30], $0x4000  }
0x21b: {  	s12 =	simm.s32 $0x0;
	[sflag:s30] =	ssyncset.done $0x0  }
0x21c: {  	s15 =	simm.s32 $0xFFFFC000;
	s17 =	simm.s32 $0x0;
	[sflag:s30] =	ssyncadd.s32 $0xFFFFC000  }
.LBB2_6:
0x21d: {  	s13 =	sadd.s32 $0x4000, s15  }
0x21e: {  	s18 =	sand.u32 $0x380, s17;
	s13 =	sand.u32 $0x2000, s13  }
0x21f: {  	s13 =	sor.u32 s18, s13  }
0x220: {  	v3 =	vld [tilespmem:s13+$0x400]  }
0x221: {  	v4 =	vld [tilespmem:s13+$0x4400]  }
0x222: {  	v5 =	vld [tilespmem:s13+$0x410]  }
0x223: {  	v6 =	vld [tilespmem:s13+$0x4410]  }
0x224: {  	v7 =	vld [tilespmem:s13+$0x420]  }
0x225: {  	v8 =	vld [tilespmem:s13+$0x4420]  }
0x226: {  	v9 =	vld [tilespmem:s13+$0x430]  }
0x227: {  	v10 =	vld [tilespmem:s13+$0x4430]  }
0x228: {  	v11 =	vld [tilespmem:s13+$0x440]  }
0x229: {  	v12 =	vld [tilespmem:s13+$0x4440]  }
0x22a: {  	v13 =	vld [tilespmem:s13+$0x450]  }
0x22b: {  	v14 =	vld [tilespmem:s13+$0x4450]  }
0x22c: {  	v15 =	vld [tilespmem:s13+$0x460]  }
0x22d: {  	v16 =	vld [tilespmem:s13+$0x4460]  }
0x22e: {  	v17 =	vld [tilespmem:s13+$0x470]  }
0x22f: {  	v18 =	vld [tilespmem:s13+$0x4470]  }
0x230: {  	v19 =	vld [tilespmem:s13+$0x800]  }
0x231: {  	v20 =	vld [tilespmem:s13+$0x4800]  }
0x232: {  	v21 =	vld [tilespmem:s13+$0x810]  }
0x233: {  	v22 =	vld [tilespmem:s13+$0x4810]  }
0x234: {  	v23 =	vld [tilespmem:s13+$0x820]  }
0x235: {  	v24 =	vld [tilespmem:s13+$0x4820]  }
0x236: {  	v25 =	vld [tilespmem:s13+$0x830]  }
0x237: {  	v26 =	vld [tilespmem:s13+$0x4830]  }
0x238: {  	v27 =	vld [tilespmem:s13+$0x840]  }
0x239: {  	v28 =	vld [tilespmem:s13+$0x4840]  }
0x23a: {  	v29 =	vld [tilespmem:s13+$0x850]  }
0x23b: {  	v30 =	vld [tilespmem:s13+$0x4850]  }
0x23c: {  	v31 =	vld [tilespmem:s13+$0x860]  }
0x23d: {  	v32 =	vld [tilespmem:s13+$0x4860]  }
0x23e: {  	v33 =	vld [tilespmem:s13+$0x870]  }
0x23f: {  	v34 =	vld [tilespmem:s13+$0x4870]  }
0x240: {  	v35 =	vld [tilespmem:s13+$0xC00]  }
0x241: {  	v36 =	vld [tilespmem:s13+$0x4C00]  }
0x242: {  	v37 =	vld [tilespmem:s13+$0xC10]  }
0x243: {  	v38 =	vld [tilespmem:s13+$0x4C10]  }
0x244: {  	v39 =	vld [tilespmem:s13+$0xC20]  }
0x245: {  	v40 =	vld [tilespmem:s13+$0x4C20]  }
0x246: {  	v41 =	vld [tilespmem:s13+$0xC30]  }
0x247: {  	v42 =	vld [tilespmem:s13+$0x4C30]  }
0x248: {  	v43 =	vld [tilespmem:s13+$0xC40]  }
0x249: {  	v44 =	vld [tilespmem:s13+$0x4C40]  }
0x24a: {  	v45 =	vld [tilespmem:s13+$0xC50]  }
0x24b: {  	v46 =	vld [tilespmem:s13+$0x4C50]  }
0x24c: {  	v47 =	vld [tilespmem:s13+$0xC60]  }
0x24d: {  	v48 =	vld [tilespmem:s13+$0x4C60]  }
0x24e: {  	v49 =	vld [tilespmem:s13+$0xC70]  }
0x24f: {  	v50 =	vld [tilespmem:s13+$0x4C70]  }
0x250: {  	v51 =	vld [tilespmem:s13+$0x1000]  }
0x251: {  	v52 =	vld [tilespmem:s13+$0x5000]  }
0x252: {  	v53 =	vld [tilespmem:s13+$0x1010]  }
0x253: {  	v54 =	vld [tilespmem:s13+$0x5010]  }
0x254: {  	v55 =	vld [tilespmem:s13+$0x1020]  }
0x255: {  	v56 =	vld [tilespmem:s13+$0x5020]  }
0x256: {  	v57 =	vld [tilespmem:s13+$0x1030]  }
0x257: {  	v58 =	vld [tilespmem:s13+$0x5030]  }
0x258: {  	v59 =	vld [tilespmem:s13+$0x1040]  }
0x259: {  	v60 =	vld [tilespmem:s13+$0x5040]  }
0x25a: {  	v61 =	vld [tilespmem:s13+$0x1050]  }
0x25b: {  	v62 =	vld [tilespmem:s13+$0x5050]  }
0x25c: {  	v63 =	vld [tilespmem:s13+$0x1060]  }
0x25d: {  	v3 =	vadd.f32 v4, v3;
	v4 =	vld [tilespmem:s13+$0x5060]  }
0x25e: {  	v5 =	vadd.f32 v6, v5;
	v6 =	vld [tilespmem:s13+$0x1070]  }
0x25f: {  	v14 =	vadd.f32 v14, v13;
	v13 =	vld [tilespmem:s13+$0x5420];
	[tilespmem:s13+$0x400] =	vst v3;
	v3 =	vadd.f32 v8, v7  }
0x260: {  	v18 =	vadd.f32 v18, v17;
	v17 =	vld [tilespmem:s13+$0x5440];
	[tilespmem:s13+$0x410] =	vst v5  }
0x261: {  	v22 =	vadd.f32 v22, v21;
	v21 =	vld [tilespmem:s13+$0x5460];
	[tilespmem:s13+$0x420] =	vst v3;
	v3 =	vadd.f32 v12, v11  }
0x262: {  	v7 =	vld [tilespmem:s13+$0x5070];
	[tilespmem:s13+$0x450] =	vst v14  }
0x263: {  	v8 =	vld [tilespmem:s13+$0x1400];
	[tilespmem:s13+$0x440] =	vst v3;
	v3 =	vadd.f32 v16, v15  }
0x264: {  	v5 =	vadd.f32 v10, v9;
	v9 =	vld [tilespmem:s13+$0x5400];
	[tilespmem:s13+$0x470] =	vst v18  }
0x265: {  	v10 =	vld [tilespmem:s13+$0x1410];
	[tilespmem:s13+$0x460] =	vst v3;
	v3 =	vadd.f32 v20, v19  }
0x266: {  	v26 =	vadd.f32 v26, v25;
	v14 =	vld [tilespmem:s13+$0x1430];
	[tilespmem:s13+$0x810] =	vst v22  }
0x267: {  	v18 =	vld [tilespmem:s13+$0x1450];
	[tilespmem:s13+$0x800] =	vst v3;
	v3 =	vadd.f32 v24, v23  }
0x268: {  	v30 =	vadd.f32 v30, v29;
	[tilespmem:s13+$0x830] =	vst v26;
	v22 =	vld [tilespmem:s13+$0x1470]  }
0x269: {  	v19 =	vld [tilespmem:s13+$0x5450];
	[tilespmem:s13+$0x820] =	vst v3;
	v3 =	vadd.f32 v28, v27  }
0x26a: {  	v34 =	vadd.f32 v34, v33;
	[tilespmem:s13+$0x850] =	vst v30;
	v11 =	vld [tilespmem:s13+$0x5410]  }
0x26b: {  	v12 =	vld [tilespmem:s13+$0x1420];
	[tilespmem:s13+$0x840] =	vst v3;
	v3 =	vadd.f32 v32, v31  }
0x26c: {  	[tilespmem:s13+$0x870] =	vst v34;
	v15 =	vld [tilespmem:s13+$0x5430]  }
0x26d: {  	v16 =	vld [tilespmem:s13+$0x1440];
	[tilespmem:s13+$0x860] =	vst v3;
	v3 =	vadd.f32 v36, v35  }
0x26e: {  	[tilespmem:s13+$0x430] =	vst v5;
	v20 =	vld [tilespmem:s13+$0x1460];
	v19 =	vadd.f32 v19, v18  }
0x26f: {  	v24 =	vld [tilespmem:s13+$0x1800];
	[tilespmem:s13+$0xC00] =	vst v3;
	v3 =	vadd.f32 v40, v39  }
0x270: {  	[tilespmem:s13+$0x1450] =	vst v19;
	v36 =	vadd.f32 v38, v37;
	v37 =	vld [tilespmem:s13+$0x5470]  }
0x271: {  	v38 =	vadd.f32 v42, v41;
	v41 =	vld [tilespmem:s13+$0x1810];
	[tilespmem:s13+$0xC20] =	vst v3;
	v3 =	vadd.f32 v44, v43  }
0x272: {  	v42 =	vld [tilespmem:s13+$0x5810];
	[tilespmem:s13+$0xC10] =	vst v36  }
0x273: {  	v35 =	vld [tilespmem:s13+$0x1C10];
	[tilespmem:s13+$0xC40] =	vst v3;
	v3 =	vadd.f32 v48, v47  }
0x274: {  	v39 =	vld [tilespmem:s13+$0x5800];
	[tilespmem:s13+$0xC30] =	vst v38;
	v40 =	vadd.f32 v46, v45  }
0x275: {  	v45 =	vld [tilespmem:s13+$0x5820];
	[tilespmem:s13+$0xC60] =	vst v3;
	v3 =	vadd.f32 v52, v51  }
0x276: {  	v46 =	vadd.f32 v54, v53;
	v53 =	vld [tilespmem:s13+$0x1850];
	[tilespmem:s13+$0xC50] =	vst v40  }
0x277: {  	v54 =	vld [tilespmem:s13+$0x5850];
	[tilespmem:s13+$0x1000] =	vst v3;
	v3 =	vadd.f32 v56, v55  }
0x278: {  	v36 =	vld [tilespmem:s13+$0x5C10];
	v43 =	vadd.f32 v50, v49;
	[tilespmem:s13+$0x1010] =	vst v46  }
0x279: {  	v38 =	vld [tilespmem:s13+$0x1C20];
	[tilespmem:s13+$0x1020] =	vst v3;
	v3 =	vadd.f32 v60, v59  }
0x27a: {  	v44 =	vld [tilespmem:s13+$0x1820];
	v49 =	vadd.f32 v58, v57;
	[tilespmem:s13+$0xC70] =	vst v43  }
0x27b: {  	v50 =	vld [tilespmem:s13+$0x1840];
	[tilespmem:s13+$0x1040] =	vst v3;
	v3 =	vadd.f32 v4, v63  }
0x27c: {  	v57 =	vld [tilespmem:s13+$0x5860];
	v58 =	vadd.f32 v11, v10;
	[tilespmem:s13+$0x1030] =	vst v49  }
0x27d: {  	v46 =	vld [tilespmem:s13+$0x5C50];
	[tilespmem:s13+$0x1060] =	vst v3;
	v3 =	vadd.f32 v9, v8  }
0x27e: {  	v37 =	vadd.f32 v37, v22;
	v40 =	vadd.f32 v42, v41;
	v41 =	vld [tilespmem:s13+$0x1C30];
	[tilespmem:s13+$0x1410] =	vst v58  }
0x27f: {  	v42 =	vld [tilespmem:s13+$0x5C30];
	[tilespmem:s13+$0x1400] =	vst v3;
	v3 =	vadd.f32 v13, v12  }
0x280: {  	v47 =	vld [tilespmem:s13+$0x1830];
	[tilespmem:s13+$0x1470] =	vst v37  }
0x281: {  	v48 =	vld [tilespmem:s13+$0x5830];
	[tilespmem:s13+$0x1420] =	vst v3;
	v3 =	vadd.f32 v17, v16  }
0x282: {  	v49 =	vld [tilespmem:s13+$0x5C60];
	[tilespmem:s13+$0x1810] =	vst v40;
	v52 =	vadd.f32 v62, v61  }
0x283: {  	v51 =	vld [tilespmem:s13+$0x5840];
	[tilespmem:s13+$0x1440] =	vst v3;
	v3 =	vadd.f32 v21, v20  }
0x284: {  	v61 =	vadd.f32 v15, v14;
	v62 =	vld [tilespmem:s13+$0x1C00];
	[tilespmem:s13+$0x1050] =	vst v52  }
0x285: {  	v56 =	vld [tilespmem:s13+$0x1860];
	[tilespmem:s13+$0x1460] =	vst v3;
	v3 =	vadd.f32 v39, v24  }
0x286: {  	v55 =	vadd.f32 v7, v6;
	[tilespmem:s13+$0x1430] =	vst v61;
	v52 =	vld [tilespmem:s13+$0x5C70]  }
0x287: {  	v43 =	vadd.f32 v48, v47;
	v47 =	vld [tilespmem:s13+$0x1C60];
	[tilespmem:s13+$0x1800] =	vst v3;
	v3 =	vadd.f32 v45, v44  }
0x288: {  	[tilespmem:s13+$0x1070] =	vst v55;
	v63 =	vld [tilespmem:s13+$0x5C00]  }
0x289: {  	v59 =	vld [tilespmem:s13+$0x1870];
	[tilespmem:s13+$0x1820] =	vst v3;
	v3 =	vadd.f32 v51, v50  }
0x28a: {  	[tilespmem:s13+$0x1830] =	vst v43;
	v4 =	vadd.f32 v54, v53;
	v39 =	vld [tilespmem:s13+$0x5C20]  }
0x28b: {  	v60 =	vld [tilespmem:s13+$0x5870];
	[tilespmem:s13+$0x1840] =	vst v3;
	v3 =	vadd.f32 v57, v56  }
0x28c: {  	v54 =	vadd.f32 v42, v41;
	[tilespmem:s13+$0x1850] =	vst v4;
	v45 =	vld [tilespmem:s13+$0x1C50]  }
0x28d: {  	v53 =	vld [tilespmem:s13+$0x5C40];
	[tilespmem:s13+$0x1860] =	vst v3;
	v3 =	vadd.f32 v63, v62  }
0x28e: {  	[tilespmem:s13+$0x1C30] =	vst v54;
	v55 =	vadd.f32 v49, v47;
	v50 =	vld [tilespmem:s13+$0x1C70]  }
0x28f: {  	v44 =	vld [tilespmem:s13+$0x1C40];
	[tilespmem:s13+$0x1C00] =	vst v3;
	v3 =	vadd.f32 v39, v38  }
0x290: {  	v48 =	vadd.f32 v60, v59;
	[tilespmem:s13+$0x1C60] =	vst v55  }
0x291: {  	[tilespmem:s13+$0x1C20] =	vst v3;
	v3 =	vadd.f32 v46, v45  }
0x292: {  	s19 =	sand.u32 $0x7, s11;
	[tilespmem:s13+$0x1870] =	vst v48;
	v51 =	vadd.f32 v36, v35  }
0x293: {  	s18 =	sshll.u32 s19, $0x7;
	[tilespmem:s13+$0x1C50] =	vst v3;
	v3 =	vadd.f32 v52, v50  }
0x294: {  	s18 =	sadd.s32 s18, s12;
	[tilespmem:s13+$0x1C10] =	vst v51;
	v56 =	vadd.f32 v53, v44  }
0x295: {  	s19 =	sor.u32 $0x1C00, s18;
	[tilespmem:s13+$0x1C70] =	vst v3  }
0x296: {  	[tilespmem:s13+$0x1C40] =	vst v56;
	v3 =	vld [tilespmem:s19+$0x400]  }
0x297: {  	v4 =	vld [tilespmem:s19+$0x4400];
	_ =	sdelay $0x4  }
0x298: {  	v3 =	vadd.f32 v4, v3;
	_ =	sdelay $0x1  }
0x299: {  	[tilespmem:s19+$0x400] =	vst v3;
	s19 =	sor.u32 $0x1C10, s18  }
0x29a: {  	v3 =	vld [tilespmem:s19+$0x400]  }
0x29b: {  	v57 =	vld [tilespmem:s19+$0x4400];
	_ =	sdelay $0x4  }
0x29c: {  	v3 =	vadd.f32 v57, v3;
	_ =	sdelay $0x1  }
0x29d: {  	[tilespmem:s19+$0x400] =	vst v3;
	s19 =	sor.u32 $0x1C20, s18  }
0x29e: {  	v3 =	vld [tilespmem:s19+$0x400]  }
0x29f: {  	v58 =	vld [tilespmem:s19+$0x4400];
	_ =	sdelay $0x4  }
0x2a0: {  	v3 =	vadd.f32 v58, v3;
	_ =	sdelay $0x1  }
0x2a1: {  	[tilespmem:s19+$0x400] =	vst v3;
	s19 =	sor.u32 $0x1C30, s18  }
0x2a2: {  	v3 =	vld [tilespmem:s19+$0x400]  }
0x2a3: {  	v59 =	vld [tilespmem:s19+$0x4400];
	_ =	sdelay $0x4  }
0x2a4: {  	v3 =	vadd.f32 v59, v3;
	_ =	sdelay $0x1  }
0x2a5: {  	[tilespmem:s19+$0x400] =	vst v3;
	s19 =	sor.u32 $0x1C40, s18  }
0x2a6: {  	v3 =	vld [tilespmem:s19+$0x400]  }
0x2a7: {  	v60 =	vld [tilespmem:s19+$0x4400];
	_ =	sdelay $0x4  }
0x2a8: {  	v3 =	vadd.f32 v60, v3;
	_ =	sdelay $0x1  }
0x2a9: {  	[tilespmem:s19+$0x400] =	vst v3;
	s19 =	sor.u32 $0x1C50, s18  }
0x2aa: {  	v3 =	vld [tilespmem:s19+$0x400]  }
0x2ab: {  	v61 =	vld [tilespmem:s19+$0x4400];
	_ =	sdelay $0x4  }
0x2ac: {  	v3 =	vadd.f32 v61, v3;
	_ =	sdelay $0x1  }
0x2ad: {  	[tilespmem:s19+$0x400] =	vst v3;
	s19 =	sor.u32 $0x1C60, s18  }
0x2ae: {  	v3 =	vld [tilespmem:s19+$0x400]  }
0x2af: {  	v62 =	vld [tilespmem:s19+$0x4400];
	_ =	sdelay $0x4  }
0x2b0: {  	v3 =	vadd.f32 v62, v3;
	_ =	sdelay $0x1  }
0x2b1: {  	[tilespmem:s19+$0x400] =	vst v3;
	s19 =	sor.u32 $0x1C70, s18  }
0x2b2: {  	v3 =	vld [tilespmem:s19+$0x400]  }
0x2b3: {  	v63 =	vld [tilespmem:s19+$0x4400];
	_ =	sdelay $0x1  }
0x2b4: {  	p0 =	sne.s32 s17, $0x780  }
.Ltmp2:
0x2b5: {  	_ = 	snop;
	(pc) =	sbr.rel @p0 .LBB2_6-.Ltmp2, $4  }
0x2b6: {  	_ = 	snop  }
0x2b7: {  	v3 =	vadd.f32 v63, v3  }
0x2b8: {  	s11 =	sadd.s32 $0x1, s11  }
0x2b9: {  	s15 =	sadd.s32 $0x400, s15;
	s17 =	sadd.s32 $0x80, s17;
	s12 =	sadd.s32 $0x400, s12;
	[tilespmem:s19+$0x400] =	vst v3  }
0x2ba: {  	s11 =	simm.s32 $0x0;
	s12 =	rddreg [dreg:$0x6]  }
0x2bb: {  	[hbm4b:s12+s11] =	stream.linear.scatter [tilespmem:s16], [sflag:$0x3], $0x4000, $0x38;
	[tilespmem:$0x10400] =	vst v63  }
0x2bc: {  	_ =	swait.ge [sflag:s0], $0x4000  }
0x2bd: {  	[sflag:s0] =	ssyncset.done $0x0  }
0x2be: {  	[sflag:s0] =	ssyncadd.s32 $0xFFFFC000  }
0x2bf: {  	_ =	swait.ge [sflag:s0], $0x4000  }
0x2c0: {  	s15 =	simm.s32 $0xFFFFC000;
	[sflag:s0] =	ssyncset.done $0x0  }
0x2c1: {  	s17 =	simm.s32 $0x0;
	s12 =	simm.s32 $0x0;
	[sflag:s0] =	ssyncadd.s32 $0xFFFFC000  }
.LBB2_8:
0x2c2: {  	s13 =	sadd.s32 $0x4000, s15  }
0x2c3: {  	s18 =	sand.u32 $0x380, s17;
	s13 =	sand.u32 $0x2000, s13  }
0x2c4: {  	s13 =	sor.u32 s18, s13  }
0x2c5: {  	v3 =	vld [tilespmem:s13+$0x8400]  }
0x2c6: {  	v4 =	vld [tilespmem:s13+$0xC400]  }
0x2c7: {  	v5 =	vld [tilespmem:s13+$0x8410]  }
0x2c8: {  	v6 =	vld [tilespmem:s13+$0xC410]  }
0x2c9: {  	v7 =	vld [tilespmem:s13+$0x8420]  }
0x2ca: {  	v8 =	vld [tilespmem:s13+$0xC420]  }
0x2cb: {  	v9 =	vld [tilespmem:s13+$0x8430]  }
0x2cc: {  	v10 =	vld [tilespmem:s13+$0xC430]  }
0x2cd: {  	v11 =	vld [tilespmem:s13+$0x8440]  }
0x2ce: {  	v12 =	vld [tilespmem:s13+$0xC440]  }
0x2cf: {  	v13 =	vld [tilespmem:s13+$0x8450]  }
0x2d0: {  	v14 =	vld [tilespmem:s13+$0xC450]  }
0x2d1: {  	v15 =	vld [tilespmem:s13+$0x8460]  }
0x2d2: {  	v16 =	vld [tilespmem:s13+$0xC460]  }
0x2d3: {  	v17 =	vld [tilespmem:s13+$0x8470]  }
0x2d4: {  	v18 =	vld [tilespmem:s13+$0xC470]  }
0x2d5: {  	v19 =	vld [tilespmem:s13+$0x8800]  }
0x2d6: {  	v20 =	vld [tilespmem:s13+$0xC800]  }
0x2d7: {  	v21 =	vld [tilespmem:s13+$0x8810]  }
0x2d8: {  	v22 =	vld [tilespmem:s13+$0xC810]  }
0x2d9: {  	v23 =	vld [tilespmem:s13+$0x8820]  }
0x2da: {  	v24 =	vld [tilespmem:s13+$0xC820]  }
0x2db: {  	v25 =	vld [tilespmem:s13+$0x8830]  }
0x2dc: {  	v26 =	vld [tilespmem:s13+$0xC830]  }
0x2dd: {  	v27 =	vld [tilespmem:s13+$0x8840]  }
0x2de: {  	v28 =	vld [tilespmem:s13+$0xC840]  }
0x2df: {  	v29 =	vld [tilespmem:s13+$0x8850]  }
0x2e0: {  	v30 =	vld [tilespmem:s13+$0xC850]  }
0x2e1: {  	v31 =	vld [tilespmem:s13+$0x8860]  }
0x2e2: {  	v32 =	vld [tilespmem:s13+$0xC860]  }
0x2e3: {  	v33 =	vld [tilespmem:s13+$0x8870]  }
0x2e4: {  	v34 =	vld [tilespmem:s13+$0xC870]  }
0x2e5: {  	v35 =	vld [tilespmem:s13+$0x8C00]  }
0x2e6: {  	v36 =	vld [tilespmem:s13+$0xCC00]  }
0x2e7: {  	v37 =	vld [tilespmem:s13+$0x8C10]  }
0x2e8: {  	v38 =	vld [tilespmem:s13+$0xCC10]  }
0x2e9: {  	v39 =	vld [tilespmem:s13+$0x8C20]  }
0x2ea: {  	v40 =	vld [tilespmem:s13+$0xCC20]  }
0x2eb: {  	v41 =	vld [tilespmem:s13+$0x8C30]  }
0x2ec: {  	v42 =	vld [tilespmem:s13+$0xCC30]  }
0x2ed: {  	v43 =	vld [tilespmem:s13+$0x8C40]  }
0x2ee: {  	v44 =	vld [tilespmem:s13+$0xCC40]  }
0x2ef: {  	v45 =	vld [tilespmem:s13+$0x8C50]  }
0x2f0: {  	v46 =	vld [tilespmem:s13+$0xCC50]  }
0x2f1: {  	v47 =	vld [tilespmem:s13+$0x8C60]  }
0x2f2: {  	v48 =	vld [tilespmem:s13+$0xCC60]  }
0x2f3: {  	v49 =	vld [tilespmem:s13+$0x8C70]  }
0x2f4: {  	v50 =	vld [tilespmem:s13+$0xCC70]  }
0x2f5: {  	v51 =	vld [tilespmem:s13+$0x9000]  }
0x2f6: {  	v52 =	vld [tilespmem:s13+$0xD000]  }
0x2f7: {  	v53 =	vld [tilespmem:s13+$0x9010]  }
0x2f8: {  	v54 =	vld [tilespmem:s13+$0xD010]  }
0x2f9: {  	v55 =	vld [tilespmem:s13+$0x9020]  }
0x2fa: {  	v56 =	vld [tilespmem:s13+$0xD020]  }
0x2fb: {  	v57 =	vld [tilespmem:s13+$0x9030]  }
0x2fc: {  	v58 =	vld [tilespmem:s13+$0xD030]  }
0x2fd: {  	v59 =	vld [tilespmem:s13+$0x9040]  }
0x2fe: {  	v60 =	vld [tilespmem:s13+$0xD040]  }
0x2ff: {  	v61 =	vld [tilespmem:s13+$0x9050]  }
0x300: {  	v62 =	vld [tilespmem:s13+$0xD050]  }
0x301: {  	v63 =	vld [tilespmem:s13+$0x9060]  }
0x302: {  	v3 =	vadd.f32 v4, v3;
	v4 =	vld [tilespmem:s13+$0xD060]  }
0x303: {  	v5 =	vadd.f32 v6, v5;
	v6 =	vld [tilespmem:s13+$0x9070]  }
0x304: {  	v14 =	vadd.f32 v14, v13;
	v13 =	vld [tilespmem:s13+$0xD420];
	[tilespmem:s13+$0x8400] =	vst v3;
	v3 =	vadd.f32 v8, v7  }
0x305: {  	v18 =	vadd.f32 v18, v17;
	v17 =	vld [tilespmem:s13+$0xD440];
	[tilespmem:s13+$0x8410] =	vst v5  }
0x306: {  	v22 =	vadd.f32 v22, v21;
	v21 =	vld [tilespmem:s13+$0xD460];
	[tilespmem:s13+$0x8420] =	vst v3;
	v3 =	vadd.f32 v12, v11  }
0x307: {  	v7 =	vld [tilespmem:s13+$0xD070];
	[tilespmem:s13+$0x8450] =	vst v14  }
0x308: {  	v8 =	vld [tilespmem:s13+$0x9400];
	[tilespmem:s13+$0x8440] =	vst v3;
	v3 =	vadd.f32 v16, v15  }
0x309: {  	v5 =	vadd.f32 v10, v9;
	v9 =	vld [tilespmem:s13+$0xD400];
	[tilespmem:s13+$0x8470] =	vst v18  }
0x30a: {  	v10 =	vld [tilespmem:s13+$0x9410];
	[tilespmem:s13+$0x8460] =	vst v3;
	v3 =	vadd.f32 v20, v19  }
0x30b: {  	v26 =	vadd.f32 v26, v25;
	v14 =	vld [tilespmem:s13+$0x9430];
	[tilespmem:s13+$0x8810] =	vst v22  }
0x30c: {  	v18 =	vld [tilespmem:s13+$0x9450];
	[tilespmem:s13+$0x8800] =	vst v3;
	v3 =	vadd.f32 v24, v23  }
0x30d: {  	v30 =	vadd.f32 v30, v29;
	[tilespmem:s13+$0x8830] =	vst v26;
	v22 =	vld [tilespmem:s13+$0x9470]  }
0x30e: {  	v19 =	vld [tilespmem:s13+$0xD450];
	[tilespmem:s13+$0x8820] =	vst v3;
	v3 =	vadd.f32 v28, v27  }
0x30f: {  	v34 =	vadd.f32 v34, v33;
	[tilespmem:s13+$0x8850] =	vst v30;
	v11 =	vld [tilespmem:s13+$0xD410]  }
0x310: {  	v12 =	vld [tilespmem:s13+$0x9420];
	[tilespmem:s13+$0x8840] =	vst v3;
	v3 =	vadd.f32 v32, v31  }
0x311: {  	[tilespmem:s13+$0x8870] =	vst v34;
	v15 =	vld [tilespmem:s13+$0xD430]  }
0x312: {  	v16 =	vld [tilespmem:s13+$0x9440];
	[tilespmem:s13+$0x8860] =	vst v3;
	v3 =	vadd.f32 v36, v35  }
0x313: {  	[tilespmem:s13+$0x8430] =	vst v5;
	v20 =	vld [tilespmem:s13+$0x9460];
	v19 =	vadd.f32 v19, v18  }
0x314: {  	v24 =	vld [tilespmem:s13+$0x9800];
	[tilespmem:s13+$0x8C00] =	vst v3;
	v3 =	vadd.f32 v40, v39  }
0x315: {  	[tilespmem:s13+$0x9450] =	vst v19;
	v36 =	vadd.f32 v38, v37;
	v37 =	vld [tilespmem:s13+$0xD470]  }
0x316: {  	v38 =	vadd.f32 v42, v41;
	v41 =	vld [tilespmem:s13+$0x9810];
	[tilespmem:s13+$0x8C20] =	vst v3;
	v3 =	vadd.f32 v44, v43  }
0x317: {  	v42 =	vld [tilespmem:s13+$0xD810];
	[tilespmem:s13+$0x8C10] =	vst v36  }
0x318: {  	v35 =	vld [tilespmem:s13+$0x9C10];
	[tilespmem:s13+$0x8C40] =	vst v3;
	v3 =	vadd.f32 v48, v47  }
0x319: {  	v39 =	vld [tilespmem:s13+$0xD800];
	[tilespmem:s13+$0x8C30] =	vst v38;
	v40 =	vadd.f32 v46, v45  }
0x31a: {  	v45 =	vld [tilespmem:s13+$0xD820];
	[tilespmem:s13+$0x8C60] =	vst v3;
	v3 =	vadd.f32 v52, v51  }
0x31b: {  	v46 =	vadd.f32 v54, v53;
	v53 =	vld [tilespmem:s13+$0x9850];
	[tilespmem:s13+$0x8C50] =	vst v40  }
0x31c: {  	v54 =	vld [tilespmem:s13+$0xD850];
	[tilespmem:s13+$0x9000] =	vst v3;
	v3 =	vadd.f32 v56, v55  }
0x31d: {  	v36 =	vld [tilespmem:s13+$0xDC10];
	v43 =	vadd.f32 v50, v49;
	[tilespmem:s13+$0x9010] =	vst v46  }
0x31e: {  	v38 =	vld [tilespmem:s13+$0x9C20];
	[tilespmem:s13+$0x9020] =	vst v3;
	v3 =	vadd.f32 v60, v59  }
0x31f: {  	v44 =	vld [tilespmem:s13+$0x9820];
	v49 =	vadd.f32 v58, v57;
	[tilespmem:s13+$0x8C70] =	vst v43  }
0x320: {  	v50 =	vld [tilespmem:s13+$0x9840];
	[tilespmem:s13+$0x9040] =	vst v3;
	v3 =	vadd.f32 v4, v63  }
0x321: {  	v57 =	vld [tilespmem:s13+$0xD860];
	v58 =	vadd.f32 v11, v10;
	[tilespmem:s13+$0x9030] =	vst v49  }
0x322: {  	v46 =	vld [tilespmem:s13+$0xDC50];
	[tilespmem:s13+$0x9060] =	vst v3;
	v3 =	vadd.f32 v9, v8  }
0x323: {  	v37 =	vadd.f32 v37, v22;
	v40 =	vadd.f32 v42, v41;
	v41 =	vld [tilespmem:s13+$0x9C30];
	[tilespmem:s13+$0x9410] =	vst v58  }
0x324: {  	v42 =	vld [tilespmem:s13+$0xDC30];
	[tilespmem:s13+$0x9400] =	vst v3;
	v3 =	vadd.f32 v13, v12  }
0x325: {  	v47 =	vld [tilespmem:s13+$0x9830];
	[tilespmem:s13+$0x9470] =	vst v37  }
0x326: {  	v48 =	vld [tilespmem:s13+$0xD830];
	[tilespmem:s13+$0x9420] =	vst v3;
	v3 =	vadd.f32 v17, v16  }
0x327: {  	v49 =	vld [tilespmem:s13+$0xDC60];
	[tilespmem:s13+$0x9810] =	vst v40;
	v52 =	vadd.f32 v62, v61  }
0x328: {  	v51 =	vld [tilespmem:s13+$0xD840];
	[tilespmem:s13+$0x9440] =	vst v3;
	v3 =	vadd.f32 v21, v20  }
0x329: {  	v61 =	vadd.f32 v15, v14;
	v62 =	vld [tilespmem:s13+$0x9C00];
	[tilespmem:s13+$0x9050] =	vst v52  }
0x32a: {  	v56 =	vld [tilespmem:s13+$0x9860];
	[tilespmem:s13+$0x9460] =	vst v3;
	v3 =	vadd.f32 v39, v24  }
0x32b: {  	v55 =	vadd.f32 v7, v6;
	[tilespmem:s13+$0x9430] =	vst v61;
	v52 =	vld [tilespmem:s13+$0xDC70]  }
0x32c: {  	v43 =	vadd.f32 v48, v47;
	v47 =	vld [tilespmem:s13+$0x9C60];
	[tilespmem:s13+$0x9800] =	vst v3;
	v3 =	vadd.f32 v45, v44  }
0x32d: {  	[tilespmem:s13+$0x9070] =	vst v55;
	v63 =	vld [tilespmem:s13+$0xDC00]  }
0x32e: {  	v59 =	vld [tilespmem:s13+$0x9870];
	[tilespmem:s13+$0x9820] =	vst v3;
	v3 =	vadd.f32 v51, v50  }
0x32f: {  	[tilespmem:s13+$0x9830] =	vst v43;
	v4 =	vadd.f32 v54, v53;
	v39 =	vld [tilespmem:s13+$0xDC20]  }
0x330: {  	v60 =	vld [tilespmem:s13+$0xD870];
	[tilespmem:s13+$0x9840] =	vst v3;
	v3 =	vadd.f32 v57, v56  }
0x331: {  	v54 =	vadd.f32 v42, v41;
	[tilespmem:s13+$0x9850] =	vst v4;
	v45 =	vld [tilespmem:s13+$0x9C50]  }
0x332: {  	v53 =	vld [tilespmem:s13+$0xDC40];
	[tilespmem:s13+$0x9860] =	vst v3;
	v3 =	vadd.f32 v63, v62  }
0x333: {  	[tilespmem:s13+$0x9C30] =	vst v54;
	v55 =	vadd.f32 v49, v47;
	v50 =	vld [tilespmem:s13+$0x9C70]  }
0x334: {  	v44 =	vld [tilespmem:s13+$0x9C40];
	[tilespmem:s13+$0x9C00] =	vst v3;
	v3 =	vadd.f32 v39, v38  }
0x335: {  	v48 =	vadd.f32 v60, v59;
	[tilespmem:s13+$0x9C60] =	vst v55  }
0x336: {  	[tilespmem:s13+$0x9C20] =	vst v3;
	v3 =	vadd.f32 v46, v45  }
0x337: {  	s19 =	sand.u32 $0x7, s11;
	[tilespmem:s13+$0x9870] =	vst v48;
	v51 =	vadd.f32 v36, v35  }
0x338: {  	s18 =	sshll.u32 s19, $0x7;
	[tilespmem:s13+$0x9C50] =	vst v3;
	v3 =	vadd.f32 v52, v50  }
0x339: {  	s18 =	sadd.s32 s18, s12;
	[tilespmem:s13+$0x9C10] =	vst v51;
	v56 =	vadd.f32 v53, v44  }
0x33a: {  	s19 =	sor.u32 $0x1C00, s18;
	[tilespmem:s13+$0x9C70] =	vst v3  }
0x33b: {  	[tilespmem:s13+$0x9C40] =	vst v56;
	v3 =	vld [tilespmem:s19+$0x8400]  }
0x33c: {  	v4 =	vld [tilespmem:s19+$0xC400];
	_ =	sdelay $0x4  }
0x33d: {  	v3 =	vadd.f32 v4, v3;
	_ =	sdelay $0x1  }
0x33e: {  	[tilespmem:s19+$0x8400] =	vst v3;
	s19 =	sor.u32 $0x1C10, s18  }
0x33f: {  	v3 =	vld [tilespmem:s19+$0x8400]  }
0x340: {  	v57 =	vld [tilespmem:s19+$0xC400];
	_ =	sdelay $0x4  }
0x341: {  	v3 =	vadd.f32 v57, v3;
	_ =	sdelay $0x1  }
0x342: {  	[tilespmem:s19+$0x8400] =	vst v3;
	s19 =	sor.u32 $0x1C20, s18  }
0x343: {  	v3 =	vld [tilespmem:s19+$0x8400]  }
0x344: {  	v58 =	vld [tilespmem:s19+$0xC400];
	_ =	sdelay $0x4  }
0x345: {  	v3 =	vadd.f32 v58, v3;
	_ =	sdelay $0x1  }
0x346: {  	[tilespmem:s19+$0x8400] =	vst v3;
	s19 =	sor.u32 $0x1C30, s18  }
0x347: {  	v3 =	vld [tilespmem:s19+$0x8400]  }
0x348: {  	v59 =	vld [tilespmem:s19+$0xC400];
	_ =	sdelay $0x4  }
0x349: {  	v3 =	vadd.f32 v59, v3;
	_ =	sdelay $0x1  }
0x34a: {  	[tilespmem:s19+$0x8400] =	vst v3;
	s19 =	sor.u32 $0x1C40, s18  }
0x34b: {  	v3 =	vld [tilespmem:s19+$0x8400]  }
0x34c: {  	v60 =	vld [tilespmem:s19+$0xC400];
	_ =	sdelay $0x4  }
0x34d: {  	v3 =	vadd.f32 v60, v3;
	_ =	sdelay $0x1  }
0x34e: {  	[tilespmem:s19+$0x8400] =	vst v3;
	s19 =	sor.u32 $0x1C50, s18  }
0x34f: {  	v3 =	vld [tilespmem:s19+$0x8400]  }
0x350: {  	v61 =	vld [tilespmem:s19+$0xC400];
	_ =	sdelay $0x4  }
0x351: {  	v3 =	vadd.f32 v61, v3;
	_ =	sdelay $0x1  }
0x352: {  	[tilespmem:s19+$0x8400] =	vst v3;
	s19 =	sor.u32 $0x1C60, s18  }
0x353: {  	v3 =	vld [tilespmem:s19+$0x8400]  }
0x354: {  	v62 =	vld [tilespmem:s19+$0xC400];
	_ =	sdelay $0x4  }
0x355: {  	v3 =	vadd.f32 v62, v3;
	_ =	sdelay $0x1  }
0x356: {  	[tilespmem:s19+$0x8400] =	vst v3;
	s19 =	sor.u32 $0x1C70, s18  }
0x357: {  	v3 =	vld [tilespmem:s19+$0x8400]  }
0x358: {  	v63 =	vld [tilespmem:s19+$0xC400];
	_ =	sdelay $0x1  }
0x359: {  	p0 =	sne.s32 s17, $0x780  }
.Ltmp3:
0x35a: {  	_ = 	snop;
	(pc) =	sbr.rel @p0 .LBB2_8-.Ltmp3, $4  }
0x35b: {  	_ = 	snop  }
0x35c: {  	v3 =	vadd.f32 v63, v3  }
0x35d: {  	s11 =	sadd.s32 $0x1, s11  }
0x35e: {  	s15 =	sadd.s32 $0x400, s15;
	s17 =	sadd.s32 $0x80, s17;
	s12 =	sadd.s32 $0x400, s12;
	[tilespmem:s19+$0x8400] =	vst v3  }
0x35f: {  	s11 =	rddreg [dreg:$0x7]  }
0x360: {  	[hbm4b:s11+s2] =	stream.linear.scatter [tilespmem:s1], [sflag:$0x3], $0x4000, $0x38;
	[tilespmem:$0x10400] =	vst v63  }
0x361: {  	_ =	swait.ge [sflag:s31], $0x4000  }
0x362: {  	[sflag:s31] =	ssyncset.done $0x0  }
0x363: {  	[sflag:s31] =	ssyncadd.s32 $0xFFFFC000  }
0x364: {  	_ =	swait.ge [sflag:s31], $0x4000  }
0x365: {  	s10 =	sadd.s32 $0x1, s10;
	s19 =	rddreg [dreg:$0x8]  }
0x366: {  	p0 =	sne.s32 s10, s19  }
.Ltmp4:
0x367: {  	_ = 	snop;
	(pc) =	sbr.rel @p0 .LBB2_1-.Ltmp4, $3  }
0x368: {  	_ =	sdelay $0x1  }
0x369: {  	[sflag:s31] =	ssyncset.done $0x0  }
0x36a: {  	[sflag:s31] =	ssyncadd.s32 $0xFFFFC000  }
0x36b: {  	_ =	sfence.sel $0x180000  }
0x36c: {  	[bflag:$0x0] =	sbarrier.arrive $0xFFFF  }
0x36d: {  	_ =	strace $0x9000004A  }
0x36e: {  	s0 =	stileid.u32;
	[bflag:$0x2] =	sbarrier.arrive $0xFFFF  }
0x36f: {  	p0 =	sne.s32 s0, $0x0;
	s0 =	rddreg [dreg:$0x2]  }
0x370: {  	s0 =	sadd.s32 @!p0 $0x100000, s0  }
0x371: {  	[sflag:s0] =	ssyncadd.tile.s32 @!p0 $0x1;
	_ =	shalt  }
.Lfunc_end2:
_tile_overlayer_lowered:
.L_overlay_start_2:
0x372: {  	(tag) =	ssettag $0x2  }
0x373: {  	s0 =	rddreg [dreg:$0x0];
	s2 =	stileid.u32  }
0x374: {  	s1 =	rddreg [dreg:$0x1];
	p0 =	sne.s32 s2, $0x0  }
0x375: {  	s3 =	rddreg [dreg:$0x2];
	[bflag:$0x3] =	sbarrier.arrive $0xFFFF;
	s2 =	simm.s32 @!p0 $0x1C04  }
0x376: {  	[timem:s3], [sflag:s2] =	dma.local @!p0 [hbm:s0], s1  }
0x377: {  	s0 =	simm.s32 @!p0 $0x4  }
0x378: {  	_ =	swait.ge @!p0 [sflag:s0], s1  }
0x379: {  	s1 =	ssub.s32 @!p0 $0x0, s1;
	[sflag:s0] =	ssyncset.done @!p0 $0x0  }
0x37a: {  	[sflag:s0] =	ssyncadd.s32 @!p0 s1  }
0x37b: {  	[bflag:$0x3] =	sbarrier.arrive $0xFFFF  }
0x37c: {  	_ =	shalt  }

</sc_bundles>
